<compile_context>
chip_gen: v7x
topology: tpu7x:2x2x1
jax: 0.10.2.dev20260603
libtpu: 0.0.44.dev20260713+nightly
codegen_flags: <defaults>
</compile_context>

<pallas_src>
import functools

import jax
import jax.numpy as jnp
from jax import lax
from jax.experimental import pallas as pl
from jax.experimental.pallas import tpu as pltpu
from jax.experimental.pallas import tpu_sc as plsc

N = 10000
E = 160000
D = 256
H = 128
NC = 2
NS = 16
C = 128
NBUF = 4
KC = 80
KD = 40
NPASS = 2
HROWS = 5120
ACC_ROWS = 5248
DACC_ROWS = 10240
TRASH = N
IGN = -1
BLK = 1000

_sc_mesh = plsc.VectorSubcoreMesh(core_axis_name="c", subcore_axis_name="s")



def _agg_body(y2, src_i, dst_i, zrows, out, src_v, dst_v, rows_v, acc,
              gs0, gs1, gs2, gs3, ss0, ss1, ss2, ss3):
    c = lax.axis_index("c")
    s = lax.axis_index("s")
    gsems = [gs0, gs1, gs2, gs3]
    ssems = [ss0, ss1, ss2, ss3]

    def gather_copy(j, b):
        return pltpu.make_async_copy(
            y2.at[plsc.Indices(src_v.at[j], ignored_value=IGN)],
            rows_v.at[b], gsems[b])

    def scatter_copy(j, b):
        return pltpu.make_async_copy(rows_v.at[b], acc.at[dst_v.at[j]],
                                     ssems[b])

    for h in range(NPASS):
        pltpu.sync_copy(src_i.at[h, c, s], src_v)
        pltpu.sync_copy(dst_i.at[h, s], dst_v)
        pltpu.sync_copy(zrows, acc.at[pl.ds(s * 328, 328)])
        plsc.subcore_barrier()

        gather_copy(0, 0).start()
        gather_copy(1, 1).start()

        def quad(q, carry):
            for i in range(NBUF):
                k = q * NBUF + i
                bn = (i + 2) % NBUF

                gather_copy(k, i).wait()

                @pl.when(k + 2 < KC)
                def _():
                    gather_copy(k + 2, bn).start()

                @pl.when(k >= 1)
                def _():
                    scatter_copy(k - 1, (i + NBUF - 1) % NBUF).wait()

                scatter_copy(k, i).start(add=True)
            return carry

        lax.fori_loop(0, KC // NBUF, quad, 0)
        scatter_copy(KC - 1, (KC - 1) % NBUF).wait()
        plsc.subcore_barrier()
        pltpu.sync_copy(acc.at[pl.ds(s * 320, 320)],
                        out.at[c, pl.ds(h * HROWS + s * 320, 320)])


_agg_call = functools.partial(
    pl.kernel,
    mesh=_sc_mesh,
    out_type=jax.ShapeDtypeStruct((NC, NPASS * HROWS, H), jnp.float32),
    scratch_types=[
        pltpu.VMEM((KC, C), jnp.int32),
        pltpu.VMEM((KC, C), jnp.int32),
        pltpu.VMEM((NBUF, C, H), jnp.float32),
        pltpu.VMEM_SHARED((ACC_ROWS, H), jnp.float32),
        pltpu.SemaphoreType.DMA,
        pltpu.SemaphoreType.DMA,
        pltpu.SemaphoreType.DMA,
        pltpu.SemaphoreType.DMA,
        pltpu.SemaphoreType.DMA,
        pltpu.SemaphoreType.DMA,
        pltpu.SemaphoreType.DMA,
        pltpu.SemaphoreType.DMA,
    ],
)


def _deg_body(dst_i, zrows, ones_h, out, dst_v, ones_v, acc):
    c = lax.axis_index("c")
    s = lax.axis_index("s")
    pltpu.sync_copy(ones_h, ones_v)
    for h in range(NPASS):
        pltpu.sync_copy(dst_i.at[h, c, s], dst_v)
        pltpu.sync_copy(zrows, acc.at[pl.ds(s * 328, 328)])
        plsc.subcore_barrier()

        def chunk(j, carry):
            pltpu.sync_copy(ones_v, acc.at[dst_v.at[j]], add=True)
            return carry

        lax.fori_loop(0, KD, chunk, 0)
        plsc.subcore_barrier()
        pltpu.sync_copy(acc.at[pl.ds(s * 320, 320)],
                        out.at[c, pl.ds(h * HROWS + s * 320, 320)])


_deg_call = functools.partial(
    pl.kernel,
    mesh=_sc_mesh,
    out_type=jax.ShapeDtypeStruct((NC, NPASS * HROWS, H), jnp.float32),
    scratch_types=[
        pltpu.VMEM((KD, C), jnp.int32),
        pltpu.VMEM((C, H), jnp.float32),
        pltpu.VMEM_SHARED((ACC_ROWS, H), jnp.float32),
    ],
)



def _dot(a, b):
    return jnp.dot(a, b, preferred_element_type=jnp.float32,
                   precision=lax.Precision.DEFAULT)


def _tc_entry_body(x_ref, ws_ref, wn_ref, b_ref, s_ref, y2_ref):
    x = x_ref[...]
    s_ref[...] = _dot(x, ws_ref[...]) + b_ref[...]
    y = _dot(x, wn_ref[...])
    y2_ref[0] = y[:, :H]
    y2_ref[1] = y[:, H:]


def _tc_mid_body(s_ref, agg_ref, deg_ref, ws_ref, wn_ref, b_ref, s2_ref, y2_ref):
    d = deg_ref[0, :, 0:1] + deg_ref[1, :, 0:1]
    inv = 1.0 / jnp.maximum(d, 1.0)
    mean = jnp.concatenate([agg_ref[0], agg_ref[1]], axis=1) * inv
    h = jnp.maximum(s_ref[...] + mean, 0.0)
    s2_ref[...] = _dot(h, ws_ref[...]) + b_ref[...]
    y = _dot(h, wn_ref[...])
    y2_ref[0] = y[:, :H]
    y2_ref[1] = y[:, H:]


def _tc_final_body(s_ref, agg_ref, deg_ref, out_ref):
    d = deg_ref[0, :, 0:1] + deg_ref[1, :, 0:1]
    inv = 1.0 / jnp.maximum(d, 1.0)
    mean = jnp.concatenate([agg_ref[0], agg_ref[1]], axis=1) * inv
    out_ref[...] = s_ref[...] + mean


_x_spec = pl.BlockSpec((BLK, D), lambda i: (i, 0))
_w_spec = pl.BlockSpec((D, D), lambda i: (0, 0))
_b_spec = pl.BlockSpec((1, D), lambda i: (0, 0))
_y2_spec = pl.BlockSpec((NC, BLK, H), lambda i: (0, i, 0))
_deg_spec = pl.BlockSpec((NC, BLK, H), lambda i: (0, i, 0))
_grid = (N // BLK,)

_tc_entry = pl.pallas_call(
    _tc_entry_body,
    grid=_grid,
    in_specs=[_x_spec, _w_spec, _w_spec, _b_spec],
    out_specs=[_x_spec, _y2_spec],
    out_shape=[
        jax.ShapeDtypeStruct((N, D), jnp.float32),
        jax.ShapeDtypeStruct((NC, N, H), jnp.float32),
    ],
)

_tc_mid = pl.pallas_call(
    _tc_mid_body,
    grid=_grid,
    in_specs=[_x_spec, _y2_spec, _deg_spec, _w_spec, _w_spec, _b_spec],
    out_specs=[_x_spec, _y2_spec],
    out_shape=[
        jax.ShapeDtypeStruct((N, D), jnp.float32),
        jax.ShapeDtypeStruct((NC, N, H), jnp.float32),
    ],
)

_tc_final = pl.pallas_call(
    _tc_final_body,
    grid=_grid,
    in_specs=[_x_spec, _y2_spec, _deg_spec],
    out_specs=_x_spec,
    out_shape=jax.ShapeDtypeStruct((N, D), jnp.float32),
)



def kernel(in_feat, edge_index, W_self0, W_neigh0, b0,
           W_self1, W_neigh1, b1, W_self2, W_neigh2, b2):
    src = edge_index[0]
    dst = edge_index[1]

    epc = E // NS
    srcp = jnp.pad(src.reshape(NS, epc), ((0, 0), (0, KC * C - epc)))
    dstp = jnp.pad(dst.reshape(NS, epc), ((0, 0), (0, KC * C - epc)),
                   constant_values=IGN)
    lo = (jnp.arange(NPASS, dtype=jnp.int32) * HROWS)[:, None, None]
    active = (dstp[None] >= lo) & (dstp[None] < lo + HROWS)
    src_hc = jnp.stack([jnp.where(active, srcp[None] + cc * N, IGN)
                        for cc in range(NC)], axis=1)
    src_i = src_hc.reshape(NPASS, NC, NS, KC, C)
    tr = HROWS + (jnp.arange(KC * C, dtype=jnp.int32) % 128)
    dst_i = jnp.where(active, dstp[None] - lo,
                      tr).reshape(NPASS, NS, KC, C)

    epw = E // (NC * NS)
    dstw = jnp.pad(dst.reshape(NC, NS, epw), ((0, 0), (0, 0), (0, KD * C - epw)),
                   constant_values=IGN)
    lo2 = lo[:, None]
    act2 = (dstw[None] >= lo2) & (dstw[None] < lo2 + HROWS)
    tr2 = HROWS + (jnp.arange(KD * C, dtype=jnp.int32) % 128)
    dst_d = jnp.where(act2, dstw[None] - lo2,
                      tr2).reshape(NPASS, NC, NS, KD, C)

    zrows = jnp.zeros((328, H), jnp.float32)
    ones_r = jnp.ones((C, H), jnp.float32)

    degp = _deg_call(_deg_body)(dst_d, zrows, ones_r)

    s0, y0 = _tc_entry(in_feat, W_self0, W_neigh0, b0.reshape(1, D))
    a0 = _agg_call(_agg_body)(y0.reshape(NC * N, H), src_i, dst_i, zrows)
    s1, y1 = _tc_mid(s0, a0, degp, W_self1, W_neigh1, b1.reshape(1, D))
    a1 = _agg_call(_agg_body)(y1.reshape(NC * N, H), src_i, dst_i, zrows)
    s2, y2 = _tc_mid(s1, a1, degp, W_self2, W_neigh2, b2.reshape(1, D))
    a2 = _agg_call(_agg_body)(y2.reshape(NC * N, H), src_i, dst_i, zrows)
    return _tc_final(s2, a2, degp)

# --- scband reference (transcript-rebuilt; emitter-appended) ---
"""Pipeline reference for scband-graph-sage-79508434584136 (READ-ONLY COPY).

The authoritative reference and input builder live on the scoring server;
editing this copy changes nothing except your own understanding.
"""

import jax, jax.numpy as jnp
import numpy as np

N = 10000
E = 160000
D_IN = 256
D_H = 256
D_OUT = 256


def _sage_conv(x, src, dst, W_self, W_neigh, b):
    n = x.shape[0]
    msg = x[src]
    agg = jax.ops.segment_sum(msg, dst, num_segments=n)
    deg = jax.ops.segment_sum(jnp.ones((src.shape[0],), dtype=x.dtype), dst, num_segments=n)
    mean_neigh = agg / jnp.maximum(deg, 1.0)[:, None]
    return x @ W_self + mean_neigh @ W_neigh + b


def setup_inputs(seed: int = 0) -> dict:
    key = jax.random.key(seed)
    ks = jax.random.split(key, 12)
    x = jax.random.normal(ks[0], (N, D_IN), dtype=jnp.float32)
    edge_index = jax.random.randint(ks[1], (2, E), 0, N, dtype=jnp.int32)
    def lin(k, fan_in, fan_out):
        return jax.random.normal(k, (fan_in, fan_out), dtype=jnp.float32) / jnp.sqrt(fan_in)
    params = {
        'W_self0': lin(ks[2], D_IN, D_H),
        'W_neigh0': lin(ks[3], D_IN, D_H),
        'b0': jnp.zeros((D_H,), dtype=jnp.float32),
        'W_self1': lin(ks[4], D_H, D_H),
        'W_neigh1': lin(ks[5], D_H, D_H),
        'b1': jnp.zeros((D_H,), dtype=jnp.float32),
        'W_self2': lin(ks[6], D_H, D_OUT),
        'W_neigh2': lin(ks[7], D_H, D_OUT),
        'b2': jnp.zeros((D_OUT,), dtype=jnp.float32),
    }
    return {'in_feat': x, 'edge_index': edge_index, **params}


def reference(in_feat, edge_index, W_self0, W_neigh0, b0, W_self1, W_neigh1, b1, W_self2, W_neigh2, b2):
    src = edge_index[0]
    dst = edge_index[1]
    # layer 0
    h = _sage_conv(in_feat, src, dst, W_self0, W_neigh0, b0)
    h = jax.nn.relu(h)
    # dropout p=0.0 (eval) -> identity
    # middle layer (n_layers=3 -> one hidden conv)
    h = _sage_conv(h, src, dst, W_self1, W_neigh1, b1)
    h = jax.nn.relu(h)
    # last layer (no activation)
    h = _sage_conv(h, src, dst, W_self2, W_neigh2, b2)
    return h

if __name__ == "__main__":
    import jax
    _d = setup_inputs()
    print(jax.jit(kernel)(*tuple(_d.values())))

</pallas_src>

<mosaic_0001>
#map = affine_map<(d0, d1) -> (0, 0)>
#map1 = affine_map<(d0, d1) -> (0, 0, 0, 0, 0)>
#map2 = affine_map<(d0, d1) -> (0, 0, 0, 0)>
#map3 = affine_map<(d0, d1) -> (0, 0, 0)>
module attributes {stable_mosaic.version = 14 : i64} {
  func.func @_agg_body(%arg0: i32, %arg1: i32, %arg2: memref<20000x128xf32, #tpu.memory_space<hbm>>, %arg3: memref<2x2x16x80x128xi32, #tpu.memory_space<hbm>>, %arg4: memref<2x16x80x128xi32, #tpu.memory_space<hbm>>, %arg5: memref<328x128xf32, #tpu.memory_space<hbm>>, %arg6: memref<2x10240x128xf32, #tpu.memory_space<hbm>>, %arg7: memref<80x128xi32, #tpu.memory_space<vmem>>, %arg8: memref<80x128xi32, #tpu.memory_space<vmem>>, %arg9: memref<4x128x128xf32, #tpu.memory_space<vmem>>, %arg10: memref<5248x128xf32, #tpu.memory_space<vmem_shared>>, %arg11: memref<!tpu.dma_semaphore, #tpu.memory_space<semaphore_mem>>, %arg12: memref<!tpu.dma_semaphore, #tpu.memory_space<semaphore_mem>>, %arg13: memref<!tpu.dma_semaphore, #tpu.memory_space<semaphore_mem>>, %arg14: memref<!tpu.dma_semaphore, #tpu.memory_space<semaphore_mem>>, %arg15: memref<!tpu.dma_semaphore, #tpu.memory_space<semaphore_mem>>, %arg16: memref<!tpu.dma_semaphore, #tpu.memory_space<semaphore_mem>>, %arg17: memref<!tpu.dma_semaphore, #tpu.memory_space<semaphore_mem>>, %arg18: memref<!tpu.dma_semaphore, #tpu.memory_space<semaphore_mem>>) attributes {dimension_semantics = [#tpu.dimension_semantics<core_parallel>, #tpu.dimension_semantics<subcore_parallel>], iteration_bounds = array<i64: 2, 16>, scalar_prefetch = 0 : i64, scratch_operands = 12 : i64, tpu.core_type = #tpu.core_type<sc_vector_subcore>, window_params = [{transform_indices = #map}, {transform_indices = #map1}, {transform_indices = #map2}, {transform_indices = #map}, {transform_indices = #map3}]} {
    %run_scoped3A = arith.constant 0 : i32
    "tpu.region"() ({
      %run_scoped3A_105 = tpu.sem_alloc : memref<!tpu.dma_semaphore, #tpu.memory_space<semaphore_mem>>
      %dma_start3A_106 = arith.constant 0 : i32
      %dma_start3A_107 = arith.constant 0 : i32
      %dma_start3A_108 = tpu.memref_slice %arg3[%run_scoped3A, %arg0, %arg1, %dma_start3A_106, %dma_start3A_107] : memref<2x2x16x80x128xi32, #tpu.memory_space<hbm>> -> memref<1x1x1x80x128xi32, #tpu.memory_space<hbm>>
      %dma_start3A_109 = tpu.memref_squeeze %dma_start3A_108 : memref<1x1x1x80x128xi32, #tpu.memory_space<hbm>> -> memref<80x128xi32, #tpu.memory_space<hbm>>
      %dma_start3A_110 = arith.constant 0 : i32
      %dma_start3A_111 = arith.constant 0 : i32
      %dma_start3A_112 = tpu.memref_slice %arg3[%run_scoped3A, %arg0, %arg1, %dma_start3A_110, %dma_start3A_111] : memref<2x2x16x80x128xi32, #tpu.memory_space<hbm>> -> memref<1x1x1x80x128xi32, #tpu.memory_space<hbm>>
      %dma_start3A_113 = tpu.memref_squeeze %dma_start3A_112 : memref<1x1x1x80x128xi32, #tpu.memory_space<hbm>> -> memref<80x128xi32, #tpu.memory_space<hbm>>
      tpu.enqueue_dma source(%dma_start3A_113 : memref<80x128xi32, #tpu.memory_space<hbm>>) target(%arg7 : memref<80x128xi32, #tpu.memory_space<vmem>>) target_semaphore(%run_scoped3A_105 : memref<!tpu.dma_semaphore, #tpu.memory_space<semaphore_mem>>)
      %dma_wait3A_114 = arith.constant 0 : i32
      %dma_wait3A_115 = arith.constant 0 : i32
      %dma_wait3A_116 = tpu.memref_slice %arg3[%run_scoped3A, %arg0, %arg1, %dma_wait3A_114, %dma_wait3A_115] : memref<2x2x16x80x128xi32, #tpu.memory_space<hbm>> -> memref<1x1x1x80x128xi32, #tpu.memory_space<hbm>>
      %dma_wait3A_117 = tpu.memref_squeeze %dma_wait3A_116 : memref<1x1x1x80x128xi32, #tpu.memory_space<hbm>> -> memref<80x128xi32, #tpu.memory_space<hbm>>
      %dma_wait3A_118 = arith.constant 0 : i32
      %dma_wait3A_119 = arith.constant 0 : i32
      %dma_wait3A_120 = tpu.memref_slice %arg3[%run_scoped3A, %arg0, %arg1, %dma_wait3A_118, %dma_wait3A_119] : memref<2x2x16x80x128xi32, #tpu.memory_space<hbm>> -> memref<1x1x1x80x128xi32, #tpu.memory_space<hbm>>
      %dma_wait3A_121 = tpu.memref_squeeze %dma_wait3A_120 : memref<1x1x1x80x128xi32, #tpu.memory_space<hbm>> -> memref<80x128xi32, #tpu.memory_space<hbm>>
      tpu.wait_dma2 semaphore(%run_scoped3A_105 : memref<!tpu.dma_semaphore, #tpu.memory_space<semaphore_mem>>) src(%dma_wait3A_121 : memref<80x128xi32, #tpu.memory_space<hbm>>) dst(%arg7 : memref<80x128xi32, #tpu.memory_space<vmem>>)
      tpu.yield
    }) : () -> ()
    %run_scoped3A_0 = arith.constant 0 : i32
    "tpu.region"() ({
      %run_scoped3A_105 = tpu.sem_alloc : memref<!tpu.dma_semaphore, #tpu.memory_space<semaphore_mem>>
      %dma_start3A_106 = arith.constant 0 : i32
      %dma_start3A_107 = arith.constant 0 : i32
      %dma_start3A_108 = tpu.memref_slice %arg4[%run_scoped3A_0, %arg1, %dma_start3A_106, %dma_start3A_107] : memref<2x16x80x128xi32, #tpu.memory_space<hbm>> -> memref<1x1x80x128xi32, #tpu.memory_space<hbm>>
      %dma_start3A_109 = tpu.memref_squeeze %dma_start3A_108 : memref<1x1x80x128xi32, #tpu.memory_space<hbm>> -> memref<80x128xi32, #tpu.memory_space<hbm>>
      %dma_start3A_110 = arith.constant 0 : i32
      %dma_start3A_111 = arith.constant 0 : i32
      %dma_start3A_112 = tpu.memref_slice %arg4[%run_scoped3A_0, %arg1, %dma_start3A_110, %dma_start3A_111] : memref<2x16x80x128xi32, #tpu.memory_space<hbm>> -> memref<1x1x80x128xi32, #tpu.memory_space<hbm>>
      %dma_start3A_113 = tpu.memref_squeeze %dma_start3A_112 : memref<1x1x80x128xi32, #tpu.memory_space<hbm>> -> memref<80x128xi32, #tpu.memory_space<hbm>>
      tpu.enqueue_dma source(%dma_start3A_113 : memref<80x128xi32, #tpu.memory_space<hbm>>) target(%arg8 : memref<80x128xi32, #tpu.memory_space<vmem>>) target_semaphore(%run_scoped3A_105 : memref<!tpu.dma_semaphore, #tpu.memory_space<semaphore_mem>>)
      %dma_wait3A_114 = arith.constant 0 : i32
      %dma_wait3A_115 = arith.constant 0 : i32
      %dma_wait3A_116 = tpu.memref_slice %arg4[%run_scoped3A_0, %arg1, %dma_wait3A_114, %dma_wait3A_115] : memref<2x16x80x128xi32, #tpu.memory_space<hbm>> -> memref<1x1x80x128xi32, #tpu.memory_space<hbm>>
      %dma_wait3A_117 = tpu.memref_squeeze %dma_wait3A_116 : memref<1x1x80x128xi32, #tpu.memory_space<hbm>> -> memref<80x128xi32, #tpu.memory_space<hbm>>
      %dma_wait3A_118 = arith.constant 0 : i32
      %dma_wait3A_119 = arith.constant 0 : i32
      %dma_wait3A_120 = tpu.memref_slice %arg4[%run_scoped3A_0, %arg1, %dma_wait3A_118, %dma_wait3A_119] : memref<2x16x80x128xi32, #tpu.memory_space<hbm>> -> memref<1x1x80x128xi32, #tpu.memory_space<hbm>>
      %dma_wait3A_121 = tpu.memref_squeeze %dma_wait3A_120 : memref<1x1x80x128xi32, #tpu.memory_space<hbm>> -> memref<80x128xi32, #tpu.memory_space<hbm>>
      tpu.wait_dma2 semaphore(%run_scoped3A_105 : memref<!tpu.dma_semaphore, #tpu.memory_space<semaphore_mem>>) src(%dma_wait3A_121 : memref<80x128xi32, #tpu.memory_space<hbm>>) dst(%arg8 : memref<80x128xi32, #tpu.memory_space<vmem>>)
      tpu.yield
    }) : () -> ()
    %mul3A = arith.constant 328 : i32
    %mul3A_1 = arith.muli %arg1, %mul3A : i32
    "tpu.region"() ({
      %run_scoped3A_105 = tpu.sem_alloc : memref<!tpu.dma_semaphore, #tpu.memory_space<semaphore_mem>>
      %dma_start3A_106 = arith.constant 0 : i32
      %dma_start3A_107 = tpu.memref_slice %arg10[%mul3A_1, %dma_start3A_106] : memref<5248x128xf32, #tpu.memory_space<vmem_shared>> -> memref<328x128xf32, #tpu.memory_space<vmem_shared>>
      tpu.enqueue_dma source(%arg5 : memref<328x128xf32, #tpu.memory_space<hbm>>) target(%dma_start3A_107 : memref<328x128xf32, #tpu.memory_space<vmem_shared>>) target_semaphore(%run_scoped3A_105 : memref<!tpu.dma_semaphore, #tpu.memory_space<semaphore_mem>>)
      %dma_wait3A_108 = arith.constant 0 : i32
      %dma_wait3A_109 = tpu.memref_slice %arg10[%mul3A_1, %dma_wait3A_108] : memref<5248x128xf32, #tpu.memory_space<vmem_shared>> -> memref<328x128xf32, #tpu.memory_space<vmem_shared>>
      tpu.wait_dma2 semaphore(%run_scoped3A_105 : memref<!tpu.dma_semaphore, #tpu.memory_space<semaphore_mem>>) src(%arg5 : memref<328x128xf32, #tpu.memory_space<hbm>>) dst(%dma_wait3A_109 : memref<328x128xf32, #tpu.memory_space<vmem_shared>>)
      tpu.yield
    }) : () -> ()
    %barrier3A = arith.constant 0 : index
    tpu.barrier barrier_id(%barrier3A)
    %dma_start3A = arith.constant 0 : i32
    %dma_start3A_2 = arith.constant 0 : i32
    %dma_start3A_3 = arith.constant 0 : i32
    %dma_start3A_4 = arith.constant 0 : i32
    %dma_start3A_5 = tpu.memref_slice %arg9[%dma_start3A_2, %dma_start3A_3, %dma_start3A_4] : memref<4x128x128xf32, #tpu.memory_space<vmem>> -> memref<1x128x128xf32, #tpu.memory_space<vmem>>
    %dma_start3A_6 = tpu.memref_squeeze %dma_start3A_5 : memref<1x128x128xf32, #tpu.memory_space<vmem>> -> memref<128x128xf32, #tpu.memory_space<vmem>>
    %dma_start3A_7 = arith.constant 0 : i32
    %dma_start3A_8 = tpu.memref_slice %arg7[%dma_start3A, %dma_start3A_7] : memref<80x128xi32, #tpu.memory_space<vmem>> -> memref<1x128xi32, #tpu.memory_space<vmem>>
    %dma_start3A_9 = tpu.memref_squeeze %dma_start3A_8 : memref<1x128xi32, #tpu.memory_space<vmem>> -> memref<128xi32, #tpu.memory_space<vmem>>
    %dma_start3A_10 = arith.constant 0 : i32
    %dma_start3A_11 = arith.constant 0 : i32
    %dma_start3A_12 = tpu.memref_slice %arg2[%dma_start3A_10, %dma_start3A_11] : memref<20000x128xf32, #tpu.memory_space<hbm>> -> memref<20000x128xf32, #tpu.memory_space<hbm>>
    %dma_start3A_13 = arith.constant -1 : i32
    tpu.enqueue_indirect_dma source(%dma_start3A_12 : memref<20000x128xf32, #tpu.memory_space<hbm>>) target(%dma_start3A_6 : memref<128x128xf32, #tpu.memory_space<vmem>>) offsets(%dma_start3A_9 : memref<128xi32, #tpu.memory_space<vmem>>) offset_filter(%dma_start3A_13) semaphore(%arg11 : memref<!tpu.dma_semaphore, #tpu.memory_space<semaphore_mem>>)
    %dma_start3A_14 = arith.constant 1 : i32
    %dma_start3A_15 = arith.constant 1 : i32
    %dma_start3A_16 = arith.constant 0 : i32
    %dma_start3A_17 = arith.constant 0 : i32
    %dma_start3A_18 = tpu.memref_slice %arg9[%dma_start3A_15, %dma_start3A_16, %dma_start3A_17] : memref<4x128x128xf32, #tpu.memory_space<vmem>> -> memref<1x128x128xf32, #tpu.memory_space<vmem>>
    %dma_start3A_19 = tpu.memref_squeeze %dma_start3A_18 : memref<1x128x128xf32, #tpu.memory_space<vmem>> -> memref<128x128xf32, #tpu.memory_space<vmem>>
    %dma_start3A_20 = arith.constant 0 : i32
    %dma_start3A_21 = tpu.memref_slice %arg7[%dma_start3A_14, %dma_start3A_20] : memref<80x128xi32, #tpu.memory_space<vmem>> -> memref<1x128xi32, #tpu.memory_space<vmem>>
    %dma_start3A_22 = tpu.memref_squeeze %dma_start3A_21 : memref<1x128xi32, #tpu.memory_space<vmem>> -> memref<128xi32, #tpu.memory_space<vmem>>
    %dma_start3A_23 = arith.constant 0 : i32
    %dma_start3A_24 = arith.constant 0 : i32
    %dma_start3A_25 = tpu.memref_slice %arg2[%dma_start3A_23, %dma_start3A_24] : memref<20000x128xf32, #tpu.memory_space<hbm>> -> memref<20000x128xf32, #tpu.memory_space<hbm>>
    %dma_start3A_26 = arith.constant -1 : i32
    tpu.enqueue_indirect_dma source(%dma_start3A_25 : memref<20000x128xf32, #tpu.memory_space<hbm>>) target(%dma_start3A_19 : memref<128x128xf32, #tpu.memory_space<vmem>>) offsets(%dma_start3A_22 : memref<128xi32, #tpu.memory_space<vmem>>) offset_filter(%dma_start3A_26) semaphore(%arg12 : memref<!tpu.dma_semaphore, #tpu.memory_space<semaphore_mem>>)
    %scan3A = arith.constant 0 : i32
    %scan3A_27 = arith.constant 0 : i32
    %scan3A_28 = arith.constant 20 : i32
    %scan3A_29 = arith.addi %scan3A_27, %scan3A_28 : i32
    %scan3A_30 = arith.constant 1 : i32
    scf.for %scan3A_105 = %scan3A_27 to %scan3A_29 step %scan3A_30  : i32 {
      %mul3A_106 = arith.constant 4 : i32
      %mul3A_107 = arith.muli %scan3A_105, %mul3A_106 : i32
      %add3A_108 = arith.constant 0 : i32
      %add3A_109 = arith.addi %mul3A_107, %add3A_108 : i32
      %dma_wait3A_110 = arith.constant 0 : i32
      %dma_wait3A_111 = arith.constant 0 : i32
      %dma_wait3A_112 = arith.constant 0 : i32
      %dma_wait3A_113 = tpu.memref_slice %arg9[%dma_wait3A_110, %dma_wait3A_111, %dma_wait3A_112] : memref<4x128x128xf32, #tpu.memory_space<vmem>> -> memref<1x128x128xf32, #tpu.memory_space<vmem>>
      %dma_wait3A_114 = tpu.memref_squeeze %dma_wait3A_113 : memref<1x128x128xf32, #tpu.memory_space<vmem>> -> memref<128x128xf32, #tpu.memory_space<vmem>>
      %dma_wait3A_115 = arith.constant 0 : i32
      %dma_wait3A_116 = tpu.memref_slice %arg7[%add3A_109, %dma_wait3A_115] : memref<80x128xi32, #tpu.memory_space<vmem>> -> memref<1x128xi32, #tpu.memory_space<vmem>>
      %dma_wait3A_117 = tpu.memref_squeeze %dma_wait3A_116 : memref<1x128xi32, #tpu.memory_space<vmem>> -> memref<128xi32, #tpu.memory_space<vmem>>
      %dma_wait3A_118 = arith.constant 0 : i32
      %dma_wait3A_119 = arith.constant 0 : i32
      %dma_wait3A_120 = tpu.memref_slice %arg2[%dma_wait3A_118, %dma_wait3A_119] : memref<20000x128xf32, #tpu.memory_space<hbm>> -> memref<20000x128xf32, #tpu.memory_space<hbm>>
      tpu.wait_indirect_dma semaphore(%arg11 : memref<!tpu.dma_semaphore, #tpu.memory_space<semaphore_mem>>) src(%dma_wait3A_120 : memref<20000x128xf32, #tpu.memory_space<hbm>>) dst(%dma_wait3A_114 : memref<128x128xf32, #tpu.memory_space<vmem>>)
      %add3A_121 = arith.constant 2 : i32
      %add3A_122 = arith.addi %add3A_109, %add3A_121 : i32
      %lt3A = arith.constant 80 : i32
      %lt3A_123 = arith.cmpi slt, %add3A_122, %lt3A : i32
      %convert_element_type3A = arith.extui %lt3A_123 : i1 to i32
      %cond3A = arith.constant 0 : i32
      %cond3A_124 = arith.cmpi ne, %convert_element_type3A, %cond3A : i32
      scf.if %cond3A_124 {
        %add3A_254 = arith.constant 2 : i32
        %add3A_255 = arith.addi %add3A_109, %add3A_254 : i32
        %dma_start3A_256 = arith.constant 2 : i32
        %dma_start3A_257 = arith.constant 0 : i32
        %dma_start3A_258 = arith.constant 0 : i32
        %dma_start3A_259 = tpu.memref_slice %arg9[%dma_start3A_256, %dma_start3A_257, %dma_start3A_258] : memref<4x128x128xf32, #tpu.memory_space<vmem>> -> memref<1x128x128xf32, #tpu.memory_space<vmem>>
        %dma_start3A_260 = tpu.memref_squeeze %dma_start3A_259 : memref<1x128x128xf32, #tpu.memory_space<vmem>> -> memref<128x128xf32, #tpu.memory_space<vmem>>
        %dma_start3A_261 = arith.constant 0 : i32
        %dma_start3A_262 = tpu.memref_slice %arg7[%add3A_255, %dma_start3A_261] : memref<80x128xi32, #tpu.memory_space<vmem>> -> memref<1x128xi32, #tpu.memory_space<vmem>>
        %dma_start3A_263 = tpu.memref_squeeze %dma_start3A_262 : memref<1x128xi32, #tpu.memory_space<vmem>> -> memref<128xi32, #tpu.memory_space<vmem>>
        %dma_start3A_264 = arith.constant 0 : i32
        %dma_start3A_265 = arith.constant 0 : i32
        %dma_start3A_266 = tpu.memref_slice %arg2[%dma_start3A_264, %dma_start3A_265] : memref<20000x128xf32, #tpu.memory_space<hbm>> -> memref<20000x128xf32, #tpu.memory_space<hbm>>
        %dma_start3A_267 = arith.constant -1 : i32
        tpu.enqueue_indirect_dma source(%dma_start3A_266 : memref<20000x128xf32, #tpu.memory_space<hbm>>) target(%dma_start3A_260 : memref<128x128xf32, #tpu.memory_space<vmem>>) offsets(%dma_start3A_263 : memref<128xi32, #tpu.memory_space<vmem>>) offset_filter(%dma_start3A_267) semaphore(%arg13 : memref<!tpu.dma_semaphore, #tpu.memory_space<semaphore_mem>>)
      } else {
      }
      %ge3A = arith.constant 1 : i32
      %ge3A_125 = arith.cmpi sge, %add3A_109, %ge3A : i32
      %convert_element_type3A_126 = arith.extui %ge3A_125 : i1 to i32
      %cond3A_127 = arith.constant 0 : i32
      %cond3A_128 = arith.cmpi ne, %convert_element_type3A_126, %cond3A_127 : i32
      scf.if %cond3A_128 {
        %sub3A = arith.constant 1 : i32
        %sub3A_254 = arith.subi %add3A_109, %sub3A : i32
        %dma_wait3A_255 = arith.constant 3 : i32
        %dma_wait3A_256 = arith.constant 0 : i32
        %dma_wait3A_257 = arith.constant 0 : i32
        %dma_wait3A_258 = tpu.memref_slice %arg9[%dma_wait3A_255, %dma_wait3A_256, %dma_wait3A_257] : memref<4x128x128xf32, #tpu.memory_space<vmem>> -> memref<1x128x128xf32, #tpu.memory_space<vmem>>
        %dma_wait3A_259 = tpu.memref_squeeze %dma_wait3A_258 : memref<1x128x128xf32, #tpu.memory_space<vmem>> -> memref<128x128xf32, #tpu.memory_space<vmem>>
        %dma_wait3A_260 = arith.constant 0 : i32
        %dma_wait3A_261 = tpu.memref_slice %arg8[%sub3A_254, %dma_wait3A_260] : memref<80x128xi32, #tpu.memory_space<vmem>> -> memref<1x128xi32, #tpu.memory_space<vmem>>
        %dma_wait3A_262 = tpu.memref_squeeze %dma_wait3A_261 : memref<1x128xi32, #tpu.memory_space<vmem>> -> memref<128xi32, #tpu.memory_space<vmem>>
        %dma_wait3A_263 = arith.constant 0 : i32
        %dma_wait3A_264 = arith.constant 0 : i32
        %dma_wait3A_265 = tpu.memref_slice %arg10[%dma_wait3A_263, %dma_wait3A_264] : memref<5248x128xf32, #tpu.memory_space<vmem_shared>> -> memref<5248x128xf32, #tpu.memory_space<vmem_shared>>
        tpu.wait_indirect_dma semaphore(%arg18 : memref<!tpu.dma_semaphore, #tpu.memory_space<semaphore_mem>>) src(%dma_wait3A_259 : memref<128x128xf32, #tpu.memory_space<vmem>>) dst(%dma_wait3A_265 : memref<5248x128xf32, #tpu.memory_space<vmem_shared>>)
      } else {
      }
      %dma_start3A_129 = arith.constant 0 : i32
      %dma_start3A_130 = arith.constant 0 : i32
      %dma_start3A_131 = arith.constant 0 : i32
      %dma_start3A_132 = tpu.memref_slice %arg9[%dma_start3A_129, %dma_start3A_130, %dma_start3A_131] : memref<4x128x128xf32, #tpu.memory_space<vmem>> -> memref<1x128x128xf32, #tpu.memory_space<vmem>>
      %dma_start3A_133 = tpu.memref_squeeze %dma_start3A_132 : memref<1x128x128xf32, #tpu.memory_space<vmem>> -> memref<128x128xf32, #tpu.memory_space<vmem>>
      %dma_start3A_134 = arith.constant 0 : i32
      %dma_start3A_135 = tpu.memref_slice %arg8[%add3A_109, %dma_start3A_134] : memref<80x128xi32, #tpu.memory_space<vmem>> -> memref<1x128xi32, #tpu.memory_space<vmem>>
      %dma_start3A_136 = tpu.memref_squeeze %dma_start3A_135 : memref<1x128xi32, #tpu.memory_space<vmem>> -> memref<128xi32, #tpu.memory_space<vmem>>
      %dma_start3A_137 = arith.constant 0 : i32
      %dma_start3A_138 = arith.constant 0 : i32
      %dma_start3A_139 = tpu.memref_slice %arg10[%dma_start3A_137, %dma_start3A_138] : memref<5248x128xf32, #tpu.memory_space<vmem_shared>> -> memref<5248x128xf32, #tpu.memory_space<vmem_shared>>
      tpu.enqueue_indirect_dma source(%dma_start3A_133 : memref<128x128xf32, #tpu.memory_space<vmem>>) target(%dma_start3A_139 : memref<5248x128xf32, #tpu.memory_space<vmem_shared>>) offsets(%dma_start3A_136 : memref<128xi32, #tpu.memory_space<vmem>>) semaphore(%arg15 : memref<!tpu.dma_semaphore, #tpu.memory_space<semaphore_mem>>) {add = true}
      %mul3A_140 = arith.constant 4 : i32
      %mul3A_141 = arith.muli %scan3A_105, %mul3A_140 : i32
      %add3A_142 = arith.constant 1 : i32
      %add3A_143 = arith.addi %mul3A_141, %add3A_142 : i32
      %dma_wait3A_144 = arith.constant 1 : i32
      %dma_wait3A_145 = arith.constant 0 : i32
      %dma_wait3A_146 = arith.constant 0 : i32
      %dma_wait3A_147 = tpu.memref_slice %arg9[%dma_wait3A_144, %dma_wait3A_145, %dma_wait3A_146] : memref<4x128x128xf32, #tpu.memory_space<vmem>> -> memref<1x128x128xf32, #tpu.memory_space<vmem>>
      %dma_wait3A_148 = tpu.memref_squeeze %dma_wait3A_147 : memref<1x128x128xf32, #tpu.memory_space<vmem>> -> memref<128x128xf32, #tpu.memory_space<vmem>>
      %dma_wait3A_149 = arith.constant 0 : i32
      %dma_wait3A_150 = tpu.memref_slice %arg7[%add3A_143, %dma_wait3A_149] : memref<80x128xi32, #tpu.memory_space<vmem>> -> memref<1x128xi32, #tpu.memory_space<vmem>>
      %dma_wait3A_151 = tpu.memref_squeeze %dma_wait3A_150 : memref<1x128xi32, #tpu.memory_space<vmem>> -> memref<128xi32, #tpu.memory_space<vmem>>
      %dma_wait3A_152 = arith.constant 0 : i32
      %dma_wait3A_153 = arith.constant 0 : i32
      %dma_wait3A_154 = tpu.memref_slice %arg2[%dma_wait3A_152, %dma_wait3A_153] : memref<20000x128xf32, #tpu.memory_space<hbm>> -> memref<20000x128xf32, #tpu.memory_space<hbm>>
      tpu.wait_indirect_dma semaphore(%arg12 : memref<!tpu.dma_semaphore, #tpu.memory_space<semaphore_mem>>) src(%dma_wait3A_154 : memref<20000x128xf32, #tpu.memory_space<hbm>>) dst(%dma_wait3A_148 : memref<128x128xf32, #tpu.memory_space<vmem>>)
      %add3A_155 = arith.constant 2 : i32
      %add3A_156 = arith.addi %add3A_143, %add3A_155 : i32
      %lt3A_157 = arith.constant 80 : i32
      %lt3A_158 = arith.cmpi slt, %add3A_156, %lt3A_157 : i32
      %convert_element_type3A_159 = arith.extui %lt3A_158 : i1 to i32
      %cond3A_160 = arith.constant 0 : i32
      %cond3A_161 = arith.cmpi ne, %convert_element_type3A_159, %cond3A_160 : i32
      scf.if %cond3A_161 {
        %add3A_254 = arith.constant 2 : i32
        %add3A_255 = arith.addi %add3A_143, %add3A_254 : i32
        %dma_start3A_256 = arith.constant 3 : i32
        %dma_start3A_257 = arith.constant 0 : i32
        %dma_start3A_258 = arith.constant 0 : i32
        %dma_start3A_259 = tpu.memref_slice %arg9[%dma_start3A_256, %dma_start3A_257, %dma_start3A_258] : memref<4x128x128xf32, #tpu.memory_space<vmem>> -> memref<1x128x128xf32, #tpu.memory_space<vmem>>
        %dma_start3A_260 = tpu.memref_squeeze %dma_start3A_259 : memref<1x128x128xf32, #tpu.memory_space<vmem>> -> memref<128x128xf32, #tpu.memory_space<vmem>>
        %dma_start3A_261 = arith.constant 0 : i32
        %dma_start3A_262 = tpu.memref_slice %arg7[%add3A_255, %dma_start3A_261] : memref<80x128xi32, #tpu.memory_space<vmem>> -> memref<1x128xi32, #tpu.memory_space<vmem>>
        %dma_start3A_263 = tpu.memref_squeeze %dma_start3A_262 : memref<1x128xi32, #tpu.memory_space<vmem>> -> memref<128xi32, #tpu.memory_space<vmem>>
        %dma_start3A_264 = arith.constant 0 : i32
        %dma_start3A_265 = arith.constant 0 : i32
        %dma_start3A_266 = tpu.memref_slice %arg2[%dma_start3A_264, %dma_start3A_265] : memref<20000x128xf32, #tpu.memory_space<hbm>> -> memref<20000x128xf32, #tpu.memory_space<hbm>>
        %dma_start3A_267 = arith.constant -1 : i32
        tpu.enqueue_indirect_dma source(%dma_start3A_266 : memref<20000x128xf32, #tpu.memory_space<hbm>>) target(%dma_start3A_260 : memref<128x128xf32, #tpu.memory_space<vmem>>) offsets(%dma_start3A_263 : memref<128xi32, #tpu.memory_space<vmem>>) offset_filter(%dma_start3A_267) semaphore(%arg14 : memref<!tpu.dma_semaphore, #tpu.memory_space<semaphore_mem>>)
      } else {
      }
      %ge3A_162 = arith.constant 1 : i32
      %ge3A_163 = arith.cmpi sge, %add3A_143, %ge3A_162 : i32
      %convert_element_type3A_164 = arith.extui %ge3A_163 : i1 to i32
      %cond3A_165 = arith.constant 0 : i32
      %cond3A_166 = arith.cmpi ne, %convert_element_type3A_164, %cond3A_165 : i32
      scf.if %cond3A_166 {
        %sub3A = arith.constant 1 : i32
        %sub3A_254 = arith.subi %add3A_143, %sub3A : i32
        %dma_wait3A_255 = arith.constant 0 : i32
        %dma_wait3A_256 = arith.constant 0 : i32
        %dma_wait3A_257 = arith.constant 0 : i32
        %dma_wait3A_258 = tpu.memref_slice %arg9[%dma_wait3A_255, %dma_wait3A_256, %dma_wait3A_257] : memref<4x128x128xf32, #tpu.memory_space<vmem>> -> memref<1x128x128xf32, #tpu.memory_space<vmem>>
        %dma_wait3A_259 = tpu.memref_squeeze %dma_wait3A_258 : memref<1x128x128xf32, #tpu.memory_space<vmem>> -> memref<128x128xf32, #tpu.memory_space<vmem>>
        %dma_wait3A_260 = arith.constant 0 : i32
        %dma_wait3A_261 = tpu.memref_slice %arg8[%sub3A_254, %dma_wait3A_260] : memref<80x128xi32, #tpu.memory_space<vmem>> -> memref<1x128xi32, #tpu.memory_space<vmem>>
        %dma_wait3A_262 = tpu.memref_squeeze %dma_wait3A_261 : memref<1x128xi32, #tpu.memory_space<vmem>> -> memref<128xi32, #tpu.memory_space<vmem>>
        %dma_wait3A_263 = arith.constant 0 : i32
        %dma_wait3A_264 = arith.constant 0 : i32
        %dma_wait3A_265 = tpu.memref_slice %arg10[%dma_wait3A_263, %dma_wait3A_264] : memref<5248x128xf32, #tpu.memory_space<vmem_shared>> -> memref<5248x128xf32, #tpu.memory_space<vmem_shared>>
        tpu.wait_indirect_dma semaphore(%arg15 : memref<!tpu.dma_semaphore, #tpu.memory_space<semaphore_mem>>) src(%dma_wait3A_259 : memref<128x128xf32, #tpu.memory_space<vmem>>) dst(%dma_wait3A_265 : memref<5248x128xf32, #tpu.memory_space<vmem_shared>>)
      } else {
      }
      %dma_start3A_167 = arith.constant 1 : i32
      %dma_start3A_168 = arith.constant 0 : i32
      %dma_start3A_169 = arith.constant 0 : i32
      %dma_start3A_170 = tpu.memref_slice %arg9[%dma_start3A_167, %dma_start3A_168, %dma_start3A_169] : memref<4x128x128xf32, #tpu.memory_space<vmem>> -> memref<1x128x128xf32, #tpu.memory_space<vmem>>
      %dma_start3A_171 = tpu.memref_squeeze %dma_start3A_170 : memref<1x128x128xf32, #tpu.memory_space<vmem>> -> memref<128x128xf32, #tpu.memory_space<vmem>>
      %dma_start3A_172 = arith.constant 0 : i32
      %dma_start3A_173 = tpu.memref_slice %arg8[%add3A_143, %dma_start3A_172] : memref<80x128xi32, #tpu.memory_space<vmem>> -> memref<1x128xi32, #tpu.memory_space<vmem>>
      %dma_start3A_174 = tpu.memref_squeeze %dma_start3A_173 : memref<1x128xi32, #tpu.memory_space<vmem>> -> memref<128xi32, #tpu.memory_space<vmem>>
      %dma_start3A_175 = arith.constant 0 : i32
      %dma_start3A_176 = arith.constant 0 : i32
      %dma_start3A_177 = tpu.memref_slice %arg10[%dma_start3A_175, %dma_start3A_176] : memref<5248x128xf32, #tpu.memory_space<vmem_shared>> -> memref<5248x128xf32, #tpu.memory_space<vmem_shared>>
      tpu.enqueue_indirect_dma source(%dma_start3A_171 : memref<128x128xf32, #tpu.memory_space<vmem>>) target(%dma_start3A_177 : memref<5248x128xf32, #tpu.memory_space<vmem_shared>>) offsets(%dma_start3A_174 : memref<128xi32, #tpu.memory_space<vmem>>) semaphore(%arg16 : memref<!tpu.dma_semaphore, #tpu.memory_space<semaphore_mem>>) {add = true}
      %mul3A_178 = arith.constant 4 : i32
      %mul3A_179 = arith.muli %scan3A_105, %mul3A_178 : i32
      %add3A_180 = arith.constant 2 : i32
      %add3A_181 = arith.addi %mul3A_179, %add3A_180 : i32
      %dma_wait3A_182 = arith.constant 2 : i32
      %dma_wait3A_183 = arith.constant 0 : i32
      %dma_wait3A_184 = arith.constant 0 : i32
      %dma_wait3A_185 = tpu.memref_slice %arg9[%dma_wait3A_182, %dma_wait3A_183, %dma_wait3A_184] : memref<4x128x128xf32, #tpu.memory_space<vmem>> -> memref<1x128x128xf32, #tpu.memory_space<vmem>>
      %dma_wait3A_186 = tpu.memref_squeeze %dma_wait3A_185 : memref<1x128x128xf32, #tpu.memory_space<vmem>> -> memref<128x128xf32, #tpu.memory_space<vmem>>
      %dma_wait3A_187 = arith.constant 0 : i32
      %dma_wait3A_188 = tpu.memref_slice %arg7[%add3A_181, %dma_wait3A_187] : memref<80x128xi32, #tpu.memory_space<vmem>> -> memref<1x128xi32, #tpu.memory_space<vmem>>
      %dma_wait3A_189 = tpu.memref_squeeze %dma_wait3A_188 : memref<1x128xi32, #tpu.memory_space<vmem>> -> memref<128xi32, #tpu.memory_space<vmem>>
      %dma_wait3A_190 = arith.constant 0 : i32
      %dma_wait3A_191 = arith.constant 0 : i32
      %dma_wait3A_192 = tpu.memref_slice %arg2[%dma_wait3A_190, %dma_wait3A_191] : memref<20000x128xf32, #tpu.memory_space<hbm>> -> memref<20000x128xf32, #tpu.memory_space<hbm>>
      tpu.wait_indirect_dma semaphore(%arg13 : memref<!tpu.dma_semaphore, #tpu.memory_space<semaphore_mem>>) src(%dma_wait3A_192 : memref<20000x128xf32, #tpu.memory_space<hbm>>) dst(%dma_wait3A_186 : memref<128x128xf32, #tpu.memory_space<vmem>>)
      %add3A_193 = arith.constant 2 : i32
      %add3A_194 = arith.addi %add3A_181, %add3A_193 : i32
      %lt3A_195 = arith.constant 80 : i32
      %lt3A_196 = arith.cmpi slt, %add3A_194, %lt3A_195 : i32
      %convert_element_type3A_197 = arith.extui %lt3A_196 : i1 to i32
      %cond3A_198 = arith.constant 0 : i32
      %cond3A_199 = arith.cmpi ne, %convert_element_type3A_197, %cond3A_198 : i32
      scf.if %cond3A_199 {
        %add3A_254 = arith.constant 2 : i32
        %add3A_255 = arith.addi %add3A_181, %add3A_254 : i32
        %dma_start3A_256 = arith.constant 0 : i32
        %dma_start3A_257 = arith.constant 0 : i32
        %dma_start3A_258 = arith.constant 0 : i32
        %dma_start3A_259 = tpu.memref_slice %arg9[%dma_start3A_256, %dma_start3A_257, %dma_start3A_258] : memref<4x128x128xf32, #tpu.memory_space<vmem>> -> memref<1x128x128xf32, #tpu.memory_space<vmem>>
        %dma_start3A_260 = tpu.memref_squeeze %dma_start3A_259 : memref<1x128x128xf32, #tpu.memory_space<vmem>> -> memref<128x128xf32, #tpu.memory_space<vmem>>
        %dma_start3A_261 = arith.constant 0 : i32
        %dma_start3A_262 = tpu.memref_slice %arg7[%add3A_255, %dma_start3A_261] : memref<80x128xi32, #tpu.memory_space<vmem>> -> memref<1x128xi32, #tpu.memory_space<vmem>>
        %dma_start3A_263 = tpu.memref_squeeze %dma_start3A_262 : memref<1x128xi32, #tpu.memory_space<vmem>> -> memref<128xi32, #tpu.memory_space<vmem>>
        %dma_start3A_264 = arith.constant 0 : i32
        %dma_start3A_265 = arith.constant 0 : i32
        %dma_start3A_266 = tpu.memref_slice %arg2[%dma_start3A_264, %dma_start3A_265] : memref<20000x128xf32, #tpu.memory_space<hbm>> -> memref<20000x128xf32, #tpu.memory_space<hbm>>
        %dma_start3A_267 = arith.constant -1 : i32
        tpu.enqueue_indirect_dma source(%dma_start3A_266 : memref<20000x128xf32, #tpu.memory_space<hbm>>) target(%dma_start3A_260 : memref<128x128xf32, #tpu.memory_space<vmem>>) offsets(%dma_start3A_263 : memref<128xi32, #tpu.memory_space<vmem>>) offset_filter(%dma_start3A_267) semaphore(%arg11 : memref<!tpu.dma_semaphore, #tpu.memory_space<semaphore_mem>>)
      } else {
      }
      %ge3A_200 = arith.constant 1 : i32
      %ge3A_201 = arith.cmpi sge, %add3A_181, %ge3A_200 : i32
      %convert_element_type3A_202 = arith.extui %ge3A_201 : i1 to i32
      %cond3A_203 = arith.constant 0 : i32
      %cond3A_204 = arith.cmpi ne, %convert_element_type3A_202, %cond3A_203 : i32
      scf.if %cond3A_204 {
        %sub3A = arith.constant 1 : i32
        %sub3A_254 = arith.subi %add3A_181, %sub3A : i32
        %dma_wait3A_255 = arith.constant 1 : i32
        %dma_wait3A_256 = arith.constant 0 : i32
        %dma_wait3A_257 = arith.constant 0 : i32
        %dma_wait3A_258 = tpu.memref_slice %arg9[%dma_wait3A_255, %dma_wait3A_256, %dma_wait3A_257] : memref<4x128x128xf32, #tpu.memory_space<vmem>> -> memref<1x128x128xf32, #tpu.memory_space<vmem>>
        %dma_wait3A_259 = tpu.memref_squeeze %dma_wait3A_258 : memref<1x128x128xf32, #tpu.memory_space<vmem>> -> memref<128x128xf32, #tpu.memory_space<vmem>>
        %dma_wait3A_260 = arith.constant 0 : i32
        %dma_wait3A_261 = tpu.memref_slice %arg8[%sub3A_254, %dma_wait3A_260] : memref<80x128xi32, #tpu.memory_space<vmem>> -> memref<1x128xi32, #tpu.memory_space<vmem>>
        %dma_wait3A_262 = tpu.memref_squeeze %dma_wait3A_261 : memref<1x128xi32, #tpu.memory_space<vmem>> -> memref<128xi32, #tpu.memory_space<vmem>>
        %dma_wait3A_263 = arith.constant 0 : i32
        %dma_wait3A_264 = arith.constant 0 : i32
        %dma_wait3A_265 = tpu.memref_slice %arg10[%dma_wait3A_263, %dma_wait3A_264] : memref<5248x128xf32, #tpu.memory_space<vmem_shared>> -> memref<5248x128xf32, #tpu.memory_space<vmem_shared>>
        tpu.wait_indirect_dma semaphore(%arg16 : memref<!tpu.dma_semaphore, #tpu.memory_space<semaphore_mem>>) src(%dma_wait3A_259 : memref<128x128xf32, #tpu.memory_space<vmem>>) dst(%dma_wait3A_265 : memref<5248x128xf32, #tpu.memory_space<vmem_shared>>)
      } else {
      }
      %dma_start3A_205 = arith.constant 2 : i32
      %dma_start3A_206 = arith.constant 0 : i32
      %dma_start3A_207 = arith.constant 0 : i32
      %dma_start3A_208 = tpu.memref_slice %arg9[%dma_start3A_205, %dma_start3A_206, %dma_start3A_207] : memref<4x128x128xf32, #tpu.memory_space<vmem>> -> memref<1x128x128xf32, #tpu.memory_space<vmem>>
      %dma_start3A_209 = tpu.memref_squeeze %dma_start3A_208 : memref<1x128x128xf32, #tpu.memory_space<vmem>> -> memref<128x128xf32, #tpu.memory_space<vmem>>
      %dma_start3A_210 = arith.constant 0 : i32
      %dma_start3A_211 = tpu.memref_slice %arg8[%add3A_181, %dma_start3A_210] : memref<80x128xi32, #tpu.memory_space<vmem>> -> memref<1x128xi32, #tpu.memory_space<vmem>>
      %dma_start3A_212 = tpu.memref_squeeze %dma_start3A_211 : memref<1x128xi32, #tpu.memory_space<vmem>> -> memref<128xi32, #tpu.memory_space<vmem>>
      %dma_start3A_213 = arith.constant 0 : i32
      %dma_start3A_214 = arith.constant 0 : i32
      %dma_start3A_215 = tpu.memref_slice %arg10[%dma_start3A_213, %dma_start3A_214] : memref<5248x128xf32, #tpu.memory_space<vmem_shared>> -> memref<5248x128xf32, #tpu.memory_space<vmem_shared>>
      tpu.enqueue_indirect_dma source(%dma_start3A_209 : memref<128x128xf32, #tpu.memory_space<vmem>>) target(%dma_start3A_215 : memref<5248x128xf32, #tpu.memory_space<vmem_shared>>) offsets(%dma_start3A_212 : memref<128xi32, #tpu.memory_space<vmem>>) semaphore(%arg17 : memref<!tpu.dma_semaphore, #tpu.memory_space<semaphore_mem>>) {add = true}
      %mul3A_216 = arith.constant 4 : i32
      %mul3A_217 = arith.muli %scan3A_105, %mul3A_216 : i32
      %add3A_218 = arith.constant 3 : i32
      %add3A_219 = arith.addi %mul3A_217, %add3A_218 : i32
      %dma_wait3A_220 = arith.constant 3 : i32
      %dma_wait3A_221 = arith.constant 0 : i32
      %dma_wait3A_222 = arith.constant 0 : i32
      %dma_wait3A_223 = tpu.memref_slice %arg9[%dma_wait3A_220, %dma_wait3A_221, %dma_wait3A_222] : memref<4x128x128xf32, #tpu.memory_space<vmem>> -> memref<1x128x128xf32, #tpu.memory_space<vmem>>
      %dma_wait3A_224 = tpu.memref_squeeze %dma_wait3A_223 : memref<1x128x128xf32, #tpu.memory_space<vmem>> -> memref<128x128xf32, #tpu.memory_space<vmem>>
      %dma_wait3A_225 = arith.constant 0 : i32
      %dma_wait3A_226 = tpu.memref_slice %arg7[%add3A_219, %dma_wait3A_225] : memref<80x128xi32, #tpu.memory_space<vmem>> -> memref<1x128xi32, #tpu.memory_space<vmem>>
      %dma_wait3A_227 = tpu.memref_squeeze %dma_wait3A_226 : memref<1x128xi32, #tpu.memory_space<vmem>> -> memref<128xi32, #tpu.memory_space<vmem>>
      %dma_wait3A_228 = arith.constant 0 : i32
      %dma_wait3A_229 = arith.constant 0 : i32
      %dma_wait3A_230 = tpu.memref_slice %arg2[%dma_wait3A_228, %dma_wait3A_229] : memref<20000x128xf32, #tpu.memory_space<hbm>> -> memref<20000x128xf32, #tpu.memory_space<hbm>>
      tpu.wait_indirect_dma semaphore(%arg14 : memref<!tpu.dma_semaphore, #tpu.memory_space<semaphore_mem>>) src(%dma_wait3A_230 : memref<20000x128xf32, #tpu.memory_space<hbm>>) dst(%dma_wait3A_224 : memref<128x128xf32, #tpu.memory_space<vmem>>)
      %add3A_231 = arith.constant 2 : i32
      %add3A_232 = arith.addi %add3A_219, %add3A_231 : i32
      %lt3A_233 = arith.constant 80 : i32
      %lt3A_234 = arith.cmpi slt, %add3A_232, %lt3A_233 : i32
      %convert_element_type3A_235 = arith.extui %lt3A_234 : i1 to i32
      %cond3A_236 = arith.constant 0 : i32
      %cond3A_237 = arith.cmpi ne, %convert_element_type3A_235, %cond3A_236 : i32
      scf.if %cond3A_237 {
        %add3A_254 = arith.constant 2 : i32
        %add3A_255 = arith.addi %add3A_219, %add3A_254 : i32
        %dma_start3A_256 = arith.constant 1 : i32
        %dma_start3A_257 = arith.constant 0 : i32
        %dma_start3A_258 = arith.constant 0 : i32
        %dma_start3A_259 = tpu.memref_slice %arg9[%dma_start3A_256, %dma_start3A_257, %dma_start3A_258] : memref<4x128x128xf32, #tpu.memory_space<vmem>> -> memref<1x128x128xf32, #tpu.memory_space<vmem>>
        %dma_start3A_260 = tpu.memref_squeeze %dma_start3A_259 : memref<1x128x128xf32, #tpu.memory_space<vmem>> -> memref<128x128xf32, #tpu.memory_space<vmem>>
        %dma_start3A_261 = arith.constant 0 : i32
        %dma_start3A_262 = tpu.memref_slice %arg7[%add3A_255, %dma_start3A_261] : memref<80x128xi32, #tpu.memory_space<vmem>> -> memref<1x128xi32, #tpu.memory_space<vmem>>
        %dma_start3A_263 = tpu.memref_squeeze %dma_start3A_262 : memref<1x128xi32, #tpu.memory_space<vmem>> -> memref<128xi32, #tpu.memory_space<vmem>>
        %dma_start3A_264 = arith.constant 0 : i32
        %dma_start3A_265 = arith.constant 0 : i32
        %dma_start3A_266 = tpu.memref_slice %arg2[%dma_start3A_264, %dma_start3A_265] : memref<20000x128xf32, #tpu.memory_space<hbm>> -> memref<20000x128xf32, #tpu.memory_space<hbm>>
        %dma_start3A_267 = arith.constant -1 : i32
        tpu.enqueue_indirect_dma source(%dma_start3A_266 : memref<20000x128xf32, #tpu.memory_space<hbm>>) target(%dma_start3A_260 : memref<128x128xf32, #tpu.memory_space<vmem>>) offsets(%dma_start3A_263 : memref<128xi32, #tpu.memory_space<vmem>>) offset_filter(%dma_start3A_267) semaphore(%arg12 : memref<!tpu.dma_semaphore, #tpu.memory_space<semaphore_mem>>)
      } else {
      }
      %ge3A_238 = arith.constant 1 : i32
      %ge3A_239 = arith.cmpi sge, %add3A_219, %ge3A_238 : i32
      %convert_element_type3A_240 = arith.extui %ge3A_239 : i1 to i32
      %cond3A_241 = arith.constant 0 : i32
      %cond3A_242 = arith.cmpi ne, %convert_element_type3A_240, %cond3A_241 : i32
      scf.if %cond3A_242 {
        %sub3A = arith.constant 1 : i32
        %sub3A_254 = arith.subi %add3A_219, %sub3A : i32
        %dma_wait3A_255 = arith.constant 2 : i32
        %dma_wait3A_256 = arith.constant 0 : i32
        %dma_wait3A_257 = arith.constant 0 : i32
        %dma_wait3A_258 = tpu.memref_slice %arg9[%dma_wait3A_255, %dma_wait3A_256, %dma_wait3A_257] : memref<4x128x128xf32, #tpu.memory_space<vmem>> -> memref<1x128x128xf32, #tpu.memory_space<vmem>>
        %dma_wait3A_259 = tpu.memref_squeeze %dma_wait3A_258 : memref<1x128x128xf32, #tpu.memory_space<vmem>> -> memref<128x128xf32, #tpu.memory_space<vmem>>
        %dma_wait3A_260 = arith.constant 0 : i32
        %dma_wait3A_261 = tpu.memref_slice %arg8[%sub3A_254, %dma_wait3A_260] : memref<80x128xi32, #tpu.memory_space<vmem>> -> memref<1x128xi32, #tpu.memory_space<vmem>>
        %dma_wait3A_262 = tpu.memref_squeeze %dma_wait3A_261 : memref<1x128xi32, #tpu.memory_space<vmem>> -> memref<128xi32, #tpu.memory_space<vmem>>
        %dma_wait3A_263 = arith.constant 0 : i32
        %dma_wait3A_264 = arith.constant 0 : i32
        %dma_wait3A_265 = tpu.memref_slice %arg10[%dma_wait3A_263, %dma_wait3A_264] : memref<5248x128xf32, #tpu.memory_space<vmem_shared>> -> memref<5248x128xf32, #tpu.memory_space<vmem_shared>>
        tpu.wait_indirect_dma semaphore(%arg17 : memref<!tpu.dma_semaphore, #tpu.memory_space<semaphore_mem>>) src(%dma_wait3A_259 : memref<128x128xf32, #tpu.memory_space<vmem>>) dst(%dma_wait3A_265 : memref<5248x128xf32, #tpu.memory_space<vmem_shared>>)
      } else {
      }
      %dma_start3A_243 = arith.constant 3 : i32
      %dma_start3A_244 = arith.constant 0 : i32
      %dma_start3A_245 = arith.constant 0 : i32
      %dma_start3A_246 = tpu.memref_slice %arg9[%dma_start3A_243, %dma_start3A_244, %dma_start3A_245] : memref<4x128x128xf32, #tpu.memory_space<vmem>> -> memref<1x128x128xf32, #tpu.memory_space<vmem>>
      %dma_start3A_247 = tpu.memref_squeeze %dma_start3A_246 : memref<1x128x128xf32, #tpu.memory_space<vmem>> -> memref<128x128xf32, #tpu.memory_space<vmem>>
      %dma_start3A_248 = arith.constant 0 : i32
      %dma_start3A_249 = tpu.memref_slice %arg8[%add3A_219, %dma_start3A_248] : memref<80x128xi32, #tpu.memory_space<vmem>> -> memref<1x128xi32, #tpu.memory_space<vmem>>
      %dma_start3A_250 = tpu.memref_squeeze %dma_start3A_249 : memref<1x128xi32, #tpu.memory_space<vmem>> -> memref<128xi32, #tpu.memory_space<vmem>>
      %dma_start3A_251 = arith.constant 0 : i32
      %dma_start3A_252 = arith.constant 0 : i32
      %dma_start3A_253 = tpu.memref_slice %arg10[%dma_start3A_251, %dma_start3A_252] : memref<5248x128xf32, #tpu.memory_space<vmem_shared>> -> memref<5248x128xf32, #tpu.memory_space<vmem_shared>>
      tpu.enqueue_indirect_dma source(%dma_start3A_247 : memref<128x128xf32, #tpu.memory_space<vmem>>) target(%dma_start3A_253 : memref<5248x128xf32, #tpu.memory_space<vmem_shared>>) offsets(%dma_start3A_250 : memref<128xi32, #tpu.memory_space<vmem>>) semaphore(%arg18 : memref<!tpu.dma_semaphore, #tpu.memory_space<semaphore_mem>>) {add = true}
    }
    %scan3A_31 = arith.constant 20 : i32
    %dma_wait3A = arith.constant 3 : i32
    %dma_wait3A_32 = arith.constant 79 : i32
    %dma_wait3A_33 = arith.constant 0 : i32
    %dma_wait3A_34 = arith.constant 0 : i32
    %dma_wait3A_35 = tpu.memref_slice %arg9[%dma_wait3A, %dma_wait3A_33, %dma_wait3A_34] : memref<4x128x128xf32, #tpu.memory_space<vmem>> -> memref<1x128x128xf32, #tpu.memory_space<vmem>>
    %dma_wait3A_36 = tpu.memref_squeeze %dma_wait3A_35 : memref<1x128x128xf32, #tpu.memory_space<vmem>> -> memref<128x128xf32, #tpu.memory_space<vmem>>
    %dma_wait3A_37 = arith.constant 0 : i32
    %dma_wait3A_38 = tpu.memref_slice %arg8[%dma_wait3A_32, %dma_wait3A_37] : memref<80x128xi32, #tpu.memory_space<vmem>> -> memref<1x128xi32, #tpu.memory_space<vmem>>
    %dma_wait3A_39 = tpu.memref_squeeze %dma_wait3A_38 : memref<1x128xi32, #tpu.memory_space<vmem>> -> memref<128xi32, #tpu.memory_space<vmem>>
    %dma_wait3A_40 = arith.constant 0 : i32
    %dma_wait3A_41 = arith.constant 0 : i32
    %dma_wait3A_42 = tpu.memref_slice %arg10[%dma_wait3A_40, %dma_wait3A_41] : memref<5248x128xf32, #tpu.memory_space<vmem_shared>> -> memref<5248x128xf32, #tpu.memory_space<vmem_shared>>
    tpu.wait_indirect_dma semaphore(%arg18 : memref<!tpu.dma_semaphore, #tpu.memory_space<semaphore_mem>>) src(%dma_wait3A_36 : memref<128x128xf32, #tpu.memory_space<vmem>>) dst(%dma_wait3A_42 : memref<5248x128xf32, #tpu.memory_space<vmem_shared>>)
    %barrier3A_43 = arith.constant 0 : index
    tpu.barrier barrier_id(%barrier3A_43)
    %mul3A_44 = arith.constant 320 : i32
    %mul3A_45 = arith.muli %arg1, %mul3A_44 : i32
    %mul3A_46 = arith.constant 320 : i32
    %mul3A_47 = arith.muli %arg1, %mul3A_46 : i32
    %add3A = arith.constant 0 : i32
    %add3A_48 = arith.addi %add3A, %mul3A_47 : i32
    "tpu.region"() ({
      %run_scoped3A_105 = tpu.sem_alloc : memref<!tpu.dma_semaphore, #tpu.memory_space<semaphore_mem>>
      %dma_start3A_106 = arith.constant 0 : i32
      %dma_start3A_107 = tpu.memref_slice %arg6[%arg0, %add3A_48, %dma_start3A_106] : memref<2x10240x128xf32, #tpu.memory_space<hbm>> -> memref<1x320x128xf32, #tpu.memory_space<hbm>>
      %dma_start3A_108 = tpu.memref_squeeze %dma_start3A_107 : memref<1x320x128xf32, #tpu.memory_space<hbm>> -> memref<320x128xf32, #tpu.memory_space<hbm>>
      %dma_start3A_109 = arith.constant 0 : i32
      %dma_start3A_110 = tpu.memref_slice %arg10[%mul3A_45, %dma_start3A_109] : memref<5248x128xf32, #tpu.memory_space<vmem_shared>> -> memref<320x128xf32, #tpu.memory_space<vmem_shared>>
      tpu.enqueue_dma source(%dma_start3A_110 : memref<320x128xf32, #tpu.memory_space<vmem_shared>>) target(%dma_start3A_108 : memref<320x128xf32, #tpu.memory_space<hbm>>) target_semaphore(%run_scoped3A_105 : memref<!tpu.dma_semaphore, #tpu.memory_space<semaphore_mem>>)
      %dma_wait3A_111 = arith.constant 0 : i32
      %dma_wait3A_112 = tpu.memref_slice %arg6[%arg0, %add3A_48, %dma_wait3A_111] : memref<2x10240x128xf32, #tpu.memory_space<hbm>> -> memref<1x320x128xf32, #tpu.memory_space<hbm>>
      %dma_wait3A_113 = tpu.memref_squeeze %dma_wait3A_112 : memref<1x320x128xf32, #tpu.memory_space<hbm>> -> memref<320x128xf32, #tpu.memory_space<hbm>>
      %dma_wait3A_114 = arith.constant 0 : i32
      %dma_wait3A_115 = tpu.memref_slice %arg10[%mul3A_45, %dma_wait3A_114] : memref<5248x128xf32, #tpu.memory_space<vmem_shared>> -> memref<320x128xf32, #tpu.memory_space<vmem_shared>>
      tpu.wait_dma2 semaphore(%run_scoped3A_105 : memref<!tpu.dma_semaphore, #tpu.memory_space<semaphore_mem>>) src(%dma_wait3A_115 : memref<320x128xf32, #tpu.memory_space<vmem_shared>>) dst(%dma_wait3A_113 : memref<320x128xf32, #tpu.memory_space<hbm>>)
      tpu.yield
    }) : () -> ()
    %run_scoped3A_49 = arith.constant 1 : i32
    "tpu.region"() ({
      %run_scoped3A_105 = tpu.sem_alloc : memref<!tpu.dma_semaphore, #tpu.memory_space<semaphore_mem>>
      %dma_start3A_106 = arith.constant 0 : i32
      %dma_start3A_107 = arith.constant 0 : i32
      %dma_start3A_108 = tpu.memref_slice %arg3[%run_scoped3A_49, %arg0, %arg1, %dma_start3A_106, %dma_start3A_107] : memref<2x2x16x80x128xi32, #tpu.memory_space<hbm>> -> memref<1x1x1x80x128xi32, #tpu.memory_space<hbm>>
      %dma_start3A_109 = tpu.memref_squeeze %dma_start3A_108 : memref<1x1x1x80x128xi32, #tpu.memory_space<hbm>> -> memref<80x128xi32, #tpu.memory_space<hbm>>
      %dma_start3A_110 = arith.constant 0 : i32
      %dma_start3A_111 = arith.constant 0 : i32
      %dma_start3A_112 = tpu.memref_slice %arg3[%run_scoped3A_49, %arg0, %arg1, %dma_start3A_110, %dma_start3A_111] : memref<2x2x16x80x128xi32, #tpu.memory_space<hbm>> -> memref<1x1x1x80x128xi32, #tpu.memory_space<hbm>>
      %dma_start3A_113 = tpu.memref_squeeze %dma_start3A_112 : memref<1x1x1x80x128xi32, #tpu.memory_space<hbm>> -> memref<80x128xi32, #tpu.memory_space<hbm>>
      tpu.enqueue_dma source(%dma_start3A_113 : memref<80x128xi32, #tpu.memory_space<hbm>>) target(%arg7 : memref<80x128xi32, #tpu.memory_space<vmem>>) target_semaphore(%run_scoped3A_105 : memref<!tpu.dma_semaphore, #tpu.memory_space<semaphore_mem>>)
      %dma_wait3A_114 = arith.constant 0 : i32
      %dma_wait3A_115 = arith.constant 0 : i32
      %dma_wait3A_116 = tpu.memref_slice %arg3[%run_scoped3A_49, %arg0, %arg1, %dma_wait3A_114, %dma_wait3A_115] : memref<2x2x16x80x128xi32, #tpu.memory_space<hbm>> -> memref<1x1x1x80x128xi32, #tpu.memory_space<hbm>>
      %dma_wait3A_117 = tpu.memref_squeeze %dma_wait3A_116 : memref<1x1x1x80x128xi32, #tpu.memory_space<hbm>> -> memref<80x128xi32, #tpu.memory_space<hbm>>
      %dma_wait3A_118 = arith.constant 0 : i32
      %dma_wait3A_119 = arith.constant 0 : i32
      %dma_wait3A_120 = tpu.memref_slice %arg3[%run_scoped3A_49, %arg0, %arg1, %dma_wait3A_118, %dma_wait3A_119] : memref<2x2x16x80x128xi32, #tpu.memory_space<hbm>> -> memref<1x1x1x80x128xi32, #tpu.memory_space<hbm>>
      %dma_wait3A_121 = tpu.memref_squeeze %dma_wait3A_120 : memref<1x1x1x80x128xi32, #tpu.memory_space<hbm>> -> memref<80x128xi32, #tpu.memory_space<hbm>>
      tpu.wait_dma2 semaphore(%run_scoped3A_105 : memref<!tpu.dma_semaphore, #tpu.memory_space<semaphore_mem>>) src(%dma_wait3A_121 : memref<80x128xi32, #tpu.memory_space<hbm>>) dst(%arg7 : memref<80x128xi32, #tpu.memory_space<vmem>>)
      tpu.yield
    }) : () -> ()
    %run_scoped3A_50 = arith.constant 1 : i32
    "tpu.region"() ({
      %run_scoped3A_105 = tpu.sem_alloc : memref<!tpu.dma_semaphore, #tpu.memory_space<semaphore_mem>>
      %dma_start3A_106 = arith.constant 0 : i32
      %dma_start3A_107 = arith.constant 0 : i32
      %dma_start3A_108 = tpu.memref_slice %arg4[%run_scoped3A_50, %arg1, %dma_start3A_106, %dma_start3A_107] : memref<2x16x80x128xi32, #tpu.memory_space<hbm>> -> memref<1x1x80x128xi32, #tpu.memory_space<hbm>>
      %dma_start3A_109 = tpu.memref_squeeze %dma_start3A_108 : memref<1x1x80x128xi32, #tpu.memory_space<hbm>> -> memref<80x128xi32, #tpu.memory_space<hbm>>
      %dma_start3A_110 = arith.constant 0 : i32
      %dma_start3A_111 = arith.constant 0 : i32
      %dma_start3A_112 = tpu.memref_slice %arg4[%run_scoped3A_50, %arg1, %dma_start3A_110, %dma_start3A_111] : memref<2x16x80x128xi32, #tpu.memory_space<hbm>> -> memref<1x1x80x128xi32, #tpu.memory_space<hbm>>
      %dma_start3A_113 = tpu.memref_squeeze %dma_start3A_112 : memref<1x1x80x128xi32, #tpu.memory_space<hbm>> -> memref<80x128xi32, #tpu.memory_space<hbm>>
      tpu.enqueue_dma source(%dma_start3A_113 : memref<80x128xi32, #tpu.memory_space<hbm>>) target(%arg8 : memref<80x128xi32, #tpu.memory_space<vmem>>) target_semaphore(%run_scoped3A_105 : memref<!tpu.dma_semaphore, #tpu.memory_space<semaphore_mem>>)
      %dma_wait3A_114 = arith.constant 0 : i32
      %dma_wait3A_115 = arith.constant 0 : i32
      %dma_wait3A_116 = tpu.memref_slice %arg4[%run_scoped3A_50, %arg1, %dma_wait3A_114, %dma_wait3A_115] : memref<2x16x80x128xi32, #tpu.memory_space<hbm>> -> memref<1x1x80x128xi32, #tpu.memory_space<hbm>>
      %dma_wait3A_117 = tpu.memref_squeeze %dma_wait3A_116 : memref<1x1x80x128xi32, #tpu.memory_space<hbm>> -> memref<80x128xi32, #tpu.memory_space<hbm>>
      %dma_wait3A_118 = arith.constant 0 : i32
      %dma_wait3A_119 = arith.constant 0 : i32
      %dma_wait3A_120 = tpu.memref_slice %arg4[%run_scoped3A_50, %arg1, %dma_wait3A_118, %dma_wait3A_119] : memref<2x16x80x128xi32, #tpu.memory_space<hbm>> -> memref<1x1x80x128xi32, #tpu.memory_space<hbm>>
      %dma_wait3A_121 = tpu.memref_squeeze %dma_wait3A_120 : memref<1x1x80x128xi32, #tpu.memory_space<hbm>> -> memref<80x128xi32, #tpu.memory_space<hbm>>
      tpu.wait_dma2 semaphore(%run_scoped3A_105 : memref<!tpu.dma_semaphore, #tpu.memory_space<semaphore_mem>>) src(%dma_wait3A_121 : memref<80x128xi32, #tpu.memory_space<hbm>>) dst(%arg8 : memref<80x128xi32, #tpu.memory_space<vmem>>)
      tpu.yield
    }) : () -> ()
    %mul3A_51 = arith.constant 328 : i32
    %mul3A_52 = arith.muli %arg1, %mul3A_51 : i32
    "tpu.region"() ({
      %run_scoped3A_105 = tpu.sem_alloc : memref<!tpu.dma_semaphore, #tpu.memory_space<semaphore_mem>>
      %dma_start3A_106 = arith.constant 0 : i32
      %dma_start3A_107 = tpu.memref_slice %arg10[%mul3A_52, %dma_start3A_106] : memref<5248x128xf32, #tpu.memory_space<vmem_shared>> -> memref<328x128xf32, #tpu.memory_space<vmem_shared>>
      tpu.enqueue_dma source(%arg5 : memref<328x128xf32, #tpu.memory_space<hbm>>) target(%dma_start3A_107 : memref<328x128xf32, #tpu.memory_space<vmem_shared>>) target_semaphore(%run_scoped3A_105 : memref<!tpu.dma_semaphore, #tpu.memory_space<semaphore_mem>>)
      %dma_wait3A_108 = arith.constant 0 : i32
      %dma_wait3A_109 = tpu.memref_slice %arg10[%mul3A_52, %dma_wait3A_108] : memref<5248x128xf32, #tpu.memory_space<vmem_shared>> -> memref<328x128xf32, #tpu.memory_space<vmem_shared>>
      tpu.wait_dma2 semaphore(%run_scoped3A_105 : memref<!tpu.dma_semaphore, #tpu.memory_space<semaphore_mem>>) src(%arg5 : memref<328x128xf32, #tpu.memory_space<hbm>>) dst(%dma_wait3A_109 : memref<328x128xf32, #tpu.memory_space<vmem_shared>>)
      tpu.yield
    }) : () -> ()
    %barrier3A_53 = arith.constant 0 : index
    tpu.barrier barrier_id(%barrier3A_53)
    %dma_start3A_54 = arith.constant 0 : i32
    %dma_start3A_55 = arith.constant 0 : i32
    %dma_start3A_56 = arith.constant 0 : i32
    %dma_start3A_57 = arith.constant 0 : i32
    %dma_start3A_58 = tpu.memref_slice %arg9[%dma_start3A_55, %dma_start3A_56, %dma_start3A_57] : memref<4x128x128xf32, #tpu.memory_space<vmem>> -> memref<1x128x128xf32, #tpu.memory_space<vmem>>
    %dma_start3A_59 = tpu.memref_squeeze %dma_start3A_58 : memref<1x128x128xf32, #tpu.memory_space<vmem>> -> memref<128x128xf32, #tpu.memory_space<vmem>>
    %dma_start3A_60 = arith.constant 0 : i32
    %dma_start3A_61 = tpu.memref_slice %arg7[%dma_start3A_54, %dma_start3A_60] : memref<80x128xi32, #tpu.memory_space<vmem>> -> memref<1x128xi32, #tpu.memory_space<vmem>>
    %dma_start3A_62 = tpu.memref_squeeze %dma_start3A_61 : memref<1x128xi32, #tpu.memory_space<vmem>> -> memref<128xi32, #tpu.memory_space<vmem>>
    %dma_start3A_63 = arith.constant 0 : i32
    %dma_start3A_64 = arith.constant 0 : i32
    %dma_start3A_65 = tpu.memref_slice %arg2[%dma_start3A_63, %dma_start3A_64] : memref<20000x128xf32, #tpu.memory_space<hbm>> -> memref<20000x128xf32, #tpu.memory_space<hbm>>
    %dma_start3A_66 = arith.constant -1 : i32
    tpu.enqueue_indirect_dma source(%dma_start3A_65 : memref<20000x128xf32, #tpu.memory_space<hbm>>) target(%dma_start3A_59 : memref<128x128xf32, #tpu.memory_space<vmem>>) offsets(%dma_start3A_62 : memref<128xi32, #tpu.memory_space<vmem>>) offset_filter(%dma_start3A_66) semaphore(%arg11 : memref<!tpu.dma_semaphore, #tpu.memory_space<semaphore_mem>>)
    %dma_start3A_67 = arith.constant 1 : i32
    %dma_start3A_68 = arith.constant 1 : i32
    %dma_start3A_69 = arith.constant 0 : i32
    %dma_start3A_70 = arith.constant 0 : i32
    %dma_start3A_71 = tpu.memref_slice %arg9[%dma_start3A_68, %dma_start3A_69, %dma_start3A_70] : memref<4x128x128xf32, #tpu.memory_space<vmem>> -> memref<1x128x128xf32, #tpu.memory_space<vmem>>
    %dma_start3A_72 = tpu.memref_squeeze %dma_start3A_71 : memref<1x128x128xf32, #tpu.memory_space<vmem>> -> memref<128x128xf32, #tpu.memory_space<vmem>>
    %dma_start3A_73 = arith.constant 0 : i32
    %dma_start3A_74 = tpu.memref_slice %arg7[%dma_start3A_67, %dma_start3A_73] : memref<80x128xi32, #tpu.memory_space<vmem>> -> memref<1x128xi32, #tpu.memory_space<vmem>>
    %dma_start3A_75 = tpu.memref_squeeze %dma_start3A_74 : memref<1x128xi32, #tpu.memory_space<vmem>> -> memref<128xi32, #tpu.memory_space<vmem>>
    %dma_start3A_76 = arith.constant 0 : i32
    %dma_start3A_77 = arith.constant 0 : i32
    %dma_start3A_78 = tpu.memref_slice %arg2[%dma_start3A_76, %dma_start3A_77] : memref<20000x128xf32, #tpu.memory_space<hbm>> -> memref<20000x128xf32, #tpu.memory_space<hbm>>
    %dma_start3A_79 = arith.constant -1 : i32
    tpu.enqueue_indirect_dma source(%dma_start3A_78 : memref<20000x128xf32, #tpu.memory_space<hbm>>) target(%dma_start3A_72 : memref<128x128xf32, #tpu.memory_space<vmem>>) offsets(%dma_start3A_75 : memref<128xi32, #tpu.memory_space<vmem>>) offset_filter(%dma_start3A_79) semaphore(%arg12 : memref<!tpu.dma_semaphore, #tpu.memory_space<semaphore_mem>>)
    %scan3A_80 = arith.constant 0 : i32
    %scan3A_81 = arith.constant 0 : i32
    %scan3A_82 = arith.constant 20 : i32
    %scan3A_83 = arith.addi %scan3A_81, %scan3A_82 : i32
    %scan3A_84 = arith.constant 1 : i32
    scf.for %scan3A_105 = %scan3A_81 to %scan3A_83 step %scan3A_84  : i32 {
      %mul3A_106 = arith.constant 4 : i32
      %mul3A_107 = arith.muli %scan3A_105, %mul3A_106 : i32
      %add3A_108 = arith.constant 0 : i32
      %add3A_109 = arith.addi %mul3A_107, %add3A_108 : i32
      %dma_wait3A_110 = arith.constant 0 : i32
      %dma_wait3A_111 = arith.constant 0 : i32
      %dma_wait3A_112 = arith.constant 0 : i32
      %dma_wait3A_113 = tpu.memref_slice %arg9[%dma_wait3A_110, %dma_wait3A_111, %dma_wait3A_112] : memref<4x128x128xf32, #tpu.memory_space<vmem>> -> memref<1x128x128xf32, #tpu.memory_space<vmem>>
      %dma_wait3A_114 = tpu.memref_squeeze %dma_wait3A_113 : memref<1x128x128xf32, #tpu.memory_space<vmem>> -> memref<128x128xf32, #tpu.memory_space<vmem>>
      %dma_wait3A_115 = arith.constant 0 : i32
      %dma_wait3A_116 = tpu.memref_slice %arg7[%add3A_109, %dma_wait3A_115] : memref<80x128xi32, #tpu.memory_space<vmem>> -> memref<1x128xi32, #tpu.memory_space<vmem>>
      %dma_wait3A_117 = tpu.memref_squeeze %dma_wait3A_116 : memref<1x128xi32, #tpu.memory_space<vmem>> -> memref<128xi32, #tpu.memory_space<vmem>>
      %dma_wait3A_118 = arith.constant 0 : i32
      %dma_wait3A_119 = arith.constant 0 : i32
      %dma_wait3A_120 = tpu.memref_slice %arg2[%dma_wait3A_118, %dma_wait3A_119] : memref<20000x128xf32, #tpu.memory_space<hbm>> -> memref<20000x128xf32, #tpu.memory_space<hbm>>
      tpu.wait_indirect_dma semaphore(%arg11 : memref<!tpu.dma_semaphore, #tpu.memory_space<semaphore_mem>>) src(%dma_wait3A_120 : memref<20000x128xf32, #tpu.memory_space<hbm>>) dst(%dma_wait3A_114 : memref<128x128xf32, #tpu.memory_space<vmem>>)
      %add3A_121 = arith.constant 2 : i32
      %add3A_122 = arith.addi %add3A_109, %add3A_121 : i32
      %lt3A = arith.constant 80 : i32
      %lt3A_123 = arith.cmpi slt, %add3A_122, %lt3A : i32
      %convert_element_type3A = arith.extui %lt3A_123 : i1 to i32
      %cond3A = arith.constant 0 : i32
      %cond3A_124 = arith.cmpi ne, %convert_element_type3A, %cond3A : i32
      scf.if %cond3A_124 {
        %add3A_254 = arith.constant 2 : i32
        %add3A_255 = arith.addi %add3A_109, %add3A_254 : i32
        %dma_start3A_256 = arith.constant 2 : i32
        %dma_start3A_257 = arith.constant 0 : i32
        %dma_start3A_258 = arith.constant 0 : i32
        %dma_start3A_259 = tpu.memref_slice %arg9[%dma_start3A_256, %dma_start3A_257, %dma_start3A_258] : memref<4x128x128xf32, #tpu.memory_space<vmem>> -> memref<1x128x128xf32, #tpu.memory_space<vmem>>
        %dma_start3A_260 = tpu.memref_squeeze %dma_start3A_259 : memref<1x128x128xf32, #tpu.memory_space<vmem>> -> memref<128x128xf32, #tpu.memory_space<vmem>>
        %dma_start3A_261 = arith.constant 0 : i32
        %dma_start3A_262 = tpu.memref_slice %arg7[%add3A_255, %dma_start3A_261] : memref<80x128xi32, #tpu.memory_space<vmem>> -> memref<1x128xi32, #tpu.memory_space<vmem>>
        %dma_start3A_263 = tpu.memref_squeeze %dma_start3A_262 : memref<1x128xi32, #tpu.memory_space<vmem>> -> memref<128xi32, #tpu.memory_space<vmem>>
        %dma_start3A_264 = arith.constant 0 : i32
        %dma_start3A_265 = arith.constant 0 : i32
        %dma_start3A_266 = tpu.memref_slice %arg2[%dma_start3A_264, %dma_start3A_265] : memref<20000x128xf32, #tpu.memory_space<hbm>> -> memref<20000x128xf32, #tpu.memory_space<hbm>>
        %dma_start3A_267 = arith.constant -1 : i32
        tpu.enqueue_indirect_dma source(%dma_start3A_266 : memref<20000x128xf32, #tpu.memory_space<hbm>>) target(%dma_start3A_260 : memref<128x128xf32, #tpu.memory_space<vmem>>) offsets(%dma_start3A_263 : memref<128xi32, #tpu.memory_space<vmem>>) offset_filter(%dma_start3A_267) semaphore(%arg13 : memref<!tpu.dma_semaphore, #tpu.memory_space<semaphore_mem>>)
      } else {
      }
      %ge3A = arith.constant 1 : i32
      %ge3A_125 = arith.cmpi sge, %add3A_109, %ge3A : i32
      %convert_element_type3A_126 = arith.extui %ge3A_125 : i1 to i32
      %cond3A_127 = arith.constant 0 : i32
      %cond3A_128 = arith.cmpi ne, %convert_element_type3A_126, %cond3A_127 : i32
      scf.if %cond3A_128 {
        %sub3A = arith.constant 1 : i32
        %sub3A_254 = arith.subi %add3A_109, %sub3A : i32
        %dma_wait3A_255 = arith.constant 3 : i32
        %dma_wait3A_256 = arith.constant 0 : i32
        %dma_wait3A_257 = arith.constant 0 : i32
        %dma_wait3A_258 = tpu.memref_slice %arg9[%dma_wait3A_255, %dma_wait3A_256, %dma_wait3A_257] : memref<4x128x128xf32, #tpu.memory_space<vmem>> -> memref<1x128x128xf32, #tpu.memory_space<vmem>>
        %dma_wait3A_259 = tpu.memref_squeeze %dma_wait3A_258 : memref<1x128x128xf32, #tpu.memory_space<vmem>> -> memref<128x128xf32, #tpu.memory_space<vmem>>
        %dma_wait3A_260 = arith.constant 0 : i32
        %dma_wait3A_261 = tpu.memref_slice %arg8[%sub3A_254, %dma_wait3A_260] : memref<80x128xi32, #tpu.memory_space<vmem>> -> memref<1x128xi32, #tpu.memory_space<vmem>>
        %dma_wait3A_262 = tpu.memref_squeeze %dma_wait3A_261 : memref<1x128xi32, #tpu.memory_space<vmem>> -> memref<128xi32, #tpu.memory_space<vmem>>
        %dma_wait3A_263 = arith.constant 0 : i32
        %dma_wait3A_264 = arith.constant 0 : i32
        %dma_wait3A_265 = tpu.memref_slice %arg10[%dma_wait3A_263, %dma_wait3A_264] : memref<5248x128xf32, #tpu.memory_space<vmem_shared>> -> memref<5248x128xf32, #tpu.memory_space<vmem_shared>>
        tpu.wait_indirect_dma semaphore(%arg18 : memref<!tpu.dma_semaphore, #tpu.memory_space<semaphore_mem>>) src(%dma_wait3A_259 : memref<128x128xf32, #tpu.memory_space<vmem>>) dst(%dma_wait3A_265 : memref<5248x128xf32, #tpu.memory_space<vmem_shared>>)
      } else {
      }
      %dma_start3A_129 = arith.constant 0 : i32
      %dma_start3A_130 = arith.constant 0 : i32
      %dma_start3A_131 = arith.constant 0 : i32
      %dma_start3A_132 = tpu.memref_slice %arg9[%dma_start3A_129, %dma_start3A_130, %dma_start3A_131] : memref<4x128x128xf32, #tpu.memory_space<vmem>> -> memref<1x128x128xf32, #tpu.memory_space<vmem>>
      %dma_start3A_133 = tpu.memref_squeeze %dma_start3A_132 : memref<1x128x128xf32, #tpu.memory_space<vmem>> -> memref<128x128xf32, #tpu.memory_space<vmem>>
      %dma_start3A_134 = arith.constant 0 : i32
      %dma_start3A_135 = tpu.memref_slice %arg8[%add3A_109, %dma_start3A_134] : memref<80x128xi32, #tpu.memory_space<vmem>> -> memref<1x128xi32, #tpu.memory_space<vmem>>
      %dma_start3A_136 = tpu.memref_squeeze %dma_start3A_135 : memref<1x128xi32, #tpu.memory_space<vmem>> -> memref<128xi32, #tpu.memory_space<vmem>>
      %dma_start3A_137 = arith.constant 0 : i32
      %dma_start3A_138 = arith.constant 0 : i32
      %dma_start3A_139 = tpu.memref_slice %arg10[%dma_start3A_137, %dma_start3A_138] : memref<5248x128xf32, #tpu.memory_space<vmem_shared>> -> memref<5248x128xf32, #tpu.memory_space<vmem_shared>>
      tpu.enqueue_indirect_dma source(%dma_start3A_133 : memref<128x128xf32, #tpu.memory_space<vmem>>) target(%dma_start3A_139 : memref<5248x128xf32, #tpu.memory_space<vmem_shared>>) offsets(%dma_start3A_136 : memref<128xi32, #tpu.memory_space<vmem>>) semaphore(%arg15 : memref<!tpu.dma_semaphore, #tpu.memory_space<semaphore_mem>>) {add = true}
      %mul3A_140 = arith.constant 4 : i32
      %mul3A_141 = arith.muli %scan3A_105, %mul3A_140 : i32
      %add3A_142 = arith.constant 1 : i32
      %add3A_143 = arith.addi %mul3A_141, %add3A_142 : i32
      %dma_wait3A_144 = arith.constant 1 : i32
      %dma_wait3A_145 = arith.constant 0 : i32
      %dma_wait3A_146 = arith.constant 0 : i32
      %dma_wait3A_147 = tpu.memref_slice %arg9[%dma_wait3A_144, %dma_wait3A_145, %dma_wait3A_146] : memref<4x128x128xf32, #tpu.memory_space<vmem>> -> memref<1x128x128xf32, #tpu.memory_space<vmem>>
      %dma_wait3A_148 = tpu.memref_squeeze %dma_wait3A_147 : memref<1x128x128xf32, #tpu.memory_space<vmem>> -> memref<128x128xf32, #tpu.memory_space<vmem>>
      %dma_wait3A_149 = arith.constant 0 : i32
      %dma_wait3A_150 = tpu.memref_slice %arg7[%add3A_143, %dma_wait3A_149] : memref<80x128xi32, #tpu.memory_space<vmem>> -> memref<1x128xi32, #tpu.memory_space<vmem>>
      %dma_wait3A_151 = tpu.memref_squeeze %dma_wait3A_150 : memref<1x128xi32, #tpu.memory_space<vmem>> -> memref<128xi32, #tpu.memory_space<vmem>>
      %dma_wait3A_152 = arith.constant 0 : i32
      %dma_wait3A_153 = arith.constant 0 : i32
      %dma_wait3A_154 = tpu.memref_slice %arg2[%dma_wait3A_152, %dma_wait3A_153] : memref<20000x128xf32, #tpu.memory_space<hbm>> -> memref<20000x128xf32, #tpu.memory_space<hbm>>
      tpu.wait_indirect_dma semaphore(%arg12 : memref<!tpu.dma_semaphore, #tpu.memory_space<semaphore_mem>>) src(%dma_wait3A_154 : memref<20000x128xf32, #tpu.memory_space<hbm>>) dst(%dma_wait3A_148 : memref<128x128xf32, #tpu.memory_space<vmem>>)
      %add3A_155 = arith.constant 2 : i32
      %add3A_156 = arith.addi %add3A_143, %add3A_155 : i32
      %lt3A_157 = arith.constant 80 : i32
      %lt3A_158 = arith.cmpi slt, %add3A_156, %lt3A_157 : i32
      %convert_element_type3A_159 = arith.extui %lt3A_158 : i1 to i32
      %cond3A_160 = arith.constant 0 : i32
      %cond3A_161 = arith.cmpi ne, %convert_element_type3A_159, %cond3A_160 : i32
      scf.if %cond3A_161 {
        %add3A_254 = arith.constant 2 : i32
        %add3A_255 = arith.addi %add3A_143, %add3A_254 : i32
        %dma_start3A_256 = arith.constant 3 : i32
        %dma_start3A_257 = arith.constant 0 : i32
        %dma_start3A_258 = arith.constant 0 : i32
        %dma_start3A_259 = tpu.memref_slice %arg9[%dma_start3A_256, %dma_start3A_257, %dma_start3A_258] : memref<4x128x128xf32, #tpu.memory_space<vmem>> -> memref<1x128x128xf32, #tpu.memory_space<vmem>>
        %dma_start3A_260 = tpu.memref_squeeze %dma_start3A_259 : memref<1x128x128xf32, #tpu.memory_space<vmem>> -> memref<128x128xf32, #tpu.memory_space<vmem>>
        %dma_start3A_261 = arith.constant 0 : i32
        %dma_start3A_262 = tpu.memref_slice %arg7[%add3A_255, %dma_start3A_261] : memref<80x128xi32, #tpu.memory_space<vmem>> -> memref<1x128xi32, #tpu.memory_space<vmem>>
        %dma_start3A_263 = tpu.memref_squeeze %dma_start3A_262 : memref<1x128xi32, #tpu.memory_space<vmem>> -> memref<128xi32, #tpu.memory_space<vmem>>
        %dma_start3A_264 = arith.constant 0 : i32
        %dma_start3A_265 = arith.constant 0 : i32
        %dma_start3A_266 = tpu.memref_slice %arg2[%dma_start3A_264, %dma_start3A_265] : memref<20000x128xf32, #tpu.memory_space<hbm>> -> memref<20000x128xf32, #tpu.memory_space<hbm>>
        %dma_start3A_267 = arith.constant -1 : i32
        tpu.enqueue_indirect_dma source(%dma_start3A_266 : memref<20000x128xf32, #tpu.memory_space<hbm>>) target(%dma_start3A_260 : memref<128x128xf32, #tpu.memory_space<vmem>>) offsets(%dma_start3A_263 : memref<128xi32, #tpu.memory_space<vmem>>) offset_filter(%dma_start3A_267) semaphore(%arg14 : memref<!tpu.dma_semaphore, #tpu.memory_space<semaphore_mem>>)
      } else {
      }
      %ge3A_162 = arith.constant 1 : i32
      %ge3A_163 = arith.cmpi sge, %add3A_143, %ge3A_162 : i32
      %convert_element_type3A_164 = arith.extui %ge3A_163 : i1 to i32
      %cond3A_165 = arith.constant 0 : i32
      %cond3A_166 = arith.cmpi ne, %convert_element_type3A_164, %cond3A_165 : i32
      scf.if %cond3A_166 {
        %sub3A = arith.constant 1 : i32
        %sub3A_254 = arith.subi %add3A_143, %sub3A : i32
        %dma_wait3A_255 = arith.constant 0 : i32
        %dma_wait3A_256 = arith.constant 0 : i32
        %dma_wait3A_257 = arith.constant 0 : i32
        %dma_wait3A_258 = tpu.memref_slice %arg9[%dma_wait3A_255, %dma_wait3A_256, %dma_wait3A_257] : memref<4x128x128xf32, #tpu.memory_space<vmem>> -> memref<1x128x128xf32, #tpu.memory_space<vmem>>
        %dma_wait3A_259 = tpu.memref_squeeze %dma_wait3A_258 : memref<1x128x128xf32, #tpu.memory_space<vmem>> -> memref<128x128xf32, #tpu.memory_space<vmem>>
        %dma_wait3A_260 = arith.constant 0 : i32
        %dma_wait3A_261 = tpu.memref_slice %arg8[%sub3A_254, %dma_wait3A_260] : memref<80x128xi32, #tpu.memory_space<vmem>> -> memref<1x128xi32, #tpu.memory_space<vmem>>
        %dma_wait3A_262 = tpu.memref_squeeze %dma_wait3A_261 : memref<1x128xi32, #tpu.memory_space<vmem>> -> memref<128xi32, #tpu.memory_space<vmem>>
        %dma_wait3A_263 = arith.constant 0 : i32
        %dma_wait3A_264 = arith.constant 0 : i32
        %dma_wait3A_265 = tpu.memref_slice %arg10[%dma_wait3A_263, %dma_wait3A_264] : memref<5248x128xf32, #tpu.memory_space<vmem_shared>> -> memref<5248x128xf32, #tpu.memory_space<vmem_shared>>
        tpu.wait_indirect_dma semaphore(%arg15 : memref<!tpu.dma_semaphore, #tpu.memory_space<semaphore_mem>>) src(%dma_wait3A_259 : memref<128x128xf32, #tpu.memory_space<vmem>>) dst(%dma_wait3A_265 : memref<5248x128xf32, #tpu.memory_space<vmem_shared>>)
      } else {
      }
      %dma_start3A_167 = arith.constant 1 : i32
      %dma_start3A_168 = arith.constant 0 : i32
      %dma_start3A_169 = arith.constant 0 : i32
      %dma_start3A_170 = tpu.memref_slice %arg9[%dma_start3A_167, %dma_start3A_168, %dma_start3A_169] : memref<4x128x128xf32, #tpu.memory_space<vmem>> -> memref<1x128x128xf32, #tpu.memory_space<vmem>>
      %dma_start3A_171 = tpu.memref_squeeze %dma_start3A_170 : memref<1x128x128xf32, #tpu.memory_space<vmem>> -> memref<128x128xf32, #tpu.memory_space<vmem>>
      %dma_start3A_172 = arith.constant 0 : i32
      %dma_start3A_173 = tpu.memref_slice %arg8[%add3A_143, %dma_start3A_172] : memref<80x128xi32, #tpu.memory_space<vmem>> -> memref<1x128xi32, #tpu.memory_space<vmem>>
      %dma_start3A_174 = tpu.memref_squeeze %dma_start3A_173 : memref<1x128xi32, #tpu.memory_space<vmem>> -> memref<128xi32, #tpu.memory_space<vmem>>
      %dma_start3A_175 = arith.constant 0 : i32
      %dma_start3A_176 = arith.constant 0 : i32
      %dma_start3A_177 = tpu.memref_slice %arg10[%dma_start3A_175, %dma_start3A_176] : memref<5248x128xf32, #tpu.memory_space<vmem_shared>> -> memref<5248x128xf32, #tpu.memory_space<vmem_shared>>
      tpu.enqueue_indirect_dma source(%dma_start3A_171 : memref<128x128xf32, #tpu.memory_space<vmem>>) target(%dma_start3A_177 : memref<5248x128xf32, #tpu.memory_space<vmem_shared>>) offsets(%dma_start3A_174 : memref<128xi32, #tpu.memory_space<vmem>>) semaphore(%arg16 : memref<!tpu.dma_semaphore, #tpu.memory_space<semaphore_mem>>) {add = true}
      %mul3A_178 = arith.constant 4 : i32
      %mul3A_179 = arith.muli %scan3A_105, %mul3A_178 : i32
      %add3A_180 = arith.constant 2 : i32
      %add3A_181 = arith.addi %mul3A_179, %add3A_180 : i32
      %dma_wait3A_182 = arith.constant 2 : i32
      %dma_wait3A_183 = arith.constant 0 : i32
      %dma_wait3A_184 = arith.constant 0 : i32
      %dma_wait3A_185 = tpu.memref_slice %arg9[%dma_wait3A_182, %dma_wait3A_183, %dma_wait3A_184] : memref<4x128x128xf32, #tpu.memory_space<vmem>> -> memref<1x128x128xf32, #tpu.memory_space<vmem>>
      %dma_wait3A_186 = tpu.memref_squeeze %dma_wait3A_185 : memref<1x128x128xf32, #tpu.memory_space<vmem>> -> memref<128x128xf32, #tpu.memory_space<vmem>>
      %dma_wait3A_187 = arith.constant 0 : i32
      %dma_wait3A_188 = tpu.memref_slice %arg7[%add3A_181, %dma_wait3A_187] : memref<80x128xi32, #tpu.memory_space<vmem>> -> memref<1x128xi32, #tpu.memory_space<vmem>>
      %dma_wait3A_189 = tpu.memref_squeeze %dma_wait3A_188 : memref<1x128xi32, #tpu.memory_space<vmem>> -> memref<128xi32, #tpu.memory_space<vmem>>
      %dma_wait3A_190 = arith.constant 0 : i32
      %dma_wait3A_191 = arith.constant 0 : i32
      %dma_wait3A_192 = tpu.memref_slice %arg2[%dma_wait3A_190, %dma_wait3A_191] : memref<20000x128xf32, #tpu.memory_space<hbm>> -> memref<20000x128xf32, #tpu.memory_space<hbm>>
      tpu.wait_indirect_dma semaphore(%arg13 : memref<!tpu.dma_semaphore, #tpu.memory_space<semaphore_mem>>) src(%dma_wait3A_192 : memref<20000x128xf32, #tpu.memory_space<hbm>>) dst(%dma_wait3A_186 : memref<128x128xf32, #tpu.memory_space<vmem>>)
      %add3A_193 = arith.constant 2 : i32
      %add3A_194 = arith.addi %add3A_181, %add3A_193 : i32
      %lt3A_195 = arith.constant 80 : i32
      %lt3A_196 = arith.cmpi slt, %add3A_194, %lt3A_195 : i32
      %convert_element_type3A_197 = arith.extui %lt3A_196 : i1 to i32
      %cond3A_198 = arith.constant 0 : i32
      %cond3A_199 = arith.cmpi ne, %convert_element_type3A_197, %cond3A_198 : i32
      scf.if %cond3A_199 {
        %add3A_254 = arith.constant 2 : i32
        %add3A_255 = arith.addi %add3A_181, %add3A_254 : i32
        %dma_start3A_256 = arith.constant 0 : i32
        %dma_start3A_257 = arith.constant 0 : i32
        %dma_start3A_258 = arith.constant 0 : i32
        %dma_start3A_259 = tpu.memref_slice %arg9[%dma_start3A_256, %dma_start3A_257, %dma_start3A_258] : memref<4x128x128xf32, #tpu.memory_space<vmem>> -> memref<1x128x128xf32, #tpu.memory_space<vmem>>
        %dma_start3A_260 = tpu.memref_squeeze %dma_start3A_259 : memref<1x128x128xf32, #tpu.memory_space<vmem>> -> memref<128x128xf32, #tpu.memory_space<vmem>>
        %dma_start3A_261 = arith.constant 0 : i32
        %dma_start3A_262 = tpu.memref_slice %arg7[%add3A_255, %dma_start3A_261] : memref<80x128xi32, #tpu.memory_space<vmem>> -> memref<1x128xi32, #tpu.memory_space<vmem>>
        %dma_start3A_263 = tpu.memref_squeeze %dma_start3A_262 : memref<1x128xi32, #tpu.memory_space<vmem>> -> memref<128xi32, #tpu.memory_space<vmem>>
        %dma_start3A_264 = arith.constant 0 : i32
        %dma_start3A_265 = arith.constant 0 : i32
        %dma_start3A_266 = tpu.memref_slice %arg2[%dma_start3A_264, %dma_start3A_265] : memref<20000x128xf32, #tpu.memory_space<hbm>> -> memref<20000x128xf32, #tpu.memory_space<hbm>>
        %dma_start3A_267 = arith.constant -1 : i32
        tpu.enqueue_indirect_dma source(%dma_start3A_266 : memref<20000x128xf32, #tpu.memory_space<hbm>>) target(%dma_start3A_260 : memref<128x128xf32, #tpu.memory_space<vmem>>) offsets(%dma_start3A_263 : memref<128xi32, #tpu.memory_space<vmem>>) offset_filter(%dma_start3A_267) semaphore(%arg11 : memref<!tpu.dma_semaphore, #tpu.memory_space<semaphore_mem>>)
      } else {
      }
      %ge3A_200 = arith.constant 1 : i32
      %ge3A_201 = arith.cmpi sge, %add3A_181, %ge3A_200 : i32
      %convert_element_type3A_202 = arith.extui %ge3A_201 : i1 to i32
      %cond3A_203 = arith.constant 0 : i32
      %cond3A_204 = arith.cmpi ne, %convert_element_type3A_202, %cond3A_203 : i32
      scf.if %cond3A_204 {
        %sub3A = arith.constant 1 : i32
        %sub3A_254 = arith.subi %add3A_181, %sub3A : i32
        %dma_wait3A_255 = arith.constant 1 : i32
        %dma_wait3A_256 = arith.constant 0 : i32
        %dma_wait3A_257 = arith.constant 0 : i32
        %dma_wait3A_258 = tpu.memref_slice %arg9[%dma_wait3A_255, %dma_wait3A_256, %dma_wait3A_257] : memref<4x128x128xf32, #tpu.memory_space<vmem>> -> memref<1x128x128xf32, #tpu.memory_space<vmem>>
        %dma_wait3A_259 = tpu.memref_squeeze %dma_wait3A_258 : memref<1x128x128xf32, #tpu.memory_space<vmem>> -> memref<128x128xf32, #tpu.memory_space<vmem>>
        %dma_wait3A_260 = arith.constant 0 : i32
        %dma_wait3A_261 = tpu.memref_slice %arg8[%sub3A_254, %dma_wait3A_260] : memref<80x128xi32, #tpu.memory_space<vmem>> -> memref<1x128xi32, #tpu.memory_space<vmem>>
        %dma_wait3A_262 = tpu.memref_squeeze %dma_wait3A_261 : memref<1x128xi32, #tpu.memory_space<vmem>> -> memref<128xi32, #tpu.memory_space<vmem>>
        %dma_wait3A_263 = arith.constant 0 : i32
        %dma_wait3A_264 = arith.constant 0 : i32
        %dma_wait3A_265 = tpu.memref_slice %arg10[%dma_wait3A_263, %dma_wait3A_264] : memref<5248x128xf32, #tpu.memory_space<vmem_shared>> -> memref<5248x128xf32, #tpu.memory_space<vmem_shared>>
        tpu.wait_indirect_dma semaphore(%arg16 : memref<!tpu.dma_semaphore, #tpu.memory_space<semaphore_mem>>) src(%dma_wait3A_259 : memref<128x128xf32, #tpu.memory_space<vmem>>) dst(%dma_wait3A_265 : memref<5248x128xf32, #tpu.memory_space<vmem_shared>>)
      } else {
      }
      %dma_start3A_205 = arith.constant 2 : i32
      %dma_start3A_206 = arith.constant 0 : i32
      %dma_start3A_207 = arith.constant 0 : i32
      %dma_start3A_208 = tpu.memref_slice %arg9[%dma_start3A_205, %dma_start3A_206, %dma_start3A_207] : memref<4x128x128xf32, #tpu.memory_space<vmem>> -> memref<1x128x128xf32, #tpu.memory_space<vmem>>
      %dma_start3A_209 = tpu.memref_squeeze %dma_start3A_208 : memref<1x128x128xf32, #tpu.memory_space<vmem>> -> memref<128x128xf32, #tpu.memory_space<vmem>>
      %dma_start3A_210 = arith.constant 0 : i32
      %dma_start3A_211 = tpu.memref_slice %arg8[%add3A_181, %dma_start3A_210] : memref<80x128xi32, #tpu.memory_space<vmem>> -> memref<1x128xi32, #tpu.memory_space<vmem>>
      %dma_start3A_212 = tpu.memref_squeeze %dma_start3A_211 : memref<1x128xi32, #tpu.memory_space<vmem>> -> memref<128xi32, #tpu.memory_space<vmem>>
      %dma_start3A_213 = arith.constant 0 : i32
      %dma_start3A_214 = arith.constant 0 : i32
      %dma_start3A_215 = tpu.memref_slice %arg10[%dma_start3A_213, %dma_start3A_214] : memref<5248x128xf32, #tpu.memory_space<vmem_shared>> -> memref<5248x128xf32, #tpu.memory_space<vmem_shared>>
      tpu.enqueue_indirect_dma source(%dma_start3A_209 : memref<128x128xf32, #tpu.memory_space<vmem>>) target(%dma_start3A_215 : memref<5248x128xf32, #tpu.memory_space<vmem_shared>>) offsets(%dma_start3A_212 : memref<128xi32, #tpu.memory_space<vmem>>) semaphore(%arg17 : memref<!tpu.dma_semaphore, #tpu.memory_space<semaphore_mem>>) {add = true}
      %mul3A_216 = arith.constant 4 : i32
      %mul3A_217 = arith.muli %scan3A_105, %mul3A_216 : i32
      %add3A_218 = arith.constant 3 : i32
      %add3A_219 = arith.addi %mul3A_217, %add3A_218 : i32
      %dma_wait3A_220 = arith.constant 3 : i32
      %dma_wait3A_221 = arith.constant 0 : i32
      %dma_wait3A_222 = arith.constant 0 : i32
      %dma_wait3A_223 = tpu.memref_slice %arg9[%dma_wait3A_220, %dma_wait3A_221, %dma_wait3A_222] : memref<4x128x128xf32, #tpu.memory_space<vmem>> -> memref<1x128x128xf32, #tpu.memory_space<vmem>>
      %dma_wait3A_224 = tpu.memref_squeeze %dma_wait3A_223 : memref<1x128x128xf32, #tpu.memory_space<vmem>> -> memref<128x128xf32, #tpu.memory_space<vmem>>
      %dma_wait3A_225 = arith.constant 0 : i32
      %dma_wait3A_226 = tpu.memref_slice %arg7[%add3A_219, %dma_wait3A_225] : memref<80x128xi32, #tpu.memory_space<vmem>> -> memref<1x128xi32, #tpu.memory_space<vmem>>
      %dma_wait3A_227 = tpu.memref_squeeze %dma_wait3A_226 : memref<1x128xi32, #tpu.memory_space<vmem>> -> memref<128xi32, #tpu.memory_space<vmem>>
      %dma_wait3A_228 = arith.constant 0 : i32
      %dma_wait3A_229 = arith.constant 0 : i32
      %dma_wait3A_230 = tpu.memref_slice %arg2[%dma_wait3A_228, %dma_wait3A_229] : memref<20000x128xf32, #tpu.memory_space<hbm>> -> memref<20000x128xf32, #tpu.memory_space<hbm>>
      tpu.wait_indirect_dma semaphore(%arg14 : memref<!tpu.dma_semaphore, #tpu.memory_space<semaphore_mem>>) src(%dma_wait3A_230 : memref<20000x128xf32, #tpu.memory_space<hbm>>) dst(%dma_wait3A_224 : memref<128x128xf32, #tpu.memory_space<vmem>>)
      %add3A_231 = arith.constant 2 : i32
      %add3A_232 = arith.addi %add3A_219, %add3A_231 : i32
      %lt3A_233 = arith.constant 80 : i32
      %lt3A_234 = arith.cmpi slt, %add3A_232, %lt3A_233 : i32
      %convert_element_type3A_235 = arith.extui %lt3A_234 : i1 to i32
      %cond3A_236 = arith.constant 0 : i32
      %cond3A_237 = arith.cmpi ne, %convert_element_type3A_235, %cond3A_236 : i32
      scf.if %cond3A_237 {
        %add3A_254 = arith.constant 2 : i32
        %add3A_255 = arith.addi %add3A_219, %add3A_254 : i32
        %dma_start3A_256 = arith.constant 1 : i32
        %dma_start3A_257 = arith.constant 0 : i32
        %dma_start3A_258 = arith.constant 0 : i32
        %dma_start3A_259 = tpu.memref_slice %arg9[%dma_start3A_256, %dma_start3A_257, %dma_start3A_258] : memref<4x128x128xf32, #tpu.memory_space<vmem>> -> memref<1x128x128xf32, #tpu.memory_space<vmem>>
        %dma_start3A_260 = tpu.memref_squeeze %dma_start3A_259 : memref<1x128x128xf32, #tpu.memory_space<vmem>> -> memref<128x128xf32, #tpu.memory_space<vmem>>
        %dma_start3A_261 = arith.constant 0 : i32
        %dma_start3A_262 = tpu.memref_slice %arg7[%add3A_255, %dma_start3A_261] : memref<80x128xi32, #tpu.memory_space<vmem>> -> memref<1x128xi32, #tpu.memory_space<vmem>>
        %dma_start3A_263 = tpu.memref_squeeze %dma_start3A_262 : memref<1x128xi32, #tpu.memory_space<vmem>> -> memref<128xi32, #tpu.memory_space<vmem>>
        %dma_start3A_264 = arith.constant 0 : i32
        %dma_start3A_265 = arith.constant 0 : i32
        %dma_start3A_266 = tpu.memref_slice %arg2[%dma_start3A_264, %dma_start3A_265] : memref<20000x128xf32, #tpu.memory_space<hbm>> -> memref<20000x128xf32, #tpu.memory_space<hbm>>
        %dma_start3A_267 = arith.constant -1 : i32
        tpu.enqueue_indirect_dma source(%dma_start3A_266 : memref<20000x128xf32, #tpu.memory_space<hbm>>) target(%dma_start3A_260 : memref<128x128xf32, #tpu.memory_space<vmem>>) offsets(%dma_start3A_263 : memref<128xi32, #tpu.memory_space<vmem>>) offset_filter(%dma_start3A_267) semaphore(%arg12 : memref<!tpu.dma_semaphore, #tpu.memory_space<semaphore_mem>>)
      } else {
      }
      %ge3A_238 = arith.constant 1 : i32
      %ge3A_239 = arith.cmpi sge, %add3A_219, %ge3A_238 : i32
      %convert_element_type3A_240 = arith.extui %ge3A_239 : i1 to i32
      %cond3A_241 = arith.constant 0 : i32
      %cond3A_242 = arith.cmpi ne, %convert_element_type3A_240, %cond3A_241 : i32
      scf.if %cond3A_242 {
        %sub3A = arith.constant 1 : i32
        %sub3A_254 = arith.subi %add3A_219, %sub3A : i32
        %dma_wait3A_255 = arith.constant 2 : i32
        %dma_wait3A_256 = arith.constant 0 : i32
        %dma_wait3A_257 = arith.constant 0 : i32
        %dma_wait3A_258 = tpu.memref_slice %arg9[%dma_wait3A_255, %dma_wait3A_256, %dma_wait3A_257] : memref<4x128x128xf32, #tpu.memory_space<vmem>> -> memref<1x128x128xf32, #tpu.memory_space<vmem>>
        %dma_wait3A_259 = tpu.memref_squeeze %dma_wait3A_258 : memref<1x128x128xf32, #tpu.memory_space<vmem>> -> memref<128x128xf32, #tpu.memory_space<vmem>>
        %dma_wait3A_260 = arith.constant 0 : i32
        %dma_wait3A_261 = tpu.memref_slice %arg8[%sub3A_254, %dma_wait3A_260] : memref<80x128xi32, #tpu.memory_space<vmem>> -> memref<1x128xi32, #tpu.memory_space<vmem>>
        %dma_wait3A_262 = tpu.memref_squeeze %dma_wait3A_261 : memref<1x128xi32, #tpu.memory_space<vmem>> -> memref<128xi32, #tpu.memory_space<vmem>>
        %dma_wait3A_263 = arith.constant 0 : i32
        %dma_wait3A_264 = arith.constant 0 : i32
        %dma_wait3A_265 = tpu.memref_slice %arg10[%dma_wait3A_263, %dma_wait3A_264] : memref<5248x128xf32, #tpu.memory_space<vmem_shared>> -> memref<5248x128xf32, #tpu.memory_space<vmem_shared>>
        tpu.wait_indirect_dma semaphore(%arg17 : memref<!tpu.dma_semaphore, #tpu.memory_space<semaphore_mem>>) src(%dma_wait3A_259 : memref<128x128xf32, #tpu.memory_space<vmem>>) dst(%dma_wait3A_265 : memref<5248x128xf32, #tpu.memory_space<vmem_shared>>)
      } else {
      }
      %dma_start3A_243 = arith.constant 3 : i32
      %dma_start3A_244 = arith.constant 0 : i32
      %dma_start3A_245 = arith.constant 0 : i32
      %dma_start3A_246 = tpu.memref_slice %arg9[%dma_start3A_243, %dma_start3A_244, %dma_start3A_245] : memref<4x128x128xf32, #tpu.memory_space<vmem>> -> memref<1x128x128xf32, #tpu.memory_space<vmem>>
      %dma_start3A_247 = tpu.memref_squeeze %dma_start3A_246 : memref<1x128x128xf32, #tpu.memory_space<vmem>> -> memref<128x128xf32, #tpu.memory_space<vmem>>
      %dma_start3A_248 = arith.constant 0 : i32
      %dma_start3A_249 = tpu.memref_slice %arg8[%add3A_219, %dma_start3A_248] : memref<80x128xi32, #tpu.memory_space<vmem>> -> memref<1x128xi32, #tpu.memory_space<vmem>>
      %dma_start3A_250 = tpu.memref_squeeze %dma_start3A_249 : memref<1x128xi32, #tpu.memory_space<vmem>> -> memref<128xi32, #tpu.memory_space<vmem>>
      %dma_start3A_251 = arith.constant 0 : i32
      %dma_start3A_252 = arith.constant 0 : i32
      %dma_start3A_253 = tpu.memref_slice %arg10[%dma_start3A_251, %dma_start3A_252] : memref<5248x128xf32, #tpu.memory_space<vmem_shared>> -> memref<5248x128xf32, #tpu.memory_space<vmem_shared>>
      tpu.enqueue_indirect_dma source(%dma_start3A_247 : memref<128x128xf32, #tpu.memory_space<vmem>>) target(%dma_start3A_253 : memref<5248x128xf32, #tpu.memory_space<vmem_shared>>) offsets(%dma_start3A_250 : memref<128xi32, #tpu.memory_space<vmem>>) semaphore(%arg18 : memref<!tpu.dma_semaphore, #tpu.memory_space<semaphore_mem>>) {add = true}
    }
    %scan3A_85 = arith.constant 20 : i32
    %dma_wait3A_86 = arith.constant 3 : i32
    %dma_wait3A_87 = arith.constant 79 : i32
    %dma_wait3A_88 = arith.constant 0 : i32
    %dma_wait3A_89 = arith.constant 0 : i32
    %dma_wait3A_90 = tpu.memref_slice %arg9[%dma_wait3A_86, %dma_wait3A_88, %dma_wait3A_89] : memref<4x128x128xf32, #tpu.memory_space<vmem>> -> memref<1x128x128xf32, #tpu.memory_space<vmem>>
    %dma_wait3A_91 = tpu.memref_squeeze %dma_wait3A_90 : memref<1x128x128xf32, #tpu.memory_space<vmem>> -> memref<128x128xf32, #tpu.memory_space<vmem>>
    %dma_wait3A_92 = arith.constant 0 : i32
    %dma_wait3A_93 = tpu.memref_slice %arg8[%dma_wait3A_87, %dma_wait3A_92] : memref<80x128xi32, #tpu.memory_space<vmem>> -> memref<1x128xi32, #tpu.memory_space<vmem>>
    %dma_wait3A_94 = tpu.memref_squeeze %dma_wait3A_93 : memref<1x128xi32, #tpu.memory_space<vmem>> -> memref<128xi32, #tpu.memory_space<vmem>>
    %dma_wait3A_95 = arith.constant 0 : i32
    %dma_wait3A_96 = arith.constant 0 : i32
    %dma_wait3A_97 = tpu.memref_slice %arg10[%dma_wait3A_95, %dma_wait3A_96] : memref<5248x128xf32, #tpu.memory_space<vmem_shared>> -> memref<5248x128xf32, #tpu.memory_space<vmem_shared>>
    tpu.wait_indirect_dma semaphore(%arg18 : memref<!tpu.dma_semaphore, #tpu.memory_space<semaphore_mem>>) src(%dma_wait3A_91 : memref<128x128xf32, #tpu.memory_space<vmem>>) dst(%dma_wait3A_97 : memref<5248x128xf32, #tpu.memory_space<vmem_shared>>)
    %barrier3A_98 = arith.constant 0 : index
    tpu.barrier barrier_id(%barrier3A_98)
    %mul3A_99 = arith.constant 320 : i32
    %mul3A_100 = arith.muli %arg1, %mul3A_99 : i32
    %mul3A_101 = arith.constant 320 : i32
    %mul3A_102 = arith.muli %arg1, %mul3A_101 : i32
    %add3A_103 = arith.constant 5120 : i32
    %add3A_104 = arith.addi %add3A_103, %mul3A_102 : i32
    "tpu.region"() ({
      %run_scoped3A_105 = tpu.sem_alloc : memref<!tpu.dma_semaphore, #tpu.memory_space<semaphore_mem>>
      %dma_start3A_106 = arith.constant 0 : i32
      %dma_start3A_107 = tpu.memref_slice %arg6[%arg0, %add3A_104, %dma_start3A_106] : memref<2x10240x128xf32, #tpu.memory_space<hbm>> -> memref<1x320x128xf32, #tpu.memory_space<hbm>>
      %dma_start3A_108 = tpu.memref_squeeze %dma_start3A_107 : memref<1x320x128xf32, #tpu.memory_space<hbm>> -> memref<320x128xf32, #tpu.memory_space<hbm>>
      %dma_start3A_109 = arith.constant 0 : i32
      %dma_start3A_110 = tpu.memref_slice %arg10[%mul3A_100, %dma_start3A_109] : memref<5248x128xf32, #tpu.memory_space<vmem_shared>> -> memref<320x128xf32, #tpu.memory_space<vmem_shared>>
      tpu.enqueue_dma source(%dma_start3A_110 : memref<320x128xf32, #tpu.memory_space<vmem_shared>>) target(%dma_start3A_108 : memref<320x128xf32, #tpu.memory_space<hbm>>) target_semaphore(%run_scoped3A_105 : memref<!tpu.dma_semaphore, #tpu.memory_space<semaphore_mem>>)
      %dma_wait3A_111 = arith.constant 0 : i32
      %dma_wait3A_112 = tpu.memref_slice %arg6[%arg0, %add3A_104, %dma_wait3A_111] : memref<2x10240x128xf32, #tpu.memory_space<hbm>> -> memref<1x320x128xf32, #tpu.memory_space<hbm>>
      %dma_wait3A_113 = tpu.memref_squeeze %dma_wait3A_112 : memref<1x320x128xf32, #tpu.memory_space<hbm>> -> memref<320x128xf32, #tpu.memory_space<hbm>>
      %dma_wait3A_114 = arith.constant 0 : i32
      %dma_wait3A_115 = tpu.memref_slice %arg10[%mul3A_100, %dma_wait3A_114] : memref<5248x128xf32, #tpu.memory_space<vmem_shared>> -> memref<320x128xf32, #tpu.memory_space<vmem_shared>>
      tpu.wait_dma2 semaphore(%run_scoped3A_105 : memref<!tpu.dma_semaphore, #tpu.memory_space<semaphore_mem>>) src(%dma_wait3A_115 : memref<320x128xf32, #tpu.memory_space<vmem_shared>>) dst(%dma_wait3A_113 : memref<320x128xf32, #tpu.memory_space<hbm>>)
      tpu.yield
    }) : () -> ()
    return
  }
}

#map = affine_map<(d0, d1) -> (0, 0, 0, 0, 0)>
#map1 = affine_map<(d0, d1) -> (0, 0)>
#map2 = affine_map<(d0, d1) -> (0, 0, 0)>
module attributes {stable_mosaic.version = 14 : i64} {
  func.func @_deg_body(%arg0: i32, %arg1: i32, %arg2: memref<2x2x16x40x128xi32, #tpu.memory_space<hbm>>, %arg3: memref<328x128xf32, #tpu.memory_space<hbm>>, %arg4: memref<128x128xf32, #tpu.memory_space<hbm>>, %arg5: memref<2x10240x128xf32, #tpu.memory_space<hbm>>, %arg6: memref<40x128xi32, #tpu.memory_space<vmem>>, %arg7: memref<128x128xf32, #tpu.memory_space<vmem>>, %arg8: memref<5248x128xf32, #tpu.memory_space<vmem_shared>>) attributes {dimension_semantics = [#tpu.dimension_semantics<core_parallel>, #tpu.dimension_semantics<subcore_parallel>], iteration_bounds = array<i64: 2, 16>, scalar_prefetch = 0 : i64, scratch_operands = 3 : i64, tpu.core_type = #tpu.core_type<sc_vector_subcore>, window_params = [{transform_indices = #map}, {transform_indices = #map1}, {transform_indices = #map1}, {transform_indices = #map2}]} {
    "tpu.region"() ({
      %run_scoped3A_29 = tpu.sem_alloc : memref<!tpu.dma_semaphore, #tpu.memory_space<semaphore_mem>>
      tpu.enqueue_dma source(%arg4 : memref<128x128xf32, #tpu.memory_space<hbm>>) target(%arg7 : memref<128x128xf32, #tpu.memory_space<vmem>>) target_semaphore(%run_scoped3A_29 : memref<!tpu.dma_semaphore, #tpu.memory_space<semaphore_mem>>)
      tpu.wait_dma2 semaphore(%run_scoped3A_29 : memref<!tpu.dma_semaphore, #tpu.memory_space<semaphore_mem>>) src(%arg4 : memref<128x128xf32, #tpu.memory_space<hbm>>) dst(%arg7 : memref<128x128xf32, #tpu.memory_space<vmem>>)
      tpu.yield
    }) : () -> ()
    %run_scoped3A = arith.constant 0 : i32
    "tpu.region"() ({
      %run_scoped3A_29 = tpu.sem_alloc : memref<!tpu.dma_semaphore, #tpu.memory_space<semaphore_mem>>
      %dma_start3A = arith.constant 0 : i32
      %dma_start3A_30 = arith.constant 0 : i32
      %dma_start3A_31 = tpu.memref_slice %arg2[%run_scoped3A, %arg0, %arg1, %dma_start3A, %dma_start3A_30] : memref<2x2x16x40x128xi32, #tpu.memory_space<hbm>> -> memref<1x1x1x40x128xi32, #tpu.memory_space<hbm>>
      %dma_start3A_32 = tpu.memref_squeeze %dma_start3A_31 : memref<1x1x1x40x128xi32, #tpu.memory_space<hbm>> -> memref<40x128xi32, #tpu.memory_space<hbm>>
      %dma_start3A_33 = arith.constant 0 : i32
      %dma_start3A_34 = arith.constant 0 : i32
      %dma_start3A_35 = tpu.memref_slice %arg2[%run_scoped3A, %arg0, %arg1, %dma_start3A_33, %dma_start3A_34] : memref<2x2x16x40x128xi32, #tpu.memory_space<hbm>> -> memref<1x1x1x40x128xi32, #tpu.memory_space<hbm>>
      %dma_start3A_36 = tpu.memref_squeeze %dma_start3A_35 : memref<1x1x1x40x128xi32, #tpu.memory_space<hbm>> -> memref<40x128xi32, #tpu.memory_space<hbm>>
      tpu.enqueue_dma source(%dma_start3A_36 : memref<40x128xi32, #tpu.memory_space<hbm>>) target(%arg6 : memref<40x128xi32, #tpu.memory_space<vmem>>) target_semaphore(%run_scoped3A_29 : memref<!tpu.dma_semaphore, #tpu.memory_space<semaphore_mem>>)
      %dma_wait3A = arith.constant 0 : i32
      %dma_wait3A_37 = arith.constant 0 : i32
      %dma_wait3A_38 = tpu.memref_slice %arg2[%run_scoped3A, %arg0, %arg1, %dma_wait3A, %dma_wait3A_37] : memref<2x2x16x40x128xi32, #tpu.memory_space<hbm>> -> memref<1x1x1x40x128xi32, #tpu.memory_space<hbm>>
      %dma_wait3A_39 = tpu.memref_squeeze %dma_wait3A_38 : memref<1x1x1x40x128xi32, #tpu.memory_space<hbm>> -> memref<40x128xi32, #tpu.memory_space<hbm>>
      %dma_wait3A_40 = arith.constant 0 : i32
      %dma_wait3A_41 = arith.constant 0 : i32
      %dma_wait3A_42 = tpu.memref_slice %arg2[%run_scoped3A, %arg0, %arg1, %dma_wait3A_40, %dma_wait3A_41] : memref<2x2x16x40x128xi32, #tpu.memory_space<hbm>> -> memref<1x1x1x40x128xi32, #tpu.memory_space<hbm>>
      %dma_wait3A_43 = tpu.memref_squeeze %dma_wait3A_42 : memref<1x1x1x40x128xi32, #tpu.memory_space<hbm>> -> memref<40x128xi32, #tpu.memory_space<hbm>>
      tpu.wait_dma2 semaphore(%run_scoped3A_29 : memref<!tpu.dma_semaphore, #tpu.memory_space<semaphore_mem>>) src(%dma_wait3A_43 : memref<40x128xi32, #tpu.memory_space<hbm>>) dst(%arg6 : memref<40x128xi32, #tpu.memory_space<vmem>>)
      tpu.yield
    }) : () -> ()
    %mul3A = arith.constant 328 : i32
    %mul3A_0 = arith.muli %arg1, %mul3A : i32
    "tpu.region"() ({
      %run_scoped3A_29 = tpu.sem_alloc : memref<!tpu.dma_semaphore, #tpu.memory_space<semaphore_mem>>
      %dma_start3A = arith.constant 0 : i32
      %dma_start3A_30 = tpu.memref_slice %arg8[%mul3A_0, %dma_start3A] : memref<5248x128xf32, #tpu.memory_space<vmem_shared>> -> memref<328x128xf32, #tpu.memory_space<vmem_shared>>
      tpu.enqueue_dma source(%arg3 : memref<328x128xf32, #tpu.memory_space<hbm>>) target(%dma_start3A_30 : memref<328x128xf32, #tpu.memory_space<vmem_shared>>) target_semaphore(%run_scoped3A_29 : memref<!tpu.dma_semaphore, #tpu.memory_space<semaphore_mem>>)
      %dma_wait3A = arith.constant 0 : i32
      %dma_wait3A_31 = tpu.memref_slice %arg8[%mul3A_0, %dma_wait3A] : memref<5248x128xf32, #tpu.memory_space<vmem_shared>> -> memref<328x128xf32, #tpu.memory_space<vmem_shared>>
      tpu.wait_dma2 semaphore(%run_scoped3A_29 : memref<!tpu.dma_semaphore, #tpu.memory_space<semaphore_mem>>) src(%arg3 : memref<328x128xf32, #tpu.memory_space<hbm>>) dst(%dma_wait3A_31 : memref<328x128xf32, #tpu.memory_space<vmem_shared>>)
      tpu.yield
    }) : () -> ()
    %barrier3A = arith.constant 0 : index
    tpu.barrier barrier_id(%barrier3A)
    %scan3A = arith.constant 0 : i32
    %scan3A_1 = arith.constant 0 : i32
    %scan3A_2 = arith.constant 40 : i32
    %scan3A_3 = arith.addi %scan3A_1, %scan3A_2 : i32
    %scan3A_4 = arith.constant 1 : i32
    scf.for %scan3A_29 = %scan3A_1 to %scan3A_3 step %scan3A_4  : i32 {
      "tpu.region"() ({
        %run_scoped3A_30 = tpu.sem_alloc : memref<!tpu.dma_semaphore, #tpu.memory_space<semaphore_mem>>
        %dma_start3A = arith.constant 0 : i32
        %dma_start3A_31 = tpu.memref_slice %arg6[%scan3A_29, %dma_start3A] : memref<40x128xi32, #tpu.memory_space<vmem>> -> memref<1x128xi32, #tpu.memory_space<vmem>>
        %dma_start3A_32 = tpu.memref_squeeze %dma_start3A_31 : memref<1x128xi32, #tpu.memory_space<vmem>> -> memref<128xi32, #tpu.memory_space<vmem>>
        %dma_start3A_33 = arith.constant 0 : i32
        %dma_start3A_34 = arith.constant 0 : i32
        %dma_start3A_35 = tpu.memref_slice %arg8[%dma_start3A_33, %dma_start3A_34] : memref<5248x128xf32, #tpu.memory_space<vmem_shared>> -> memref<5248x128xf32, #tpu.memory_space<vmem_shared>>
        tpu.enqueue_indirect_dma source(%arg7 : memref<128x128xf32, #tpu.memory_space<vmem>>) target(%dma_start3A_35 : memref<5248x128xf32, #tpu.memory_space<vmem_shared>>) offsets(%dma_start3A_32 : memref<128xi32, #tpu.memory_space<vmem>>) semaphore(%run_scoped3A_30 : memref<!tpu.dma_semaphore, #tpu.memory_space<semaphore_mem>>) {add = true}
        %dma_wait3A = arith.constant 0 : i32
        %dma_wait3A_36 = tpu.memref_slice %arg6[%scan3A_29, %dma_wait3A] : memref<40x128xi32, #tpu.memory_space<vmem>> -> memref<1x128xi32, #tpu.memory_space<vmem>>
        %dma_wait3A_37 = tpu.memref_squeeze %dma_wait3A_36 : memref<1x128xi32, #tpu.memory_space<vmem>> -> memref<128xi32, #tpu.memory_space<vmem>>
        %dma_wait3A_38 = arith.constant 0 : i32
        %dma_wait3A_39 = arith.constant 0 : i32
        %dma_wait3A_40 = tpu.memref_slice %arg8[%dma_wait3A_38, %dma_wait3A_39] : memref<5248x128xf32, #tpu.memory_space<vmem_shared>> -> memref<5248x128xf32, #tpu.memory_space<vmem_shared>>
        tpu.wait_indirect_dma semaphore(%run_scoped3A_30 : memref<!tpu.dma_semaphore, #tpu.memory_space<semaphore_mem>>) src(%arg7 : memref<128x128xf32, #tpu.memory_space<vmem>>) dst(%dma_wait3A_40 : memref<5248x128xf32, #tpu.memory_space<vmem_shared>>)
        tpu.yield
      }) : () -> ()
    }
    %scan3A_5 = arith.constant 40 : i32
    %barrier3A_6 = arith.constant 0 : index
    tpu.barrier barrier_id(%barrier3A_6)
    %mul3A_7 = arith.constant 320 : i32
    %mul3A_8 = arith.muli %arg1, %mul3A_7 : i32
    %mul3A_9 = arith.constant 320 : i32
    %mul3A_10 = arith.muli %arg1, %mul3A_9 : i32
    %add3A = arith.constant 0 : i32
    %add3A_11 = arith.addi %add3A, %mul3A_10 : i32
    "tpu.region"() ({
      %run_scoped3A_29 = tpu.sem_alloc : memref<!tpu.dma_semaphore, #tpu.memory_space<semaphore_mem>>
      %dma_start3A = arith.constant 0 : i32
      %dma_start3A_30 = tpu.memref_slice %arg5[%arg0, %add3A_11, %dma_start3A] : memref<2x10240x128xf32, #tpu.memory_space<hbm>> -> memref<1x320x128xf32, #tpu.memory_space<hbm>>
      %dma_start3A_31 = tpu.memref_squeeze %dma_start3A_30 : memref<1x320x128xf32, #tpu.memory_space<hbm>> -> memref<320x128xf32, #tpu.memory_space<hbm>>
      %dma_start3A_32 = arith.constant 0 : i32
      %dma_start3A_33 = tpu.memref_slice %arg8[%mul3A_8, %dma_start3A_32] : memref<5248x128xf32, #tpu.memory_space<vmem_shared>> -> memref<320x128xf32, #tpu.memory_space<vmem_shared>>
      tpu.enqueue_dma source(%dma_start3A_33 : memref<320x128xf32, #tpu.memory_space<vmem_shared>>) target(%dma_start3A_31 : memref<320x128xf32, #tpu.memory_space<hbm>>) target_semaphore(%run_scoped3A_29 : memref<!tpu.dma_semaphore, #tpu.memory_space<semaphore_mem>>)
      %dma_wait3A = arith.constant 0 : i32
      %dma_wait3A_34 = tpu.memref_slice %arg5[%arg0, %add3A_11, %dma_wait3A] : memref<2x10240x128xf32, #tpu.memory_space<hbm>> -> memref<1x320x128xf32, #tpu.memory_space<hbm>>
      %dma_wait3A_35 = tpu.memref_squeeze %dma_wait3A_34 : memref<1x320x128xf32, #tpu.memory_space<hbm>> -> memref<320x128xf32, #tpu.memory_space<hbm>>
      %dma_wait3A_36 = arith.constant 0 : i32
      %dma_wait3A_37 = tpu.memref_slice %arg8[%mul3A_8, %dma_wait3A_36] : memref<5248x128xf32, #tpu.memory_space<vmem_shared>> -> memref<320x128xf32, #tpu.memory_space<vmem_shared>>
      tpu.wait_dma2 semaphore(%run_scoped3A_29 : memref<!tpu.dma_semaphore, #tpu.memory_space<semaphore_mem>>) src(%dma_wait3A_37 : memref<320x128xf32, #tpu.memory_space<vmem_shared>>) dst(%dma_wait3A_35 : memref<320x128xf32, #tpu.memory_space<hbm>>)
      tpu.yield
    }) : () -> ()
    %run_scoped3A_12 = arith.constant 1 : i32
    "tpu.region"() ({
      %run_scoped3A_29 = tpu.sem_alloc : memref<!tpu.dma_semaphore, #tpu.memory_space<semaphore_mem>>
      %dma_start3A = arith.constant 0 : i32
      %dma_start3A_30 = arith.constant 0 : i32
      %dma_start3A_31 = tpu.memref_slice %arg2[%run_scoped3A_12, %arg0, %arg1, %dma_start3A, %dma_start3A_30] : memref<2x2x16x40x128xi32, #tpu.memory_space<hbm>> -> memref<1x1x1x40x128xi32, #tpu.memory_space<hbm>>
      %dma_start3A_32 = tpu.memref_squeeze %dma_start3A_31 : memref<1x1x1x40x128xi32, #tpu.memory_space<hbm>> -> memref<40x128xi32, #tpu.memory_space<hbm>>
      %dma_start3A_33 = arith.constant 0 : i32
      %dma_start3A_34 = arith.constant 0 : i32
      %dma_start3A_35 = tpu.memref_slice %arg2[%run_scoped3A_12, %arg0, %arg1, %dma_start3A_33, %dma_start3A_34] : memref<2x2x16x40x128xi32, #tpu.memory_space<hbm>> -> memref<1x1x1x40x128xi32, #tpu.memory_space<hbm>>
      %dma_start3A_36 = tpu.memref_squeeze %dma_start3A_35 : memref<1x1x1x40x128xi32, #tpu.memory_space<hbm>> -> memref<40x128xi32, #tpu.memory_space<hbm>>
      tpu.enqueue_dma source(%dma_start3A_36 : memref<40x128xi32, #tpu.memory_space<hbm>>) target(%arg6 : memref<40x128xi32, #tpu.memory_space<vmem>>) target_semaphore(%run_scoped3A_29 : memref<!tpu.dma_semaphore, #tpu.memory_space<semaphore_mem>>)
      %dma_wait3A = arith.constant 0 : i32
      %dma_wait3A_37 = arith.constant 0 : i32
      %dma_wait3A_38 = tpu.memref_slice %arg2[%run_scoped3A_12, %arg0, %arg1, %dma_wait3A, %dma_wait3A_37] : memref<2x2x16x40x128xi32, #tpu.memory_space<hbm>> -> memref<1x1x1x40x128xi32, #tpu.memory_space<hbm>>
      %dma_wait3A_39 = tpu.memref_squeeze %dma_wait3A_38 : memref<1x1x1x40x128xi32, #tpu.memory_space<hbm>> -> memref<40x128xi32, #tpu.memory_space<hbm>>
      %dma_wait3A_40 = arith.constant 0 : i32
      %dma_wait3A_41 = arith.constant 0 : i32
      %dma_wait3A_42 = tpu.memref_slice %arg2[%run_scoped3A_12, %arg0, %arg1, %dma_wait3A_40, %dma_wait3A_41] : memref<2x2x16x40x128xi32, #tpu.memory_space<hbm>> -> memref<1x1x1x40x128xi32, #tpu.memory_space<hbm>>
      %dma_wait3A_43 = tpu.memref_squeeze %dma_wait3A_42 : memref<1x1x1x40x128xi32, #tpu.memory_space<hbm>> -> memref<40x128xi32, #tpu.memory_space<hbm>>
      tpu.wait_dma2 semaphore(%run_scoped3A_29 : memref<!tpu.dma_semaphore, #tpu.memory_space<semaphore_mem>>) src(%dma_wait3A_43 : memref<40x128xi32, #tpu.memory_space<hbm>>) dst(%arg6 : memref<40x128xi32, #tpu.memory_space<vmem>>)
      tpu.yield
    }) : () -> ()
    %mul3A_13 = arith.constant 328 : i32
    %mul3A_14 = arith.muli %arg1, %mul3A_13 : i32
    "tpu.region"() ({
      %run_scoped3A_29 = tpu.sem_alloc : memref<!tpu.dma_semaphore, #tpu.memory_space<semaphore_mem>>
      %dma_start3A = arith.constant 0 : i32
      %dma_start3A_30 = tpu.memref_slice %arg8[%mul3A_14, %dma_start3A] : memref<5248x128xf32, #tpu.memory_space<vmem_shared>> -> memref<328x128xf32, #tpu.memory_space<vmem_shared>>
      tpu.enqueue_dma source(%arg3 : memref<328x128xf32, #tpu.memory_space<hbm>>) target(%dma_start3A_30 : memref<328x128xf32, #tpu.memory_space<vmem_shared>>) target_semaphore(%run_scoped3A_29 : memref<!tpu.dma_semaphore, #tpu.memory_space<semaphore_mem>>)
      %dma_wait3A = arith.constant 0 : i32
      %dma_wait3A_31 = tpu.memref_slice %arg8[%mul3A_14, %dma_wait3A] : memref<5248x128xf32, #tpu.memory_space<vmem_shared>> -> memref<328x128xf32, #tpu.memory_space<vmem_shared>>
      tpu.wait_dma2 semaphore(%run_scoped3A_29 : memref<!tpu.dma_semaphore, #tpu.memory_space<semaphore_mem>>) src(%arg3 : memref<328x128xf32, #tpu.memory_space<hbm>>) dst(%dma_wait3A_31 : memref<328x128xf32, #tpu.memory_space<vmem_shared>>)
      tpu.yield
    }) : () -> ()
    %barrier3A_15 = arith.constant 0 : index
    tpu.barrier barrier_id(%barrier3A_15)
    %scan3A_16 = arith.constant 0 : i32
    %scan3A_17 = arith.constant 0 : i32
    %scan3A_18 = arith.constant 40 : i32
    %scan3A_19 = arith.addi %scan3A_17, %scan3A_18 : i32
    %scan3A_20 = arith.constant 1 : i32
    scf.for %scan3A_29 = %scan3A_17 to %scan3A_19 step %scan3A_20  : i32 {
      "tpu.region"() ({
        %run_scoped3A_30 = tpu.sem_alloc : memref<!tpu.dma_semaphore, #tpu.memory_space<semaphore_mem>>
        %dma_start3A = arith.constant 0 : i32
        %dma_start3A_31 = tpu.memref_slice %arg6[%scan3A_29, %dma_start3A] : memref<40x128xi32, #tpu.memory_space<vmem>> -> memref<1x128xi32, #tpu.memory_space<vmem>>
        %dma_start3A_32 = tpu.memref_squeeze %dma_start3A_31 : memref<1x128xi32, #tpu.memory_space<vmem>> -> memref<128xi32, #tpu.memory_space<vmem>>
        %dma_start3A_33 = arith.constant 0 : i32
        %dma_start3A_34 = arith.constant 0 : i32
        %dma_start3A_35 = tpu.memref_slice %arg8[%dma_start3A_33, %dma_start3A_34] : memref<5248x128xf32, #tpu.memory_space<vmem_shared>> -> memref<5248x128xf32, #tpu.memory_space<vmem_shared>>
        tpu.enqueue_indirect_dma source(%arg7 : memref<128x128xf32, #tpu.memory_space<vmem>>) target(%dma_start3A_35 : memref<5248x128xf32, #tpu.memory_space<vmem_shared>>) offsets(%dma_start3A_32 : memref<128xi32, #tpu.memory_space<vmem>>) semaphore(%run_scoped3A_30 : memref<!tpu.dma_semaphore, #tpu.memory_space<semaphore_mem>>) {add = true}
        %dma_wait3A = arith.constant 0 : i32
        %dma_wait3A_36 = tpu.memref_slice %arg6[%scan3A_29, %dma_wait3A] : memref<40x128xi32, #tpu.memory_space<vmem>> -> memref<1x128xi32, #tpu.memory_space<vmem>>
        %dma_wait3A_37 = tpu.memref_squeeze %dma_wait3A_36 : memref<1x128xi32, #tpu.memory_space<vmem>> -> memref<128xi32, #tpu.memory_space<vmem>>
        %dma_wait3A_38 = arith.constant 0 : i32
        %dma_wait3A_39 = arith.constant 0 : i32
        %dma_wait3A_40 = tpu.memref_slice %arg8[%dma_wait3A_38, %dma_wait3A_39] : memref<5248x128xf32, #tpu.memory_space<vmem_shared>> -> memref<5248x128xf32, #tpu.memory_space<vmem_shared>>
        tpu.wait_indirect_dma semaphore(%run_scoped3A_30 : memref<!tpu.dma_semaphore, #tpu.memory_space<semaphore_mem>>) src(%arg7 : memref<128x128xf32, #tpu.memory_space<vmem>>) dst(%dma_wait3A_40 : memref<5248x128xf32, #tpu.memory_space<vmem_shared>>)
        tpu.yield
      }) : () -> ()
    }
    %scan3A_21 = arith.constant 40 : i32
    %barrier3A_22 = arith.constant 0 : index
    tpu.barrier barrier_id(%barrier3A_22)
    %mul3A_23 = arith.constant 320 : i32
    %mul3A_24 = arith.muli %arg1, %mul3A_23 : i32
    %mul3A_25 = arith.constant 320 : i32
    %mul3A_26 = arith.muli %arg1, %mul3A_25 : i32
    %add3A_27 = arith.constant 5120 : i32
    %add3A_28 = arith.addi %add3A_27, %mul3A_26 : i32
    "tpu.region"() ({
      %run_scoped3A_29 = tpu.sem_alloc : memref<!tpu.dma_semaphore, #tpu.memory_space<semaphore_mem>>
      %dma_start3A = arith.constant 0 : i32
      %dma_start3A_30 = tpu.memref_slice %arg5[%arg0, %add3A_28, %dma_start3A] : memref<2x10240x128xf32, #tpu.memory_space<hbm>> -> memref<1x320x128xf32, #tpu.memory_space<hbm>>
      %dma_start3A_31 = tpu.memref_squeeze %dma_start3A_30 : memref<1x320x128xf32, #tpu.memory_space<hbm>> -> memref<320x128xf32, #tpu.memory_space<hbm>>
      %dma_start3A_32 = arith.constant 0 : i32
      %dma_start3A_33 = tpu.memref_slice %arg8[%mul3A_24, %dma_start3A_32] : memref<5248x128xf32, #tpu.memory_space<vmem_shared>> -> memref<320x128xf32, #tpu.memory_space<vmem_shared>>
      tpu.enqueue_dma source(%dma_start3A_33 : memref<320x128xf32, #tpu.memory_space<vmem_shared>>) target(%dma_start3A_31 : memref<320x128xf32, #tpu.memory_space<hbm>>) target_semaphore(%run_scoped3A_29 : memref<!tpu.dma_semaphore, #tpu.memory_space<semaphore_mem>>)
      %dma_wait3A = arith.constant 0 : i32
      %dma_wait3A_34 = tpu.memref_slice %arg5[%arg0, %add3A_28, %dma_wait3A] : memref<2x10240x128xf32, #tpu.memory_space<hbm>> -> memref<1x320x128xf32, #tpu.memory_space<hbm>>
      %dma_wait3A_35 = tpu.memref_squeeze %dma_wait3A_34 : memref<1x320x128xf32, #tpu.memory_space<hbm>> -> memref<320x128xf32, #tpu.memory_space<hbm>>
      %dma_wait3A_36 = arith.constant 0 : i32
      %dma_wait3A_37 = tpu.memref_slice %arg8[%mul3A_24, %dma_wait3A_36] : memref<5248x128xf32, #tpu.memory_space<vmem_shared>> -> memref<320x128xf32, #tpu.memory_space<vmem_shared>>
      tpu.wait_dma2 semaphore(%run_scoped3A_29 : memref<!tpu.dma_semaphore, #tpu.memory_space<semaphore_mem>>) src(%dma_wait3A_37 : memref<320x128xf32, #tpu.memory_space<vmem_shared>>) dst(%dma_wait3A_35 : memref<320x128xf32, #tpu.memory_space<hbm>>)
      tpu.yield
    }) : () -> ()
    return
  }
}

#map = affine_map<(d0, d1) -> (0, 0)>
#map1 = affine_map<(d0, d1) -> (0, 0, 0, 0, 0)>
#map2 = affine_map<(d0, d1) -> (0, 0, 0, 0)>
#map3 = affine_map<(d0, d1) -> (0, 0, 0)>
module attributes {stable_mosaic.version = 14 : i64} {
  func.func @_agg_body(%arg0: i32, %arg1: i32, %arg2: memref<20000x128xf32, #tpu.memory_space<hbm>>, %arg3: memref<2x2x16x80x128xi32, #tpu.memory_space<hbm>>, %arg4: memref<2x16x80x128xi32, #tpu.memory_space<hbm>>, %arg5: memref<328x128xf32, #tpu.memory_space<hbm>>, %arg6: memref<2x10240x128xf32, #tpu.memory_space<hbm>>, %arg7: memref<80x128xi32, #tpu.memory_space<vmem>>, %arg8: memref<80x128xi32, #tpu.memory_space<vmem>>, %arg9: memref<4x128x128xf32, #tpu.memory_space<vmem>>, %arg10: memref<5248x128xf32, #tpu.memory_space<vmem_shared>>, %arg11: memref<!tpu.dma_semaphore, #tpu.memory_space<semaphore_mem>>, %arg12: memref<!tpu.dma_semaphore, #tpu.memory_space<semaphore_mem>>, %arg13: memref<!tpu.dma_semaphore, #tpu.memory_space<semaphore_mem>>, %arg14: memref<!tpu.dma_semaphore, #tpu.memory_space<semaphore_mem>>, %arg15: memref<!tpu.dma_semaphore, #tpu.memory_space<semaphore_mem>>, %arg16: memref<!tpu.dma_semaphore, #tpu.memory_space<semaphore_mem>>, %arg17: memref<!tpu.dma_semaphore, #tpu.memory_space<semaphore_mem>>, %arg18: memref<!tpu.dma_semaphore, #tpu.memory_space<semaphore_mem>>) attributes {dimension_semantics = [#tpu.dimension_semantics<core_parallel>, #tpu.dimension_semantics<subcore_parallel>], iteration_bounds = array<i64: 2, 16>, scalar_prefetch = 0 : i64, scratch_operands = 12 : i64, tpu.core_type = #tpu.core_type<sc_vector_subcore>, window_params = [{transform_indices = #map}, {transform_indices = #map1}, {transform_indices = #map2}, {transform_indices = #map}, {transform_indices = #map3}]} {
    %run_scoped3A = arith.constant 0 : i32
    "tpu.region"() ({
      %run_scoped3A_105 = tpu.sem_alloc : memref<!tpu.dma_semaphore, #tpu.memory_space<semaphore_mem>>
      %dma_start3A_106 = arith.constant 0 : i32
      %dma_start3A_107 = arith.constant 0 : i32
      %dma_start3A_108 = tpu.memref_slice %arg3[%run_scoped3A, %arg0, %arg1, %dma_start3A_106, %dma_start3A_107] : memref<2x2x16x80x128xi32, #tpu.memory_space<hbm>> -> memref<1x1x1x80x128xi32, #tpu.memory_space<hbm>>
      %dma_start3A_109 = tpu.memref_squeeze %dma_start3A_108 : memref<1x1x1x80x128xi32, #tpu.memory_space<hbm>> -> memref<80x128xi32, #tpu.memory_space<hbm>>
      %dma_start3A_110 = arith.constant 0 : i32
      %dma_start3A_111 = arith.constant 0 : i32
      %dma_start3A_112 = tpu.memref_slice %arg3[%run_scoped3A, %arg0, %arg1, %dma_start3A_110, %dma_start3A_111] : memref<2x2x16x80x128xi32, #tpu.memory_space<hbm>> -> memref<1x1x1x80x128xi32, #tpu.memory_space<hbm>>
      %dma_start3A_113 = tpu.memref_squeeze %dma_start3A_112 : memref<1x1x1x80x128xi32, #tpu.memory_space<hbm>> -> memref<80x128xi32, #tpu.memory_space<hbm>>
      tpu.enqueue_dma source(%dma_start3A_113 : memref<80x128xi32, #tpu.memory_space<hbm>>) target(%arg7 : memref<80x128xi32, #tpu.memory_space<vmem>>) target_semaphore(%run_scoped3A_105 : memref<!tpu.dma_semaphore, #tpu.memory_space<semaphore_mem>>)
      %dma_wait3A_114 = arith.constant 0 : i32
      %dma_wait3A_115 = arith.constant 0 : i32
      %dma_wait3A_116 = tpu.memref_slice %arg3[%run_scoped3A, %arg0, %arg1, %dma_wait3A_114, %dma_wait3A_115] : memref<2x2x16x80x128xi32, #tpu.memory_space<hbm>> -> memref<1x1x1x80x128xi32, #tpu.memory_space<hbm>>
      %dma_wait3A_117 = tpu.memref_squeeze %dma_wait3A_116 : memref<1x1x1x80x128xi32, #tpu.memory_space<hbm>> -> memref<80x128xi32, #tpu.memory_space<hbm>>
      %dma_wait3A_118 = arith.constant 0 : i32
      %dma_wait3A_119 = arith.constant 0 : i32
      %dma_wait3A_120 = tpu.memref_slice %arg3[%run_scoped3A, %arg0, %arg1, %dma_wait3A_118, %dma_wait3A_119] : memref<2x2x16x80x128xi32, #tpu.memory_space<hbm>> -> memref<1x1x1x80x128xi32, #tpu.memory_space<hbm>>
      %dma_wait3A_121 = tpu.memref_squeeze %dma_wait3A_120 : memref<1x1x1x80x128xi32, #tpu.memory_space<hbm>> -> memref<80x128xi32, #tpu.memory_space<hbm>>
      tpu.wait_dma2 semaphore(%run_scoped3A_105 : memref<!tpu.dma_semaphore, #tpu.memory_space<semaphore_mem>>) src(%dma_wait3A_121 : memref<80x128xi32, #tpu.memory_space<hbm>>) dst(%arg7 : memref<80x128xi32, #tpu.memory_space<vmem>>)
      tpu.yield
    }) : () -> ()
    %run_scoped3A_0 = arith.constant 0 : i32
    "tpu.region"() ({
      %run_scoped3A_105 = tpu.sem_alloc : memref<!tpu.dma_semaphore, #tpu.memory_space<semaphore_mem>>
      %dma_start3A_106 = arith.constant 0 : i32
      %dma_start3A_107 = arith.constant 0 : i32
      %dma_start3A_108 = tpu.memref_slice %arg4[%run_scoped3A_0, %arg1, %dma_start3A_106, %dma_start3A_107] : memref<2x16x80x128xi32, #tpu.memory_space<hbm>> -> memref<1x1x80x128xi32, #tpu.memory_space<hbm>>
      %dma_start3A_109 = tpu.memref_squeeze %dma_start3A_108 : memref<1x1x80x128xi32, #tpu.memory_space<hbm>> -> memref<80x128xi32, #tpu.memory_space<hbm>>
      %dma_start3A_110 = arith.constant 0 : i32
      %dma_start3A_111 = arith.constant 0 : i32
      %dma_start3A_112 = tpu.memref_slice %arg4[%run_scoped3A_0, %arg1, %dma_start3A_110, %dma_start3A_111] : memref<2x16x80x128xi32, #tpu.memory_space<hbm>> -> memref<1x1x80x128xi32, #tpu.memory_space<hbm>>
      %dma_start3A_113 = tpu.memref_squeeze %dma_start3A_112 : memref<1x1x80x128xi32, #tpu.memory_space<hbm>> -> memref<80x128xi32, #tpu.memory_space<hbm>>
      tpu.enqueue_dma source(%dma_start3A_113 : memref<80x128xi32, #tpu.memory_space<hbm>>) target(%arg8 : memref<80x128xi32, #tpu.memory_space<vmem>>) target_semaphore(%run_scoped3A_105 : memref<!tpu.dma_semaphore, #tpu.memory_space<semaphore_mem>>)
      %dma_wait3A_114 = arith.constant 0 : i32
      %dma_wait3A_115 = arith.constant 0 : i32
      %dma_wait3A_116 = tpu.memref_slice %arg4[%run_scoped3A_0, %arg1, %dma_wait3A_114, %dma_wait3A_115] : memref<2x16x80x128xi32, #tpu.memory_space<hbm>> -> memref<1x1x80x128xi32, #tpu.memory_space<hbm>>
      %dma_wait3A_117 = tpu.memref_squeeze %dma_wait3A_116 : memref<1x1x80x128xi32, #tpu.memory_space<hbm>> -> memref<80x128xi32, #tpu.memory_space<hbm>>
      %dma_wait3A_118 = arith.constant 0 : i32
      %dma_wait3A_119 = arith.constant 0 : i32
      %dma_wait3A_120 = tpu.memref_slice %arg4[%run_scoped3A_0, %arg1, %dma_wait3A_118, %dma_wait3A_119] : memref<2x16x80x128xi32, #tpu.memory_space<hbm>> -> memref<1x1x80x128xi32, #tpu.memory_space<hbm>>
      %dma_wait3A_121 = tpu.memref_squeeze %dma_wait3A_120 : memref<1x1x80x128xi32, #tpu.memory_space<hbm>> -> memref<80x128xi32, #tpu.memory_space<hbm>>
      tpu.wait_dma2 semaphore(%run_scoped3A_105 : memref<!tpu.dma_semaphore, #tpu.memory_space<semaphore_mem>>) src(%dma_wait3A_121 : memref<80x128xi32, #tpu.memory_space<hbm>>) dst(%arg8 : memref<80x128xi32, #tpu.memory_space<vmem>>)
      tpu.yield
    }) : () -> ()
    %mul3A = arith.constant 328 : i32
    %mul3A_1 = arith.muli %arg1, %mul3A : i32
    "tpu.region"() ({
      %run_scoped3A_105 = tpu.sem_alloc : memref<!tpu.dma_semaphore, #tpu.memory_space<semaphore_mem>>
      %dma_start3A_106 = arith.constant 0 : i32
      %dma_start3A_107 = tpu.memref_slice %arg10[%mul3A_1, %dma_start3A_106] : memref<5248x128xf32, #tpu.memory_space<vmem_shared>> -> memref<328x128xf32, #tpu.memory_space<vmem_shared>>
      tpu.enqueue_dma source(%arg5 : memref<328x128xf32, #tpu.memory_space<hbm>>) target(%dma_start3A_107 : memref<328x128xf32, #tpu.memory_space<vmem_shared>>) target_semaphore(%run_scoped3A_105 : memref<!tpu.dma_semaphore, #tpu.memory_space<semaphore_mem>>)
      %dma_wait3A_108 = arith.constant 0 : i32
      %dma_wait3A_109 = tpu.memref_slice %arg10[%mul3A_1, %dma_wait3A_108] : memref<5248x128xf32, #tpu.memory_space<vmem_shared>> -> memref<328x128xf32, #tpu.memory_space<vmem_shared>>
      tpu.wait_dma2 semaphore(%run_scoped3A_105 : memref<!tpu.dma_semaphore, #tpu.memory_space<semaphore_mem>>) src(%arg5 : memref<328x128xf32, #tpu.memory_space<hbm>>) dst(%dma_wait3A_109 : memref<328x128xf32, #tpu.memory_space<vmem_shared>>)
      tpu.yield
    }) : () -> ()
    %barrier3A = arith.constant 0 : index
    tpu.barrier barrier_id(%barrier3A)
    %dma_start3A = arith.constant 0 : i32
    %dma_start3A_2 = arith.constant 0 : i32
    %dma_start3A_3 = arith.constant 0 : i32
    %dma_start3A_4 = arith.constant 0 : i32
    %dma_start3A_5 = tpu.memref_slice %arg9[%dma_start3A_2, %dma_start3A_3, %dma_start3A_4] : memref<4x128x128xf32, #tpu.memory_space<vmem>> -> memref<1x128x128xf32, #tpu.memory_space<vmem>>
    %dma_start3A_6 = tpu.memref_squeeze %dma_start3A_5 : memref<1x128x128xf32, #tpu.memory_space<vmem>> -> memref<128x128xf32, #tpu.memory_space<vmem>>
    %dma_start3A_7 = arith.constant 0 : i32
    %dma_start3A_8 = tpu.memref_slice %arg7[%dma_start3A, %dma_start3A_7] : memref<80x128xi32, #tpu.memory_space<vmem>> -> memref<1x128xi32, #tpu.memory_space<vmem>>
    %dma_start3A_9 = tpu.memref_squeeze %dma_start3A_8 : memref<1x128xi32, #tpu.memory_space<vmem>> -> memref<128xi32, #tpu.memory_space<vmem>>
    %dma_start3A_10 = arith.constant 0 : i32
    %dma_start3A_11 = arith.constant 0 : i32
    %dma_start3A_12 = tpu.memref_slice %arg2[%dma_start3A_10, %dma_start3A_11] : memref<20000x128xf32, #tpu.memory_space<hbm>> -> memref<20000x128xf32, #tpu.memory_space<hbm>>
    %dma_start3A_13 = arith.constant -1 : i32
    tpu.enqueue_indirect_dma source(%dma_start3A_12 : memref<20000x128xf32, #tpu.memory_space<hbm>>) target(%dma_start3A_6 : memref<128x128xf32, #tpu.memory_space<vmem>>) offsets(%dma_start3A_9 : memref<128xi32, #tpu.memory_space<vmem>>) offset_filter(%dma_start3A_13) semaphore(%arg11 : memref<!tpu.dma_semaphore, #tpu.memory_space<semaphore_mem>>)
    %dma_start3A_14 = arith.constant 1 : i32
    %dma_start3A_15 = arith.constant 1 : i32
    %dma_start3A_16 = arith.constant 0 : i32
    %dma_start3A_17 = arith.constant 0 : i32
    %dma_start3A_18 = tpu.memref_slice %arg9[%dma_start3A_15, %dma_start3A_16, %dma_start3A_17] : memref<4x128x128xf32, #tpu.memory_space<vmem>> -> memref<1x128x128xf32, #tpu.memory_space<vmem>>
    %dma_start3A_19 = tpu.memref_squeeze %dma_start3A_18 : memref<1x128x128xf32, #tpu.memory_space<vmem>> -> memref<128x128xf32, #tpu.memory_space<vmem>>
    %dma_start3A_20 = arith.constant 0 : i32
    %dma_start3A_21 = tpu.memref_slice %arg7[%dma_start3A_14, %dma_start3A_20] : memref<80x128xi32, #tpu.memory_space<vmem>> -> memref<1x128xi32, #tpu.memory_space<vmem>>
    %dma_start3A_22 = tpu.memref_squeeze %dma_start3A_21 : memref<1x128xi32, #tpu.memory_space<vmem>> -> memref<128xi32, #tpu.memory_space<vmem>>
    %dma_start3A_23 = arith.constant 0 : i32
    %dma_start3A_24 = arith.constant 0 : i32
    %dma_start3A_25 = tpu.memref_slice %arg2[%dma_start3A_23, %dma_start3A_24] : memref<20000x128xf32, #tpu.memory_space<hbm>> -> memref<20000x128xf32, #tpu.memory_space<hbm>>
    %dma_start3A_26 = arith.constant -1 : i32
    tpu.enqueue_indirect_dma source(%dma_start3A_25 : memref<20000x128xf32, #tpu.memory_space<hbm>>) target(%dma_start3A_19 : memref<128x128xf32, #tpu.memory_space<vmem>>) offsets(%dma_start3A_22 : memref<128xi32, #tpu.memory_space<vmem>>) offset_filter(%dma_start3A_26) semaphore(%arg12 : memref<!tpu.dma_semaphore, #tpu.memory_space<semaphore_mem>>)
    %scan3A = arith.constant 0 : i32
    %scan3A_27 = arith.constant 0 : i32
    %scan3A_28 = arith.constant 20 : i32
    %scan3A_29 = arith.addi %scan3A_27, %scan3A_28 : i32
    %scan3A_30 = arith.constant 1 : i32
    scf.for %scan3A_105 = %scan3A_27 to %scan3A_29 step %scan3A_30  : i32 {
      %mul3A_106 = arith.constant 4 : i32
      %mul3A_107 = arith.muli %scan3A_105, %mul3A_106 : i32
      %add3A_108 = arith.constant 0 : i32
      %add3A_109 = arith.addi %mul3A_107, %add3A_108 : i32
      %dma_wait3A_110 = arith.constant 0 : i32
      %dma_wait3A_111 = arith.constant 0 : i32
      %dma_wait3A_112 = arith.constant 0 : i32
      %dma_wait3A_113 = tpu.memref_slice %arg9[%dma_wait3A_110, %dma_wait3A_111, %dma_wait3A_112] : memref<4x128x128xf32, #tpu.memory_space<vmem>> -> memref<1x128x128xf32, #tpu.memory_space<vmem>>
      %dma_wait3A_114 = tpu.memref_squeeze %dma_wait3A_113 : memref<1x128x128xf32, #tpu.memory_space<vmem>> -> memref<128x128xf32, #tpu.memory_space<vmem>>
      %dma_wait3A_115 = arith.constant 0 : i32
      %dma_wait3A_116 = tpu.memref_slice %arg7[%add3A_109, %dma_wait3A_115] : memref<80x128xi32, #tpu.memory_space<vmem>> -> memref<1x128xi32, #tpu.memory_space<vmem>>
      %dma_wait3A_117 = tpu.memref_squeeze %dma_wait3A_116 : memref<1x128xi32, #tpu.memory_space<vmem>> -> memref<128xi32, #tpu.memory_space<vmem>>
      %dma_wait3A_118 = arith.constant 0 : i32
      %dma_wait3A_119 = arith.constant 0 : i32
      %dma_wait3A_120 = tpu.memref_slice %arg2[%dma_wait3A_118, %dma_wait3A_119] : memref<20000x128xf32, #tpu.memory_space<hbm>> -> memref<20000x128xf32, #tpu.memory_space<hbm>>
      tpu.wait_indirect_dma semaphore(%arg11 : memref<!tpu.dma_semaphore, #tpu.memory_space<semaphore_mem>>) src(%dma_wait3A_120 : memref<20000x128xf32, #tpu.memory_space<hbm>>) dst(%dma_wait3A_114 : memref<128x128xf32, #tpu.memory_space<vmem>>)
      %add3A_121 = arith.constant 2 : i32
      %add3A_122 = arith.addi %add3A_109, %add3A_121 : i32
      %lt3A = arith.constant 80 : i32
      %lt3A_123 = arith.cmpi slt, %add3A_122, %lt3A : i32
      %convert_element_type3A = arith.extui %lt3A_123 : i1 to i32
      %cond3A = arith.constant 0 : i32
      %cond3A_124 = arith.cmpi ne, %convert_element_type3A, %cond3A : i32
      scf.if %cond3A_124 {
        %add3A_254 = arith.constant 2 : i32
        %add3A_255 = arith.addi %add3A_109, %add3A_254 : i32
        %dma_start3A_256 = arith.constant 2 : i32
        %dma_start3A_257 = arith.constant 0 : i32
        %dma_start3A_258 = arith.constant 0 : i32
        %dma_start3A_259 = tpu.memref_slice %arg9[%dma_start3A_256, %dma_start3A_257, %dma_start3A_258] : memref<4x128x128xf32, #tpu.memory_space<vmem>> -> memref<1x128x128xf32, #tpu.memory_space<vmem>>
        %dma_start3A_260 = tpu.memref_squeeze %dma_start3A_259 : memref<1x128x128xf32, #tpu.memory_space<vmem>> -> memref<128x128xf32, #tpu.memory_space<vmem>>
        %dma_start3A_261 = arith.constant 0 : i32
        %dma_start3A_262 = tpu.memref_slice %arg7[%add3A_255, %dma_start3A_261] : memref<80x128xi32, #tpu.memory_space<vmem>> -> memref<1x128xi32, #tpu.memory_space<vmem>>
        %dma_start3A_263 = tpu.memref_squeeze %dma_start3A_262 : memref<1x128xi32, #tpu.memory_space<vmem>> -> memref<128xi32, #tpu.memory_space<vmem>>
        %dma_start3A_264 = arith.constant 0 : i32
        %dma_start3A_265 = arith.constant 0 : i32
        %dma_start3A_266 = tpu.memref_slice %arg2[%dma_start3A_264, %dma_start3A_265] : memref<20000x128xf32, #tpu.memory_space<hbm>> -> memref<20000x128xf32, #tpu.memory_space<hbm>>
        %dma_start3A_267 = arith.constant -1 : i32
        tpu.enqueue_indirect_dma source(%dma_start3A_266 : memref<20000x128xf32, #tpu.memory_space<hbm>>) target(%dma_start3A_260 : memref<128x128xf32, #tpu.memory_space<vmem>>) offsets(%dma_start3A_263 : memref<128xi32, #tpu.memory_space<vmem>>) offset_filter(%dma_start3A_267) semaphore(%arg13 : memref<!tpu.dma_semaphore, #tpu.memory_space<semaphore_mem>>)
      } else {
      }
      %ge3A = arith.constant 1 : i32
      %ge3A_125 = arith.cmpi sge, %add3A_109, %ge3A : i32
      %convert_element_type3A_126 = arith.extui %ge3A_125 : i1 to i32
      %cond3A_127 = arith.constant 0 : i32
      %cond3A_128 = arith.cmpi ne, %convert_element_type3A_126, %cond3A_127 : i32
      scf.if %cond3A_128 {
        %sub3A = arith.constant 1 : i32
        %sub3A_254 = arith.subi %add3A_109, %sub3A : i32
        %dma_wait3A_255 = arith.constant 3 : i32
        %dma_wait3A_256 = arith.constant 0 : i32
        %dma_wait3A_257 = arith.constant 0 : i32
        %dma_wait3A_258 = tpu.memref_slice %arg9[%dma_wait3A_255, %dma_wait3A_256, %dma_wait3A_257] : memref<4x128x128xf32, #tpu.memory_space<vmem>> -> memref<1x128x128xf32, #tpu.memory_space<vmem>>
        %dma_wait3A_259 = tpu.memref_squeeze %dma_wait3A_258 : memref<1x128x128xf32, #tpu.memory_space<vmem>> -> memref<128x128xf32, #tpu.memory_space<vmem>>
        %dma_wait3A_260 = arith.constant 0 : i32
        %dma_wait3A_261 = tpu.memref_slice %arg8[%sub3A_254, %dma_wait3A_260] : memref<80x128xi32, #tpu.memory_space<vmem>> -> memref<1x128xi32, #tpu.memory_space<vmem>>
        %dma_wait3A_262 = tpu.memref_squeeze %dma_wait3A_261 : memref<1x128xi32, #tpu.memory_space<vmem>> -> memref<128xi32, #tpu.memory_space<vmem>>
        %dma_wait3A_263 = arith.constant 0 : i32
        %dma_wait3A_264 = arith.constant 0 : i32
        %dma_wait3A_265 = tpu.memref_slice %arg10[%dma_wait3A_263, %dma_wait3A_264] : memref<5248x128xf32, #tpu.memory_space<vmem_shared>> -> memref<5248x128xf32, #tpu.memory_space<vmem_shared>>
        tpu.wait_indirect_dma semaphore(%arg18 : memref<!tpu.dma_semaphore, #tpu.memory_space<semaphore_mem>>) src(%dma_wait3A_259 : memref<128x128xf32, #tpu.memory_space<vmem>>) dst(%dma_wait3A_265 : memref<5248x128xf32, #tpu.memory_space<vmem_shared>>)
      } else {
      }
      %dma_start3A_129 = arith.constant 0 : i32
      %dma_start3A_130 = arith.constant 0 : i32
      %dma_start3A_131 = arith.constant 0 : i32
      %dma_start3A_132 = tpu.memref_slice %arg9[%dma_start3A_129, %dma_start3A_130, %dma_start3A_131] : memref<4x128x128xf32, #tpu.memory_space<vmem>> -> memref<1x128x128xf32, #tpu.memory_space<vmem>>
      %dma_start3A_133 = tpu.memref_squeeze %dma_start3A_132 : memref<1x128x128xf32, #tpu.memory_space<vmem>> -> memref<128x128xf32, #tpu.memory_space<vmem>>
      %dma_start3A_134 = arith.constant 0 : i32
      %dma_start3A_135 = tpu.memref_slice %arg8[%add3A_109, %dma_start3A_134] : memref<80x128xi32, #tpu.memory_space<vmem>> -> memref<1x128xi32, #tpu.memory_space<vmem>>
      %dma_start3A_136 = tpu.memref_squeeze %dma_start3A_135 : memref<1x128xi32, #tpu.memory_space<vmem>> -> memref<128xi32, #tpu.memory_space<vmem>>
      %dma_start3A_137 = arith.constant 0 : i32
      %dma_start3A_138 = arith.constant 0 : i32
      %dma_start3A_139 = tpu.memref_slice %arg10[%dma_start3A_137, %dma_start3A_138] : memref<5248x128xf32, #tpu.memory_space<vmem_shared>> -> memref<5248x128xf32, #tpu.memory_space<vmem_shared>>
      tpu.enqueue_indirect_dma source(%dma_start3A_133 : memref<128x128xf32, #tpu.memory_space<vmem>>) target(%dma_start3A_139 : memref<5248x128xf32, #tpu.memory_space<vmem_shared>>) offsets(%dma_start3A_136 : memref<128xi32, #tpu.memory_space<vmem>>) semaphore(%arg15 : memref<!tpu.dma_semaphore, #tpu.memory_space<semaphore_mem>>) {add = true}
      %mul3A_140 = arith.constant 4 : i32
      %mul3A_141 = arith.muli %scan3A_105, %mul3A_140 : i32
      %add3A_142 = arith.constant 1 : i32
      %add3A_143 = arith.addi %mul3A_141, %add3A_142 : i32
      %dma_wait3A_144 = arith.constant 1 : i32
      %dma_wait3A_145 = arith.constant 0 : i32
      %dma_wait3A_146 = arith.constant 0 : i32
      %dma_wait3A_147 = tpu.memref_slice %arg9[%dma_wait3A_144, %dma_wait3A_145, %dma_wait3A_146] : memref<4x128x128xf32, #tpu.memory_space<vmem>> -> memref<1x128x128xf32, #tpu.memory_space<vmem>>
      %dma_wait3A_148 = tpu.memref_squeeze %dma_wait3A_147 : memref<1x128x128xf32, #tpu.memory_space<vmem>> -> memref<128x128xf32, #tpu.memory_space<vmem>>
      %dma_wait3A_149 = arith.constant 0 : i32
      %dma_wait3A_150 = tpu.memref_slice %arg7[%add3A_143, %dma_wait3A_149] : memref<80x128xi32, #tpu.memory_space<vmem>> -> memref<1x128xi32, #tpu.memory_space<vmem>>
      %dma_wait3A_151 = tpu.memref_squeeze %dma_wait3A_150 : memref<1x128xi32, #tpu.memory_space<vmem>> -> memref<128xi32, #tpu.memory_space<vmem>>
      %dma_wait3A_152 = arith.constant 0 : i32
      %dma_wait3A_153 = arith.constant 0 : i32
      %dma_wait3A_154 = tpu.memref_slice %arg2[%dma_wait3A_152, %dma_wait3A_153] : memref<20000x128xf32, #tpu.memory_space<hbm>> -> memref<20000x128xf32, #tpu.memory_space<hbm>>
      tpu.wait_indirect_dma semaphore(%arg12 : memref<!tpu.dma_semaphore, #tpu.memory_space<semaphore_mem>>) src(%dma_wait3A_154 : memref<20000x128xf32, #tpu.memory_space<hbm>>) dst(%dma_wait3A_148 : memref<128x128xf32, #tpu.memory_space<vmem>>)
      %add3A_155 = arith.constant 2 : i32
      %add3A_156 = arith.addi %add3A_143, %add3A_155 : i32
      %lt3A_157 = arith.constant 80 : i32
      %lt3A_158 = arith.cmpi slt, %add3A_156, %lt3A_157 : i32
      %convert_element_type3A_159 = arith.extui %lt3A_158 : i1 to i32
      %cond3A_160 = arith.constant 0 : i32
      %cond3A_161 = arith.cmpi ne, %convert_element_type3A_159, %cond3A_160 : i32
      scf.if %cond3A_161 {
        %add3A_254 = arith.constant 2 : i32
        %add3A_255 = arith.addi %add3A_143, %add3A_254 : i32
        %dma_start3A_256 = arith.constant 3 : i32
        %dma_start3A_257 = arith.constant 0 : i32
        %dma_start3A_258 = arith.constant 0 : i32
        %dma_start3A_259 = tpu.memref_slice %arg9[%dma_start3A_256, %dma_start3A_257, %dma_start3A_258] : memref<4x128x128xf32, #tpu.memory_space<vmem>> -> memref<1x128x128xf32, #tpu.memory_space<vmem>>
        %dma_start3A_260 = tpu.memref_squeeze %dma_start3A_259 : memref<1x128x128xf32, #tpu.memory_space<vmem>> -> memref<128x128xf32, #tpu.memory_space<vmem>>
        %dma_start3A_261 = arith.constant 0 : i32
        %dma_start3A_262 = tpu.memref_slice %arg7[%add3A_255, %dma_start3A_261] : memref<80x128xi32, #tpu.memory_space<vmem>> -> memref<1x128xi32, #tpu.memory_space<vmem>>
        %dma_start3A_263 = tpu.memref_squeeze %dma_start3A_262 : memref<1x128xi32, #tpu.memory_space<vmem>> -> memref<128xi32, #tpu.memory_space<vmem>>
        %dma_start3A_264 = arith.constant 0 : i32
        %dma_start3A_265 = arith.constant 0 : i32
        %dma_start3A_266 = tpu.memref_slice %arg2[%dma_start3A_264, %dma_start3A_265] : memref<20000x128xf32, #tpu.memory_space<hbm>> -> memref<20000x128xf32, #tpu.memory_space<hbm>>
        %dma_start3A_267 = arith.constant -1 : i32
        tpu.enqueue_indirect_dma source(%dma_start3A_266 : memref<20000x128xf32, #tpu.memory_space<hbm>>) target(%dma_start3A_260 : memref<128x128xf32, #tpu.memory_space<vmem>>) offsets(%dma_start3A_263 : memref<128xi32, #tpu.memory_space<vmem>>) offset_filter(%dma_start3A_267) semaphore(%arg14 : memref<!tpu.dma_semaphore, #tpu.memory_space<semaphore_mem>>)
      } else {
      }
      %ge3A_162 = arith.constant 1 : i32
      %ge3A_163 = arith.cmpi sge, %add3A_143, %ge3A_162 : i32
      %convert_element_type3A_164 = arith.extui %ge3A_163 : i1 to i32
      %cond3A_165 = arith.constant 0 : i32
      %cond3A_166 = arith.cmpi ne, %convert_element_type3A_164, %cond3A_165 : i32
      scf.if %cond3A_166 {
        %sub3A = arith.constant 1 : i32
        %sub3A_254 = arith.subi %add3A_143, %sub3A : i32
        %dma_wait3A_255 = arith.constant 0 : i32
        %dma_wait3A_256 = arith.constant 0 : i32
        %dma_wait3A_257 = arith.constant 0 : i32
        %dma_wait3A_258 = tpu.memref_slice %arg9[%dma_wait3A_255, %dma_wait3A_256, %dma_wait3A_257] : memref<4x128x128xf32, #tpu.memory_space<vmem>> -> memref<1x128x128xf32, #tpu.memory_space<vmem>>
        %dma_wait3A_259 = tpu.memref_squeeze %dma_wait3A_258 : memref<1x128x128xf32, #tpu.memory_space<vmem>> -> memref<128x128xf32, #tpu.memory_space<vmem>>
        %dma_wait3A_260 = arith.constant 0 : i32
        %dma_wait3A_261 = tpu.memref_slice %arg8[%sub3A_254, %dma_wait3A_260] : memref<80x128xi32, #tpu.memory_space<vmem>> -> memref<1x128xi32, #tpu.memory_space<vmem>>
        %dma_wait3A_262 = tpu.memref_squeeze %dma_wait3A_261 : memref<1x128xi32, #tpu.memory_space<vmem>> -> memref<128xi32, #tpu.memory_space<vmem>>
        %dma_wait3A_263 = arith.constant 0 : i32
        %dma_wait3A_264 = arith.constant 0 : i32
        %dma_wait3A_265 = tpu.memref_slice %arg10[%dma_wait3A_263, %dma_wait3A_264] : memref<5248x128xf32, #tpu.memory_space<vmem_shared>> -> memref<5248x128xf32, #tpu.memory_space<vmem_shared>>
        tpu.wait_indirect_dma semaphore(%arg15 : memref<!tpu.dma_semaphore, #tpu.memory_space<semaphore_mem>>) src(%dma_wait3A_259 : memref<128x128xf32, #tpu.memory_space<vmem>>) dst(%dma_wait3A_265 : memref<5248x128xf32, #tpu.memory_space<vmem_shared>>)
      } else {
      }
      %dma_start3A_167 = arith.constant 1 : i32
      %dma_start3A_168 = arith.constant 0 : i32
      %dma_start3A_169 = arith.constant 0 : i32
      %dma_start3A_170 = tpu.memref_slice %arg9[%dma_start3A_167, %dma_start3A_168, %dma_start3A_169] : memref<4x128x128xf32, #tpu.memory_space<vmem>> -> memref<1x128x128xf32, #tpu.memory_space<vmem>>
      %dma_start3A_171 = tpu.memref_squeeze %dma_start3A_170 : memref<1x128x128xf32, #tpu.memory_space<vmem>> -> memref<128x128xf32, #tpu.memory_space<vmem>>
      %dma_start3A_172 = arith.constant 0 : i32
      %dma_start3A_173 = tpu.memref_slice %arg8[%add3A_143, %dma_start3A_172] : memref<80x128xi32, #tpu.memory_space<vmem>> -> memref<1x128xi32, #tpu.memory_space<vmem>>
      %dma_start3A_174 = tpu.memref_squeeze %dma_start3A_173 : memref<1x128xi32, #tpu.memory_space<vmem>> -> memref<128xi32, #tpu.memory_space<vmem>>
      %dma_start3A_175 = arith.constant 0 : i32
      %dma_start3A_176 = arith.constant 0 : i32
      %dma_start3A_177 = tpu.memref_slice %arg10[%dma_start3A_175, %dma_start3A_176] : memref<5248x128xf32, #tpu.memory_space<vmem_shared>> -> memref<5248x128xf32, #tpu.memory_space<vmem_shared>>
      tpu.enqueue_indirect_dma source(%dma_start3A_171 : memref<128x128xf32, #tpu.memory_space<vmem>>) target(%dma_start3A_177 : memref<5248x128xf32, #tpu.memory_space<vmem_shared>>) offsets(%dma_start3A_174 : memref<128xi32, #tpu.memory_space<vmem>>) semaphore(%arg16 : memref<!tpu.dma_semaphore, #tpu.memory_space<semaphore_mem>>) {add = true}
      %mul3A_178 = arith.constant 4 : i32
      %mul3A_179 = arith.muli %scan3A_105, %mul3A_178 : i32
      %add3A_180 = arith.constant 2 : i32
      %add3A_181 = arith.addi %mul3A_179, %add3A_180 : i32
      %dma_wait3A_182 = arith.constant 2 : i32
      %dma_wait3A_183 = arith.constant 0 : i32
      %dma_wait3A_184 = arith.constant 0 : i32
      %dma_wait3A_185 = tpu.memref_slice %arg9[%dma_wait3A_182, %dma_wait3A_183, %dma_wait3A_184] : memref<4x128x128xf32, #tpu.memory_space<vmem>> -> memref<1x128x128xf32, #tpu.memory_space<vmem>>
      %dma_wait3A_186 = tpu.memref_squeeze %dma_wait3A_185 : memref<1x128x128xf32, #tpu.memory_space<vmem>> -> memref<128x128xf32, #tpu.memory_space<vmem>>
      %dma_wait3A_187 = arith.constant 0 : i32
      %dma_wait3A_188 = tpu.memref_slice %arg7[%add3A_181, %dma_wait3A_187] : memref<80x128xi32, #tpu.memory_space<vmem>> -> memref<1x128xi32, #tpu.memory_space<vmem>>
      %dma_wait3A_189 = tpu.memref_squeeze %dma_wait3A_188 : memref<1x128xi32, #tpu.memory_space<vmem>> -> memref<128xi32, #tpu.memory_space<vmem>>
      %dma_wait3A_190 = arith.constant 0 : i32
      %dma_wait3A_191 = arith.constant 0 : i32
      %dma_wait3A_192 = tpu.memref_slice %arg2[%dma_wait3A_190, %dma_wait3A_191] : memref<20000x128xf32, #tpu.memory_space<hbm>> -> memref<20000x128xf32, #tpu.memory_space<hbm>>
      tpu.wait_indirect_dma semaphore(%arg13 : memref<!tpu.dma_semaphore, #tpu.memory_space<semaphore_mem>>) src(%dma_wait3A_192 : memref<20000x128xf32, #tpu.memory_space<hbm>>) dst(%dma_wait3A_186 : memref<128x128xf32, #tpu.memory_space<vmem>>)
      %add3A_193 = arith.constant 2 : i32
      %add3A_194 = arith.addi %add3A_181, %add3A_193 : i32
      %lt3A_195 = arith.constant 80 : i32
      %lt3A_196 = arith.cmpi slt, %add3A_194, %lt3A_195 : i32
      %convert_element_type3A_197 = arith.extui %lt3A_196 : i1 to i32
      %cond3A_198 = arith.constant 0 : i32
      %cond3A_199 = arith.cmpi ne, %convert_element_type3A_197, %cond3A_198 : i32
      scf.if %cond3A_199 {
        %add3A_254 = arith.constant 2 : i32
        %add3A_255 = arith.addi %add3A_181, %add3A_254 : i32
        %dma_start3A_256 = arith.constant 0 : i32
        %dma_start3A_257 = arith.constant 0 : i32
        %dma_start3A_258 = arith.constant 0 : i32
        %dma_start3A_259 = tpu.memref_slice %arg9[%dma_start3A_256, %dma_start3A_257, %dma_start3A_258] : memref<4x128x128xf32, #tpu.memory_space<vmem>> -> memref<1x128x128xf32, #tpu.memory_space<vmem>>
        %dma_start3A_260 = tpu.memref_squeeze %dma_start3A_259 : memref<1x128x128xf32, #tpu.memory_space<vmem>> -> memref<128x128xf32, #tpu.memory_space<vmem>>
        %dma_start3A_261 = arith.constant 0 : i32
        %dma_start3A_262 = tpu.memref_slice %arg7[%add3A_255, %dma_start3A_261] : memref<80x128xi32, #tpu.memory_space<vmem>> -> memref<1x128xi32, #tpu.memory_space<vmem>>
        %dma_start3A_263 = tpu.memref_squeeze %dma_start3A_262 : memref<1x128xi32, #tpu.memory_space<vmem>> -> memref<128xi32, #tpu.memory_space<vmem>>
        %dma_start3A_264 = arith.constant 0 : i32
        %dma_start3A_265 = arith.constant 0 : i32
        %dma_start3A_266 = tpu.memref_slice %arg2[%dma_start3A_264, %dma_start3A_265] : memref<20000x128xf32, #tpu.memory_space<hbm>> -> memref<20000x128xf32, #tpu.memory_space<hbm>>
        %dma_start3A_267 = arith.constant -1 : i32
        tpu.enqueue_indirect_dma source(%dma_start3A_266 : memref<20000x128xf32, #tpu.memory_space<hbm>>) target(%dma_start3A_260 : memref<128x128xf32, #tpu.memory_space<vmem>>) offsets(%dma_start3A_263 : memref<128xi32, #tpu.memory_space<vmem>>) offset_filter(%dma_start3A_267) semaphore(%arg11 : memref<!tpu.dma_semaphore, #tpu.memory_space<semaphore_mem>>)
      } else {
      }
      %ge3A_200 = arith.constant 1 : i32
      %ge3A_201 = arith.cmpi sge, %add3A_181, %ge3A_200 : i32
      %convert_element_type3A_202 = arith.extui %ge3A_201 : i1 to i32
      %cond3A_203 = arith.constant 0 : i32
      %cond3A_204 = arith.cmpi ne, %convert_element_type3A_202, %cond3A_203 : i32
      scf.if %cond3A_204 {
        %sub3A = arith.constant 1 : i32
        %sub3A_254 = arith.subi %add3A_181, %sub3A : i32
        %dma_wait3A_255 = arith.constant 1 : i32
        %dma_wait3A_256 = arith.constant 0 : i32
        %dma_wait3A_257 = arith.constant 0 : i32
        %dma_wait3A_258 = tpu.memref_slice %arg9[%dma_wait3A_255, %dma_wait3A_256, %dma_wait3A_257] : memref<4x128x128xf32, #tpu.memory_space<vmem>> -> memref<1x128x128xf32, #tpu.memory_space<vmem>>
        %dma_wait3A_259 = tpu.memref_squeeze %dma_wait3A_258 : memref<1x128x128xf32, #tpu.memory_space<vmem>> -> memref<128x128xf32, #tpu.memory_space<vmem>>
        %dma_wait3A_260 = arith.constant 0 : i32
        %dma_wait3A_261 = tpu.memref_slice %arg8[%sub3A_254, %dma_wait3A_260] : memref<80x128xi32, #tpu.memory_space<vmem>> -> memref<1x128xi32, #tpu.memory_space<vmem>>
        %dma_wait3A_262 = tpu.memref_squeeze %dma_wait3A_261 : memref<1x128xi32, #tpu.memory_space<vmem>> -> memref<128xi32, #tpu.memory_space<vmem>>
        %dma_wait3A_263 = arith.constant 0 : i32
        %dma_wait3A_264 = arith.constant 0 : i32
        %dma_wait3A_265 = tpu.memref_slice %arg10[%dma_wait3A_263, %dma_wait3A_264] : memref<5248x128xf32, #tpu.memory_space<vmem_shared>> -> memref<5248x128xf32, #tpu.memory_space<vmem_shared>>
        tpu.wait_indirect_dma semaphore(%arg16 : memref<!tpu.dma_semaphore, #tpu.memory_space<semaphore_mem>>) src(%dma_wait3A_259 : memref<128x128xf32, #tpu.memory_space<vmem>>) dst(%dma_wait3A_265 : memref<5248x128xf32, #tpu.memory_space<vmem_shared>>)
      } else {
      }
      %dma_start3A_205 = arith.constant 2 : i32
      %dma_start3A_206 = arith.constant 0 : i32
      %dma_start3A_207 = arith.constant 0 : i32
      %dma_start3A_208 = tpu.memref_slice %arg9[%dma_start3A_205, %dma_start3A_206, %dma_start3A_207] : memref<4x128x128xf32, #tpu.memory_space<vmem>> -> memref<1x128x128xf32, #tpu.memory_space<vmem>>
      %dma_start3A_209 = tpu.memref_squeeze %dma_start3A_208 : memref<1x128x128xf32, #tpu.memory_space<vmem>> -> memref<128x128xf32, #tpu.memory_space<vmem>>
      %dma_start3A_210 = arith.constant 0 : i32
      %dma_start3A_211 = tpu.memref_slice %arg8[%add3A_181, %dma_start3A_210] : memref<80x128xi32, #tpu.memory_space<vmem>> -> memref<1x128xi32, #tpu.memory_space<vmem>>
      %dma_start3A_212 = tpu.memref_squeeze %dma_start3A_211 : memref<1x128xi32, #tpu.memory_space<vmem>> -> memref<128xi32, #tpu.memory_space<vmem>>
      %dma_start3A_213 = arith.constant 0 : i32
      %dma_start3A_214 = arith.constant 0 : i32
      %dma_start3A_215 = tpu.memref_slice %arg10[%dma_start3A_213, %dma_start3A_214] : memref<5248x128xf32, #tpu.memory_space<vmem_shared>> -> memref<5248x128xf32, #tpu.memory_space<vmem_shared>>
      tpu.enqueue_indirect_dma source(%dma_start3A_209 : memref<128x128xf32, #tpu.memory_space<vmem>>) target(%dma_start3A_215 : memref<5248x128xf32, #tpu.memory_space<vmem_shared>>) offsets(%dma_start3A_212 : memref<128xi32, #tpu.memory_space<vmem>>) semaphore(%arg17 : memref<!tpu.dma_semaphore, #tpu.memory_space<semaphore_mem>>) {add = true}
      %mul3A_216 = arith.constant 4 : i32
      %mul3A_217 = arith.muli %scan3A_105, %mul3A_216 : i32
      %add3A_218 = arith.constant 3 : i32
      %add3A_219 = arith.addi %mul3A_217, %add3A_218 : i32
      %dma_wait3A_220 = arith.constant 3 : i32
      %dma_wait3A_221 = arith.constant 0 : i32
      %dma_wait3A_222 = arith.constant 0 : i32
      %dma_wait3A_223 = tpu.memref_slice %arg9[%dma_wait3A_220, %dma_wait3A_221, %dma_wait3A_222] : memref<4x128x128xf32, #tpu.memory_space<vmem>> -> memref<1x128x128xf32, #tpu.memory_space<vmem>>
      %dma_wait3A_224 = tpu.memref_squeeze %dma_wait3A_223 : memref<1x128x128xf32, #tpu.memory_space<vmem>> -> memref<128x128xf32, #tpu.memory_space<vmem>>
      %dma_wait3A_225 = arith.constant 0 : i32
      %dma_wait3A_226 = tpu.memref_slice %arg7[%add3A_219, %dma_wait3A_225] : memref<80x128xi32, #tpu.memory_space<vmem>> -> memref<1x128xi32, #tpu.memory_space<vmem>>
      %dma_wait3A_227 = tpu.memref_squeeze %dma_wait3A_226 : memref<1x128xi32, #tpu.memory_space<vmem>> -> memref<128xi32, #tpu.memory_space<vmem>>
      %dma_wait3A_228 = arith.constant 0 : i32
      %dma_wait3A_229 = arith.constant 0 : i32
      %dma_wait3A_230 = tpu.memref_slice %arg2[%dma_wait3A_228, %dma_wait3A_229] : memref<20000x128xf32, #tpu.memory_space<hbm>> -> memref<20000x128xf32, #tpu.memory_space<hbm>>
      tpu.wait_indirect_dma semaphore(%arg14 : memref<!tpu.dma_semaphore, #tpu.memory_space<semaphore_mem>>) src(%dma_wait3A_230 : memref<20000x128xf32, #tpu.memory_space<hbm>>) dst(%dma_wait3A_224 : memref<128x128xf32, #tpu.memory_space<vmem>>)
      %add3A_231 = arith.constant 2 : i32
      %add3A_232 = arith.addi %add3A_219, %add3A_231 : i32
      %lt3A_233 = arith.constant 80 : i32
      %lt3A_234 = arith.cmpi slt, %add3A_232, %lt3A_233 : i32
      %convert_element_type3A_235 = arith.extui %lt3A_234 : i1 to i32
      %cond3A_236 = arith.constant 0 : i32
      %cond3A_237 = arith.cmpi ne, %convert_element_type3A_235, %cond3A_236 : i32
      scf.if %cond3A_237 {
        %add3A_254 = arith.constant 2 : i32
        %add3A_255 = arith.addi %add3A_219, %add3A_254 : i32
        %dma_start3A_256 = arith.constant 1 : i32
        %dma_start3A_257 = arith.constant 0 : i32
        %dma_start3A_258 = arith.constant 0 : i32
        %dma_start3A_259 = tpu.memref_slice %arg9[%dma_start3A_256, %dma_start3A_257, %dma_start3A_258] : memref<4x128x128xf32, #tpu.memory_space<vmem>> -> memref<1x128x128xf32, #tpu.memory_space<vmem>>
        %dma_start3A_260 = tpu.memref_squeeze %dma_start3A_259 : memref<1x128x128xf32, #tpu.memory_space<vmem>> -> memref<128x128xf32, #tpu.memory_space<vmem>>
        %dma_start3A_261 = arith.constant 0 : i32
        %dma_start3A_262 = tpu.memref_slice %arg7[%add3A_255, %dma_start3A_261] : memref<80x128xi32, #tpu.memory_space<vmem>> -> memref<1x128xi32, #tpu.memory_space<vmem>>
        %dma_start3A_263 = tpu.memref_squeeze %dma_start3A_262 : memref<1x128xi32, #tpu.memory_space<vmem>> -> memref<128xi32, #tpu.memory_space<vmem>>
        %dma_start3A_264 = arith.constant 0 : i32
        %dma_start3A_265 = arith.constant 0 : i32
        %dma_start3A_266 = tpu.memref_slice %arg2[%dma_start3A_264, %dma_start3A_265] : memref<20000x128xf32, #tpu.memory_space<hbm>> -> memref<20000x128xf32, #tpu.memory_space<hbm>>
        %dma_start3A_267 = arith.constant -1 : i32
        tpu.enqueue_indirect_dma source(%dma_start3A_266 : memref<20000x128xf32, #tpu.memory_space<hbm>>) target(%dma_start3A_260 : memref<128x128xf32, #tpu.memory_space<vmem>>) offsets(%dma_start3A_263 : memref<128xi32, #tpu.memory_space<vmem>>) offset_filter(%dma_start3A_267) semaphore(%arg12 : memref<!tpu.dma_semaphore, #tpu.memory_space<semaphore_mem>>)
      } else {
      }
      %ge3A_238 = arith.constant 1 : i32
      %ge3A_239 = arith.cmpi sge, %add3A_219, %ge3A_238 : i32
      %convert_element_type3A_240 = arith.extui %ge3A_239 : i1 to i32
      %cond3A_241 = arith.constant 0 : i32
      %cond3A_242 = arith.cmpi ne, %convert_element_type3A_240, %cond3A_241 : i32
      scf.if %cond3A_242 {
        %sub3A = arith.constant 1 : i32
        %sub3A_254 = arith.subi %add3A_219, %sub3A : i32
        %dma_wait3A_255 = arith.constant 2 : i32
        %dma_wait3A_256 = arith.constant 0 : i32
        %dma_wait3A_257 = arith.constant 0 : i32
        %dma_wait3A_258 = tpu.memref_slice %arg9[%dma_wait3A_255, %dma_wait3A_256, %dma_wait3A_257] : memref<4x128x128xf32, #tpu.memory_space<vmem>> -> memref<1x128x128xf32, #tpu.memory_space<vmem>>
        %dma_wait3A_259 = tpu.memref_squeeze %dma_wait3A_258 : memref<1x128x128xf32, #tpu.memory_space<vmem>> -> memref<128x128xf32, #tpu.memory_space<vmem>>
        %dma_wait3A_260 = arith.constant 0 : i32
        %dma_wait3A_261 = tpu.memref_slice %arg8[%sub3A_254, %dma_wait3A_260] : memref<80x128xi32, #tpu.memory_space<vmem>> -> memref<1x128xi32, #tpu.memory_space<vmem>>
        %dma_wait3A_262 = tpu.memref_squeeze %dma_wait3A_261 : memref<1x128xi32, #tpu.memory_space<vmem>> -> memref<128xi32, #tpu.memory_space<vmem>>
        %dma_wait3A_263 = arith.constant 0 : i32
        %dma_wait3A_264 = arith.constant 0 : i32
        %dma_wait3A_265 = tpu.memref_slice %arg10[%dma_wait3A_263, %dma_wait3A_264] : memref<5248x128xf32, #tpu.memory_space<vmem_shared>> -> memref<5248x128xf32, #tpu.memory_space<vmem_shared>>
        tpu.wait_indirect_dma semaphore(%arg17 : memref<!tpu.dma_semaphore, #tpu.memory_space<semaphore_mem>>) src(%dma_wait3A_259 : memref<128x128xf32, #tpu.memory_space<vmem>>) dst(%dma_wait3A_265 : memref<5248x128xf32, #tpu.memory_space<vmem_shared>>)
      } else {
      }
      %dma_start3A_243 = arith.constant 3 : i32
      %dma_start3A_244 = arith.constant 0 : i32
      %dma_start3A_245 = arith.constant 0 : i32
      %dma_start3A_246 = tpu.memref_slice %arg9[%dma_start3A_243, %dma_start3A_244, %dma_start3A_245] : memref<4x128x128xf32, #tpu.memory_space<vmem>> -> memref<1x128x128xf32, #tpu.memory_space<vmem>>
      %dma_start3A_247 = tpu.memref_squeeze %dma_start3A_246 : memref<1x128x128xf32, #tpu.memory_space<vmem>> -> memref<128x128xf32, #tpu.memory_space<vmem>>
      %dma_start3A_248 = arith.constant 0 : i32
      %dma_start3A_249 = tpu.memref_slice %arg8[%add3A_219, %dma_start3A_248] : memref<80x128xi32, #tpu.memory_space<vmem>> -> memref<1x128xi32, #tpu.memory_space<vmem>>
      %dma_start3A_250 = tpu.memref_squeeze %dma_start3A_249 : memref<1x128xi32, #tpu.memory_space<vmem>> -> memref<128xi32, #tpu.memory_space<vmem>>
      %dma_start3A_251 = arith.constant 0 : i32
      %dma_start3A_252 = arith.constant 0 : i32
      %dma_start3A_253 = tpu.memref_slice %arg10[%dma_start3A_251, %dma_start3A_252] : memref<5248x128xf32, #tpu.memory_space<vmem_shared>> -> memref<5248x128xf32, #tpu.memory_space<vmem_shared>>
      tpu.enqueue_indirect_dma source(%dma_start3A_247 : memref<128x128xf32, #tpu.memory_space<vmem>>) target(%dma_start3A_253 : memref<5248x128xf32, #tpu.memory_space<vmem_shared>>) offsets(%dma_start3A_250 : memref<128xi32, #tpu.memory_space<vmem>>) semaphore(%arg18 : memref<!tpu.dma_semaphore, #tpu.memory_space<semaphore_mem>>) {add = true}
    }
    %scan3A_31 = arith.constant 20 : i32
    %dma_wait3A = arith.constant 3 : i32
    %dma_wait3A_32 = arith.constant 79 : i32
    %dma_wait3A_33 = arith.constant 0 : i32
    %dma_wait3A_34 = arith.constant 0 : i32
    %dma_wait3A_35 = tpu.memref_slice %arg9[%dma_wait3A, %dma_wait3A_33, %dma_wait3A_34] : memref<4x128x128xf32, #tpu.memory_space<vmem>> -> memref<1x128x128xf32, #tpu.memory_space<vmem>>
    %dma_wait3A_36 = tpu.memref_squeeze %dma_wait3A_35 : memref<1x128x128xf32, #tpu.memory_space<vmem>> -> memref<128x128xf32, #tpu.memory_space<vmem>>
    %dma_wait3A_37 = arith.constant 0 : i32
    %dma_wait3A_38 = tpu.memref_slice %arg8[%dma_wait3A_32, %dma_wait3A_37] : memref<80x128xi32, #tpu.memory_space<vmem>> -> memref<1x128xi32, #tpu.memory_space<vmem>>
    %dma_wait3A_39 = tpu.memref_squeeze %dma_wait3A_38 : memref<1x128xi32, #tpu.memory_space<vmem>> -> memref<128xi32, #tpu.memory_space<vmem>>
    %dma_wait3A_40 = arith.constant 0 : i32
    %dma_wait3A_41 = arith.constant 0 : i32
    %dma_wait3A_42 = tpu.memref_slice %arg10[%dma_wait3A_40, %dma_wait3A_41] : memref<5248x128xf32, #tpu.memory_space<vmem_shared>> -> memref<5248x128xf32, #tpu.memory_space<vmem_shared>>
    tpu.wait_indirect_dma semaphore(%arg18 : memref<!tpu.dma_semaphore, #tpu.memory_space<semaphore_mem>>) src(%dma_wait3A_36 : memref<128x128xf32, #tpu.memory_space<vmem>>) dst(%dma_wait3A_42 : memref<5248x128xf32, #tpu.memory_space<vmem_shared>>)
    %barrier3A_43 = arith.constant 0 : index
    tpu.barrier barrier_id(%barrier3A_43)
    %mul3A_44 = arith.constant 320 : i32
    %mul3A_45 = arith.muli %arg1, %mul3A_44 : i32
    %mul3A_46 = arith.constant 320 : i32
    %mul3A_47 = arith.muli %arg1, %mul3A_46 : i32
    %add3A = arith.constant 0 : i32
    %add3A_48 = arith.addi %add3A, %mul3A_47 : i32
    "tpu.region"() ({
      %run_scoped3A_105 = tpu.sem_alloc : memref<!tpu.dma_semaphore, #tpu.memory_space<semaphore_mem>>
      %dma_start3A_106 = arith.constant 0 : i32
      %dma_start3A_107 = tpu.memref_slice %arg6[%arg0, %add3A_48, %dma_start3A_106] : memref<2x10240x128xf32, #tpu.memory_space<hbm>> -> memref<1x320x128xf32, #tpu.memory_space<hbm>>
      %dma_start3A_108 = tpu.memref_squeeze %dma_start3A_107 : memref<1x320x128xf32, #tpu.memory_space<hbm>> -> memref<320x128xf32, #tpu.memory_space<hbm>>
      %dma_start3A_109 = arith.constant 0 : i32
      %dma_start3A_110 = tpu.memref_slice %arg10[%mul3A_45, %dma_start3A_109] : memref<5248x128xf32, #tpu.memory_space<vmem_shared>> -> memref<320x128xf32, #tpu.memory_space<vmem_shared>>
      tpu.enqueue_dma source(%dma_start3A_110 : memref<320x128xf32, #tpu.memory_space<vmem_shared>>) target(%dma_start3A_108 : memref<320x128xf32, #tpu.memory_space<hbm>>) target_semaphore(%run_scoped3A_105 : memref<!tpu.dma_semaphore, #tpu.memory_space<semaphore_mem>>)
      %dma_wait3A_111 = arith.constant 0 : i32
      %dma_wait3A_112 = tpu.memref_slice %arg6[%arg0, %add3A_48, %dma_wait3A_111] : memref<2x10240x128xf32, #tpu.memory_space<hbm>> -> memref<1x320x128xf32, #tpu.memory_space<hbm>>
      %dma_wait3A_113 = tpu.memref_squeeze %dma_wait3A_112 : memref<1x320x128xf32, #tpu.memory_space<hbm>> -> memref<320x128xf32, #tpu.memory_space<hbm>>
      %dma_wait3A_114 = arith.constant 0 : i32
      %dma_wait3A_115 = tpu.memref_slice %arg10[%mul3A_45, %dma_wait3A_114] : memref<5248x128xf32, #tpu.memory_space<vmem_shared>> -> memref<320x128xf32, #tpu.memory_space<vmem_shared>>
      tpu.wait_dma2 semaphore(%run_scoped3A_105 : memref<!tpu.dma_semaphore, #tpu.memory_space<semaphore_mem>>) src(%dma_wait3A_115 : memref<320x128xf32, #tpu.memory_space<vmem_shared>>) dst(%dma_wait3A_113 : memref<320x128xf32, #tpu.memory_space<hbm>>)
      tpu.yield
    }) : () -> ()
    %run_scoped3A_49 = arith.constant 1 : i32
    "tpu.region"() ({
      %run_scoped3A_105 = tpu.sem_alloc : memref<!tpu.dma_semaphore, #tpu.memory_space<semaphore_mem>>
      %dma_start3A_106 = arith.constant 0 : i32
      %dma_start3A_107 = arith.constant 0 : i32
      %dma_start3A_108 = tpu.memref_slice %arg3[%run_scoped3A_49, %arg0, %arg1, %dma_start3A_106, %dma_start3A_107] : memref<2x2x16x80x128xi32, #tpu.memory_space<hbm>> -> memref<1x1x1x80x128xi32, #tpu.memory_space<hbm>>
      %dma_start3A_109 = tpu.memref_squeeze %dma_start3A_108 : memref<1x1x1x80x128xi32, #tpu.memory_space<hbm>> -> memref<80x128xi32, #tpu.memory_space<hbm>>
      %dma_start3A_110 = arith.constant 0 : i32
      %dma_start3A_111 = arith.constant 0 : i32
      %dma_start3A_112 = tpu.memref_slice %arg3[%run_scoped3A_49, %arg0, %arg1, %dma_start3A_110, %dma_start3A_111] : memref<2x2x16x80x128xi32, #tpu.memory_space<hbm>> -> memref<1x1x1x80x128xi32, #tpu.memory_space<hbm>>
      %dma_start3A_113 = tpu.memref_squeeze %dma_start3A_112 : memref<1x1x1x80x128xi32, #tpu.memory_space<hbm>> -> memref<80x128xi32, #tpu.memory_space<hbm>>
      tpu.enqueue_dma source(%dma_start3A_113 : memref<80x128xi32, #tpu.memory_space<hbm>>) target(%arg7 : memref<80x128xi32, #tpu.memory_space<vmem>>) target_semaphore(%run_scoped3A_105 : memref<!tpu.dma_semaphore, #tpu.memory_space<semaphore_mem>>)
      %dma_wait3A_114 = arith.constant 0 : i32
      %dma_wait3A_115 = arith.constant 0 : i32
      %dma_wait3A_116 = tpu.memref_slice %arg3[%run_scoped3A_49, %arg0, %arg1, %dma_wait3A_114, %dma_wait3A_115] : memref<2x2x16x80x128xi32, #tpu.memory_space<hbm>> -> memref<1x1x1x80x128xi32, #tpu.memory_space<hbm>>
      %dma_wait3A_117 = tpu.memref_squeeze %dma_wait3A_116 : memref<1x1x1x80x128xi32, #tpu.memory_space<hbm>> -> memref<80x128xi32, #tpu.memory_space<hbm>>
      %dma_wait3A_118 = arith.constant 0 : i32
      %dma_wait3A_119 = arith.constant 0 : i32
      %dma_wait3A_120 = tpu.memref_slice %arg3[%run_scoped3A_49, %arg0, %arg1, %dma_wait3A_118, %dma_wait3A_119] : memref<2x2x16x80x128xi32, #tpu.memory_space<hbm>> -> memref<1x1x1x80x128xi32, #tpu.memory_space<hbm>>
      %dma_wait3A_121 = tpu.memref_squeeze %dma_wait3A_120 : memref<1x1x1x80x128xi32, #tpu.memory_space<hbm>> -> memref<80x128xi32, #tpu.memory_space<hbm>>
      tpu.wait_dma2 semaphore(%run_scoped3A_105 : memref<!tpu.dma_semaphore, #tpu.memory_space<semaphore_mem>>) src(%dma_wait3A_121 : memref<80x128xi32, #tpu.memory_space<hbm>>) dst(%arg7 : memref<80x128xi32, #tpu.memory_space<vmem>>)
      tpu.yield
    }) : () -> ()
    %run_scoped3A_50 = arith.constant 1 : i32
    "tpu.region"() ({
      %run_scoped3A_105 = tpu.sem_alloc : memref<!tpu.dma_semaphore, #tpu.memory_space<semaphore_mem>>
      %dma_start3A_106 = arith.constant 0 : i32
      %dma_start3A_107 = arith.constant 0 : i32
      %dma_start3A_108 = tpu.memref_slice %arg4[%run_scoped3A_50, %arg1, %dma_start3A_106, %dma_start3A_107] : memref<2x16x80x128xi32, #tpu.memory_space<hbm>> -> memref<1x1x80x128xi32, #tpu.memory_space<hbm>>
      %dma_start3A_109 = tpu.memref_squeeze %dma_start3A_108 : memref<1x1x80x128xi32, #tpu.memory_space<hbm>> -> memref<80x128xi32, #tpu.memory_space<hbm>>
      %dma_start3A_110 = arith.constant 0 : i32
      %dma_start3A_111 = arith.constant 0 : i32
      %dma_start3A_112 = tpu.memref_slice %arg4[%run_scoped3A_50, %arg1, %dma_start3A_110, %dma_start3A_111] : memref<2x16x80x128xi32, #tpu.memory_space<hbm>> -> memref<1x1x80x128xi32, #tpu.memory_space<hbm>>
      %dma_start3A_113 = tpu.memref_squeeze %dma_start3A_112 : memref<1x1x80x128xi32, #tpu.memory_space<hbm>> -> memref<80x128xi32, #tpu.memory_space<hbm>>
      tpu.enqueue_dma source(%dma_start3A_113 : memref<80x128xi32, #tpu.memory_space<hbm>>) target(%arg8 : memref<80x128xi32, #tpu.memory_space<vmem>>) target_semaphore(%run_scoped3A_105 : memref<!tpu.dma_semaphore, #tpu.memory_space<semaphore_mem>>)
      %dma_wait3A_114 = arith.constant 0 : i32
      %dma_wait3A_115 = arith.constant 0 : i32
      %dma_wait3A_116 = tpu.memref_slice %arg4[%run_scoped3A_50, %arg1, %dma_wait3A_114, %dma_wait3A_115] : memref<2x16x80x128xi32, #tpu.memory_space<hbm>> -> memref<1x1x80x128xi32, #tpu.memory_space<hbm>>
      %dma_wait3A_117 = tpu.memref_squeeze %dma_wait3A_116 : memref<1x1x80x128xi32, #tpu.memory_space<hbm>> -> memref<80x128xi32, #tpu.memory_space<hbm>>
      %dma_wait3A_118 = arith.constant 0 : i32
      %dma_wait3A_119 = arith.constant 0 : i32
      %dma_wait3A_120 = tpu.memref_slice %arg4[%run_scoped3A_50, %arg1, %dma_wait3A_118, %dma_wait3A_119] : memref<2x16x80x128xi32, #tpu.memory_space<hbm>> -> memref<1x1x80x128xi32, #tpu.memory_space<hbm>>
      %dma_wait3A_121 = tpu.memref_squeeze %dma_wait3A_120 : memref<1x1x80x128xi32, #tpu.memory_space<hbm>> -> memref<80x128xi32, #tpu.memory_space<hbm>>
      tpu.wait_dma2 semaphore(%run_scoped3A_105 : memref<!tpu.dma_semaphore, #tpu.memory_space<semaphore_mem>>) src(%dma_wait3A_121 : memref<80x128xi32, #tpu.memory_space<hbm>>) dst(%arg8 : memref<80x128xi32, #tpu.memory_space<vmem>>)
      tpu.yield
    }) : () -> ()
    %mul3A_51 = arith.constant 328 : i32
    %mul3A_52 = arith.muli %arg1, %mul3A_51 : i32
    "tpu.region"() ({
      %run_scoped3A_105 = tpu.sem_alloc : memref<!tpu.dma_semaphore, #tpu.memory_space<semaphore_mem>>
      %dma_start3A_106 = arith.constant 0 : i32
      %dma_start3A_107 = tpu.memref_slice %arg10[%mul3A_52, %dma_start3A_106] : memref<5248x128xf32, #tpu.memory_space<vmem_shared>> -> memref<328x128xf32, #tpu.memory_space<vmem_shared>>
      tpu.enqueue_dma source(%arg5 : memref<328x128xf32, #tpu.memory_space<hbm>>) target(%dma_start3A_107 : memref<328x128xf32, #tpu.memory_space<vmem_shared>>) target_semaphore(%run_scoped3A_105 : memref<!tpu.dma_semaphore, #tpu.memory_space<semaphore_mem>>)
      %dma_wait3A_108 = arith.constant 0 : i32
      %dma_wait3A_109 = tpu.memref_slice %arg10[%mul3A_52, %dma_wait3A_108] : memref<5248x128xf32, #tpu.memory_space<vmem_shared>> -> memref<328x128xf32, #tpu.memory_space<vmem_shared>>
      tpu.wait_dma2 semaphore(%run_scoped3A_105 : memref<!tpu.dma_semaphore, #tpu.memory_space<semaphore_mem>>) src(%arg5 : memref<328x128xf32, #tpu.memory_space<hbm>>) dst(%dma_wait3A_109 : memref<328x128xf32, #tpu.memory_space<vmem_shared>>)
      tpu.yield
    }) : () -> ()
    %barrier3A_53 = arith.constant 0 : index
    tpu.barrier barrier_id(%barrier3A_53)
    %dma_start3A_54 = arith.constant 0 : i32
    %dma_start3A_55 = arith.constant 0 : i32
    %dma_start3A_56 = arith.constant 0 : i32
    %dma_start3A_57 = arith.constant 0 : i32
    %dma_start3A_58 = tpu.memref_slice %arg9[%dma_start3A_55, %dma_start3A_56, %dma_start3A_57] : memref<4x128x128xf32, #tpu.memory_space<vmem>> -> memref<1x128x128xf32, #tpu.memory_space<vmem>>
    %dma_start3A_59 = tpu.memref_squeeze %dma_start3A_58 : memref<1x128x128xf32, #tpu.memory_space<vmem>> -> memref<128x128xf32, #tpu.memory_space<vmem>>
    %dma_start3A_60 = arith.constant 0 : i32
    %dma_start3A_61 = tpu.memref_slice %arg7[%dma_start3A_54, %dma_start3A_60] : memref<80x128xi32, #tpu.memory_space<vmem>> -> memref<1x128xi32, #tpu.memory_space<vmem>>
    %dma_start3A_62 = tpu.memref_squeeze %dma_start3A_61 : memref<1x128xi32, #tpu.memory_space<vmem>> -> memref<128xi32, #tpu.memory_space<vmem>>
    %dma_start3A_63 = arith.constant 0 : i32
    %dma_start3A_64 = arith.constant 0 : i32
    %dma_start3A_65 = tpu.memref_slice %arg2[%dma_start3A_63, %dma_start3A_64] : memref<20000x128xf32, #tpu.memory_space<hbm>> -> memref<20000x128xf32, #tpu.memory_space<hbm>>
    %dma_start3A_66 = arith.constant -1 : i32
    tpu.enqueue_indirect_dma source(%dma_start3A_65 : memref<20000x128xf32, #tpu.memory_space<hbm>>) target(%dma_start3A_59 : memref<128x128xf32, #tpu.memory_space<vmem>>) offsets(%dma_start3A_62 : memref<128xi32, #tpu.memory_space<vmem>>) offset_filter(%dma_start3A_66) semaphore(%arg11 : memref<!tpu.dma_semaphore, #tpu.memory_space<semaphore_mem>>)
    %dma_start3A_67 = arith.constant 1 : i32
    %dma_start3A_68 = arith.constant 1 : i32
    %dma_start3A_69 = arith.constant 0 : i32
    %dma_start3A_70 = arith.constant 0 : i32
    %dma_start3A_71 = tpu.memref_slice %arg9[%dma_start3A_68, %dma_start3A_69, %dma_start3A_70] : memref<4x128x128xf32, #tpu.memory_space<vmem>> -> memref<1x128x128xf32, #tpu.memory_space<vmem>>
    %dma_start3A_72 = tpu.memref_squeeze %dma_start3A_71 : memref<1x128x128xf32, #tpu.memory_space<vmem>> -> memref<128x128xf32, #tpu.memory_space<vmem>>
    %dma_start3A_73 = arith.constant 0 : i32
    %dma_start3A_74 = tpu.memref_slice %arg7[%dma_start3A_67, %dma_start3A_73] : memref<80x128xi32, #tpu.memory_space<vmem>> -> memref<1x128xi32, #tpu.memory_space<vmem>>
    %dma_start3A_75 = tpu.memref_squeeze %dma_start3A_74 : memref<1x128xi32, #tpu.memory_space<vmem>> -> memref<128xi32, #tpu.memory_space<vmem>>
    %dma_start3A_76 = arith.constant 0 : i32
    %dma_start3A_77 = arith.constant 0 : i32
    %dma_start3A_78 = tpu.memref_slice %arg2[%dma_start3A_76, %dma_start3A_77] : memref<20000x128xf32, #tpu.memory_space<hbm>> -> memref<20000x128xf32, #tpu.memory_space<hbm>>
    %dma_start3A_79 = arith.constant -1 : i32
    tpu.enqueue_indirect_dma source(%dma_start3A_78 : memref<20000x128xf32, #tpu.memory_space<hbm>>) target(%dma_start3A_72 : memref<128x128xf32, #tpu.memory_space<vmem>>) offsets(%dma_start3A_75 : memref<128xi32, #tpu.memory_space<vmem>>) offset_filter(%dma_start3A_79) semaphore(%arg12 : memref<!tpu.dma_semaphore, #tpu.memory_space<semaphore_mem>>)
    %scan3A_80 = arith.constant 0 : i32
    %scan3A_81 = arith.constant 0 : i32
    %scan3A_82 = arith.constant 20 : i32
    %scan3A_83 = arith.addi %scan3A_81, %scan3A_82 : i32
    %scan3A_84 = arith.constant 1 : i32
    scf.for %scan3A_105 = %scan3A_81 to %scan3A_83 step %scan3A_84  : i32 {
      %mul3A_106 = arith.constant 4 : i32
      %mul3A_107 = arith.muli %scan3A_105, %mul3A_106 : i32
      %add3A_108 = arith.constant 0 : i32
      %add3A_109 = arith.addi %mul3A_107, %add3A_108 : i32
      %dma_wait3A_110 = arith.constant 0 : i32
      %dma_wait3A_111 = arith.constant 0 : i32
      %dma_wait3A_112 = arith.constant 0 : i32
      %dma_wait3A_113 = tpu.memref_slice %arg9[%dma_wait3A_110, %dma_wait3A_111, %dma_wait3A_112] : memref<4x128x128xf32, #tpu.memory_space<vmem>> -> memref<1x128x128xf32, #tpu.memory_space<vmem>>
      %dma_wait3A_114 = tpu.memref_squeeze %dma_wait3A_113 : memref<1x128x128xf32, #tpu.memory_space<vmem>> -> memref<128x128xf32, #tpu.memory_space<vmem>>
      %dma_wait3A_115 = arith.constant 0 : i32
      %dma_wait3A_116 = tpu.memref_slice %arg7[%add3A_109, %dma_wait3A_115] : memref<80x128xi32, #tpu.memory_space<vmem>> -> memref<1x128xi32, #tpu.memory_space<vmem>>
      %dma_wait3A_117 = tpu.memref_squeeze %dma_wait3A_116 : memref<1x128xi32, #tpu.memory_space<vmem>> -> memref<128xi32, #tpu.memory_space<vmem>>
      %dma_wait3A_118 = arith.constant 0 : i32
      %dma_wait3A_119 = arith.constant 0 : i32
      %dma_wait3A_120 = tpu.memref_slice %arg2[%dma_wait3A_118, %dma_wait3A_119] : memref<20000x128xf32, #tpu.memory_space<hbm>> -> memref<20000x128xf32, #tpu.memory_space<hbm>>
      tpu.wait_indirect_dma semaphore(%arg11 : memref<!tpu.dma_semaphore, #tpu.memory_space<semaphore_mem>>) src(%dma_wait3A_120 : memref<20000x128xf32, #tpu.memory_space<hbm>>) dst(%dma_wait3A_114 : memref<128x128xf32, #tpu.memory_space<vmem>>)
      %add3A_121 = arith.constant 2 : i32
      %add3A_122 = arith.addi %add3A_109, %add3A_121 : i32
      %lt3A = arith.constant 80 : i32
      %lt3A_123 = arith.cmpi slt, %add3A_122, %lt3A : i32
      %convert_element_type3A = arith.extui %lt3A_123 : i1 to i32
      %cond3A = arith.constant 0 : i32
      %cond3A_124 = arith.cmpi ne, %convert_element_type3A, %cond3A : i32
      scf.if %cond3A_124 {
        %add3A_254 = arith.constant 2 : i32
        %add3A_255 = arith.addi %add3A_109, %add3A_254 : i32
        %dma_start3A_256 = arith.constant 2 : i32
        %dma_start3A_257 = arith.constant 0 : i32
        %dma_start3A_258 = arith.constant 0 : i32
        %dma_start3A_259 = tpu.memref_slice %arg9[%dma_start3A_256, %dma_start3A_257, %dma_start3A_258] : memref<4x128x128xf32, #tpu.memory_space<vmem>> -> memref<1x128x128xf32, #tpu.memory_space<vmem>>
        %dma_start3A_260 = tpu.memref_squeeze %dma_start3A_259 : memref<1x128x128xf32, #tpu.memory_space<vmem>> -> memref<128x128xf32, #tpu.memory_space<vmem>>
        %dma_start3A_261 = arith.constant 0 : i32
        %dma_start3A_262 = tpu.memref_slice %arg7[%add3A_255, %dma_start3A_261] : memref<80x128xi32, #tpu.memory_space<vmem>> -> memref<1x128xi32, #tpu.memory_space<vmem>>
        %dma_start3A_263 = tpu.memref_squeeze %dma_start3A_262 : memref<1x128xi32, #tpu.memory_space<vmem>> -> memref<128xi32, #tpu.memory_space<vmem>>
        %dma_start3A_264 = arith.constant 0 : i32
        %dma_start3A_265 = arith.constant 0 : i32
        %dma_start3A_266 = tpu.memref_slice %arg2[%dma_start3A_264, %dma_start3A_265] : memref<20000x128xf32, #tpu.memory_space<hbm>> -> memref<20000x128xf32, #tpu.memory_space<hbm>>
        %dma_start3A_267 = arith.constant -1 : i32
        tpu.enqueue_indirect_dma source(%dma_start3A_266 : memref<20000x128xf32, #tpu.memory_space<hbm>>) target(%dma_start3A_260 : memref<128x128xf32, #tpu.memory_space<vmem>>) offsets(%dma_start3A_263 : memref<128xi32, #tpu.memory_space<vmem>>) offset_filter(%dma_start3A_267) semaphore(%arg13 : memref<!tpu.dma_semaphore, #tpu.memory_space<semaphore_mem>>)
      } else {
      }
      %ge3A = arith.constant 1 : i32
      %ge3A_125 = arith.cmpi sge, %add3A_109, %ge3A : i32
      %convert_element_type3A_126 = arith.extui %ge3A_125 : i1 to i32
      %cond3A_127 = arith.constant 0 : i32
      %cond3A_128 = arith.cmpi ne, %convert_element_type3A_126, %cond3A_127 : i32
      scf.if %cond3A_128 {
        %sub3A = arith.constant 1 : i32
        %sub3A_254 = arith.subi %add3A_109, %sub3A : i32
        %dma_wait3A_255 = arith.constant 3 : i32
        %dma_wait3A_256 = arith.constant 0 : i32
        %dma_wait3A_257 = arith.constant 0 : i32
        %dma_wait3A_258 = tpu.memref_slice %arg9[%dma_wait3A_255, %dma_wait3A_256, %dma_wait3A_257] : memref<4x128x128xf32, #tpu.memory_space<vmem>> -> memref<1x128x128xf32, #tpu.memory_space<vmem>>
        %dma_wait3A_259 = tpu.memref_squeeze %dma_wait3A_258 : memref<1x128x128xf32, #tpu.memory_space<vmem>> -> memref<128x128xf32, #tpu.memory_space<vmem>>
        %dma_wait3A_260 = arith.constant 0 : i32
        %dma_wait3A_261 = tpu.memref_slice %arg8[%sub3A_254, %dma_wait3A_260] : memref<80x128xi32, #tpu.memory_space<vmem>> -> memref<1x128xi32, #tpu.memory_space<vmem>>
        %dma_wait3A_262 = tpu.memref_squeeze %dma_wait3A_261 : memref<1x128xi32, #tpu.memory_space<vmem>> -> memref<128xi32, #tpu.memory_space<vmem>>
        %dma_wait3A_263 = arith.constant 0 : i32
        %dma_wait3A_264 = arith.constant 0 : i32
        %dma_wait3A_265 = tpu.memref_slice %arg10[%dma_wait3A_263, %dma_wait3A_264] : memref<5248x128xf32, #tpu.memory_space<vmem_shared>> -> memref<5248x128xf32, #tpu.memory_space<vmem_shared>>
        tpu.wait_indirect_dma semaphore(%arg18 : memref<!tpu.dma_semaphore, #tpu.memory_space<semaphore_mem>>) src(%dma_wait3A_259 : memref<128x128xf32, #tpu.memory_space<vmem>>) dst(%dma_wait3A_265 : memref<5248x128xf32, #tpu.memory_space<vmem_shared>>)
      } else {
      }
      %dma_start3A_129 = arith.constant 0 : i32
      %dma_start3A_130 = arith.constant 0 : i32
      %dma_start3A_131 = arith.constant 0 : i32
      %dma_start3A_132 = tpu.memref_slice %arg9[%dma_start3A_129, %dma_start3A_130, %dma_start3A_131] : memref<4x128x128xf32, #tpu.memory_space<vmem>> -> memref<1x128x128xf32, #tpu.memory_space<vmem>>
      %dma_start3A_133 = tpu.memref_squeeze %dma_start3A_132 : memref<1x128x128xf32, #tpu.memory_space<vmem>> -> memref<128x128xf32, #tpu.memory_space<vmem>>
      %dma_start3A_134 = arith.constant 0 : i32
      %dma_start3A_135 = tpu.memref_slice %arg8[%add3A_109, %dma_start3A_134] : memref<80x128xi32, #tpu.memory_space<vmem>> -> memref<1x128xi32, #tpu.memory_space<vmem>>
      %dma_start3A_136 = tpu.memref_squeeze %dma_start3A_135 : memref<1x128xi32, #tpu.memory_space<vmem>> -> memref<128xi32, #tpu.memory_space<vmem>>
      %dma_start3A_137 = arith.constant 0 : i32
      %dma_start3A_138 = arith.constant 0 : i32
      %dma_start3A_139 = tpu.memref_slice %arg10[%dma_start3A_137, %dma_start3A_138] : memref<5248x128xf32, #tpu.memory_space<vmem_shared>> -> memref<5248x128xf32, #tpu.memory_space<vmem_shared>>
      tpu.enqueue_indirect_dma source(%dma_start3A_133 : memref<128x128xf32, #tpu.memory_space<vmem>>) target(%dma_start3A_139 : memref<5248x128xf32, #tpu.memory_space<vmem_shared>>) offsets(%dma_start3A_136 : memref<128xi32, #tpu.memory_space<vmem>>) semaphore(%arg15 : memref<!tpu.dma_semaphore, #tpu.memory_space<semaphore_mem>>) {add = true}
      %mul3A_140 = arith.constant 4 : i32
      %mul3A_141 = arith.muli %scan3A_105, %mul3A_140 : i32
      %add3A_142 = arith.constant 1 : i32
      %add3A_143 = arith.addi %mul3A_141, %add3A_142 : i32
      %dma_wait3A_144 = arith.constant 1 : i32
      %dma_wait3A_145 = arith.constant 0 : i32
      %dma_wait3A_146 = arith.constant 0 : i32
      %dma_wait3A_147 = tpu.memref_slice %arg9[%dma_wait3A_144, %dma_wait3A_145, %dma_wait3A_146] : memref<4x128x128xf32, #tpu.memory_space<vmem>> -> memref<1x128x128xf32, #tpu.memory_space<vmem>>
      %dma_wait3A_148 = tpu.memref_squeeze %dma_wait3A_147 : memref<1x128x128xf32, #tpu.memory_space<vmem>> -> memref<128x128xf32, #tpu.memory_space<vmem>>
      %dma_wait3A_149 = arith.constant 0 : i32
      %dma_wait3A_150 = tpu.memref_slice %arg7[%add3A_143, %dma_wait3A_149] : memref<80x128xi32, #tpu.memory_space<vmem>> -> memref<1x128xi32, #tpu.memory_space<vmem>>
      %dma_wait3A_151 = tpu.memref_squeeze %dma_wait3A_150 : memref<1x128xi32, #tpu.memory_space<vmem>> -> memref<128xi32, #tpu.memory_space<vmem>>
      %dma_wait3A_152 = arith.constant 0 : i32
      %dma_wait3A_153 = arith.constant 0 : i32
      %dma_wait3A_154 = tpu.memref_slice %arg2[%dma_wait3A_152, %dma_wait3A_153] : memref<20000x128xf32, #tpu.memory_space<hbm>> -> memref<20000x128xf32, #tpu.memory_space<hbm>>
      tpu.wait_indirect_dma semaphore(%arg12 : memref<!tpu.dma_semaphore, #tpu.memory_space<semaphore_mem>>) src(%dma_wait3A_154 : memref<20000x128xf32, #tpu.memory_space<hbm>>) dst(%dma_wait3A_148 : memref<128x128xf32, #tpu.memory_space<vmem>>)
      %add3A_155 = arith.constant 2 : i32
      %add3A_156 = arith.addi %add3A_143, %add3A_155 : i32
      %lt3A_157 = arith.constant 80 : i32
      %lt3A_158 = arith.cmpi slt, %add3A_156, %lt3A_157 : i32
      %convert_element_type3A_159 = arith.extui %lt3A_158 : i1 to i32
      %cond3A_160 = arith.constant 0 : i32
      %cond3A_161 = arith.cmpi ne, %convert_element_type3A_159, %cond3A_160 : i32
      scf.if %cond3A_161 {
        %add3A_254 = arith.constant 2 : i32
        %add3A_255 = arith.addi %add3A_143, %add3A_254 : i32
        %dma_start3A_256 = arith.constant 3 : i32
        %dma_start3A_257 = arith.constant 0 : i32
        %dma_start3A_258 = arith.constant 0 : i32
        %dma_start3A_259 = tpu.memref_slice %arg9[%dma_start3A_256, %dma_start3A_257, %dma_start3A_258] : memref<4x128x128xf32, #tpu.memory_space<vmem>> -> memref<1x128x128xf32, #tpu.memory_space<vmem>>
        %dma_start3A_260 = tpu.memref_squeeze %dma_start3A_259 : memref<1x128x128xf32, #tpu.memory_space<vmem>> -> memref<128x128xf32, #tpu.memory_space<vmem>>
        %dma_start3A_261 = arith.constant 0 : i32
        %dma_start3A_262 = tpu.memref_slice %arg7[%add3A_255, %dma_start3A_261] : memref<80x128xi32, #tpu.memory_space<vmem>> -> memref<1x128xi32, #tpu.memory_space<vmem>>
        %dma_start3A_263 = tpu.memref_squeeze %dma_start3A_262 : memref<1x128xi32, #tpu.memory_space<vmem>> -> memref<128xi32, #tpu.memory_space<vmem>>
        %dma_start3A_264 = arith.constant 0 : i32
        %dma_start3A_265 = arith.constant 0 : i32
        %dma_start3A_266 = tpu.memref_slice %arg2[%dma_start3A_264, %dma_start3A_265] : memref<20000x128xf32, #tpu.memory_space<hbm>> -> memref<20000x128xf32, #tpu.memory_space<hbm>>
        %dma_start3A_267 = arith.constant -1 : i32
        tpu.enqueue_indirect_dma source(%dma_start3A_266 : memref<20000x128xf32, #tpu.memory_space<hbm>>) target(%dma_start3A_260 : memref<128x128xf32, #tpu.memory_space<vmem>>) offsets(%dma_start3A_263 : memref<128xi32, #tpu.memory_space<vmem>>) offset_filter(%dma_start3A_267) semaphore(%arg14 : memref<!tpu.dma_semaphore, #tpu.memory_space<semaphore_mem>>)
      } else {
      }
      %ge3A_162 = arith.constant 1 : i32
      %ge3A_163 = arith.cmpi sge, %add3A_143, %ge3A_162 : i32
      %convert_element_type3A_164 = arith.extui %ge3A_163 : i1 to i32
      %cond3A_165 = arith.constant 0 : i32
      %cond3A_166 = arith.cmpi ne, %convert_element_type3A_164, %cond3A_165 : i32
      scf.if %cond3A_166 {
        %sub3A = arith.constant 1 : i32
        %sub3A_254 = arith.subi %add3A_143, %sub3A : i32
        %dma_wait3A_255 = arith.constant 0 : i32
        %dma_wait3A_256 = arith.constant 0 : i32
        %dma_wait3A_257 = arith.constant 0 : i32
        %dma_wait3A_258 = tpu.memref_slice %arg9[%dma_wait3A_255, %dma_wait3A_256, %dma_wait3A_257] : memref<4x128x128xf32, #tpu.memory_space<vmem>> -> memref<1x128x128xf32, #tpu.memory_space<vmem>>
        %dma_wait3A_259 = tpu.memref_squeeze %dma_wait3A_258 : memref<1x128x128xf32, #tpu.memory_space<vmem>> -> memref<128x128xf32, #tpu.memory_space<vmem>>
        %dma_wait3A_260 = arith.constant 0 : i32
        %dma_wait3A_261 = tpu.memref_slice %arg8[%sub3A_254, %dma_wait3A_260] : memref<80x128xi32, #tpu.memory_space<vmem>> -> memref<1x128xi32, #tpu.memory_space<vmem>>
        %dma_wait3A_262 = tpu.memref_squeeze %dma_wait3A_261 : memref<1x128xi32, #tpu.memory_space<vmem>> -> memref<128xi32, #tpu.memory_space<vmem>>
        %dma_wait3A_263 = arith.constant 0 : i32
        %dma_wait3A_264 = arith.constant 0 : i32
        %dma_wait3A_265 = tpu.memref_slice %arg10[%dma_wait3A_263, %dma_wait3A_264] : memref<5248x128xf32, #tpu.memory_space<vmem_shared>> -> memref<5248x128xf32, #tpu.memory_space<vmem_shared>>
        tpu.wait_indirect_dma semaphore(%arg15 : memref<!tpu.dma_semaphore, #tpu.memory_space<semaphore_mem>>) src(%dma_wait3A_259 : memref<128x128xf32, #tpu.memory_space<vmem>>) dst(%dma_wait3A_265 : memref<5248x128xf32, #tpu.memory_space<vmem_shared>>)
      } else {
      }
      %dma_start3A_167 = arith.constant 1 : i32
      %dma_start3A_168 = arith.constant 0 : i32
      %dma_start3A_169 = arith.constant 0 : i32
      %dma_start3A_170 = tpu.memref_slice %arg9[%dma_start3A_167, %dma_start3A_168, %dma_start3A_169] : memref<4x128x128xf32, #tpu.memory_space<vmem>> -> memref<1x128x128xf32, #tpu.memory_space<vmem>>
      %dma_start3A_171 = tpu.memref_squeeze %dma_start3A_170 : memref<1x128x128xf32, #tpu.memory_space<vmem>> -> memref<128x128xf32, #tpu.memory_space<vmem>>
      %dma_start3A_172 = arith.constant 0 : i32
      %dma_start3A_173 = tpu.memref_slice %arg8[%add3A_143, %dma_start3A_172] : memref<80x128xi32, #tpu.memory_space<vmem>> -> memref<1x128xi32, #tpu.memory_space<vmem>>
      %dma_start3A_174 = tpu.memref_squeeze %dma_start3A_173 : memref<1x128xi32, #tpu.memory_space<vmem>> -> memref<128xi32, #tpu.memory_space<vmem>>
      %dma_start3A_175 = arith.constant 0 : i32
      %dma_start3A_176 = arith.constant 0 : i32
      %dma_start3A_177 = tpu.memref_slice %arg10[%dma_start3A_175, %dma_start3A_176] : memref<5248x128xf32, #tpu.memory_space<vmem_shared>> -> memref<5248x128xf32, #tpu.memory_space<vmem_shared>>
      tpu.enqueue_indirect_dma source(%dma_start3A_171 : memref<128x128xf32, #tpu.memory_space<vmem>>) target(%dma_start3A_177 : memref<5248x128xf32, #tpu.memory_space<vmem_shared>>) offsets(%dma_start3A_174 : memref<128xi32, #tpu.memory_space<vmem>>) semaphore(%arg16 : memref<!tpu.dma_semaphore, #tpu.memory_space<semaphore_mem>>) {add = true}
      %mul3A_178 = arith.constant 4 : i32
      %mul3A_179 = arith.muli %scan3A_105, %mul3A_178 : i32
      %add3A_180 = arith.constant 2 : i32
      %add3A_181 = arith.addi %mul3A_179, %add3A_180 : i32
      %dma_wait3A_182 = arith.constant 2 : i32
      %dma_wait3A_183 = arith.constant 0 : i32
      %dma_wait3A_184 = arith.constant 0 : i32
      %dma_wait3A_185 = tpu.memref_slice %arg9[%dma_wait3A_182, %dma_wait3A_183, %dma_wait3A_184] : memref<4x128x128xf32, #tpu.memory_space<vmem>> -> memref<1x128x128xf32, #tpu.memory_space<vmem>>
      %dma_wait3A_186 = tpu.memref_squeeze %dma_wait3A_185 : memref<1x128x128xf32, #tpu.memory_space<vmem>> -> memref<128x128xf32, #tpu.memory_space<vmem>>
      %dma_wait3A_187 = arith.constant 0 : i32
      %dma_wait3A_188 = tpu.memref_slice %arg7[%add3A_181, %dma_wait3A_187] : memref<80x128xi32, #tpu.memory_space<vmem>> -> memref<1x128xi32, #tpu.memory_space<vmem>>
      %dma_wait3A_189 = tpu.memref_squeeze %dma_wait3A_188 : memref<1x128xi32, #tpu.memory_space<vmem>> -> memref<128xi32, #tpu.memory_space<vmem>>
      %dma_wait3A_190 = arith.constant 0 : i32
      %dma_wait3A_191 = arith.constant 0 : i32
      %dma_wait3A_192 = tpu.memref_slice %arg2[%dma_wait3A_190, %dma_wait3A_191] : memref<20000x128xf32, #tpu.memory_space<hbm>> -> memref<20000x128xf32, #tpu.memory_space<hbm>>
      tpu.wait_indirect_dma semaphore(%arg13 : memref<!tpu.dma_semaphore, #tpu.memory_space<semaphore_mem>>) src(%dma_wait3A_192 : memref<20000x128xf32, #tpu.memory_space<hbm>>) dst(%dma_wait3A_186 : memref<128x128xf32, #tpu.memory_space<vmem>>)
      %add3A_193 = arith.constant 2 : i32
      %add3A_194 = arith.addi %add3A_181, %add3A_193 : i32
      %lt3A_195 = arith.constant 80 : i32
      %lt3A_196 = arith.cmpi slt, %add3A_194, %lt3A_195 : i32
      %convert_element_type3A_197 = arith.extui %lt3A_196 : i1 to i32
      %cond3A_198 = arith.constant 0 : i32
      %cond3A_199 = arith.cmpi ne, %convert_element_type3A_197, %cond3A_198 : i32
      scf.if %cond3A_199 {
        %add3A_254 = arith.constant 2 : i32
        %add3A_255 = arith.addi %add3A_181, %add3A_254 : i32
        %dma_start3A_256 = arith.constant 0 : i32
        %dma_start3A_257 = arith.constant 0 : i32
        %dma_start3A_258 = arith.constant 0 : i32
        %dma_start3A_259 = tpu.memref_slice %arg9[%dma_start3A_256, %dma_start3A_257, %dma_start3A_258] : memref<4x128x128xf32, #tpu.memory_space<vmem>> -> memref<1x128x128xf32, #tpu.memory_space<vmem>>
        %dma_start3A_260 = tpu.memref_squeeze %dma_start3A_259 : memref<1x128x128xf32, #tpu.memory_space<vmem>> -> memref<128x128xf32, #tpu.memory_space<vmem>>
        %dma_start3A_261 = arith.constant 0 : i32
        %dma_start3A_262 = tpu.memref_slice %arg7[%add3A_255, %dma_start3A_261] : memref<80x128xi32, #tpu.memory_space<vmem>> -> memref<1x128xi32, #tpu.memory_space<vmem>>
        %dma_start3A_263 = tpu.memref_squeeze %dma_start3A_262 : memref<1x128xi32, #tpu.memory_space<vmem>> -> memref<128xi32, #tpu.memory_space<vmem>>
        %dma_start3A_264 = arith.constant 0 : i32
        %dma_start3A_265 = arith.constant 0 : i32
        %dma_start3A_266 = tpu.memref_slice %arg2[%dma_start3A_264, %dma_start3A_265] : memref<20000x128xf32, #tpu.memory_space<hbm>> -> memref<20000x128xf32, #tpu.memory_space<hbm>>
        %dma_start3A_267 = arith.constant -1 : i32
        tpu.enqueue_indirect_dma source(%dma_start3A_266 : memref<20000x128xf32, #tpu.memory_space<hbm>>) target(%dma_start3A_260 : memref<128x128xf32, #tpu.memory_space<vmem>>) offsets(%dma_start3A_263 : memref<128xi32, #tpu.memory_space<vmem>>) offset_filter(%dma_start3A_267) semaphore(%arg11 : memref<!tpu.dma_semaphore, #tpu.memory_space<semaphore_mem>>)
      } else {
      }
      %ge3A_200 = arith.constant 1 : i32
      %ge3A_201 = arith.cmpi sge, %add3A_181, %ge3A_200 : i32
      %convert_element_type3A_202 = arith.extui %ge3A_201 : i1 to i32
      %cond3A_203 = arith.constant 0 : i32
      %cond3A_204 = arith.cmpi ne, %convert_element_type3A_202, %cond3A_203 : i32
      scf.if %cond3A_204 {
        %sub3A = arith.constant 1 : i32
        %sub3A_254 = arith.subi %add3A_181, %sub3A : i32
        %dma_wait3A_255 = arith.constant 1 : i32
        %dma_wait3A_256 = arith.constant 0 : i32
        %dma_wait3A_257 = arith.constant 0 : i32
        %dma_wait3A_258 = tpu.memref_slice %arg9[%dma_wait3A_255, %dma_wait3A_256, %dma_wait3A_257] : memref<4x128x128xf32, #tpu.memory_space<vmem>> -> memref<1x128x128xf32, #tpu.memory_space<vmem>>
        %dma_wait3A_259 = tpu.memref_squeeze %dma_wait3A_258 : memref<1x128x128xf32, #tpu.memory_space<vmem>> -> memref<128x128xf32, #tpu.memory_space<vmem>>
        %dma_wait3A_260 = arith.constant 0 : i32
        %dma_wait3A_261 = tpu.memref_slice %arg8[%sub3A_254, %dma_wait3A_260] : memref<80x128xi32, #tpu.memory_space<vmem>> -> memref<1x128xi32, #tpu.memory_space<vmem>>
        %dma_wait3A_262 = tpu.memref_squeeze %dma_wait3A_261 : memref<1x128xi32, #tpu.memory_space<vmem>> -> memref<128xi32, #tpu.memory_space<vmem>>
        %dma_wait3A_263 = arith.constant 0 : i32
        %dma_wait3A_264 = arith.constant 0 : i32
        %dma_wait3A_265 = tpu.memref_slice %arg10[%dma_wait3A_263, %dma_wait3A_264] : memref<5248x128xf32, #tpu.memory_space<vmem_shared>> -> memref<5248x128xf32, #tpu.memory_space<vmem_shared>>
        tpu.wait_indirect_dma semaphore(%arg16 : memref<!tpu.dma_semaphore, #tpu.memory_space<semaphore_mem>>) src(%dma_wait3A_259 : memref<128x128xf32, #tpu.memory_space<vmem>>) dst(%dma_wait3A_265 : memref<5248x128xf32, #tpu.memory_space<vmem_shared>>)
      } else {
      }
      %dma_start3A_205 = arith.constant 2 : i32
      %dma_start3A_206 = arith.constant 0 : i32
      %dma_start3A_207 = arith.constant 0 : i32
      %dma_start3A_208 = tpu.memref_slice %arg9[%dma_start3A_205, %dma_start3A_206, %dma_start3A_207] : memref<4x128x128xf32, #tpu.memory_space<vmem>> -> memref<1x128x128xf32, #tpu.memory_space<vmem>>
      %dma_start3A_209 = tpu.memref_squeeze %dma_start3A_208 : memref<1x128x128xf32, #tpu.memory_space<vmem>> -> memref<128x128xf32, #tpu.memory_space<vmem>>
      %dma_start3A_210 = arith.constant 0 : i32
      %dma_start3A_211 = tpu.memref_slice %arg8[%add3A_181, %dma_start3A_210] : memref<80x128xi32, #tpu.memory_space<vmem>> -> memref<1x128xi32, #tpu.memory_space<vmem>>
      %dma_start3A_212 = tpu.memref_squeeze %dma_start3A_211 : memref<1x128xi32, #tpu.memory_space<vmem>> -> memref<128xi32, #tpu.memory_space<vmem>>
      %dma_start3A_213 = arith.constant 0 : i32
      %dma_start3A_214 = arith.constant 0 : i32
      %dma_start3A_215 = tpu.memref_slice %arg10[%dma_start3A_213, %dma_start3A_214] : memref<5248x128xf32, #tpu.memory_space<vmem_shared>> -> memref<5248x128xf32, #tpu.memory_space<vmem_shared>>
      tpu.enqueue_indirect_dma source(%dma_start3A_209 : memref<128x128xf32, #tpu.memory_space<vmem>>) target(%dma_start3A_215 : memref<5248x128xf32, #tpu.memory_space<vmem_shared>>) offsets(%dma_start3A_212 : memref<128xi32, #tpu.memory_space<vmem>>) semaphore(%arg17 : memref<!tpu.dma_semaphore, #tpu.memory_space<semaphore_mem>>) {add = true}
      %mul3A_216 = arith.constant 4 : i32
      %mul3A_217 = arith.muli %scan3A_105, %mul3A_216 : i32
      %add3A_218 = arith.constant 3 : i32
      %add3A_219 = arith.addi %mul3A_217, %add3A_218 : i32
      %dma_wait3A_220 = arith.constant 3 : i32
      %dma_wait3A_221 = arith.constant 0 : i32
      %dma_wait3A_222 = arith.constant 0 : i32
      %dma_wait3A_223 = tpu.memref_slice %arg9[%dma_wait3A_220, %dma_wait3A_221, %dma_wait3A_222] : memref<4x128x128xf32, #tpu.memory_space<vmem>> -> memref<1x128x128xf32, #tpu.memory_space<vmem>>
      %dma_wait3A_224 = tpu.memref_squeeze %dma_wait3A_223 : memref<1x128x128xf32, #tpu.memory_space<vmem>> -> memref<128x128xf32, #tpu.memory_space<vmem>>
      %dma_wait3A_225 = arith.constant 0 : i32
      %dma_wait3A_226 = tpu.memref_slice %arg7[%add3A_219, %dma_wait3A_225] : memref<80x128xi32, #tpu.memory_space<vmem>> -> memref<1x128xi32, #tpu.memory_space<vmem>>
      %dma_wait3A_227 = tpu.memref_squeeze %dma_wait3A_226 : memref<1x128xi32, #tpu.memory_space<vmem>> -> memref<128xi32, #tpu.memory_space<vmem>>
      %dma_wait3A_228 = arith.constant 0 : i32
      %dma_wait3A_229 = arith.constant 0 : i32
      %dma_wait3A_230 = tpu.memref_slice %arg2[%dma_wait3A_228, %dma_wait3A_229] : memref<20000x128xf32, #tpu.memory_space<hbm>> -> memref<20000x128xf32, #tpu.memory_space<hbm>>
      tpu.wait_indirect_dma semaphore(%arg14 : memref<!tpu.dma_semaphore, #tpu.memory_space<semaphore_mem>>) src(%dma_wait3A_230 : memref<20000x128xf32, #tpu.memory_space<hbm>>) dst(%dma_wait3A_224 : memref<128x128xf32, #tpu.memory_space<vmem>>)
      %add3A_231 = arith.constant 2 : i32
      %add3A_232 = arith.addi %add3A_219, %add3A_231 : i32
      %lt3A_233 = arith.constant 80 : i32
      %lt3A_234 = arith.cmpi slt, %add3A_232, %lt3A_233 : i32
      %convert_element_type3A_235 = arith.extui %lt3A_234 : i1 to i32
      %cond3A_236 = arith.constant 0 : i32
      %cond3A_237 = arith.cmpi ne, %convert_element_type3A_235, %cond3A_236 : i32
      scf.if %cond3A_237 {
        %add3A_254 = arith.constant 2 : i32
        %add3A_255 = arith.addi %add3A_219, %add3A_254 : i32
        %dma_start3A_256 = arith.constant 1 : i32
        %dma_start3A_257 = arith.constant 0 : i32
        %dma_start3A_258 = arith.constant 0 : i32
        %dma_start3A_259 = tpu.memref_slice %arg9[%dma_start3A_256, %dma_start3A_257, %dma_start3A_258] : memref<4x128x128xf32, #tpu.memory_space<vmem>> -> memref<1x128x128xf32, #tpu.memory_space<vmem>>
        %dma_start3A_260 = tpu.memref_squeeze %dma_start3A_259 : memref<1x128x128xf32, #tpu.memory_space<vmem>> -> memref<128x128xf32, #tpu.memory_space<vmem>>
        %dma_start3A_261 = arith.constant 0 : i32
        %dma_start3A_262 = tpu.memref_slice %arg7[%add3A_255, %dma_start3A_261] : memref<80x128xi32, #tpu.memory_space<vmem>> -> memref<1x128xi32, #tpu.memory_space<vmem>>
        %dma_start3A_263 = tpu.memref_squeeze %dma_start3A_262 : memref<1x128xi32, #tpu.memory_space<vmem>> -> memref<128xi32, #tpu.memory_space<vmem>>
        %dma_start3A_264 = arith.constant 0 : i32
        %dma_start3A_265 = arith.constant 0 : i32
        %dma_start3A_266 = tpu.memref_slice %arg2[%dma_start3A_264, %dma_start3A_265] : memref<20000x128xf32, #tpu.memory_space<hbm>> -> memref<20000x128xf32, #tpu.memory_space<hbm>>
        %dma_start3A_267 = arith.constant -1 : i32
        tpu.enqueue_indirect_dma source(%dma_start3A_266 : memref<20000x128xf32, #tpu.memory_space<hbm>>) target(%dma_start3A_260 : memref<128x128xf32, #tpu.memory_space<vmem>>) offsets(%dma_start3A_263 : memref<128xi32, #tpu.memory_space<vmem>>) offset_filter(%dma_start3A_267) semaphore(%arg12 : memref<!tpu.dma_semaphore, #tpu.memory_space<semaphore_mem>>)
      } else {
      }
      %ge3A_238 = arith.constant 1 : i32
      %ge3A_239 = arith.cmpi sge, %add3A_219, %ge3A_238 : i32
      %convert_element_type3A_240 = arith.extui %ge3A_239 : i1 to i32
      %cond3A_241 = arith.constant 0 : i32
      %cond3A_242 = arith.cmpi ne, %convert_element_type3A_240, %cond3A_241 : i32
      scf.if %cond3A_242 {
        %sub3A = arith.constant 1 : i32
        %sub3A_254 = arith.subi %add3A_219, %sub3A : i32
        %dma_wait3A_255 = arith.constant 2 : i32
        %dma_wait3A_256 = arith.constant 0 : i32
        %dma_wait3A_257 = arith.constant 0 : i32
        %dma_wait3A_258 = tpu.memref_slice %arg9[%dma_wait3A_255, %dma_wait3A_256, %dma_wait3A_257] : memref<4x128x128xf32, #tpu.memory_space<vmem>> -> memref<1x128x128xf32, #tpu.memory_space<vmem>>
        %dma_wait3A_259 = tpu.memref_squeeze %dma_wait3A_258 : memref<1x128x128xf32, #tpu.memory_space<vmem>> -> memref<128x128xf32, #tpu.memory_space<vmem>>
        %dma_wait3A_260 = arith.constant 0 : i32
        %dma_wait3A_261 = tpu.memref_slice %arg8[%sub3A_254, %dma_wait3A_260] : memref<80x128xi32, #tpu.memory_space<vmem>> -> memref<1x128xi32, #tpu.memory_space<vmem>>
        %dma_wait3A_262 = tpu.memref_squeeze %dma_wait3A_261 : memref<1x128xi32, #tpu.memory_space<vmem>> -> memref<128xi32, #tpu.memory_space<vmem>>
        %dma_wait3A_263 = arith.constant 0 : i32
        %dma_wait3A_264 = arith.constant 0 : i32
        %dma_wait3A_265 = tpu.memref_slice %arg10[%dma_wait3A_263, %dma_wait3A_264] : memref<5248x128xf32, #tpu.memory_space<vmem_shared>> -> memref<5248x128xf32, #tpu.memory_space<vmem_shared>>
        tpu.wait_indirect_dma semaphore(%arg17 : memref<!tpu.dma_semaphore, #tpu.memory_space<semaphore_mem>>) src(%dma_wait3A_259 : memref<128x128xf32, #tpu.memory_space<vmem>>) dst(%dma_wait3A_265 : memref<5248x128xf32, #tpu.memory_space<vmem_shared>>)
      } else {
      }
      %dma_start3A_243 = arith.constant 3 : i32
      %dma_start3A_244 = arith.constant 0 : i32
      %dma_start3A_245 = arith.constant 0 : i32
      %dma_start3A_246 = tpu.memref_slice %arg9[%dma_start3A_243, %dma_start3A_244, %dma_start3A_245] : memref<4x128x128xf32, #tpu.memory_space<vmem>> -> memref<1x128x128xf32, #tpu.memory_space<vmem>>
      %dma_start3A_247 = tpu.memref_squeeze %dma_start3A_246 : memref<1x128x128xf32, #tpu.memory_space<vmem>> -> memref<128x128xf32, #tpu.memory_space<vmem>>
      %dma_start3A_248 = arith.constant 0 : i32
      %dma_start3A_249 = tpu.memref_slice %arg8[%add3A_219, %dma_start3A_248] : memref<80x128xi32, #tpu.memory_space<vmem>> -> memref<1x128xi32, #tpu.memory_space<vmem>>
      %dma_start3A_250 = tpu.memref_squeeze %dma_start3A_249 : memref<1x128xi32, #tpu.memory_space<vmem>> -> memref<128xi32, #tpu.memory_space<vmem>>
      %dma_start3A_251 = arith.constant 0 : i32
      %dma_start3A_252 = arith.constant 0 : i32
      %dma_start3A_253 = tpu.memref_slice %arg10[%dma_start3A_251, %dma_start3A_252] : memref<5248x128xf32, #tpu.memory_space<vmem_shared>> -> memref<5248x128xf32, #tpu.memory_space<vmem_shared>>
      tpu.enqueue_indirect_dma source(%dma_start3A_247 : memref<128x128xf32, #tpu.memory_space<vmem>>) target(%dma_start3A_253 : memref<5248x128xf32, #tpu.memory_space<vmem_shared>>) offsets(%dma_start3A_250 : memref<128xi32, #tpu.memory_space<vmem>>) semaphore(%arg18 : memref<!tpu.dma_semaphore, #tpu.memory_space<semaphore_mem>>) {add = true}
    }
    %scan3A_85 = arith.constant 20 : i32
    %dma_wait3A_86 = arith.constant 3 : i32
    %dma_wait3A_87 = arith.constant 79 : i32
    %dma_wait3A_88 = arith.constant 0 : i32
    %dma_wait3A_89 = arith.constant 0 : i32
    %dma_wait3A_90 = tpu.memref_slice %arg9[%dma_wait3A_86, %dma_wait3A_88, %dma_wait3A_89] : memref<4x128x128xf32, #tpu.memory_space<vmem>> -> memref<1x128x128xf32, #tpu.memory_space<vmem>>
    %dma_wait3A_91 = tpu.memref_squeeze %dma_wait3A_90 : memref<1x128x128xf32, #tpu.memory_space<vmem>> -> memref<128x128xf32, #tpu.memory_space<vmem>>
    %dma_wait3A_92 = arith.constant 0 : i32
    %dma_wait3A_93 = tpu.memref_slice %arg8[%dma_wait3A_87, %dma_wait3A_92] : memref<80x128xi32, #tpu.memory_space<vmem>> -> memref<1x128xi32, #tpu.memory_space<vmem>>
    %dma_wait3A_94 = tpu.memref_squeeze %dma_wait3A_93 : memref<1x128xi32, #tpu.memory_space<vmem>> -> memref<128xi32, #tpu.memory_space<vmem>>
    %dma_wait3A_95 = arith.constant 0 : i32
    %dma_wait3A_96 = arith.constant 0 : i32
    %dma_wait3A_97 = tpu.memref_slice %arg10[%dma_wait3A_95, %dma_wait3A_96] : memref<5248x128xf32, #tpu.memory_space<vmem_shared>> -> memref<5248x128xf32, #tpu.memory_space<vmem_shared>>
    tpu.wait_indirect_dma semaphore(%arg18 : memref<!tpu.dma_semaphore, #tpu.memory_space<semaphore_mem>>) src(%dma_wait3A_91 : memref<128x128xf32, #tpu.memory_space<vmem>>) dst(%dma_wait3A_97 : memref<5248x128xf32, #tpu.memory_space<vmem_shared>>)
    %barrier3A_98 = arith.constant 0 : index
    tpu.barrier barrier_id(%barrier3A_98)
    %mul3A_99 = arith.constant 320 : i32
    %mul3A_100 = arith.muli %arg1, %mul3A_99 : i32
    %mul3A_101 = arith.constant 320 : i32
    %mul3A_102 = arith.muli %arg1, %mul3A_101 : i32
    %add3A_103 = arith.constant 5120 : i32
    %add3A_104 = arith.addi %add3A_103, %mul3A_102 : i32
    "tpu.region"() ({
      %run_scoped3A_105 = tpu.sem_alloc : memref<!tpu.dma_semaphore, #tpu.memory_space<semaphore_mem>>
      %dma_start3A_106 = arith.constant 0 : i32
      %dma_start3A_107 = tpu.memref_slice %arg6[%arg0, %add3A_104, %dma_start3A_106] : memref<2x10240x128xf32, #tpu.memory_space<hbm>> -> memref<1x320x128xf32, #tpu.memory_space<hbm>>
      %dma_start3A_108 = tpu.memref_squeeze %dma_start3A_107 : memref<1x320x128xf32, #tpu.memory_space<hbm>> -> memref<320x128xf32, #tpu.memory_space<hbm>>
      %dma_start3A_109 = arith.constant 0 : i32
      %dma_start3A_110 = tpu.memref_slice %arg10[%mul3A_100, %dma_start3A_109] : memref<5248x128xf32, #tpu.memory_space<vmem_shared>> -> memref<320x128xf32, #tpu.memory_space<vmem_shared>>
      tpu.enqueue_dma source(%dma_start3A_110 : memref<320x128xf32, #tpu.memory_space<vmem_shared>>) target(%dma_start3A_108 : memref<320x128xf32, #tpu.memory_space<hbm>>) target_semaphore(%run_scoped3A_105 : memref<!tpu.dma_semaphore, #tpu.memory_space<semaphore_mem>>)
      %dma_wait3A_111 = arith.constant 0 : i32
      %dma_wait3A_112 = tpu.memref_slice %arg6[%arg0, %add3A_104, %dma_wait3A_111] : memref<2x10240x128xf32, #tpu.memory_space<hbm>> -> memref<1x320x128xf32, #tpu.memory_space<hbm>>
      %dma_wait3A_113 = tpu.memref_squeeze %dma_wait3A_112 : memref<1x320x128xf32, #tpu.memory_space<hbm>> -> memref<320x128xf32, #tpu.memory_space<hbm>>
      %dma_wait3A_114 = arith.constant 0 : i32
      %dma_wait3A_115 = tpu.memref_slice %arg10[%mul3A_100, %dma_wait3A_114] : memref<5248x128xf32, #tpu.memory_space<vmem_shared>> -> memref<320x128xf32, #tpu.memory_space<vmem_shared>>
      tpu.wait_dma2 semaphore(%run_scoped3A_105 : memref<!tpu.dma_semaphore, #tpu.memory_space<semaphore_mem>>) src(%dma_wait3A_115 : memref<320x128xf32, #tpu.memory_space<vmem_shared>>) dst(%dma_wait3A_113 : memref<320x128xf32, #tpu.memory_space<hbm>>)
      tpu.yield
    }) : () -> ()
    return
  }
}

#map = affine_map<(d0, d1) -> (0, 0)>
#map1 = affine_map<(d0, d1) -> (0, 0, 0, 0, 0)>
#map2 = affine_map<(d0, d1) -> (0, 0, 0, 0)>
#map3 = affine_map<(d0, d1) -> (0, 0, 0)>
module attributes {stable_mosaic.version = 14 : i64} {
  func.func @_agg_body(%arg0: i32, %arg1: i32, %arg2: memref<20000x128xf32, #tpu.memory_space<hbm>>, %arg3: memref<2x2x16x80x128xi32, #tpu.memory_space<hbm>>, %arg4: memref<2x16x80x128xi32, #tpu.memory_space<hbm>>, %arg5: memref<328x128xf32, #tpu.memory_space<hbm>>, %arg6: memref<2x10240x128xf32, #tpu.memory_space<hbm>>, %arg7: memref<80x128xi32, #tpu.memory_space<vmem>>, %arg8: memref<80x128xi32, #tpu.memory_space<vmem>>, %arg9: memref<4x128x128xf32, #tpu.memory_space<vmem>>, %arg10: memref<5248x128xf32, #tpu.memory_space<vmem_shared>>, %arg11: memref<!tpu.dma_semaphore, #tpu.memory_space<semaphore_mem>>, %arg12: memref<!tpu.dma_semaphore, #tpu.memory_space<semaphore_mem>>, %arg13: memref<!tpu.dma_semaphore, #tpu.memory_space<semaphore_mem>>, %arg14: memref<!tpu.dma_semaphore, #tpu.memory_space<semaphore_mem>>, %arg15: memref<!tpu.dma_semaphore, #tpu.memory_space<semaphore_mem>>, %arg16: memref<!tpu.dma_semaphore, #tpu.memory_space<semaphore_mem>>, %arg17: memref<!tpu.dma_semaphore, #tpu.memory_space<semaphore_mem>>, %arg18: memref<!tpu.dma_semaphore, #tpu.memory_space<semaphore_mem>>) attributes {dimension_semantics = [#tpu.dimension_semantics<core_parallel>, #tpu.dimension_semantics<subcore_parallel>], iteration_bounds = array<i64: 2, 16>, scalar_prefetch = 0 : i64, scratch_operands = 12 : i64, tpu.core_type = #tpu.core_type<sc_vector_subcore>, window_params = [{transform_indices = #map}, {transform_indices = #map1}, {transform_indices = #map2}, {transform_indices = #map}, {transform_indices = #map3}]} {
    %run_scoped3A = arith.constant 0 : i32
    "tpu.region"() ({
      %run_scoped3A_105 = tpu.sem_alloc : memref<!tpu.dma_semaphore, #tpu.memory_space<semaphore_mem>>
      %dma_start3A_106 = arith.constant 0 : i32
      %dma_start3A_107 = arith.constant 0 : i32
      %dma_start3A_108 = tpu.memref_slice %arg3[%run_scoped3A, %arg0, %arg1, %dma_start3A_106, %dma_start3A_107] : memref<2x2x16x80x128xi32, #tpu.memory_space<hbm>> -> memref<1x1x1x80x128xi32, #tpu.memory_space<hbm>>
      %dma_start3A_109 = tpu.memref_squeeze %dma_start3A_108 : memref<1x1x1x80x128xi32, #tpu.memory_space<hbm>> -> memref<80x128xi32, #tpu.memory_space<hbm>>
      %dma_start3A_110 = arith.constant 0 : i32
      %dma_start3A_111 = arith.constant 0 : i32
      %dma_start3A_112 = tpu.memref_slice %arg3[%run_scoped3A, %arg0, %arg1, %dma_start3A_110, %dma_start3A_111] : memref<2x2x16x80x128xi32, #tpu.memory_space<hbm>> -> memref<1x1x1x80x128xi32, #tpu.memory_space<hbm>>
      %dma_start3A_113 = tpu.memref_squeeze %dma_start3A_112 : memref<1x1x1x80x128xi32, #tpu.memory_space<hbm>> -> memref<80x128xi32, #tpu.memory_space<hbm>>
      tpu.enqueue_dma source(%dma_start3A_113 : memref<80x128xi32, #tpu.memory_space<hbm>>) target(%arg7 : memref<80x128xi32, #tpu.memory_space<vmem>>) target_semaphore(%run_scoped3A_105 : memref<!tpu.dma_semaphore, #tpu.memory_space<semaphore_mem>>)
      %dma_wait3A_114 = arith.constant 0 : i32
      %dma_wait3A_115 = arith.constant 0 : i32
      %dma_wait3A_116 = tpu.memref_slice %arg3[%run_scoped3A, %arg0, %arg1, %dma_wait3A_114, %dma_wait3A_115] : memref<2x2x16x80x128xi32, #tpu.memory_space<hbm>> -> memref<1x1x1x80x128xi32, #tpu.memory_space<hbm>>
      %dma_wait3A_117 = tpu.memref_squeeze %dma_wait3A_116 : memref<1x1x1x80x128xi32, #tpu.memory_space<hbm>> -> memref<80x128xi32, #tpu.memory_space<hbm>>
      %dma_wait3A_118 = arith.constant 0 : i32
      %dma_wait3A_119 = arith.constant 0 : i32
      %dma_wait3A_120 = tpu.memref_slice %arg3[%run_scoped3A, %arg0, %arg1, %dma_wait3A_118, %dma_wait3A_119] : memref<2x2x16x80x128xi32, #tpu.memory_space<hbm>> -> memref<1x1x1x80x128xi32, #tpu.memory_space<hbm>>
      %dma_wait3A_121 = tpu.memref_squeeze %dma_wait3A_120 : memref<1x1x1x80x128xi32, #tpu.memory_space<hbm>> -> memref<80x128xi32, #tpu.memory_space<hbm>>
      tpu.wait_dma2 semaphore(%run_scoped3A_105 : memref<!tpu.dma_semaphore, #tpu.memory_space<semaphore_mem>>) src(%dma_wait3A_121 : memref<80x128xi32, #tpu.memory_space<hbm>>) dst(%arg7 : memref<80x128xi32, #tpu.memory_space<vmem>>)
      tpu.yield
    }) : () -> ()
    %run_scoped3A_0 = arith.constant 0 : i32
    "tpu.region"() ({
      %run_scoped3A_105 = tpu.sem_alloc : memref<!tpu.dma_semaphore, #tpu.memory_space<semaphore_mem>>
      %dma_start3A_106 = arith.constant 0 : i32
      %dma_start3A_107 = arith.constant 0 : i32
      %dma_start3A_108 = tpu.memref_slice %arg4[%run_scoped3A_0, %arg1, %dma_start3A_106, %dma_start3A_107] : memref<2x16x80x128xi32, #tpu.memory_space<hbm>> -> memref<1x1x80x128xi32, #tpu.memory_space<hbm>>
      %dma_start3A_109 = tpu.memref_squeeze %dma_start3A_108 : memref<1x1x80x128xi32, #tpu.memory_space<hbm>> -> memref<80x128xi32, #tpu.memory_space<hbm>>
      %dma_start3A_110 = arith.constant 0 : i32
      %dma_start3A_111 = arith.constant 0 : i32
      %dma_start3A_112 = tpu.memref_slice %arg4[%run_scoped3A_0, %arg1, %dma_start3A_110, %dma_start3A_111] : memref<2x16x80x128xi32, #tpu.memory_space<hbm>> -> memref<1x1x80x128xi32, #tpu.memory_space<hbm>>
      %dma_start3A_113 = tpu.memref_squeeze %dma_start3A_112 : memref<1x1x80x128xi32, #tpu.memory_space<hbm>> -> memref<80x128xi32, #tpu.memory_space<hbm>>
      tpu.enqueue_dma source(%dma_start3A_113 : memref<80x128xi32, #tpu.memory_space<hbm>>) target(%arg8 : memref<80x128xi32, #tpu.memory_space<vmem>>) target_semaphore(%run_scoped3A_105 : memref<!tpu.dma_semaphore, #tpu.memory_space<semaphore_mem>>)
      %dma_wait3A_114 = arith.constant 0 : i32
      %dma_wait3A_115 = arith.constant 0 : i32
      %dma_wait3A_116 = tpu.memref_slice %arg4[%run_scoped3A_0, %arg1, %dma_wait3A_114, %dma_wait3A_115] : memref<2x16x80x128xi32, #tpu.memory_space<hbm>> -> memref<1x1x80x128xi32, #tpu.memory_space<hbm>>
      %dma_wait3A_117 = tpu.memref_squeeze %dma_wait3A_116 : memref<1x1x80x128xi32, #tpu.memory_space<hbm>> -> memref<80x128xi32, #tpu.memory_space<hbm>>
      %dma_wait3A_118 = arith.constant 0 : i32
      %dma_wait3A_119 = arith.constant 0 : i32
      %dma_wait3A_120 = tpu.memref_slice %arg4[%run_scoped3A_0, %arg1, %dma_wait3A_118, %dma_wait3A_119] : memref<2x16x80x128xi32, #tpu.memory_space<hbm>> -> memref<1x1x80x128xi32, #tpu.memory_space<hbm>>
      %dma_wait3A_121 = tpu.memref_squeeze %dma_wait3A_120 : memref<1x1x80x128xi32, #tpu.memory_space<hbm>> -> memref<80x128xi32, #tpu.memory_space<hbm>>
      tpu.wait_dma2 semaphore(%run_scoped3A_105 : memref<!tpu.dma_semaphore, #tpu.memory_space<semaphore_mem>>) src(%dma_wait3A_121 : memref<80x128xi32, #tpu.memory_space<hbm>>) dst(%arg8 : memref<80x128xi32, #tpu.memory_space<vmem>>)
      tpu.yield
    }) : () -> ()
    %mul3A = arith.constant 328 : i32
    %mul3A_1 = arith.muli %arg1, %mul3A : i32
    "tpu.region"() ({
      %run_scoped3A_105 = tpu.sem_alloc : memref<!tpu.dma_semaphore, #tpu.memory_space<semaphore_mem>>
      %dma_start3A_106 = arith.constant 0 : i32
      %dma_start3A_107 = tpu.memref_slice %arg10[%mul3A_1, %dma_start3A_106] : memref<5248x128xf32, #tpu.memory_space<vmem_shared>> -> memref<328x128xf32, #tpu.memory_space<vmem_shared>>
      tpu.enqueue_dma source(%arg5 : memref<328x128xf32, #tpu.memory_space<hbm>>) target(%dma_start3A_107 : memref<328x128xf32, #tpu.memory_space<vmem_shared>>) target_semaphore(%run_scoped3A_105 : memref<!tpu.dma_semaphore, #tpu.memory_space<semaphore_mem>>)
      %dma_wait3A_108 = arith.constant 0 : i32
      %dma_wait3A_109 = tpu.memref_slice %arg10[%mul3A_1, %dma_wait3A_108] : memref<5248x128xf32, #tpu.memory_space<vmem_shared>> -> memref<328x128xf32, #tpu.memory_space<vmem_shared>>
      tpu.wait_dma2 semaphore(%run_scoped3A_105 : memref<!tpu.dma_semaphore, #tpu.memory_space<semaphore_mem>>) src(%arg5 : memref<328x128xf32, #tpu.memory_space<hbm>>) dst(%dma_wait3A_109 : memref<328x128xf32, #tpu.memory_space<vmem_shared>>)
      tpu.yield
    }) : () -> ()
    %barrier3A = arith.constant 0 : index
    tpu.barrier barrier_id(%barrier3A)
    %dma_start3A = arith.constant 0 : i32
    %dma_start3A_2 = arith.constant 0 : i32
    %dma_start3A_3 = arith.constant 0 : i32
    %dma_start3A_4 = arith.constant 0 : i32
    %dma_start3A_5 = tpu.memref_slice %arg9[%dma_start3A_2, %dma_start3A_3, %dma_start3A_4] : memref<4x128x128xf32, #tpu.memory_space<vmem>> -> memref<1x128x128xf32, #tpu.memory_space<vmem>>
    %dma_start3A_6 = tpu.memref_squeeze %dma_start3A_5 : memref<1x128x128xf32, #tpu.memory_space<vmem>> -> memref<128x128xf32, #tpu.memory_space<vmem>>
    %dma_start3A_7 = arith.constant 0 : i32
    %dma_start3A_8 = tpu.memref_slice %arg7[%dma_start3A, %dma_start3A_7] : memref<80x128xi32, #tpu.memory_space<vmem>> -> memref<1x128xi32, #tpu.memory_space<vmem>>
    %dma_start3A_9 = tpu.memref_squeeze %dma_start3A_8 : memref<1x128xi32, #tpu.memory_space<vmem>> -> memref<128xi32, #tpu.memory_space<vmem>>
    %dma_start3A_10 = arith.constant 0 : i32
    %dma_start3A_11 = arith.constant 0 : i32
    %dma_start3A_12 = tpu.memref_slice %arg2[%dma_start3A_10, %dma_start3A_11] : memref<20000x128xf32, #tpu.memory_space<hbm>> -> memref<20000x128xf32, #tpu.memory_space<hbm>>
    %dma_start3A_13 = arith.constant -1 : i32
    tpu.enqueue_indirect_dma source(%dma_start3A_12 : memref<20000x128xf32, #tpu.memory_space<hbm>>) target(%dma_start3A_6 : memref<128x128xf32, #tpu.memory_space<vmem>>) offsets(%dma_start3A_9 : memref<128xi32, #tpu.memory_space<vmem>>) offset_filter(%dma_start3A_13) semaphore(%arg11 : memref<!tpu.dma_semaphore, #tpu.memory_space<semaphore_mem>>)
    %dma_start3A_14 = arith.constant 1 : i32
    %dma_start3A_15 = arith.constant 1 : i32
    %dma_start3A_16 = arith.constant 0 : i32
    %dma_start3A_17 = arith.constant 0 : i32
    %dma_start3A_18 = tpu.memref_slice %arg9[%dma_start3A_15, %dma_start3A_16, %dma_start3A_17] : memref<4x128x128xf32, #tpu.memory_space<vmem>> -> memref<1x128x128xf32, #tpu.memory_space<vmem>>
    %dma_start3A_19 = tpu.memref_squeeze %dma_start3A_18 : memref<1x128x128xf32, #tpu.memory_space<vmem>> -> memref<128x128xf32, #tpu.memory_space<vmem>>
    %dma_start3A_20 = arith.constant 0 : i32
    %dma_start3A_21 = tpu.memref_slice %arg7[%dma_start3A_14, %dma_start3A_20] : memref<80x128xi32, #tpu.memory_space<vmem>> -> memref<1x128xi32, #tpu.memory_space<vmem>>
    %dma_start3A_22 = tpu.memref_squeeze %dma_start3A_21 : memref<1x128xi32, #tpu.memory_space<vmem>> -> memref<128xi32, #tpu.memory_space<vmem>>
    %dma_start3A_23 = arith.constant 0 : i32
    %dma_start3A_24 = arith.constant 0 : i32
    %dma_start3A_25 = tpu.memref_slice %arg2[%dma_start3A_23, %dma_start3A_24] : memref<20000x128xf32, #tpu.memory_space<hbm>> -> memref<20000x128xf32, #tpu.memory_space<hbm>>
    %dma_start3A_26 = arith.constant -1 : i32
    tpu.enqueue_indirect_dma source(%dma_start3A_25 : memref<20000x128xf32, #tpu.memory_space<hbm>>) target(%dma_start3A_19 : memref<128x128xf32, #tpu.memory_space<vmem>>) offsets(%dma_start3A_22 : memref<128xi32, #tpu.memory_space<vmem>>) offset_filter(%dma_start3A_26) semaphore(%arg12 : memref<!tpu.dma_semaphore, #tpu.memory_space<semaphore_mem>>)
    %scan3A = arith.constant 0 : i32
    %scan3A_27 = arith.constant 0 : i32
    %scan3A_28 = arith.constant 20 : i32
    %scan3A_29 = arith.addi %scan3A_27, %scan3A_28 : i32
    %scan3A_30 = arith.constant 1 : i32
    scf.for %scan3A_105 = %scan3A_27 to %scan3A_29 step %scan3A_30  : i32 {
      %mul3A_106 = arith.constant 4 : i32
      %mul3A_107 = arith.muli %scan3A_105, %mul3A_106 : i32
      %add3A_108 = arith.constant 0 : i32
      %add3A_109 = arith.addi %mul3A_107, %add3A_108 : i32
      %dma_wait3A_110 = arith.constant 0 : i32
      %dma_wait3A_111 = arith.constant 0 : i32
      %dma_wait3A_112 = arith.constant 0 : i32
      %dma_wait3A_113 = tpu.memref_slice %arg9[%dma_wait3A_110, %dma_wait3A_111, %dma_wait3A_112] : memref<4x128x128xf32, #tpu.memory_space<vmem>> -> memref<1x128x128xf32, #tpu.memory_space<vmem>>
      %dma_wait3A_114 = tpu.memref_squeeze %dma_wait3A_113 : memref<1x128x128xf32, #tpu.memory_space<vmem>> -> memref<128x128xf32, #tpu.memory_space<vmem>>
      %dma_wait3A_115 = arith.constant 0 : i32
      %dma_wait3A_116 = tpu.memref_slice %arg7[%add3A_109, %dma_wait3A_115] : memref<80x128xi32, #tpu.memory_space<vmem>> -> memref<1x128xi32, #tpu.memory_space<vmem>>
      %dma_wait3A_117 = tpu.memref_squeeze %dma_wait3A_116 : memref<1x128xi32, #tpu.memory_space<vmem>> -> memref<128xi32, #tpu.memory_space<vmem>>
      %dma_wait3A_118 = arith.constant 0 : i32
      %dma_wait3A_119 = arith.constant 0 : i32
      %dma_wait3A_120 = tpu.memref_slice %arg2[%dma_wait3A_118, %dma_wait3A_119] : memref<20000x128xf32, #tpu.memory_space<hbm>> -> memref<20000x128xf32, #tpu.memory_space<hbm>>
      tpu.wait_indirect_dma semaphore(%arg11 : memref<!tpu.dma_semaphore, #tpu.memory_space<semaphore_mem>>) src(%dma_wait3A_120 : memref<20000x128xf32, #tpu.memory_space<hbm>>) dst(%dma_wait3A_114 : memref<128x128xf32, #tpu.memory_space<vmem>>)
      %add3A_121 = arith.constant 2 : i32
      %add3A_122 = arith.addi %add3A_109, %add3A_121 : i32
      %lt3A = arith.constant 80 : i32
      %lt3A_123 = arith.cmpi slt, %add3A_122, %lt3A : i32
      %convert_element_type3A = arith.extui %lt3A_123 : i1 to i32
      %cond3A = arith.constant 0 : i32
      %cond3A_124 = arith.cmpi ne, %convert_element_type3A, %cond3A : i32
      scf.if %cond3A_124 {
        %add3A_254 = arith.constant 2 : i32
        %add3A_255 = arith.addi %add3A_109, %add3A_254 : i32
        %dma_start3A_256 = arith.constant 2 : i32
        %dma_start3A_257 = arith.constant 0 : i32
        %dma_start3A_258 = arith.constant 0 : i32
        %dma_start3A_259 = tpu.memref_slice %arg9[%dma_start3A_256, %dma_start3A_257, %dma_start3A_258] : memref<4x128x128xf32, #tpu.memory_space<vmem>> -> memref<1x128x128xf32, #tpu.memory_space<vmem>>
        %dma_start3A_260 = tpu.memref_squeeze %dma_start3A_259 : memref<1x128x128xf32, #tpu.memory_space<vmem>> -> memref<128x128xf32, #tpu.memory_space<vmem>>
        %dma_start3A_261 = arith.constant 0 : i32
        %dma_start3A_262 = tpu.memref_slice %arg7[%add3A_255, %dma_start3A_261] : memref<80x128xi32, #tpu.memory_space<vmem>> -> memref<1x128xi32, #tpu.memory_space<vmem>>
        %dma_start3A_263 = tpu.memref_squeeze %dma_start3A_262 : memref<1x128xi32, #tpu.memory_space<vmem>> -> memref<128xi32, #tpu.memory_space<vmem>>
        %dma_start3A_264 = arith.constant 0 : i32
        %dma_start3A_265 = arith.constant 0 : i32
        %dma_start3A_266 = tpu.memref_slice %arg2[%dma_start3A_264, %dma_start3A_265] : memref<20000x128xf32, #tpu.memory_space<hbm>> -> memref<20000x128xf32, #tpu.memory_space<hbm>>
        %dma_start3A_267 = arith.constant -1 : i32
        tpu.enqueue_indirect_dma source(%dma_start3A_266 : memref<20000x128xf32, #tpu.memory_space<hbm>>) target(%dma_start3A_260 : memref<128x128xf32, #tpu.memory_space<vmem>>) offsets(%dma_start3A_263 : memref<128xi32, #tpu.memory_space<vmem>>) offset_filter(%dma_start3A_267) semaphore(%arg13 : memref<!tpu.dma_semaphore, #tpu.memory_space<semaphore_mem>>)
      } else {
      }
      %ge3A = arith.constant 1 : i32
      %ge3A_125 = arith.cmpi sge, %add3A_109, %ge3A : i32
      %convert_element_type3A_126 = arith.extui %ge3A_125 : i1 to i32
      %cond3A_127 = arith.constant 0 : i32
      %cond3A_128 = arith.cmpi ne, %convert_element_type3A_126, %cond3A_127 : i32
      scf.if %cond3A_128 {
        %sub3A = arith.constant 1 : i32
        %sub3A_254 = arith.subi %add3A_109, %sub3A : i32
        %dma_wait3A_255 = arith.constant 3 : i32
        %dma_wait3A_256 = arith.constant 0 : i32
        %dma_wait3A_257 = arith.constant 0 : i32
        %dma_wait3A_258 = tpu.memref_slice %arg9[%dma_wait3A_255, %dma_wait3A_256, %dma_wait3A_257] : memref<4x128x128xf32, #tpu.memory_space<vmem>> -> memref<1x128x128xf32, #tpu.memory_space<vmem>>
        %dma_wait3A_259 = tpu.memref_squeeze %dma_wait3A_258 : memref<1x128x128xf32, #tpu.memory_space<vmem>> -> memref<128x128xf32, #tpu.memory_space<vmem>>
        %dma_wait3A_260 = arith.constant 0 : i32
        %dma_wait3A_261 = tpu.memref_slice %arg8[%sub3A_254, %dma_wait3A_260] : memref<80x128xi32, #tpu.memory_space<vmem>> -> memref<1x128xi32, #tpu.memory_space<vmem>>
        %dma_wait3A_262 = tpu.memref_squeeze %dma_wait3A_261 : memref<1x128xi32, #tpu.memory_space<vmem>> -> memref<128xi32, #tpu.memory_space<vmem>>
        %dma_wait3A_263 = arith.constant 0 : i32
        %dma_wait3A_264 = arith.constant 0 : i32
        %dma_wait3A_265 = tpu.memref_slice %arg10[%dma_wait3A_263, %dma_wait3A_264] : memref<5248x128xf32, #tpu.memory_space<vmem_shared>> -> memref<5248x128xf32, #tpu.memory_space<vmem_shared>>
        tpu.wait_indirect_dma semaphore(%arg18 : memref<!tpu.dma_semaphore, #tpu.memory_space<semaphore_mem>>) src(%dma_wait3A_259 : memref<128x128xf32, #tpu.memory_space<vmem>>) dst(%dma_wait3A_265 : memref<5248x128xf32, #tpu.memory_space<vmem_shared>>)
      } else {
      }
      %dma_start3A_129 = arith.constant 0 : i32
      %dma_start3A_130 = arith.constant 0 : i32
      %dma_start3A_131 = arith.constant 0 : i32
      %dma_start3A_132 = tpu.memref_slice %arg9[%dma_start3A_129, %dma_start3A_130, %dma_start3A_131] : memref<4x128x128xf32, #tpu.memory_space<vmem>> -> memref<1x128x128xf32, #tpu.memory_space<vmem>>
      %dma_start3A_133 = tpu.memref_squeeze %dma_start3A_132 : memref<1x128x128xf32, #tpu.memory_space<vmem>> -> memref<128x128xf32, #tpu.memory_space<vmem>>
      %dma_start3A_134 = arith.constant 0 : i32
      %dma_start3A_135 = tpu.memref_slice %arg8[%add3A_109, %dma_start3A_134] : memref<80x128xi32, #tpu.memory_space<vmem>> -> memref<1x128xi32, #tpu.memory_space<vmem>>
      %dma_start3A_136 = tpu.memref_squeeze %dma_start3A_135 : memref<1x128xi32, #tpu.memory_space<vmem>> -> memref<128xi32, #tpu.memory_space<vmem>>
      %dma_start3A_137 = arith.constant 0 : i32
      %dma_start3A_138 = arith.constant 0 : i32
      %dma_start3A_139 = tpu.memref_slice %arg10[%dma_start3A_137, %dma_start3A_138] : memref<5248x128xf32, #tpu.memory_space<vmem_shared>> -> memref<5248x128xf32, #tpu.memory_space<vmem_shared>>
      tpu.enqueue_indirect_dma source(%dma_start3A_133 : memref<128x128xf32, #tpu.memory_space<vmem>>) target(%dma_start3A_139 : memref<5248x128xf32, #tpu.memory_space<vmem_shared>>) offsets(%dma_start3A_136 : memref<128xi32, #tpu.memory_space<vmem>>) semaphore(%arg15 : memref<!tpu.dma_semaphore, #tpu.memory_space<semaphore_mem>>) {add = true}
      %mul3A_140 = arith.constant 4 : i32
      %mul3A_141 = arith.muli %scan3A_105, %mul3A_140 : i32
      %add3A_142 = arith.constant 1 : i32
      %add3A_143 = arith.addi %mul3A_141, %add3A_142 : i32
      %dma_wait3A_144 = arith.constant 1 : i32
      %dma_wait3A_145 = arith.constant 0 : i32
      %dma_wait3A_146 = arith.constant 0 : i32
      %dma_wait3A_147 = tpu.memref_slice %arg9[%dma_wait3A_144, %dma_wait3A_145, %dma_wait3A_146] : memref<4x128x128xf32, #tpu.memory_space<vmem>> -> memref<1x128x128xf32, #tpu.memory_space<vmem>>
      %dma_wait3A_148 = tpu.memref_squeeze %dma_wait3A_147 : memref<1x128x128xf32, #tpu.memory_space<vmem>> -> memref<128x128xf32, #tpu.memory_space<vmem>>
      %dma_wait3A_149 = arith.constant 0 : i32
      %dma_wait3A_150 = tpu.memref_slice %arg7[%add3A_143, %dma_wait3A_149] : memref<80x128xi32, #tpu.memory_space<vmem>> -> memref<1x128xi32, #tpu.memory_space<vmem>>
      %dma_wait3A_151 = tpu.memref_squeeze %dma_wait3A_150 : memref<1x128xi32, #tpu.memory_space<vmem>> -> memref<128xi32, #tpu.memory_space<vmem>>
      %dma_wait3A_152 = arith.constant 0 : i32
      %dma_wait3A_153 = arith.constant 0 : i32
      %dma_wait3A_154 = tpu.memref_slice %arg2[%dma_wait3A_152, %dma_wait3A_153] : memref<20000x128xf32, #tpu.memory_space<hbm>> -> memref<20000x128xf32, #tpu.memory_space<hbm>>
      tpu.wait_indirect_dma semaphore(%arg12 : memref<!tpu.dma_semaphore, #tpu.memory_space<semaphore_mem>>) src(%dma_wait3A_154 : memref<20000x128xf32, #tpu.memory_space<hbm>>) dst(%dma_wait3A_148 : memref<128x128xf32, #tpu.memory_space<vmem>>)
      %add3A_155 = arith.constant 2 : i32
      %add3A_156 = arith.addi %add3A_143, %add3A_155 : i32
      %lt3A_157 = arith.constant 80 : i32
      %lt3A_158 = arith.cmpi slt, %add3A_156, %lt3A_157 : i32
      %convert_element_type3A_159 = arith.extui %lt3A_158 : i1 to i32
      %cond3A_160 = arith.constant 0 : i32
      %cond3A_161 = arith.cmpi ne, %convert_element_type3A_159, %cond3A_160 : i32
      scf.if %cond3A_161 {
        %add3A_254 = arith.constant 2 : i32
        %add3A_255 = arith.addi %add3A_143, %add3A_254 : i32
        %dma_start3A_256 = arith.constant 3 : i32
        %dma_start3A_257 = arith.constant 0 : i32
        %dma_start3A_258 = arith.constant 0 : i32
        %dma_start3A_259 = tpu.memref_slice %arg9[%dma_start3A_256, %dma_start3A_257, %dma_start3A_258] : memref<4x128x128xf32, #tpu.memory_space<vmem>> -> memref<1x128x128xf32, #tpu.memory_space<vmem>>
        %dma_start3A_260 = tpu.memref_squeeze %dma_start3A_259 : memref<1x128x128xf32, #tpu.memory_space<vmem>> -> memref<128x128xf32, #tpu.memory_space<vmem>>
        %dma_start3A_261 = arith.constant 0 : i32
        %dma_start3A_262 = tpu.memref_slice %arg7[%add3A_255, %dma_start3A_261] : memref<80x128xi32, #tpu.memory_space<vmem>> -> memref<1x128xi32, #tpu.memory_space<vmem>>
        %dma_start3A_263 = tpu.memref_squeeze %dma_start3A_262 : memref<1x128xi32, #tpu.memory_space<vmem>> -> memref<128xi32, #tpu.memory_space<vmem>>
        %dma_start3A_264 = arith.constant 0 : i32
        %dma_start3A_265 = arith.constant 0 : i32
        %dma_start3A_266 = tpu.memref_slice %arg2[%dma_start3A_264, %dma_start3A_265] : memref<20000x128xf32, #tpu.memory_space<hbm>> -> memref<20000x128xf32, #tpu.memory_space<hbm>>
        %dma_start3A_267 = arith.constant -1 : i32
        tpu.enqueue_indirect_dma source(%dma_start3A_266 : memref<20000x128xf32, #tpu.memory_space<hbm>>) target(%dma_start3A_260 : memref<128x128xf32, #tpu.memory_space<vmem>>) offsets(%dma_start3A_263 : memref<128xi32, #tpu.memory_space<vmem>>) offset_filter(%dma_start3A_267) semaphore(%arg14 : memref<!tpu.dma_semaphore, #tpu.memory_space<semaphore_mem>>)
      } else {
      }
      %ge3A_162 = arith.constant 1 : i32
      %ge3A_163 = arith.cmpi sge, %add3A_143, %ge3A_162 : i32
      %convert_element_type3A_164 = arith.extui %ge3A_163 : i1 to i32
      %cond3A_165 = arith.constant 0 : i32
      %cond3A_166 = arith.cmpi ne, %convert_element_type3A_164, %cond3A_165 : i32
      scf.if %cond3A_166 {
        %sub3A = arith.constant 1 : i32
        %sub3A_254 = arith.subi %add3A_143, %sub3A : i32
        %dma_wait3A_255 = arith.constant 0 : i32
        %dma_wait3A_256 = arith.constant 0 : i32
        %dma_wait3A_257 = arith.constant 0 : i32
        %dma_wait3A_258 = tpu.memref_slice %arg9[%dma_wait3A_255, %dma_wait3A_256, %dma_wait3A_257] : memref<4x128x128xf32, #tpu.memory_space<vmem>> -> memref<1x128x128xf32, #tpu.memory_space<vmem>>
        %dma_wait3A_259 = tpu.memref_squeeze %dma_wait3A_258 : memref<1x128x128xf32, #tpu.memory_space<vmem>> -> memref<128x128xf32, #tpu.memory_space<vmem>>
        %dma_wait3A_260 = arith.constant 0 : i32
        %dma_wait3A_261 = tpu.memref_slice %arg8[%sub3A_254, %dma_wait3A_260] : memref<80x128xi32, #tpu.memory_space<vmem>> -> memref<1x128xi32, #tpu.memory_space<vmem>>
        %dma_wait3A_262 = tpu.memref_squeeze %dma_wait3A_261 : memref<1x128xi32, #tpu.memory_space<vmem>> -> memref<128xi32, #tpu.memory_space<vmem>>
        %dma_wait3A_263 = arith.constant 0 : i32
        %dma_wait3A_264 = arith.constant 0 : i32
        %dma_wait3A_265 = tpu.memref_slice %arg10[%dma_wait3A_263, %dma_wait3A_264] : memref<5248x128xf32, #tpu.memory_space<vmem_shared>> -> memref<5248x128xf32, #tpu.memory_space<vmem_shared>>
        tpu.wait_indirect_dma semaphore(%arg15 : memref<!tpu.dma_semaphore, #tpu.memory_space<semaphore_mem>>) src(%dma_wait3A_259 : memref<128x128xf32, #tpu.memory_space<vmem>>) dst(%dma_wait3A_265 : memref<5248x128xf32, #tpu.memory_space<vmem_shared>>)
      } else {
      }
      %dma_start3A_167 = arith.constant 1 : i32
      %dma_start3A_168 = arith.constant 0 : i32
      %dma_start3A_169 = arith.constant 0 : i32
      %dma_start3A_170 = tpu.memref_slice %arg9[%dma_start3A_167, %dma_start3A_168, %dma_start3A_169] : memref<4x128x128xf32, #tpu.memory_space<vmem>> -> memref<1x128x128xf32, #tpu.memory_space<vmem>>
      %dma_start3A_171 = tpu.memref_squeeze %dma_start3A_170 : memref<1x128x128xf32, #tpu.memory_space<vmem>> -> memref<128x128xf32, #tpu.memory_space<vmem>>
      %dma_start3A_172 = arith.constant 0 : i32
      %dma_start3A_173 = tpu.memref_slice %arg8[%add3A_143, %dma_start3A_172] : memref<80x128xi32, #tpu.memory_space<vmem>> -> memref<1x128xi32, #tpu.memory_space<vmem>>
      %dma_start3A_174 = tpu.memref_squeeze %dma_start3A_173 : memref<1x128xi32, #tpu.memory_space<vmem>> -> memref<128xi32, #tpu.memory_space<vmem>>
      %dma_start3A_175 = arith.constant 0 : i32
      %dma_start3A_176 = arith.constant 0 : i32
      %dma_start3A_177 = tpu.memref_slice %arg10[%dma_start3A_175, %dma_start3A_176] : memref<5248x128xf32, #tpu.memory_space<vmem_shared>> -> memref<5248x128xf32, #tpu.memory_space<vmem_shared>>
      tpu.enqueue_indirect_dma source(%dma_start3A_171 : memref<128x128xf32, #tpu.memory_space<vmem>>) target(%dma_start3A_177 : memref<5248x128xf32, #tpu.memory_space<vmem_shared>>) offsets(%dma_start3A_174 : memref<128xi32, #tpu.memory_space<vmem>>) semaphore(%arg16 : memref<!tpu.dma_semaphore, #tpu.memory_space<semaphore_mem>>) {add = true}
      %mul3A_178 = arith.constant 4 : i32
      %mul3A_179 = arith.muli %scan3A_105, %mul3A_178 : i32
      %add3A_180 = arith.constant 2 : i32
      %add3A_181 = arith.addi %mul3A_179, %add3A_180 : i32
      %dma_wait3A_182 = arith.constant 2 : i32
      %dma_wait3A_183 = arith.constant 0 : i32
      %dma_wait3A_184 = arith.constant 0 : i32
      %dma_wait3A_185 = tpu.memref_slice %arg9[%dma_wait3A_182, %dma_wait3A_183, %dma_wait3A_184] : memref<4x128x128xf32, #tpu.memory_space<vmem>> -> memref<1x128x128xf32, #tpu.memory_space<vmem>>
      %dma_wait3A_186 = tpu.memref_squeeze %dma_wait3A_185 : memref<1x128x128xf32, #tpu.memory_space<vmem>> -> memref<128x128xf32, #tpu.memory_space<vmem>>
      %dma_wait3A_187 = arith.constant 0 : i32
      %dma_wait3A_188 = tpu.memref_slice %arg7[%add3A_181, %dma_wait3A_187] : memref<80x128xi32, #tpu.memory_space<vmem>> -> memref<1x128xi32, #tpu.memory_space<vmem>>
      %dma_wait3A_189 = tpu.memref_squeeze %dma_wait3A_188 : memref<1x128xi32, #tpu.memory_space<vmem>> -> memref<128xi32, #tpu.memory_space<vmem>>
      %dma_wait3A_190 = arith.constant 0 : i32
      %dma_wait3A_191 = arith.constant 0 : i32
      %dma_wait3A_192 = tpu.memref_slice %arg2[%dma_wait3A_190, %dma_wait3A_191] : memref<20000x128xf32, #tpu.memory_space<hbm>> -> memref<20000x128xf32, #tpu.memory_space<hbm>>
      tpu.wait_indirect_dma semaphore(%arg13 : memref<!tpu.dma_semaphore, #tpu.memory_space<semaphore_mem>>) src(%dma_wait3A_192 : memref<20000x128xf32, #tpu.memory_space<hbm>>) dst(%dma_wait3A_186 : memref<128x128xf32, #tpu.memory_space<vmem>>)
      %add3A_193 = arith.constant 2 : i32
      %add3A_194 = arith.addi %add3A_181, %add3A_193 : i32
      %lt3A_195 = arith.constant 80 : i32
      %lt3A_196 = arith.cmpi slt, %add3A_194, %lt3A_195 : i32
      %convert_element_type3A_197 = arith.extui %lt3A_196 : i1 to i32
      %cond3A_198 = arith.constant 0 : i32
      %cond3A_199 = arith.cmpi ne, %convert_element_type3A_197, %cond3A_198 : i32
      scf.if %cond3A_199 {
        %add3A_254 = arith.constant 2 : i32
        %add3A_255 = arith.addi %add3A_181, %add3A_254 : i32
        %dma_start3A_256 = arith.constant 0 : i32
        %dma_start3A_257 = arith.constant 0 : i32
        %dma_start3A_258 = arith.constant 0 : i32
        %dma_start3A_259 = tpu.memref_slice %arg9[%dma_start3A_256, %dma_start3A_257, %dma_start3A_258] : memref<4x128x128xf32, #tpu.memory_space<vmem>> -> memref<1x128x128xf32, #tpu.memory_space<vmem>>
        %dma_start3A_260 = tpu.memref_squeeze %dma_start3A_259 : memref<1x128x128xf32, #tpu.memory_space<vmem>> -> memref<128x128xf32, #tpu.memory_space<vmem>>
        %dma_start3A_261 = arith.constant 0 : i32
        %dma_start3A_262 = tpu.memref_slice %arg7[%add3A_255, %dma_start3A_261] : memref<80x128xi32, #tpu.memory_space<vmem>> -> memref<1x128xi32, #tpu.memory_space<vmem>>
        %dma_start3A_263 = tpu.memref_squeeze %dma_start3A_262 : memref<1x128xi32, #tpu.memory_space<vmem>> -> memref<128xi32, #tpu.memory_space<vmem>>
        %dma_start3A_264 = arith.constant 0 : i32
        %dma_start3A_265 = arith.constant 0 : i32
        %dma_start3A_266 = tpu.memref_slice %arg2[%dma_start3A_264, %dma_start3A_265] : memref<20000x128xf32, #tpu.memory_space<hbm>> -> memref<20000x128xf32, #tpu.memory_space<hbm>>
        %dma_start3A_267 = arith.constant -1 : i32
        tpu.enqueue_indirect_dma source(%dma_start3A_266 : memref<20000x128xf32, #tpu.memory_space<hbm>>) target(%dma_start3A_260 : memref<128x128xf32, #tpu.memory_space<vmem>>) offsets(%dma_start3A_263 : memref<128xi32, #tpu.memory_space<vmem>>) offset_filter(%dma_start3A_267) semaphore(%arg11 : memref<!tpu.dma_semaphore, #tpu.memory_space<semaphore_mem>>)
      } else {
      }
      %ge3A_200 = arith.constant 1 : i32
      %ge3A_201 = arith.cmpi sge, %add3A_181, %ge3A_200 : i32
      %convert_element_type3A_202 = arith.extui %ge3A_201 : i1 to i32
      %cond3A_203 = arith.constant 0 : i32
      %cond3A_204 = arith.cmpi ne, %convert_element_type3A_202, %cond3A_203 : i32
      scf.if %cond3A_204 {
        %sub3A = arith.constant 1 : i32
        %sub3A_254 = arith.subi %add3A_181, %sub3A : i32
        %dma_wait3A_255 = arith.constant 1 : i32
        %dma_wait3A_256 = arith.constant 0 : i32
        %dma_wait3A_257 = arith.constant 0 : i32
        %dma_wait3A_258 = tpu.memref_slice %arg9[%dma_wait3A_255, %dma_wait3A_256, %dma_wait3A_257] : memref<4x128x128xf32, #tpu.memory_space<vmem>> -> memref<1x128x128xf32, #tpu.memory_space<vmem>>
        %dma_wait3A_259 = tpu.memref_squeeze %dma_wait3A_258 : memref<1x128x128xf32, #tpu.memory_space<vmem>> -> memref<128x128xf32, #tpu.memory_space<vmem>>
        %dma_wait3A_260 = arith.constant 0 : i32
        %dma_wait3A_261 = tpu.memref_slice %arg8[%sub3A_254, %dma_wait3A_260] : memref<80x128xi32, #tpu.memory_space<vmem>> -> memref<1x128xi32, #tpu.memory_space<vmem>>
        %dma_wait3A_262 = tpu.memref_squeeze %dma_wait3A_261 : memref<1x128xi32, #tpu.memory_space<vmem>> -> memref<128xi32, #tpu.memory_space<vmem>>
        %dma_wait3A_263 = arith.constant 0 : i32
        %dma_wait3A_264 = arith.constant 0 : i32
        %dma_wait3A_265 = tpu.memref_slice %arg10[%dma_wait3A_263, %dma_wait3A_264] : memref<5248x128xf32, #tpu.memory_space<vmem_shared>> -> memref<5248x128xf32, #tpu.memory_space<vmem_shared>>
        tpu.wait_indirect_dma semaphore(%arg16 : memref<!tpu.dma_semaphore, #tpu.memory_space<semaphore_mem>>) src(%dma_wait3A_259 : memref<128x128xf32, #tpu.memory_space<vmem>>) dst(%dma_wait3A_265 : memref<5248x128xf32, #tpu.memory_space<vmem_shared>>)
      } else {
      }
      %dma_start3A_205 = arith.constant 2 : i32
      %dma_start3A_206 = arith.constant 0 : i32
      %dma_start3A_207 = arith.constant 0 : i32
      %dma_start3A_208 = tpu.memref_slice %arg9[%dma_start3A_205, %dma_start3A_206, %dma_start3A_207] : memref<4x128x128xf32, #tpu.memory_space<vmem>> -> memref<1x128x128xf32, #tpu.memory_space<vmem>>
      %dma_start3A_209 = tpu.memref_squeeze %dma_start3A_208 : memref<1x128x128xf32, #tpu.memory_space<vmem>> -> memref<128x128xf32, #tpu.memory_space<vmem>>
      %dma_start3A_210 = arith.constant 0 : i32
      %dma_start3A_211 = tpu.memref_slice %arg8[%add3A_181, %dma_start3A_210] : memref<80x128xi32, #tpu.memory_space<vmem>> -> memref<1x128xi32, #tpu.memory_space<vmem>>
      %dma_start3A_212 = tpu.memref_squeeze %dma_start3A_211 : memref<1x128xi32, #tpu.memory_space<vmem>> -> memref<128xi32, #tpu.memory_space<vmem>>
      %dma_start3A_213 = arith.constant 0 : i32
      %dma_start3A_214 = arith.constant 0 : i32
      %dma_start3A_215 = tpu.memref_slice %arg10[%dma_start3A_213, %dma_start3A_214] : memref<5248x128xf32, #tpu.memory_space<vmem_shared>> -> memref<5248x128xf32, #tpu.memory_space<vmem_shared>>
      tpu.enqueue_indirect_dma source(%dma_start3A_209 : memref<128x128xf32, #tpu.memory_space<vmem>>) target(%dma_start3A_215 : memref<5248x128xf32, #tpu.memory_space<vmem_shared>>) offsets(%dma_start3A_212 : memref<128xi32, #tpu.memory_space<vmem>>) semaphore(%arg17 : memref<!tpu.dma_semaphore, #tpu.memory_space<semaphore_mem>>) {add = true}
      %mul3A_216 = arith.constant 4 : i32
      %mul3A_217 = arith.muli %scan3A_105, %mul3A_216 : i32
      %add3A_218 = arith.constant 3 : i32
      %add3A_219 = arith.addi %mul3A_217, %add3A_218 : i32
      %dma_wait3A_220 = arith.constant 3 : i32
      %dma_wait3A_221 = arith.constant 0 : i32
      %dma_wait3A_222 = arith.constant 0 : i32
      %dma_wait3A_223 = tpu.memref_slice %arg9[%dma_wait3A_220, %dma_wait3A_221, %dma_wait3A_222] : memref<4x128x128xf32, #tpu.memory_space<vmem>> -> memref<1x128x128xf32, #tpu.memory_space<vmem>>
      %dma_wait3A_224 = tpu.memref_squeeze %dma_wait3A_223 : memref<1x128x128xf32, #tpu.memory_space<vmem>> -> memref<128x128xf32, #tpu.memory_space<vmem>>
      %dma_wait3A_225 = arith.constant 0 : i32
      %dma_wait3A_226 = tpu.memref_slice %arg7[%add3A_219, %dma_wait3A_225] : memref<80x128xi32, #tpu.memory_space<vmem>> -> memref<1x128xi32, #tpu.memory_space<vmem>>
      %dma_wait3A_227 = tpu.memref_squeeze %dma_wait3A_226 : memref<1x128xi32, #tpu.memory_space<vmem>> -> memref<128xi32, #tpu.memory_space<vmem>>
      %dma_wait3A_228 = arith.constant 0 : i32
      %dma_wait3A_229 = arith.constant 0 : i32
      %dma_wait3A_230 = tpu.memref_slice %arg2[%dma_wait3A_228, %dma_wait3A_229] : memref<20000x128xf32, #tpu.memory_space<hbm>> -> memref<20000x128xf32, #tpu.memory_space<hbm>>
      tpu.wait_indirect_dma semaphore(%arg14 : memref<!tpu.dma_semaphore, #tpu.memory_space<semaphore_mem>>) src(%dma_wait3A_230 : memref<20000x128xf32, #tpu.memory_space<hbm>>) dst(%dma_wait3A_224 : memref<128x128xf32, #tpu.memory_space<vmem>>)
      %add3A_231 = arith.constant 2 : i32
      %add3A_232 = arith.addi %add3A_219, %add3A_231 : i32
      %lt3A_233 = arith.constant 80 : i32
      %lt3A_234 = arith.cmpi slt, %add3A_232, %lt3A_233 : i32
      %convert_element_type3A_235 = arith.extui %lt3A_234 : i1 to i32
      %cond3A_236 = arith.constant 0 : i32
      %cond3A_237 = arith.cmpi ne, %convert_element_type3A_235, %cond3A_236 : i32
      scf.if %cond3A_237 {
        %add3A_254 = arith.constant 2 : i32
        %add3A_255 = arith.addi %add3A_219, %add3A_254 : i32
        %dma_start3A_256 = arith.constant 1 : i32
        %dma_start3A_257 = arith.constant 0 : i32
        %dma_start3A_258 = arith.constant 0 : i32
        %dma_start3A_259 = tpu.memref_slice %arg9[%dma_start3A_256, %dma_start3A_257, %dma_start3A_258] : memref<4x128x128xf32, #tpu.memory_space<vmem>> -> memref<1x128x128xf32, #tpu.memory_space<vmem>>
        %dma_start3A_260 = tpu.memref_squeeze %dma_start3A_259 : memref<1x128x128xf32, #tpu.memory_space<vmem>> -> memref<128x128xf32, #tpu.memory_space<vmem>>
        %dma_start3A_261 = arith.constant 0 : i32
        %dma_start3A_262 = tpu.memref_slice %arg7[%add3A_255, %dma_start3A_261] : memref<80x128xi32, #tpu.memory_space<vmem>> -> memref<1x128xi32, #tpu.memory_space<vmem>>
        %dma_start3A_263 = tpu.memref_squeeze %dma_start3A_262 : memref<1x128xi32, #tpu.memory_space<vmem>> -> memref<128xi32, #tpu.memory_space<vmem>>
        %dma_start3A_264 = arith.constant 0 : i32
        %dma_start3A_265 = arith.constant 0 : i32
        %dma_start3A_266 = tpu.memref_slice %arg2[%dma_start3A_264, %dma_start3A_265] : memref<20000x128xf32, #tpu.memory_space<hbm>> -> memref<20000x128xf32, #tpu.memory_space<hbm>>
        %dma_start3A_267 = arith.constant -1 : i32
        tpu.enqueue_indirect_dma source(%dma_start3A_266 : memref<20000x128xf32, #tpu.memory_space<hbm>>) target(%dma_start3A_260 : memref<128x128xf32, #tpu.memory_space<vmem>>) offsets(%dma_start3A_263 : memref<128xi32, #tpu.memory_space<vmem>>) offset_filter(%dma_start3A_267) semaphore(%arg12 : memref<!tpu.dma_semaphore, #tpu.memory_space<semaphore_mem>>)
      } else {
      }
      %ge3A_238 = arith.constant 1 : i32
      %ge3A_239 = arith.cmpi sge, %add3A_219, %ge3A_238 : i32
      %convert_element_type3A_240 = arith.extui %ge3A_239 : i1 to i32
      %cond3A_241 = arith.constant 0 : i32
      %cond3A_242 = arith.cmpi ne, %convert_element_type3A_240, %cond3A_241 : i32
      scf.if %cond3A_242 {
        %sub3A = arith.constant 1 : i32
        %sub3A_254 = arith.subi %add3A_219, %sub3A : i32
        %dma_wait3A_255 = arith.constant 2 : i32
        %dma_wait3A_256 = arith.constant 0 : i32
        %dma_wait3A_257 = arith.constant 0 : i32
        %dma_wait3A_258 = tpu.memref_slice %arg9[%dma_wait3A_255, %dma_wait3A_256, %dma_wait3A_257] : memref<4x128x128xf32, #tpu.memory_space<vmem>> -> memref<1x128x128xf32, #tpu.memory_space<vmem>>
        %dma_wait3A_259 = tpu.memref_squeeze %dma_wait3A_258 : memref<1x128x128xf32, #tpu.memory_space<vmem>> -> memref<128x128xf32, #tpu.memory_space<vmem>>
        %dma_wait3A_260 = arith.constant 0 : i32
        %dma_wait3A_261 = tpu.memref_slice %arg8[%sub3A_254, %dma_wait3A_260] : memref<80x128xi32, #tpu.memory_space<vmem>> -> memref<1x128xi32, #tpu.memory_space<vmem>>
        %dma_wait3A_262 = tpu.memref_squeeze %dma_wait3A_261 : memref<1x128xi32, #tpu.memory_space<vmem>> -> memref<128xi32, #tpu.memory_space<vmem>>
        %dma_wait3A_263 = arith.constant 0 : i32
        %dma_wait3A_264 = arith.constant 0 : i32
        %dma_wait3A_265 = tpu.memref_slice %arg10[%dma_wait3A_263, %dma_wait3A_264] : memref<5248x128xf32, #tpu.memory_space<vmem_shared>> -> memref<5248x128xf32, #tpu.memory_space<vmem_shared>>
        tpu.wait_indirect_dma semaphore(%arg17 : memref<!tpu.dma_semaphore, #tpu.memory_space<semaphore_mem>>) src(%dma_wait3A_259 : memref<128x128xf32, #tpu.memory_space<vmem>>) dst(%dma_wait3A_265 : memref<5248x128xf32, #tpu.memory_space<vmem_shared>>)
      } else {
      }
      %dma_start3A_243 = arith.constant 3 : i32
      %dma_start3A_244 = arith.constant 0 : i32
      %dma_start3A_245 = arith.constant 0 : i32
      %dma_start3A_246 = tpu.memref_slice %arg9[%dma_start3A_243, %dma_start3A_244, %dma_start3A_245] : memref<4x128x128xf32, #tpu.memory_space<vmem>> -> memref<1x128x128xf32, #tpu.memory_space<vmem>>
      %dma_start3A_247 = tpu.memref_squeeze %dma_start3A_246 : memref<1x128x128xf32, #tpu.memory_space<vmem>> -> memref<128x128xf32, #tpu.memory_space<vmem>>
      %dma_start3A_248 = arith.constant 0 : i32
      %dma_start3A_249 = tpu.memref_slice %arg8[%add3A_219, %dma_start3A_248] : memref<80x128xi32, #tpu.memory_space<vmem>> -> memref<1x128xi32, #tpu.memory_space<vmem>>
      %dma_start3A_250 = tpu.memref_squeeze %dma_start3A_249 : memref<1x128xi32, #tpu.memory_space<vmem>> -> memref<128xi32, #tpu.memory_space<vmem>>
      %dma_start3A_251 = arith.constant 0 : i32
      %dma_start3A_252 = arith.constant 0 : i32
      %dma_start3A_253 = tpu.memref_slice %arg10[%dma_start3A_251, %dma_start3A_252] : memref<5248x128xf32, #tpu.memory_space<vmem_shared>> -> memref<5248x128xf32, #tpu.memory_space<vmem_shared>>
      tpu.enqueue_indirect_dma source(%dma_start3A_247 : memref<128x128xf32, #tpu.memory_space<vmem>>) target(%dma_start3A_253 : memref<5248x128xf32, #tpu.memory_space<vmem_shared>>) offsets(%dma_start3A_250 : memref<128xi32, #tpu.memory_space<vmem>>) semaphore(%arg18 : memref<!tpu.dma_semaphore, #tpu.memory_space<semaphore_mem>>) {add = true}
    }
    %scan3A_31 = arith.constant 20 : i32
    %dma_wait3A = arith.constant 3 : i32
    %dma_wait3A_32 = arith.constant 79 : i32
    %dma_wait3A_33 = arith.constant 0 : i32
    %dma_wait3A_34 = arith.constant 0 : i32
    %dma_wait3A_35 = tpu.memref_slice %arg9[%dma_wait3A, %dma_wait3A_33, %dma_wait3A_34] : memref<4x128x128xf32, #tpu.memory_space<vmem>> -> memref<1x128x128xf32, #tpu.memory_space<vmem>>
    %dma_wait3A_36 = tpu.memref_squeeze %dma_wait3A_35 : memref<1x128x128xf32, #tpu.memory_space<vmem>> -> memref<128x128xf32, #tpu.memory_space<vmem>>
    %dma_wait3A_37 = arith.constant 0 : i32
    %dma_wait3A_38 = tpu.memref_slice %arg8[%dma_wait3A_32, %dma_wait3A_37] : memref<80x128xi32, #tpu.memory_space<vmem>> -> memref<1x128xi32, #tpu.memory_space<vmem>>
    %dma_wait3A_39 = tpu.memref_squeeze %dma_wait3A_38 : memref<1x128xi32, #tpu.memory_space<vmem>> -> memref<128xi32, #tpu.memory_space<vmem>>
    %dma_wait3A_40 = arith.constant 0 : i32
    %dma_wait3A_41 = arith.constant 0 : i32
    %dma_wait3A_42 = tpu.memref_slice %arg10[%dma_wait3A_40, %dma_wait3A_41] : memref<5248x128xf32, #tpu.memory_space<vmem_shared>> -> memref<5248x128xf32, #tpu.memory_space<vmem_shared>>
    tpu.wait_indirect_dma semaphore(%arg18 : memref<!tpu.dma_semaphore, #tpu.memory_space<semaphore_mem>>) src(%dma_wait3A_36 : memref<128x128xf32, #tpu.memory_space<vmem>>) dst(%dma_wait3A_42 : memref<5248x128xf32, #tpu.memory_space<vmem_shared>>)
    %barrier3A_43 = arith.constant 0 : index
    tpu.barrier barrier_id(%barrier3A_43)
    %mul3A_44 = arith.constant 320 : i32
    %mul3A_45 = arith.muli %arg1, %mul3A_44 : i32
    %mul3A_46 = arith.constant 320 : i32
    %mul3A_47 = arith.muli %arg1, %mul3A_46 : i32
    %add3A = arith.constant 0 : i32
    %add3A_48 = arith.addi %add3A, %mul3A_47 : i32
    "tpu.region"() ({
      %run_scoped3A_105 = tpu.sem_alloc : memref<!tpu.dma_semaphore, #tpu.memory_space<semaphore_mem>>
      %dma_start3A_106 = arith.constant 0 : i32
      %dma_start3A_107 = tpu.memref_slice %arg6[%arg0, %add3A_48, %dma_start3A_106] : memref<2x10240x128xf32, #tpu.memory_space<hbm>> -> memref<1x320x128xf32, #tpu.memory_space<hbm>>
      %dma_start3A_108 = tpu.memref_squeeze %dma_start3A_107 : memref<1x320x128xf32, #tpu.memory_space<hbm>> -> memref<320x128xf32, #tpu.memory_space<hbm>>
      %dma_start3A_109 = arith.constant 0 : i32
      %dma_start3A_110 = tpu.memref_slice %arg10[%mul3A_45, %dma_start3A_109] : memref<5248x128xf32, #tpu.memory_space<vmem_shared>> -> memref<320x128xf32, #tpu.memory_space<vmem_shared>>
      tpu.enqueue_dma source(%dma_start3A_110 : memref<320x128xf32, #tpu.memory_space<vmem_shared>>) target(%dma_start3A_108 : memref<320x128xf32, #tpu.memory_space<hbm>>) target_semaphore(%run_scoped3A_105 : memref<!tpu.dma_semaphore, #tpu.memory_space<semaphore_mem>>)
      %dma_wait3A_111 = arith.constant 0 : i32
      %dma_wait3A_112 = tpu.memref_slice %arg6[%arg0, %add3A_48, %dma_wait3A_111] : memref<2x10240x128xf32, #tpu.memory_space<hbm>> -> memref<1x320x128xf32, #tpu.memory_space<hbm>>
      %dma_wait3A_113 = tpu.memref_squeeze %dma_wait3A_112 : memref<1x320x128xf32, #tpu.memory_space<hbm>> -> memref<320x128xf32, #tpu.memory_space<hbm>>
      %dma_wait3A_114 = arith.constant 0 : i32
      %dma_wait3A_115 = tpu.memref_slice %arg10[%mul3A_45, %dma_wait3A_114] : memref<5248x128xf32, #tpu.memory_space<vmem_shared>> -> memref<320x128xf32, #tpu.memory_space<vmem_shared>>
      tpu.wait_dma2 semaphore(%run_scoped3A_105 : memref<!tpu.dma_semaphore, #tpu.memory_space<semaphore_mem>>) src(%dma_wait3A_115 : memref<320x128xf32, #tpu.memory_space<vmem_shared>>) dst(%dma_wait3A_113 : memref<320x128xf32, #tpu.memory_space<hbm>>)
      tpu.yield
    }) : () -> ()
    %run_scoped3A_49 = arith.constant 1 : i32
    "tpu.region"() ({
      %run_scoped3A_105 = tpu.sem_alloc : memref<!tpu.dma_semaphore, #tpu.memory_space<semaphore_mem>>
      %dma_start3A_106 = arith.constant 0 : i32
      %dma_start3A_107 = arith.constant 0 : i32
      %dma_start3A_108 = tpu.memref_slice %arg3[%run_scoped3A_49, %arg0, %arg1, %dma_start3A_106, %dma_start3A_107] : memref<2x2x16x80x128xi32, #tpu.memory_space<hbm>> -> memref<1x1x1x80x128xi32, #tpu.memory_space<hbm>>
      %dma_start3A_109 = tpu.memref_squeeze %dma_start3A_108 : memref<1x1x1x80x128xi32, #tpu.memory_space<hbm>> -> memref<80x128xi32, #tpu.memory_space<hbm>>
      %dma_start3A_110 = arith.constant 0 : i32
      %dma_start3A_111 = arith.constant 0 : i32
      %dma_start3A_112 = tpu.memref_slice %arg3[%run_scoped3A_49, %arg0, %arg1, %dma_start3A_110, %dma_start3A_111] : memref<2x2x16x80x128xi32, #tpu.memory_space<hbm>> -> memref<1x1x1x80x128xi32, #tpu.memory_space<hbm>>
      %dma_start3A_113 = tpu.memref_squeeze %dma_start3A_112 : memref<1x1x1x80x128xi32, #tpu.memory_space<hbm>> -> memref<80x128xi32, #tpu.memory_space<hbm>>
      tpu.enqueue_dma source(%dma_start3A_113 : memref<80x128xi32, #tpu.memory_space<hbm>>) target(%arg7 : memref<80x128xi32, #tpu.memory_space<vmem>>) target_semaphore(%run_scoped3A_105 : memref<!tpu.dma_semaphore, #tpu.memory_space<semaphore_mem>>)
      %dma_wait3A_114 = arith.constant 0 : i32
      %dma_wait3A_115 = arith.constant 0 : i32
      %dma_wait3A_116 = tpu.memref_slice %arg3[%run_scoped3A_49, %arg0, %arg1, %dma_wait3A_114, %dma_wait3A_115] : memref<2x2x16x80x128xi32, #tpu.memory_space<hbm>> -> memref<1x1x1x80x128xi32, #tpu.memory_space<hbm>>
      %dma_wait3A_117 = tpu.memref_squeeze %dma_wait3A_116 : memref<1x1x1x80x128xi32, #tpu.memory_space<hbm>> -> memref<80x128xi32, #tpu.memory_space<hbm>>
      %dma_wait3A_118 = arith.constant 0 : i32
      %dma_wait3A_119 = arith.constant 0 : i32
      %dma_wait3A_120 = tpu.memref_slice %arg3[%run_scoped3A_49, %arg0, %arg1, %dma_wait3A_118, %dma_wait3A_119] : memref<2x2x16x80x128xi32, #tpu.memory_space<hbm>> -> memref<1x1x1x80x128xi32, #tpu.memory_space<hbm>>
      %dma_wait3A_121 = tpu.memref_squeeze %dma_wait3A_120 : memref<1x1x1x80x128xi32, #tpu.memory_space<hbm>> -> memref<80x128xi32, #tpu.memory_space<hbm>>
      tpu.wait_dma2 semaphore(%run_scoped3A_105 : memref<!tpu.dma_semaphore, #tpu.memory_space<semaphore_mem>>) src(%dma_wait3A_121 : memref<80x128xi32, #tpu.memory_space<hbm>>) dst(%arg7 : memref<80x128xi32, #tpu.memory_space<vmem>>)
      tpu.yield
    }) : () -> ()
    %run_scoped3A_50 = arith.constant 1 : i32
    "tpu.region"() ({
      %run_scoped3A_105 = tpu.sem_alloc : memref<!tpu.dma_semaphore, #tpu.memory_space<semaphore_mem>>
      %dma_start3A_106 = arith.constant 0 : i32
      %dma_start3A_107 = arith.constant 0 : i32
      %dma_start3A_108 = tpu.memref_slice %arg4[%run_scoped3A_50, %arg1, %dma_start3A_106, %dma_start3A_107] : memref<2x16x80x128xi32, #tpu.memory_space<hbm>> -> memref<1x1x80x128xi32, #tpu.memory_space<hbm>>
      %dma_start3A_109 = tpu.memref_squeeze %dma_start3A_108 : memref<1x1x80x128xi32, #tpu.memory_space<hbm>> -> memref<80x128xi32, #tpu.memory_space<hbm>>
      %dma_start3A_110 = arith.constant 0 : i32
      %dma_start3A_111 = arith.constant 0 : i32
      %dma_start3A_112 = tpu.memref_slice %arg4[%run_scoped3A_50, %arg1, %dma_start3A_110, %dma_start3A_111] : memref<2x16x80x128xi32, #tpu.memory_space<hbm>> -> memref<1x1x80x128xi32, #tpu.memory_space<hbm>>
      %dma_start3A_113 = tpu.memref_squeeze %dma_start3A_112 : memref<1x1x80x128xi32, #tpu.memory_space<hbm>> -> memref<80x128xi32, #tpu.memory_space<hbm>>
      tpu.enqueue_dma source(%dma_start3A_113 : memref<80x128xi32, #tpu.memory_space<hbm>>) target(%arg8 : memref<80x128xi32, #tpu.memory_space<vmem>>) target_semaphore(%run_scoped3A_105 : memref<!tpu.dma_semaphore, #tpu.memory_space<semaphore_mem>>)
      %dma_wait3A_114 = arith.constant 0 : i32
      %dma_wait3A_115 = arith.constant 0 : i32
      %dma_wait3A_116 = tpu.memref_slice %arg4[%run_scoped3A_50, %arg1, %dma_wait3A_114, %dma_wait3A_115] : memref<2x16x80x128xi32, #tpu.memory_space<hbm>> -> memref<1x1x80x128xi32, #tpu.memory_space<hbm>>
      %dma_wait3A_117 = tpu.memref_squeeze %dma_wait3A_116 : memref<1x1x80x128xi32, #tpu.memory_space<hbm>> -> memref<80x128xi32, #tpu.memory_space<hbm>>
      %dma_wait3A_118 = arith.constant 0 : i32
      %dma_wait3A_119 = arith.constant 0 : i32
      %dma_wait3A_120 = tpu.memref_slice %arg4[%run_scoped3A_50, %arg1, %dma_wait3A_118, %dma_wait3A_119] : memref<2x16x80x128xi32, #tpu.memory_space<hbm>> -> memref<1x1x80x128xi32, #tpu.memory_space<hbm>>
      %dma_wait3A_121 = tpu.memref_squeeze %dma_wait3A_120 : memref<1x1x80x128xi32, #tpu.memory_space<hbm>> -> memref<80x128xi32, #tpu.memory_space<hbm>>
      tpu.wait_dma2 semaphore(%run_scoped3A_105 : memref<!tpu.dma_semaphore, #tpu.memory_space<semaphore_mem>>) src(%dma_wait3A_121 : memref<80x128xi32, #tpu.memory_space<hbm>>) dst(%arg8 : memref<80x128xi32, #tpu.memory_space<vmem>>)
      tpu.yield
    }) : () -> ()
    %mul3A_51 = arith.constant 328 : i32
    %mul3A_52 = arith.muli %arg1, %mul3A_51 : i32
    "tpu.region"() ({
      %run_scoped3A_105 = tpu.sem_alloc : memref<!tpu.dma_semaphore, #tpu.memory_space<semaphore_mem>>
      %dma_start3A_106 = arith.constant 0 : i32
      %dma_start3A_107 = tpu.memref_slice %arg10[%mul3A_52, %dma_start3A_106] : memref<5248x128xf32, #tpu.memory_space<vmem_shared>> -> memref<328x128xf32, #tpu.memory_space<vmem_shared>>
      tpu.enqueue_dma source(%arg5 : memref<328x128xf32, #tpu.memory_space<hbm>>) target(%dma_start3A_107 : memref<328x128xf32, #tpu.memory_space<vmem_shared>>) target_semaphore(%run_scoped3A_105 : memref<!tpu.dma_semaphore, #tpu.memory_space<semaphore_mem>>)
      %dma_wait3A_108 = arith.constant 0 : i32
      %dma_wait3A_109 = tpu.memref_slice %arg10[%mul3A_52, %dma_wait3A_108] : memref<5248x128xf32, #tpu.memory_space<vmem_shared>> -> memref<328x128xf32, #tpu.memory_space<vmem_shared>>
      tpu.wait_dma2 semaphore(%run_scoped3A_105 : memref<!tpu.dma_semaphore, #tpu.memory_space<semaphore_mem>>) src(%arg5 : memref<328x128xf32, #tpu.memory_space<hbm>>) dst(%dma_wait3A_109 : memref<328x128xf32, #tpu.memory_space<vmem_shared>>)
      tpu.yield
    }) : () -> ()
    %barrier3A_53 = arith.constant 0 : index
    tpu.barrier barrier_id(%barrier3A_53)
    %dma_start3A_54 = arith.constant 0 : i32
    %dma_start3A_55 = arith.constant 0 : i32
    %dma_start3A_56 = arith.constant 0 : i32
    %dma_start3A_57 = arith.constant 0 : i32
    %dma_start3A_58 = tpu.memref_slice %arg9[%dma_start3A_55, %dma_start3A_56, %dma_start3A_57] : memref<4x128x128xf32, #tpu.memory_space<vmem>> -> memref<1x128x128xf32, #tpu.memory_space<vmem>>
    %dma_start3A_59 = tpu.memref_squeeze %dma_start3A_58 : memref<1x128x128xf32, #tpu.memory_space<vmem>> -> memref<128x128xf32, #tpu.memory_space<vmem>>
    %dma_start3A_60 = arith.constant 0 : i32
    %dma_start3A_61 = tpu.memref_slice %arg7[%dma_start3A_54, %dma_start3A_60] : memref<80x128xi32, #tpu.memory_space<vmem>> -> memref<1x128xi32, #tpu.memory_space<vmem>>
    %dma_start3A_62 = tpu.memref_squeeze %dma_start3A_61 : memref<1x128xi32, #tpu.memory_space<vmem>> -> memref<128xi32, #tpu.memory_space<vmem>>
    %dma_start3A_63 = arith.constant 0 : i32
    %dma_start3A_64 = arith.constant 0 : i32
    %dma_start3A_65 = tpu.memref_slice %arg2[%dma_start3A_63, %dma_start3A_64] : memref<20000x128xf32, #tpu.memory_space<hbm>> -> memref<20000x128xf32, #tpu.memory_space<hbm>>
    %dma_start3A_66 = arith.constant -1 : i32
    tpu.enqueue_indirect_dma source(%dma_start3A_65 : memref<20000x128xf32, #tpu.memory_space<hbm>>) target(%dma_start3A_59 : memref<128x128xf32, #tpu.memory_space<vmem>>) offsets(%dma_start3A_62 : memref<128xi32, #tpu.memory_space<vmem>>) offset_filter(%dma_start3A_66) semaphore(%arg11 : memref<!tpu.dma_semaphore, #tpu.memory_space<semaphore_mem>>)
    %dma_start3A_67 = arith.constant 1 : i32
    %dma_start3A_68 = arith.constant 1 : i32
    %dma_start3A_69 = arith.constant 0 : i32
    %dma_start3A_70 = arith.constant 0 : i32
    %dma_start3A_71 = tpu.memref_slice %arg9[%dma_start3A_68, %dma_start3A_69, %dma_start3A_70] : memref<4x128x128xf32, #tpu.memory_space<vmem>> -> memref<1x128x128xf32, #tpu.memory_space<vmem>>
    %dma_start3A_72 = tpu.memref_squeeze %dma_start3A_71 : memref<1x128x128xf32, #tpu.memory_space<vmem>> -> memref<128x128xf32, #tpu.memory_space<vmem>>
    %dma_start3A_73 = arith.constant 0 : i32
    %dma_start3A_74 = tpu.memref_slice %arg7[%dma_start3A_67, %dma_start3A_73] : memref<80x128xi32, #tpu.memory_space<vmem>> -> memref<1x128xi32, #tpu.memory_space<vmem>>
    %dma_start3A_75 = tpu.memref_squeeze %dma_start3A_74 : memref<1x128xi32, #tpu.memory_space<vmem>> -> memref<128xi32, #tpu.memory_space<vmem>>
    %dma_start3A_76 = arith.constant 0 : i32
    %dma_start3A_77 = arith.constant 0 : i32
    %dma_start3A_78 = tpu.memref_slice %arg2[%dma_start3A_76, %dma_start3A_77] : memref<20000x128xf32, #tpu.memory_space<hbm>> -> memref<20000x128xf32, #tpu.memory_space<hbm>>
    %dma_start3A_79 = arith.constant -1 : i32
    tpu.enqueue_indirect_dma source(%dma_start3A_78 : memref<20000x128xf32, #tpu.memory_space<hbm>>) target(%dma_start3A_72 : memref<128x128xf32, #tpu.memory_space<vmem>>) offsets(%dma_start3A_75 : memref<128xi32, #tpu.memory_space<vmem>>) offset_filter(%dma_start3A_79) semaphore(%arg12 : memref<!tpu.dma_semaphore, #tpu.memory_space<semaphore_mem>>)
    %scan3A_80 = arith.constant 0 : i32
    %scan3A_81 = arith.constant 0 : i32
    %scan3A_82 = arith.constant 20 : i32
    %scan3A_83 = arith.addi %scan3A_81, %scan3A_82 : i32
    %scan3A_84 = arith.constant 1 : i32
    scf.for %scan3A_105 = %scan3A_81 to %scan3A_83 step %scan3A_84  : i32 {
      %mul3A_106 = arith.constant 4 : i32
      %mul3A_107 = arith.muli %scan3A_105, %mul3A_106 : i32
      %add3A_108 = arith.constant 0 : i32
      %add3A_109 = arith.addi %mul3A_107, %add3A_108 : i32
      %dma_wait3A_110 = arith.constant 0 : i32
      %dma_wait3A_111 = arith.constant 0 : i32
      %dma_wait3A_112 = arith.constant 0 : i32
      %dma_wait3A_113 = tpu.memref_slice %arg9[%dma_wait3A_110, %dma_wait3A_111, %dma_wait3A_112] : memref<4x128x128xf32, #tpu.memory_space<vmem>> -> memref<1x128x128xf32, #tpu.memory_space<vmem>>
      %dma_wait3A_114 = tpu.memref_squeeze %dma_wait3A_113 : memref<1x128x128xf32, #tpu.memory_space<vmem>> -> memref<128x128xf32, #tpu.memory_space<vmem>>
      %dma_wait3A_115 = arith.constant 0 : i32
      %dma_wait3A_116 = tpu.memref_slice %arg7[%add3A_109, %dma_wait3A_115] : memref<80x128xi32, #tpu.memory_space<vmem>> -> memref<1x128xi32, #tpu.memory_space<vmem>>
      %dma_wait3A_117 = tpu.memref_squeeze %dma_wait3A_116 : memref<1x128xi32, #tpu.memory_space<vmem>> -> memref<128xi32, #tpu.memory_space<vmem>>
      %dma_wait3A_118 = arith.constant 0 : i32
      %dma_wait3A_119 = arith.constant 0 : i32
      %dma_wait3A_120 = tpu.memref_slice %arg2[%dma_wait3A_118, %dma_wait3A_119] : memref<20000x128xf32, #tpu.memory_space<hbm>> -> memref<20000x128xf32, #tpu.memory_space<hbm>>
      tpu.wait_indirect_dma semaphore(%arg11 : memref<!tpu.dma_semaphore, #tpu.memory_space<semaphore_mem>>) src(%dma_wait3A_120 : memref<20000x128xf32, #tpu.memory_space<hbm>>) dst(%dma_wait3A_114 : memref<128x128xf32, #tpu.memory_space<vmem>>)
      %add3A_121 = arith.constant 2 : i32
      %add3A_122 = arith.addi %add3A_109, %add3A_121 : i32
      %lt3A = arith.constant 80 : i32
      %lt3A_123 = arith.cmpi slt, %add3A_122, %lt3A : i32
      %convert_element_type3A = arith.extui %lt3A_123 : i1 to i32
      %cond3A = arith.constant 0 : i32
      %cond3A_124 = arith.cmpi ne, %convert_element_type3A, %cond3A : i32
      scf.if %cond3A_124 {
        %add3A_254 = arith.constant 2 : i32
        %add3A_255 = arith.addi %add3A_109, %add3A_254 : i32
        %dma_start3A_256 = arith.constant 2 : i32
        %dma_start3A_257 = arith.constant 0 : i32
        %dma_start3A_258 = arith.constant 0 : i32
        %dma_start3A_259 = tpu.memref_slice %arg9[%dma_start3A_256, %dma_start3A_257, %dma_start3A_258] : memref<4x128x128xf32, #tpu.memory_space<vmem>> -> memref<1x128x128xf32, #tpu.memory_space<vmem>>
        %dma_start3A_260 = tpu.memref_squeeze %dma_start3A_259 : memref<1x128x128xf32, #tpu.memory_space<vmem>> -> memref<128x128xf32, #tpu.memory_space<vmem>>
        %dma_start3A_261 = arith.constant 0 : i32
        %dma_start3A_262 = tpu.memref_slice %arg7[%add3A_255, %dma_start3A_261] : memref<80x128xi32, #tpu.memory_space<vmem>> -> memref<1x128xi32, #tpu.memory_space<vmem>>
        %dma_start3A_263 = tpu.memref_squeeze %dma_start3A_262 : memref<1x128xi32, #tpu.memory_space<vmem>> -> memref<128xi32, #tpu.memory_space<vmem>>
        %dma_start3A_264 = arith.constant 0 : i32
        %dma_start3A_265 = arith.constant 0 : i32
        %dma_start3A_266 = tpu.memref_slice %arg2[%dma_start3A_264, %dma_start3A_265] : memref<20000x128xf32, #tpu.memory_space<hbm>> -> memref<20000x128xf32, #tpu.memory_space<hbm>>
        %dma_start3A_267 = arith.constant -1 : i32
        tpu.enqueue_indirect_dma source(%dma_start3A_266 : memref<20000x128xf32, #tpu.memory_space<hbm>>) target(%dma_start3A_260 : memref<128x128xf32, #tpu.memory_space<vmem>>) offsets(%dma_start3A_263 : memref<128xi32, #tpu.memory_space<vmem>>) offset_filter(%dma_start3A_267) semaphore(%arg13 : memref<!tpu.dma_semaphore, #tpu.memory_space<semaphore_mem>>)
      } else {
      }
      %ge3A = arith.constant 1 : i32
      %ge3A_125 = arith.cmpi sge, %add3A_109, %ge3A : i32
      %convert_element_type3A_126 = arith.extui %ge3A_125 : i1 to i32
      %cond3A_127 = arith.constant 0 : i32
      %cond3A_128 = arith.cmpi ne, %convert_element_type3A_126, %cond3A_127 : i32
      scf.if %cond3A_128 {
        %sub3A = arith.constant 1 : i32
        %sub3A_254 = arith.subi %add3A_109, %sub3A : i32
        %dma_wait3A_255 = arith.constant 3 : i32
        %dma_wait3A_256 = arith.constant 0 : i32
        %dma_wait3A_257 = arith.constant 0 : i32
        %dma_wait3A_258 = tpu.memref_slice %arg9[%dma_wait3A_255, %dma_wait3A_256, %dma_wait3A_257] : memref<4x128x128xf32, #tpu.memory_space<vmem>> -> memref<1x128x128xf32, #tpu.memory_space<vmem>>
        %dma_wait3A_259 = tpu.memref_squeeze %dma_wait3A_258 : memref<1x128x128xf32, #tpu.memory_space<vmem>> -> memref<128x128xf32, #tpu.memory_space<vmem>>
        %dma_wait3A_260 = arith.constant 0 : i32
        %dma_wait3A_261 = tpu.memref_slice %arg8[%sub3A_254, %dma_wait3A_260] : memref<80x128xi32, #tpu.memory_space<vmem>> -> memref<1x128xi32, #tpu.memory_space<vmem>>
        %dma_wait3A_262 = tpu.memref_squeeze %dma_wait3A_261 : memref<1x128xi32, #tpu.memory_space<vmem>> -> memref<128xi32, #tpu.memory_space<vmem>>
        %dma_wait3A_263 = arith.constant 0 : i32
        %dma_wait3A_264 = arith.constant 0 : i32
        %dma_wait3A_265 = tpu.memref_slice %arg10[%dma_wait3A_263, %dma_wait3A_264] : memref<5248x128xf32, #tpu.memory_space<vmem_shared>> -> memref<5248x128xf32, #tpu.memory_space<vmem_shared>>
        tpu.wait_indirect_dma semaphore(%arg18 : memref<!tpu.dma_semaphore, #tpu.memory_space<semaphore_mem>>) src(%dma_wait3A_259 : memref<128x128xf32, #tpu.memory_space<vmem>>) dst(%dma_wait3A_265 : memref<5248x128xf32, #tpu.memory_space<vmem_shared>>)
      } else {
      }
      %dma_start3A_129 = arith.constant 0 : i32
      %dma_start3A_130 = arith.constant 0 : i32
      %dma_start3A_131 = arith.constant 0 : i32
      %dma_start3A_132 = tpu.memref_slice %arg9[%dma_start3A_129, %dma_start3A_130, %dma_start3A_131] : memref<4x128x128xf32, #tpu.memory_space<vmem>> -> memref<1x128x128xf32, #tpu.memory_space<vmem>>
      %dma_start3A_133 = tpu.memref_squeeze %dma_start3A_132 : memref<1x128x128xf32, #tpu.memory_space<vmem>> -> memref<128x128xf32, #tpu.memory_space<vmem>>
      %dma_start3A_134 = arith.constant 0 : i32
      %dma_start3A_135 = tpu.memref_slice %arg8[%add3A_109, %dma_start3A_134] : memref<80x128xi32, #tpu.memory_space<vmem>> -> memref<1x128xi32, #tpu.memory_space<vmem>>
      %dma_start3A_136 = tpu.memref_squeeze %dma_start3A_135 : memref<1x128xi32, #tpu.memory_space<vmem>> -> memref<128xi32, #tpu.memory_space<vmem>>
      %dma_start3A_137 = arith.constant 0 : i32
      %dma_start3A_138 = arith.constant 0 : i32
      %dma_start3A_139 = tpu.memref_slice %arg10[%dma_start3A_137, %dma_start3A_138] : memref<5248x128xf32, #tpu.memory_space<vmem_shared>> -> memref<5248x128xf32, #tpu.memory_space<vmem_shared>>
      tpu.enqueue_indirect_dma source(%dma_start3A_133 : memref<128x128xf32, #tpu.memory_space<vmem>>) target(%dma_start3A_139 : memref<5248x128xf32, #tpu.memory_space<vmem_shared>>) offsets(%dma_start3A_136 : memref<128xi32, #tpu.memory_space<vmem>>) semaphore(%arg15 : memref<!tpu.dma_semaphore, #tpu.memory_space<semaphore_mem>>) {add = true}
      %mul3A_140 = arith.constant 4 : i32
      %mul3A_141 = arith.muli %scan3A_105, %mul3A_140 : i32
      %add3A_142 = arith.constant 1 : i32
      %add3A_143 = arith.addi %mul3A_141, %add3A_142 : i32
      %dma_wait3A_144 = arith.constant 1 : i32
      %dma_wait3A_145 = arith.constant 0 : i32
      %dma_wait3A_146 = arith.constant 0 : i32
      %dma_wait3A_147 = tpu.memref_slice %arg9[%dma_wait3A_144, %dma_wait3A_145, %dma_wait3A_146] : memref<4x128x128xf32, #tpu.memory_space<vmem>> -> memref<1x128x128xf32, #tpu.memory_space<vmem>>
      %dma_wait3A_148 = tpu.memref_squeeze %dma_wait3A_147 : memref<1x128x128xf32, #tpu.memory_space<vmem>> -> memref<128x128xf32, #tpu.memory_space<vmem>>
      %dma_wait3A_149 = arith.constant 0 : i32
      %dma_wait3A_150 = tpu.memref_slice %arg7[%add3A_143, %dma_wait3A_149] : memref<80x128xi32, #tpu.memory_space<vmem>> -> memref<1x128xi32, #tpu.memory_space<vmem>>
      %dma_wait3A_151 = tpu.memref_squeeze %dma_wait3A_150 : memref<1x128xi32, #tpu.memory_space<vmem>> -> memref<128xi32, #tpu.memory_space<vmem>>
      %dma_wait3A_152 = arith.constant 0 : i32
      %dma_wait3A_153 = arith.constant 0 : i32
      %dma_wait3A_154 = tpu.memref_slice %arg2[%dma_wait3A_152, %dma_wait3A_153] : memref<20000x128xf32, #tpu.memory_space<hbm>> -> memref<20000x128xf32, #tpu.memory_space<hbm>>
      tpu.wait_indirect_dma semaphore(%arg12 : memref<!tpu.dma_semaphore, #tpu.memory_space<semaphore_mem>>) src(%dma_wait3A_154 : memref<20000x128xf32, #tpu.memory_space<hbm>>) dst(%dma_wait3A_148 : memref<128x128xf32, #tpu.memory_space<vmem>>)
      %add3A_155 = arith.constant 2 : i32
      %add3A_156 = arith.addi %add3A_143, %add3A_155 : i32
      %lt3A_157 = arith.constant 80 : i32
      %lt3A_158 = arith.cmpi slt, %add3A_156, %lt3A_157 : i32
      %convert_element_type3A_159 = arith.extui %lt3A_158 : i1 to i32
      %cond3A_160 = arith.constant 0 : i32
      %cond3A_161 = arith.cmpi ne, %convert_element_type3A_159, %cond3A_160 : i32
      scf.if %cond3A_161 {
        %add3A_254 = arith.constant 2 : i32
        %add3A_255 = arith.addi %add3A_143, %add3A_254 : i32
        %dma_start3A_256 = arith.constant 3 : i32
        %dma_start3A_257 = arith.constant 0 : i32
        %dma_start3A_258 = arith.constant 0 : i32
        %dma_start3A_259 = tpu.memref_slice %arg9[%dma_start3A_256, %dma_start3A_257, %dma_start3A_258] : memref<4x128x128xf32, #tpu.memory_space<vmem>> -> memref<1x128x128xf32, #tpu.memory_space<vmem>>
        %dma_start3A_260 = tpu.memref_squeeze %dma_start3A_259 : memref<1x128x128xf32, #tpu.memory_space<vmem>> -> memref<128x128xf32, #tpu.memory_space<vmem>>
        %dma_start3A_261 = arith.constant 0 : i32
        %dma_start3A_262 = tpu.memref_slice %arg7[%add3A_255, %dma_start3A_261] : memref<80x128xi32, #tpu.memory_space<vmem>> -> memref<1x128xi32, #tpu.memory_space<vmem>>
        %dma_start3A_263 = tpu.memref_squeeze %dma_start3A_262 : memref<1x128xi32, #tpu.memory_space<vmem>> -> memref<128xi32, #tpu.memory_space<vmem>>
        %dma_start3A_264 = arith.constant 0 : i32
        %dma_start3A_265 = arith.constant 0 : i32
        %dma_start3A_266 = tpu.memref_slice %arg2[%dma_start3A_264, %dma_start3A_265] : memref<20000x128xf32, #tpu.memory_space<hbm>> -> memref<20000x128xf32, #tpu.memory_space<hbm>>
        %dma_start3A_267 = arith.constant -1 : i32
        tpu.enqueue_indirect_dma source(%dma_start3A_266 : memref<20000x128xf32, #tpu.memory_space<hbm>>) target(%dma_start3A_260 : memref<128x128xf32, #tpu.memory_space<vmem>>) offsets(%dma_start3A_263 : memref<128xi32, #tpu.memory_space<vmem>>) offset_filter(%dma_start3A_267) semaphore(%arg14 : memref<!tpu.dma_semaphore, #tpu.memory_space<semaphore_mem>>)
      } else {
      }
      %ge3A_162 = arith.constant 1 : i32
      %ge3A_163 = arith.cmpi sge, %add3A_143, %ge3A_162 : i32
      %convert_element_type3A_164 = arith.extui %ge3A_163 : i1 to i32
      %cond3A_165 = arith.constant 0 : i32
      %cond3A_166 = arith.cmpi ne, %convert_element_type3A_164, %cond3A_165 : i32
      scf.if %cond3A_166 {
        %sub3A = arith.constant 1 : i32
        %sub3A_254 = arith.subi %add3A_143, %sub3A : i32
        %dma_wait3A_255 = arith.constant 0 : i32
        %dma_wait3A_256 = arith.constant 0 : i32
        %dma_wait3A_257 = arith.constant 0 : i32
        %dma_wait3A_258 = tpu.memref_slice %arg9[%dma_wait3A_255, %dma_wait3A_256, %dma_wait3A_257] : memref<4x128x128xf32, #tpu.memory_space<vmem>> -> memref<1x128x128xf32, #tpu.memory_space<vmem>>
        %dma_wait3A_259 = tpu.memref_squeeze %dma_wait3A_258 : memref<1x128x128xf32, #tpu.memory_space<vmem>> -> memref<128x128xf32, #tpu.memory_space<vmem>>
        %dma_wait3A_260 = arith.constant 0 : i32
        %dma_wait3A_261 = tpu.memref_slice %arg8[%sub3A_254, %dma_wait3A_260] : memref<80x128xi32, #tpu.memory_space<vmem>> -> memref<1x128xi32, #tpu.memory_space<vmem>>
        %dma_wait3A_262 = tpu.memref_squeeze %dma_wait3A_261 : memref<1x128xi32, #tpu.memory_space<vmem>> -> memref<128xi32, #tpu.memory_space<vmem>>
        %dma_wait3A_263 = arith.constant 0 : i32
        %dma_wait3A_264 = arith.constant 0 : i32
        %dma_wait3A_265 = tpu.memref_slice %arg10[%dma_wait3A_263, %dma_wait3A_264] : memref<5248x128xf32, #tpu.memory_space<vmem_shared>> -> memref<5248x128xf32, #tpu.memory_space<vmem_shared>>
        tpu.wait_indirect_dma semaphore(%arg15 : memref<!tpu.dma_semaphore, #tpu.memory_space<semaphore_mem>>) src(%dma_wait3A_259 : memref<128x128xf32, #tpu.memory_space<vmem>>) dst(%dma_wait3A_265 : memref<5248x128xf32, #tpu.memory_space<vmem_shared>>)
      } else {
      }
      %dma_start3A_167 = arith.constant 1 : i32
      %dma_start3A_168 = arith.constant 0 : i32
      %dma_start3A_169 = arith.constant 0 : i32
      %dma_start3A_170 = tpu.memref_slice %arg9[%dma_start3A_167, %dma_start3A_168, %dma_start3A_169] : memref<4x128x128xf32, #tpu.memory_space<vmem>> -> memref<1x128x128xf32, #tpu.memory_space<vmem>>
      %dma_start3A_171 = tpu.memref_squeeze %dma_start3A_170 : memref<1x128x128xf32, #tpu.memory_space<vmem>> -> memref<128x128xf32, #tpu.memory_space<vmem>>
      %dma_start3A_172 = arith.constant 0 : i32
      %dma_start3A_173 = tpu.memref_slice %arg8[%add3A_143, %dma_start3A_172] : memref<80x128xi32, #tpu.memory_space<vmem>> -> memref<1x128xi32, #tpu.memory_space<vmem>>
      %dma_start3A_174 = tpu.memref_squeeze %dma_start3A_173 : memref<1x128xi32, #tpu.memory_space<vmem>> -> memref<128xi32, #tpu.memory_space<vmem>>
      %dma_start3A_175 = arith.constant 0 : i32
      %dma_start3A_176 = arith.constant 0 : i32
      %dma_start3A_177 = tpu.memref_slice %arg10[%dma_start3A_175, %dma_start3A_176] : memref<5248x128xf32, #tpu.memory_space<vmem_shared>> -> memref<5248x128xf32, #tpu.memory_space<vmem_shared>>
      tpu.enqueue_indirect_dma source(%dma_start3A_171 : memref<128x128xf32, #tpu.memory_space<vmem>>) target(%dma_start3A_177 : memref<5248x128xf32, #tpu.memory_space<vmem_shared>>) offsets(%dma_start3A_174 : memref<128xi32, #tpu.memory_space<vmem>>) semaphore(%arg16 : memref<!tpu.dma_semaphore, #tpu.memory_space<semaphore_mem>>) {add = true}
      %mul3A_178 = arith.constant 4 : i32
      %mul3A_179 = arith.muli %scan3A_105, %mul3A_178 : i32
      %add3A_180 = arith.constant 2 : i32
      %add3A_181 = arith.addi %mul3A_179, %add3A_180 : i32
      %dma_wait3A_182 = arith.constant 2 : i32
      %dma_wait3A_183 = arith.constant 0 : i32
      %dma_wait3A_184 = arith.constant 0 : i32
      %dma_wait3A_185 = tpu.memref_slice %arg9[%dma_wait3A_182, %dma_wait3A_183, %dma_wait3A_184] : memref<4x128x128xf32, #tpu.memory_space<vmem>> -> memref<1x128x128xf32, #tpu.memory_space<vmem>>
      %dma_wait3A_186 = tpu.memref_squeeze %dma_wait3A_185 : memref<1x128x128xf32, #tpu.memory_space<vmem>> -> memref<128x128xf32, #tpu.memory_space<vmem>>
      %dma_wait3A_187 = arith.constant 0 : i32
      %dma_wait3A_188 = tpu.memref_slice %arg7[%add3A_181, %dma_wait3A_187] : memref<80x128xi32, #tpu.memory_space<vmem>> -> memref<1x128xi32, #tpu.memory_space<vmem>>
      %dma_wait3A_189 = tpu.memref_squeeze %dma_wait3A_188 : memref<1x128xi32, #tpu.memory_space<vmem>> -> memref<128xi32, #tpu.memory_space<vmem>>
      %dma_wait3A_190 = arith.constant 0 : i32
      %dma_wait3A_191 = arith.constant 0 : i32
      %dma_wait3A_192 = tpu.memref_slice %arg2[%dma_wait3A_190, %dma_wait3A_191] : memref<20000x128xf32, #tpu.memory_space<hbm>> -> memref<20000x128xf32, #tpu.memory_space<hbm>>
      tpu.wait_indirect_dma semaphore(%arg13 : memref<!tpu.dma_semaphore, #tpu.memory_space<semaphore_mem>>) src(%dma_wait3A_192 : memref<20000x128xf32, #tpu.memory_space<hbm>>) dst(%dma_wait3A_186 : memref<128x128xf32, #tpu.memory_space<vmem>>)
      %add3A_193 = arith.constant 2 : i32
      %add3A_194 = arith.addi %add3A_181, %add3A_193 : i32
      %lt3A_195 = arith.constant 80 : i32
      %lt3A_196 = arith.cmpi slt, %add3A_194, %lt3A_195 : i32
      %convert_element_type3A_197 = arith.extui %lt3A_196 : i1 to i32
      %cond3A_198 = arith.constant 0 : i32
      %cond3A_199 = arith.cmpi ne, %convert_element_type3A_197, %cond3A_198 : i32
      scf.if %cond3A_199 {
        %add3A_254 = arith.constant 2 : i32
        %add3A_255 = arith.addi %add3A_181, %add3A_254 : i32
        %dma_start3A_256 = arith.constant 0 : i32
        %dma_start3A_257 = arith.constant 0 : i32
        %dma_start3A_258 = arith.constant 0 : i32
        %dma_start3A_259 = tpu.memref_slice %arg9[%dma_start3A_256, %dma_start3A_257, %dma_start3A_258] : memref<4x128x128xf32, #tpu.memory_space<vmem>> -> memref<1x128x128xf32, #tpu.memory_space<vmem>>
        %dma_start3A_260 = tpu.memref_squeeze %dma_start3A_259 : memref<1x128x128xf32, #tpu.memory_space<vmem>> -> memref<128x128xf32, #tpu.memory_space<vmem>>
        %dma_start3A_261 = arith.constant 0 : i32
        %dma_start3A_262 = tpu.memref_slice %arg7[%add3A_255, %dma_start3A_261] : memref<80x128xi32, #tpu.memory_space<vmem>> -> memref<1x128xi32, #tpu.memory_space<vmem>>
        %dma_start3A_263 = tpu.memref_squeeze %dma_start3A_262 : memref<1x128xi32, #tpu.memory_space<vmem>> -> memref<128xi32, #tpu.memory_space<vmem>>
        %dma_start3A_264 = arith.constant 0 : i32
        %dma_start3A_265 = arith.constant 0 : i32
        %dma_start3A_266 = tpu.memref_slice %arg2[%dma_start3A_264, %dma_start3A_265] : memref<20000x128xf32, #tpu.memory_space<hbm>> -> memref<20000x128xf32, #tpu.memory_space<hbm>>
        %dma_start3A_267 = arith.constant -1 : i32
        tpu.enqueue_indirect_dma source(%dma_start3A_266 : memref<20000x128xf32, #tpu.memory_space<hbm>>) target(%dma_start3A_260 : memref<128x128xf32, #tpu.memory_space<vmem>>) offsets(%dma_start3A_263 : memref<128xi32, #tpu.memory_space<vmem>>) offset_filter(%dma_start3A_267) semaphore(%arg11 : memref<!tpu.dma_semaphore, #tpu.memory_space<semaphore_mem>>)
      } else {
      }
      %ge3A_200 = arith.constant 1 : i32
      %ge3A_201 = arith.cmpi sge, %add3A_181, %ge3A_200 : i32
      %convert_element_type3A_202 = arith.extui %ge3A_201 : i1 to i32
      %cond3A_203 = arith.constant 0 : i32
      %cond3A_204 = arith.cmpi ne, %convert_element_type3A_202, %cond3A_203 : i32
      scf.if %cond3A_204 {
        %sub3A = arith.constant 1 : i32
        %sub3A_254 = arith.subi %add3A_181, %sub3A : i32
        %dma_wait3A_255 = arith.constant 1 : i32
        %dma_wait3A_256 = arith.constant 0 : i32
        %dma_wait3A_257 = arith.constant 0 : i32
        %dma_wait3A_258 = tpu.memref_slice %arg9[%dma_wait3A_255, %dma_wait3A_256, %dma_wait3A_257] : memref<4x128x128xf32, #tpu.memory_space<vmem>> -> memref<1x128x128xf32, #tpu.memory_space<vmem>>
        %dma_wait3A_259 = tpu.memref_squeeze %dma_wait3A_258 : memref<1x128x128xf32, #tpu.memory_space<vmem>> -> memref<128x128xf32, #tpu.memory_space<vmem>>
        %dma_wait3A_260 = arith.constant 0 : i32
        %dma_wait3A_261 = tpu.memref_slice %arg8[%sub3A_254, %dma_wait3A_260] : memref<80x128xi32, #tpu.memory_space<vmem>> -> memref<1x128xi32, #tpu.memory_space<vmem>>
        %dma_wait3A_262 = tpu.memref_squeeze %dma_wait3A_261 : memref<1x128xi32, #tpu.memory_space<vmem>> -> memref<128xi32, #tpu.memory_space<vmem>>
        %dma_wait3A_263 = arith.constant 0 : i32
        %dma_wait3A_264 = arith.constant 0 : i32
        %dma_wait3A_265 = tpu.memref_slice %arg10[%dma_wait3A_263, %dma_wait3A_264] : memref<5248x128xf32, #tpu.memory_space<vmem_shared>> -> memref<5248x128xf32, #tpu.memory_space<vmem_shared>>
        tpu.wait_indirect_dma semaphore(%arg16 : memref<!tpu.dma_semaphore, #tpu.memory_space<semaphore_mem>>) src(%dma_wait3A_259 : memref<128x128xf32, #tpu.memory_space<vmem>>) dst(%dma_wait3A_265 : memref<5248x128xf32, #tpu.memory_space<vmem_shared>>)
      } else {
      }
      %dma_start3A_205 = arith.constant 2 : i32
      %dma_start3A_206 = arith.constant 0 : i32
      %dma_start3A_207 = arith.constant 0 : i32
      %dma_start3A_208 = tpu.memref_slice %arg9[%dma_start3A_205, %dma_start3A_206, %dma_start3A_207] : memref<4x128x128xf32, #tpu.memory_space<vmem>> -> memref<1x128x128xf32, #tpu.memory_space<vmem>>
      %dma_start3A_209 = tpu.memref_squeeze %dma_start3A_208 : memref<1x128x128xf32, #tpu.memory_space<vmem>> -> memref<128x128xf32, #tpu.memory_space<vmem>>
      %dma_start3A_210 = arith.constant 0 : i32
      %dma_start3A_211 = tpu.memref_slice %arg8[%add3A_181, %dma_start3A_210] : memref<80x128xi32, #tpu.memory_space<vmem>> -> memref<1x128xi32, #tpu.memory_space<vmem>>
      %dma_start3A_212 = tpu.memref_squeeze %dma_start3A_211 : memref<1x128xi32, #tpu.memory_space<vmem>> -> memref<128xi32, #tpu.memory_space<vmem>>
      %dma_start3A_213 = arith.constant 0 : i32
      %dma_start3A_214 = arith.constant 0 : i32
      %dma_start3A_215 = tpu.memref_slice %arg10[%dma_start3A_213, %dma_start3A_214] : memref<5248x128xf32, #tpu.memory_space<vmem_shared>> -> memref<5248x128xf32, #tpu.memory_space<vmem_shared>>
      tpu.enqueue_indirect_dma source(%dma_start3A_209 : memref<128x128xf32, #tpu.memory_space<vmem>>) target(%dma_start3A_215 : memref<5248x128xf32, #tpu.memory_space<vmem_shared>>) offsets(%dma_start3A_212 : memref<128xi32, #tpu.memory_space<vmem>>) semaphore(%arg17 : memref<!tpu.dma_semaphore, #tpu.memory_space<semaphore_mem>>) {add = true}
      %mul3A_216 = arith.constant 4 : i32
      %mul3A_217 = arith.muli %scan3A_105, %mul3A_216 : i32
      %add3A_218 = arith.constant 3 : i32
      %add3A_219 = arith.addi %mul3A_217, %add3A_218 : i32
      %dma_wait3A_220 = arith.constant 3 : i32
      %dma_wait3A_221 = arith.constant 0 : i32
      %dma_wait3A_222 = arith.constant 0 : i32
      %dma_wait3A_223 = tpu.memref_slice %arg9[%dma_wait3A_220, %dma_wait3A_221, %dma_wait3A_222] : memref<4x128x128xf32, #tpu.memory_space<vmem>> -> memref<1x128x128xf32, #tpu.memory_space<vmem>>
      %dma_wait3A_224 = tpu.memref_squeeze %dma_wait3A_223 : memref<1x128x128xf32, #tpu.memory_space<vmem>> -> memref<128x128xf32, #tpu.memory_space<vmem>>
      %dma_wait3A_225 = arith.constant 0 : i32
      %dma_wait3A_226 = tpu.memref_slice %arg7[%add3A_219, %dma_wait3A_225] : memref<80x128xi32, #tpu.memory_space<vmem>> -> memref<1x128xi32, #tpu.memory_space<vmem>>
      %dma_wait3A_227 = tpu.memref_squeeze %dma_wait3A_226 : memref<1x128xi32, #tpu.memory_space<vmem>> -> memref<128xi32, #tpu.memory_space<vmem>>
      %dma_wait3A_228 = arith.constant 0 : i32
      %dma_wait3A_229 = arith.constant 0 : i32
      %dma_wait3A_230 = tpu.memref_slice %arg2[%dma_wait3A_228, %dma_wait3A_229] : memref<20000x128xf32, #tpu.memory_space<hbm>> -> memref<20000x128xf32, #tpu.memory_space<hbm>>
      tpu.wait_indirect_dma semaphore(%arg14 : memref<!tpu.dma_semaphore, #tpu.memory_space<semaphore_mem>>) src(%dma_wait3A_230 : memref<20000x128xf32, #tpu.memory_space<hbm>>) dst(%dma_wait3A_224 : memref<128x128xf32, #tpu.memory_space<vmem>>)
      %add3A_231 = arith.constant 2 : i32
      %add3A_232 = arith.addi %add3A_219, %add3A_231 : i32
      %lt3A_233 = arith.constant 80 : i32
      %lt3A_234 = arith.cmpi slt, %add3A_232, %lt3A_233 : i32
      %convert_element_type3A_235 = arith.extui %lt3A_234 : i1 to i32
      %cond3A_236 = arith.constant 0 : i32
      %cond3A_237 = arith.cmpi ne, %convert_element_type3A_235, %cond3A_236 : i32
      scf.if %cond3A_237 {
        %add3A_254 = arith.constant 2 : i32
        %add3A_255 = arith.addi %add3A_219, %add3A_254 : i32
        %dma_start3A_256 = arith.constant 1 : i32
        %dma_start3A_257 = arith.constant 0 : i32
        %dma_start3A_258 = arith.constant 0 : i32
        %dma_start3A_259 = tpu.memref_slice %arg9[%dma_start3A_256, %dma_start3A_257, %dma_start3A_258] : memref<4x128x128xf32, #tpu.memory_space<vmem>> -> memref<1x128x128xf32, #tpu.memory_space<vmem>>
        %dma_start3A_260 = tpu.memref_squeeze %dma_start3A_259 : memref<1x128x128xf32, #tpu.memory_space<vmem>> -> memref<128x128xf32, #tpu.memory_space<vmem>>
        %dma_start3A_261 = arith.constant 0 : i32
        %dma_start3A_262 = tpu.memref_slice %arg7[%add3A_255, %dma_start3A_261] : memref<80x128xi32, #tpu.memory_space<vmem>> -> memref<1x128xi32, #tpu.memory_space<vmem>>
        %dma_start3A_263 = tpu.memref_squeeze %dma_start3A_262 : memref<1x128xi32, #tpu.memory_space<vmem>> -> memref<128xi32, #tpu.memory_space<vmem>>
        %dma_start3A_264 = arith.constant 0 : i32
        %dma_start3A_265 = arith.constant 0 : i32
        %dma_start3A_266 = tpu.memref_slice %arg2[%dma_start3A_264, %dma_start3A_265] : memref<20000x128xf32, #tpu.memory_space<hbm>> -> memref<20000x128xf32, #tpu.memory_space<hbm>>
        %dma_start3A_267 = arith.constant -1 : i32
        tpu.enqueue_indirect_dma source(%dma_start3A_266 : memref<20000x128xf32, #tpu.memory_space<hbm>>) target(%dma_start3A_260 : memref<128x128xf32, #tpu.memory_space<vmem>>) offsets(%dma_start3A_263 : memref<128xi32, #tpu.memory_space<vmem>>) offset_filter(%dma_start3A_267) semaphore(%arg12 : memref<!tpu.dma_semaphore, #tpu.memory_space<semaphore_mem>>)
      } else {
      }
      %ge3A_238 = arith.constant 1 : i32
      %ge3A_239 = arith.cmpi sge, %add3A_219, %ge3A_238 : i32
      %convert_element_type3A_240 = arith.extui %ge3A_239 : i1 to i32
      %cond3A_241 = arith.constant 0 : i32
      %cond3A_242 = arith.cmpi ne, %convert_element_type3A_240, %cond3A_241 : i32
      scf.if %cond3A_242 {
        %sub3A = arith.constant 1 : i32
        %sub3A_254 = arith.subi %add3A_219, %sub3A : i32
        %dma_wait3A_255 = arith.constant 2 : i32
        %dma_wait3A_256 = arith.constant 0 : i32
        %dma_wait3A_257 = arith.constant 0 : i32
        %dma_wait3A_258 = tpu.memref_slice %arg9[%dma_wait3A_255, %dma_wait3A_256, %dma_wait3A_257] : memref<4x128x128xf32, #tpu.memory_space<vmem>> -> memref<1x128x128xf32, #tpu.memory_space<vmem>>
        %dma_wait3A_259 = tpu.memref_squeeze %dma_wait3A_258 : memref<1x128x128xf32, #tpu.memory_space<vmem>> -> memref<128x128xf32, #tpu.memory_space<vmem>>
        %dma_wait3A_260 = arith.constant 0 : i32
        %dma_wait3A_261 = tpu.memref_slice %arg8[%sub3A_254, %dma_wait3A_260] : memref<80x128xi32, #tpu.memory_space<vmem>> -> memref<1x128xi32, #tpu.memory_space<vmem>>
        %dma_wait3A_262 = tpu.memref_squeeze %dma_wait3A_261 : memref<1x128xi32, #tpu.memory_space<vmem>> -> memref<128xi32, #tpu.memory_space<vmem>>
        %dma_wait3A_263 = arith.constant 0 : i32
        %dma_wait3A_264 = arith.constant 0 : i32
        %dma_wait3A_265 = tpu.memref_slice %arg10[%dma_wait3A_263, %dma_wait3A_264] : memref<5248x128xf32, #tpu.memory_space<vmem_shared>> -> memref<5248x128xf32, #tpu.memory_space<vmem_shared>>
        tpu.wait_indirect_dma semaphore(%arg17 : memref<!tpu.dma_semaphore, #tpu.memory_space<semaphore_mem>>) src(%dma_wait3A_259 : memref<128x128xf32, #tpu.memory_space<vmem>>) dst(%dma_wait3A_265 : memref<5248x128xf32, #tpu.memory_space<vmem_shared>>)
      } else {
      }
      %dma_start3A_243 = arith.constant 3 : i32
      %dma_start3A_244 = arith.constant 0 : i32
      %dma_start3A_245 = arith.constant 0 : i32
      %dma_start3A_246 = tpu.memref_slice %arg9[%dma_start3A_243, %dma_start3A_244, %dma_start3A_245] : memref<4x128x128xf32, #tpu.memory_space<vmem>> -> memref<1x128x128xf32, #tpu.memory_space<vmem>>
      %dma_start3A_247 = tpu.memref_squeeze %dma_start3A_246 : memref<1x128x128xf32, #tpu.memory_space<vmem>> -> memref<128x128xf32, #tpu.memory_space<vmem>>
      %dma_start3A_248 = arith.constant 0 : i32
      %dma_start3A_249 = tpu.memref_slice %arg8[%add3A_219, %dma_start3A_248] : memref<80x128xi32, #tpu.memory_space<vmem>> -> memref<1x128xi32, #tpu.memory_space<vmem>>
      %dma_start3A_250 = tpu.memref_squeeze %dma_start3A_249 : memref<1x128xi32, #tpu.memory_space<vmem>> -> memref<128xi32, #tpu.memory_space<vmem>>
      %dma_start3A_251 = arith.constant 0 : i32
      %dma_start3A_252 = arith.constant 0 : i32
      %dma_start3A_253 = tpu.memref_slice %arg10[%dma_start3A_251, %dma_start3A_252] : memref<5248x128xf32, #tpu.memory_space<vmem_shared>> -> memref<5248x128xf32, #tpu.memory_space<vmem_shared>>
      tpu.enqueue_indirect_dma source(%dma_start3A_247 : memref<128x128xf32, #tpu.memory_space<vmem>>) target(%dma_start3A_253 : memref<5248x128xf32, #tpu.memory_space<vmem_shared>>) offsets(%dma_start3A_250 : memref<128xi32, #tpu.memory_space<vmem>>) semaphore(%arg18 : memref<!tpu.dma_semaphore, #tpu.memory_space<semaphore_mem>>) {add = true}
    }
    %scan3A_85 = arith.constant 20 : i32
    %dma_wait3A_86 = arith.constant 3 : i32
    %dma_wait3A_87 = arith.constant 79 : i32
    %dma_wait3A_88 = arith.constant 0 : i32
    %dma_wait3A_89 = arith.constant 0 : i32
    %dma_wait3A_90 = tpu.memref_slice %arg9[%dma_wait3A_86, %dma_wait3A_88, %dma_wait3A_89] : memref<4x128x128xf32, #tpu.memory_space<vmem>> -> memref<1x128x128xf32, #tpu.memory_space<vmem>>
    %dma_wait3A_91 = tpu.memref_squeeze %dma_wait3A_90 : memref<1x128x128xf32, #tpu.memory_space<vmem>> -> memref<128x128xf32, #tpu.memory_space<vmem>>
    %dma_wait3A_92 = arith.constant 0 : i32
    %dma_wait3A_93 = tpu.memref_slice %arg8[%dma_wait3A_87, %dma_wait3A_92] : memref<80x128xi32, #tpu.memory_space<vmem>> -> memref<1x128xi32, #tpu.memory_space<vmem>>
    %dma_wait3A_94 = tpu.memref_squeeze %dma_wait3A_93 : memref<1x128xi32, #tpu.memory_space<vmem>> -> memref<128xi32, #tpu.memory_space<vmem>>
    %dma_wait3A_95 = arith.constant 0 : i32
    %dma_wait3A_96 = arith.constant 0 : i32
    %dma_wait3A_97 = tpu.memref_slice %arg10[%dma_wait3A_95, %dma_wait3A_96] : memref<5248x128xf32, #tpu.memory_space<vmem_shared>> -> memref<5248x128xf32, #tpu.memory_space<vmem_shared>>
    tpu.wait_indirect_dma semaphore(%arg18 : memref<!tpu.dma_semaphore, #tpu.memory_space<semaphore_mem>>) src(%dma_wait3A_91 : memref<128x128xf32, #tpu.memory_space<vmem>>) dst(%dma_wait3A_97 : memref<5248x128xf32, #tpu.memory_space<vmem_shared>>)
    %barrier3A_98 = arith.constant 0 : index
    tpu.barrier barrier_id(%barrier3A_98)
    %mul3A_99 = arith.constant 320 : i32
    %mul3A_100 = arith.muli %arg1, %mul3A_99 : i32
    %mul3A_101 = arith.constant 320 : i32
    %mul3A_102 = arith.muli %arg1, %mul3A_101 : i32
    %add3A_103 = arith.constant 5120 : i32
    %add3A_104 = arith.addi %add3A_103, %mul3A_102 : i32
    "tpu.region"() ({
      %run_scoped3A_105 = tpu.sem_alloc : memref<!tpu.dma_semaphore, #tpu.memory_space<semaphore_mem>>
      %dma_start3A_106 = arith.constant 0 : i32
      %dma_start3A_107 = tpu.memref_slice %arg6[%arg0, %add3A_104, %dma_start3A_106] : memref<2x10240x128xf32, #tpu.memory_space<hbm>> -> memref<1x320x128xf32, #tpu.memory_space<hbm>>
      %dma_start3A_108 = tpu.memref_squeeze %dma_start3A_107 : memref<1x320x128xf32, #tpu.memory_space<hbm>> -> memref<320x128xf32, #tpu.memory_space<hbm>>
      %dma_start3A_109 = arith.constant 0 : i32
      %dma_start3A_110 = tpu.memref_slice %arg10[%mul3A_100, %dma_start3A_109] : memref<5248x128xf32, #tpu.memory_space<vmem_shared>> -> memref<320x128xf32, #tpu.memory_space<vmem_shared>>
      tpu.enqueue_dma source(%dma_start3A_110 : memref<320x128xf32, #tpu.memory_space<vmem_shared>>) target(%dma_start3A_108 : memref<320x128xf32, #tpu.memory_space<hbm>>) target_semaphore(%run_scoped3A_105 : memref<!tpu.dma_semaphore, #tpu.memory_space<semaphore_mem>>)
      %dma_wait3A_111 = arith.constant 0 : i32
      %dma_wait3A_112 = tpu.memref_slice %arg6[%arg0, %add3A_104, %dma_wait3A_111] : memref<2x10240x128xf32, #tpu.memory_space<hbm>> -> memref<1x320x128xf32, #tpu.memory_space<hbm>>
      %dma_wait3A_113 = tpu.memref_squeeze %dma_wait3A_112 : memref<1x320x128xf32, #tpu.memory_space<hbm>> -> memref<320x128xf32, #tpu.memory_space<hbm>>
      %dma_wait3A_114 = arith.constant 0 : i32
      %dma_wait3A_115 = tpu.memref_slice %arg10[%mul3A_100, %dma_wait3A_114] : memref<5248x128xf32, #tpu.memory_space<vmem_shared>> -> memref<320x128xf32, #tpu.memory_space<vmem_shared>>
      tpu.wait_dma2 semaphore(%run_scoped3A_105 : memref<!tpu.dma_semaphore, #tpu.memory_space<semaphore_mem>>) src(%dma_wait3A_115 : memref<320x128xf32, #tpu.memory_space<vmem_shared>>) dst(%dma_wait3A_113 : memref<320x128xf32, #tpu.memory_space<hbm>>)
      tpu.yield
    }) : () -> ()
    return
  }
}

module attributes {stable_mosaic.version = 14 : i64} {
  func.func @_tc_entry_body(%arg0: i32, %arg1: memref<1000x256xf32, #tpu.memory_space<vmem>>, %arg2: memref<256x256xf32, #tpu.memory_space<vmem>>, %arg3: memref<256x256xf32, #tpu.memory_space<vmem>>, %arg4: memref<1x256xf32, #tpu.memory_space<vmem>>, %arg5: memref<1000x256xf32, #tpu.memory_space<vmem>>, %arg6: memref<2x1000x128xf32, #tpu.memory_space<vmem>>) attributes {dimension_semantics = [#tpu.dimension_semantics<arbitrary>], iteration_bounds = array<i64: 10>, scalar_prefetch = 0 : i64, scratch_operands = 0 : i64, tpu.core_type = #tpu.core_type<tc>, window_params = [{transform_indices = @transform_0, window_bounds = array<i64: 1000, 256>}, {pipeline_mode = #tpu.pipeline_mode<synchronous>, transform_indices = @transform_1, window_bounds = array<i64: 256, 256>}, {pipeline_mode = #tpu.pipeline_mode<synchronous>, transform_indices = @transform_2, window_bounds = array<i64: 256, 256>}, {pipeline_mode = #tpu.pipeline_mode<synchronous>, transform_indices = @transform_3, window_bounds = array<i64: 1, 256>}, {transform_indices = @transform_4, window_bounds = array<i64: 1000, 256>}, {transform_indices = @transform_5, window_bounds = array<i64: 2, 1000, 128>}]} {
    %get3A = arith.constant 0 : index
    %get3A_0 = arith.constant 0 : index
    %get3A_1 = vector.load %arg1[%get3A, %get3A_0] : memref<1000x256xf32, #tpu.memory_space<vmem>>, vector<1000x256xf32>
    %get3A_2 = arith.constant 0 : index
    %get3A_3 = arith.constant 0 : index
    %get3A_4 = vector.load %arg2[%get3A_2, %get3A_3] : memref<256x256xf32, #tpu.memory_space<vmem>>, vector<256x256xf32>
    %dot_general3A = arith.constant dense<0.000000e+00> : vector<1000x256xf32>
    %dot_general3A_5 = tpu.matmul %get3A_1, %get3A_4, %dot_general3A {dimension_numbers = #tpu.dot_dimension_numbers<[1], [0], [0], [1], [0, 0, 1, 1], [], []>, transpose_lhs_hint = false} : vector<1000x256xf32>, vector<256x256xf32>, vector<1000x256xf32> -> vector<1000x256xf32>
    %get3A_6 = arith.constant 0 : index
    %get3A_7 = arith.constant 0 : index
    %get3A_8 = vector.load %arg4[%get3A_6, %get3A_7] : memref<1x256xf32, #tpu.memory_space<vmem>>, vector<1x256xf32>
    %add3A = vector.broadcast %get3A_8 : vector<1x256xf32> to vector<1000x256xf32>
    %add3A_9 = arith.addf %dot_general3A_5, %add3A : vector<1000x256xf32>
    %swap3A = arith.constant 0 : index
    %swap3A_10 = arith.constant 0 : index
    %swap3A_11 = vector.load %arg5[%swap3A, %swap3A_10] : memref<1000x256xf32, #tpu.memory_space<vmem>>, vector<1000x256xf32>
    tpu.vector_store %arg5[%swap3A, %swap3A_10], %add3A_9 {strides = array<i32>} : memref<1000x256xf32, #tpu.memory_space<vmem>>, vector<1000x256xf32>,
    %get3A_12 = arith.constant 0 : index
    %get3A_13 = arith.constant 0 : index
    %get3A_14 = vector.load %arg3[%get3A_12, %get3A_13] : memref<256x256xf32, #tpu.memory_space<vmem>>, vector<256x256xf32>
    %dot_general3A_15 = arith.constant dense<0.000000e+00> : vector<1000x256xf32>
    %dot_general3A_16 = tpu.matmul %get3A_1, %get3A_14, %dot_general3A_15 {dimension_numbers = #tpu.dot_dimension_numbers<[1], [0], [0], [1], [0, 0, 1, 1], [], []>, transpose_lhs_hint = false} : vector<1000x256xf32>, vector<256x256xf32>, vector<1000x256xf32> -> vector<1000x256xf32>
    %slice3A = vector.extract_strided_slice %dot_general3A_16 {offsets = [0, 0], sizes = [1000, 128], strides = [1, 1]} : vector<1000x256xf32> to vector<1000x128xf32>
    %swap3A_17 = arith.constant 0 : index
    %swap3A_18 = arith.constant 0 : index
    %swap3A_19 = arith.constant 0 : index
    %swap3A_20 = vector.load %arg6[%swap3A_17, %swap3A_18, %swap3A_19] : memref<2x1000x128xf32, #tpu.memory_space<vmem>>, vector<1x1000x128xf32>
    %swap3A_21 = vector.shape_cast %swap3A_20 : vector<1x1000x128xf32> to vector<1000x128xf32>
    %swap3A_22 = vector.shape_cast %slice3A : vector<1000x128xf32> to vector<1x1000x128xf32>
    tpu.vector_store %arg6[%swap3A_17, %swap3A_18, %swap3A_19], %swap3A_22 {strides = array<i32>} : memref<2x1000x128xf32, #tpu.memory_space<vmem>>, vector<1x1000x128xf32>,
    %slice3A_23 = vector.extract_strided_slice %dot_general3A_16 {offsets = [0, 128], sizes = [1000, 128], strides = [1, 1]} : vector<1000x256xf32> to vector<1000x128xf32>
    %swap3A_24 = arith.constant 1 : index
    %swap3A_25 = arith.constant 0 : index
    %swap3A_26 = arith.constant 0 : index
    %swap3A_27 = vector.load %arg6[%swap3A_24, %swap3A_25, %swap3A_26] : memref<2x1000x128xf32, #tpu.memory_space<vmem>>, vector<1x1000x128xf32>
    %swap3A_28 = vector.shape_cast %swap3A_27 : vector<1x1000x128xf32> to vector<1000x128xf32>
    %swap3A_29 = vector.shape_cast %slice3A_23 : vector<1000x128xf32> to vector<1x1000x128xf32>
    tpu.vector_store %arg6[%swap3A_24, %swap3A_25, %swap3A_26], %swap3A_29 {strides = array<i32>} : memref<2x1000x128xf32, #tpu.memory_space<vmem>>, vector<1x1000x128xf32>,
    return
  }
  func.func @transform_0(%arg0: i32) -> (i32, i32) {
    %c0_i32 = arith.constant 0 : i32
    %c0_i32_0 = arith.constant 0 : i32
    return %arg0, %c0_i32 : i32, i32
  }
  func.func @transform_1(%arg0: i32) -> (i32, i32) {
    %c0_i32 = arith.constant 0 : i32
    %c0_i32_0 = arith.constant 0 : i32
    %c0_i32_1 = arith.constant 0 : i32
    return %c0_i32, %c0_i32_0 : i32, i32
  }
  func.func @transform_2(%arg0: i32) -> (i32, i32) {
    %c0_i32 = arith.constant 0 : i32
    %c0_i32_0 = arith.constant 0 : i32
    %c0_i32_1 = arith.constant 0 : i32
    return %c0_i32, %c0_i32_0 : i32, i32
  }
  func.func @transform_3(%arg0: i32) -> (i32, i32) {
    %c0_i32 = arith.constant 0 : i32
    %c0_i32_0 = arith.constant 0 : i32
    %c0_i32_1 = arith.constant 0 : i32
    return %c0_i32, %c0_i32_0 : i32, i32
  }
  func.func @transform_4(%arg0: i32) -> (i32, i32) {
    %c0_i32 = arith.constant 0 : i32
    %c0_i32_0 = arith.constant 0 : i32
    return %arg0, %c0_i32 : i32, i32
  }
  func.func @transform_5(%arg0: i32) -> (i32, i32, i32) {
    %c0_i32 = arith.constant 0 : i32
    %c0_i32_0 = arith.constant 0 : i32
    %c0_i32_1 = arith.constant 0 : i32
    return %c0_i32, %arg0, %c0_i32_0 : i32, i32, i32
  }
}

module attributes {stable_mosaic.version = 14 : i64} {
  func.func @_tc_mid_body(%arg0: i32, %arg1: memref<1000x256xf32, #tpu.memory_space<vmem>>, %arg2: memref<2x1000x128xf32, #tpu.memory_space<vmem>>, %arg3: memref<2x1000x128xf32, #tpu.memory_space<vmem>>, %arg4: memref<256x256xf32, #tpu.memory_space<vmem>>, %arg5: memref<256x256xf32, #tpu.memory_space<vmem>>, %arg6: memref<1x256xf32, #tpu.memory_space<vmem>>, %arg7: memref<1000x256xf32, #tpu.memory_space<vmem>>, %arg8: memref<2x1000x128xf32, #tpu.memory_space<vmem>>) attributes {dimension_semantics = [#tpu.dimension_semantics<arbitrary>], iteration_bounds = array<i64: 10>, scalar_prefetch = 0 : i64, scratch_operands = 0 : i64, tpu.core_type = #tpu.core_type<tc>, window_params = [{transform_indices = @transform_0, window_bounds = array<i64: 1000, 256>}, {transform_indices = @transform_1, window_bounds = array<i64: 2, 1000, 128>}, {transform_indices = @transform_2, window_bounds = array<i64: 2, 1000, 128>}, {pipeline_mode = #tpu.pipeline_mode<synchronous>, transform_indices = @transform_3, window_bounds = array<i64: 256, 256>}, {pipeline_mode = #tpu.pipeline_mode<synchronous>, transform_indices = @transform_4, window_bounds = array<i64: 256, 256>}, {pipeline_mode = #tpu.pipeline_mode<synchronous>, transform_indices = @transform_5, window_bounds = array<i64: 1, 256>}, {transform_indices = @transform_6, window_bounds = array<i64: 1000, 256>}, {transform_indices = @transform_7, window_bounds = array<i64: 2, 1000, 128>}]} {
    %get3A = arith.constant 0 : index
    %get3A_0 = arith.constant 0 : index
    %get3A_1 = arith.constant 0 : index
    %get3A_2 = vector.load %arg3[%get3A, %get3A_0, %get3A_1] : memref<2x1000x128xf32, #tpu.memory_space<vmem>>, vector<1x1000x1xf32>
    %get3A_3 = vector.shape_cast %get3A_2 : vector<1x1000x1xf32> to vector<1000x1xf32>
    %get3A_4 = arith.constant 1 : index
    %get3A_5 = arith.constant 0 : index
    %get3A_6 = arith.constant 0 : index
    %get3A_7 = vector.load %arg3[%get3A_4, %get3A_5, %get3A_6] : memref<2x1000x128xf32, #tpu.memory_space<vmem>>, vector<1x1000x1xf32>
    %get3A_8 = vector.shape_cast %get3A_7 : vector<1x1000x1xf32> to vector<1000x1xf32>
    %add3A = arith.addf %get3A_3, %get3A_8 : vector<1000x1xf32>
    %max3A = arith.constant 1.000000e+00 : f32
    %max3A_9 = vector.broadcast %max3A : f32 to vector<1000x1xf32>
    %max3A_10 = arith.maximumf %add3A, %max3A_9 : vector<1000x1xf32>
    %div3A = arith.constant 1.000000e+00 : f32
    %div3A_11 = vector.broadcast %div3A : f32 to vector<1000x1xf32>
    %div3A_12 = arith.divf %div3A_11, %max3A_10 : vector<1000x1xf32>
    %get3A_13 = arith.constant 0 : index
    %get3A_14 = arith.constant 0 : index
    %get3A_15 = arith.constant 0 : index
    %get3A_16 = vector.load %arg2[%get3A_13, %get3A_14, %get3A_15] : memref<2x1000x128xf32, #tpu.memory_space<vmem>>, vector<1x1000x128xf32>
    %get3A_17 = vector.shape_cast %get3A_16 : vector<1x1000x128xf32> to vector<1000x128xf32>
    %get3A_18 = arith.constant 1 : index
    %get3A_19 = arith.constant 0 : index
    %get3A_20 = arith.constant 0 : index
    %get3A_21 = vector.load %arg2[%get3A_18, %get3A_19, %get3A_20] : memref<2x1000x128xf32, #tpu.memory_space<vmem>>, vector<1x1000x128xf32>
    %get3A_22 = vector.shape_cast %get3A_21 : vector<1x1000x128xf32> to vector<1000x128xf32>
    %concatenate3A = tpu.concatenate %get3A_17, %get3A_22 in 1 : vector<1000x128xf32>, vector<1000x128xf32> -> vector<1000x256xf32>
    %mul3A = vector.broadcast %div3A_12 : vector<1000x1xf32> to vector<1000x256xf32>
    %mul3A_23 = arith.mulf %concatenate3A, %mul3A : vector<1000x256xf32>
    %get3A_24 = arith.constant 0 : index
    %get3A_25 = arith.constant 0 : index
    %get3A_26 = vector.load %arg1[%get3A_24, %get3A_25] : memref<1000x256xf32, #tpu.memory_space<vmem>>, vector<1000x256xf32>
    %add3A_27 = arith.addf %get3A_26, %mul3A_23 : vector<1000x256xf32>
    %max3A_28 = arith.constant 0.000000e+00 : f32
    %max3A_29 = vector.broadcast %max3A_28 : f32 to vector<1000x256xf32>
    %max3A_30 = arith.maximumf %add3A_27, %max3A_29 : vector<1000x256xf32>
    %get3A_31 = arith.constant 0 : index
    %get3A_32 = arith.constant 0 : index
    %get3A_33 = vector.load %arg4[%get3A_31, %get3A_32] : memref<256x256xf32, #tpu.memory_space<vmem>>, vector<256x256xf32>
    %dot_general3A = arith.constant dense<0.000000e+00> : vector<1000x256xf32>
    %dot_general3A_34 = tpu.matmul %max3A_30, %get3A_33, %dot_general3A {dimension_numbers = #tpu.dot_dimension_numbers<[1], [0], [0], [1], [0, 0, 1, 1], [], []>, transpose_lhs_hint = false} : vector<1000x256xf32>, vector<256x256xf32>, vector<1000x256xf32> -> vector<1000x256xf32>
    %get3A_35 = arith.constant 0 : index
    %get3A_36 = arith.constant 0 : index
    %get3A_37 = vector.load %arg6[%get3A_35, %get3A_36] : memref<1x256xf32, #tpu.memory_space<vmem>>, vector<1x256xf32>
    %add3A_38 = vector.broadcast %get3A_37 : vector<1x256xf32> to vector<1000x256xf32>
    %add3A_39 = arith.addf %dot_general3A_34, %add3A_38 : vector<1000x256xf32>
    %swap3A = arith.constant 0 : index
    %swap3A_40 = arith.constant 0 : index
    %swap3A_41 = vector.load %arg7[%swap3A, %swap3A_40] : memref<1000x256xf32, #tpu.memory_space<vmem>>, vector<1000x256xf32>
    tpu.vector_store %arg7[%swap3A, %swap3A_40], %add3A_39 {strides = array<i32>} : memref<1000x256xf32, #tpu.memory_space<vmem>>, vector<1000x256xf32>,
    %get3A_42 = arith.constant 0 : index
    %get3A_43 = arith.constant 0 : index
    %get3A_44 = vector.load %arg5[%get3A_42, %get3A_43] : memref<256x256xf32, #tpu.memory_space<vmem>>, vector<256x256xf32>
    %dot_general3A_45 = arith.constant dense<0.000000e+00> : vector<1000x256xf32>
    %dot_general3A_46 = tpu.matmul %max3A_30, %get3A_44, %dot_general3A_45 {dimension_numbers = #tpu.dot_dimension_numbers<[1], [0], [0], [1], [0, 0, 1, 1], [], []>, transpose_lhs_hint = false} : vector<1000x256xf32>, vector<256x256xf32>, vector<1000x256xf32> -> vector<1000x256xf32>
    %slice3A = vector.extract_strided_slice %dot_general3A_46 {offsets = [0, 0], sizes = [1000, 128], strides = [1, 1]} : vector<1000x256xf32> to vector<1000x128xf32>
    %swap3A_47 = arith.constant 0 : index
    %swap3A_48 = arith.constant 0 : index
    %swap3A_49 = arith.constant 0 : index
    %swap3A_50 = vector.load %arg8[%swap3A_47, %swap3A_48, %swap3A_49] : memref<2x1000x128xf32, #tpu.memory_space<vmem>>, vector<1x1000x128xf32>
    %swap3A_51 = vector.shape_cast %swap3A_50 : vector<1x1000x128xf32> to vector<1000x128xf32>
    %swap3A_52 = vector.shape_cast %slice3A : vector<1000x128xf32> to vector<1x1000x128xf32>
    tpu.vector_store %arg8[%swap3A_47, %swap3A_48, %swap3A_49], %swap3A_52 {strides = array<i32>} : memref<2x1000x128xf32, #tpu.memory_space<vmem>>, vector<1x1000x128xf32>,
    %slice3A_53 = vector.extract_strided_slice %dot_general3A_46 {offsets = [0, 128], sizes = [1000, 128], strides = [1, 1]} : vector<1000x256xf32> to vector<1000x128xf32>
    %swap3A_54 = arith.constant 1 : index
    %swap3A_55 = arith.constant 0 : index
    %swap3A_56 = arith.constant 0 : index
    %swap3A_57 = vector.load %arg8[%swap3A_54, %swap3A_55, %swap3A_56] : memref<2x1000x128xf32, #tpu.memory_space<vmem>>, vector<1x1000x128xf32>
    %swap3A_58 = vector.shape_cast %swap3A_57 : vector<1x1000x128xf32> to vector<1000x128xf32>
    %swap3A_59 = vector.shape_cast %slice3A_53 : vector<1000x128xf32> to vector<1x1000x128xf32>
    tpu.vector_store %arg8[%swap3A_54, %swap3A_55, %swap3A_56], %swap3A_59 {strides = array<i32>} : memref<2x1000x128xf32, #tpu.memory_space<vmem>>, vector<1x1000x128xf32>,
    return
  }
  func.func @transform_0(%arg0: i32) -> (i32, i32) {
    %c0_i32 = arith.constant 0 : i32
    %c0_i32_0 = arith.constant 0 : i32
    return %arg0, %c0_i32 : i32, i32
  }
  func.func @transform_1(%arg0: i32) -> (i32, i32, i32) {
    %c0_i32 = arith.constant 0 : i32
    %c0_i32_0 = arith.constant 0 : i32
    %c0_i32_1 = arith.constant 0 : i32
    return %c0_i32, %arg0, %c0_i32_0 : i32, i32, i32
  }
  func.func @transform_2(%arg0: i32) -> (i32, i32, i32) {
    %c0_i32 = arith.constant 0 : i32
    %c0_i32_0 = arith.constant 0 : i32
    %c0_i32_1 = arith.constant 0 : i32
    return %c0_i32, %arg0, %c0_i32_0 : i32, i32, i32
  }
  func.func @transform_3(%arg0: i32) -> (i32, i32) {
    %c0_i32 = arith.constant 0 : i32
    %c0_i32_0 = arith.constant 0 : i32
    %c0_i32_1 = arith.constant 0 : i32
    return %c0_i32, %c0_i32_0 : i32, i32
  }
  func.func @transform_4(%arg0: i32) -> (i32, i32) {
    %c0_i32 = arith.constant 0 : i32
    %c0_i32_0 = arith.constant 0 : i32
    %c0_i32_1 = arith.constant 0 : i32
    return %c0_i32, %c0_i32_0 : i32, i32
  }
  func.func @transform_5(%arg0: i32) -> (i32, i32) {
    %c0_i32 = arith.constant 0 : i32
    %c0_i32_0 = arith.constant 0 : i32
    %c0_i32_1 = arith.constant 0 : i32
    return %c0_i32, %c0_i32_0 : i32, i32
  }
  func.func @transform_6(%arg0: i32) -> (i32, i32) {
    %c0_i32 = arith.constant 0 : i32
    %c0_i32_0 = arith.constant 0 : i32
    return %arg0, %c0_i32 : i32, i32
  }
  func.func @transform_7(%arg0: i32) -> (i32, i32, i32) {
    %c0_i32 = arith.constant 0 : i32
    %c0_i32_0 = arith.constant 0 : i32
    %c0_i32_1 = arith.constant 0 : i32
    return %c0_i32, %arg0, %c0_i32_0 : i32, i32, i32
  }
}

module attributes {stable_mosaic.version = 14 : i64} {
  func.func @_tc_final_body(%arg0: i32, %arg1: memref<1000x256xf32, #tpu.memory_space<vmem>>, %arg2: memref<2x1000x128xf32, #tpu.memory_space<vmem>>, %arg3: memref<2x1000x128xf32, #tpu.memory_space<vmem>>, %arg4: memref<1000x256xf32, #tpu.memory_space<vmem>>) attributes {dimension_semantics = [#tpu.dimension_semantics<arbitrary>], iteration_bounds = array<i64: 10>, scalar_prefetch = 0 : i64, scratch_operands = 0 : i64, tpu.core_type = #tpu.core_type<tc>, window_params = [{transform_indices = @transform_0, window_bounds = array<i64: 1000, 256>}, {transform_indices = @transform_1, window_bounds = array<i64: 2, 1000, 128>}, {transform_indices = @transform_2, window_bounds = array<i64: 2, 1000, 128>}, {transform_indices = @transform_3, window_bounds = array<i64: 1000, 256>}]} {
    %get3A = arith.constant 0 : index
    %get3A_0 = arith.constant 0 : index
    %get3A_1 = arith.constant 0 : index
    %get3A_2 = vector.load %arg3[%get3A, %get3A_0, %get3A_1] : memref<2x1000x128xf32, #tpu.memory_space<vmem>>, vector<1x1000x1xf32>
    %get3A_3 = vector.shape_cast %get3A_2 : vector<1x1000x1xf32> to vector<1000x1xf32>
    %get3A_4 = arith.constant 1 : index
    %get3A_5 = arith.constant 0 : index
    %get3A_6 = arith.constant 0 : index
    %get3A_7 = vector.load %arg3[%get3A_4, %get3A_5, %get3A_6] : memref<2x1000x128xf32, #tpu.memory_space<vmem>>, vector<1x1000x1xf32>
    %get3A_8 = vector.shape_cast %get3A_7 : vector<1x1000x1xf32> to vector<1000x1xf32>
    %add3A = arith.addf %get3A_3, %get3A_8 : vector<1000x1xf32>
    %max3A = arith.constant 1.000000e+00 : f32
    %max3A_9 = vector.broadcast %max3A : f32 to vector<1000x1xf32>
    %max3A_10 = arith.maximumf %add3A, %max3A_9 : vector<1000x1xf32>
    %div3A = arith.constant 1.000000e+00 : f32
    %div3A_11 = vector.broadcast %div3A : f32 to vector<1000x1xf32>
    %div3A_12 = arith.divf %div3A_11, %max3A_10 : vector<1000x1xf32>
    %get3A_13 = arith.constant 0 : index
    %get3A_14 = arith.constant 0 : index
    %get3A_15 = arith.constant 0 : index
    %get3A_16 = vector.load %arg2[%get3A_13, %get3A_14, %get3A_15] : memref<2x1000x128xf32, #tpu.memory_space<vmem>>, vector<1x1000x128xf32>
    %get3A_17 = vector.shape_cast %get3A_16 : vector<1x1000x128xf32> to vector<1000x128xf32>
    %get3A_18 = arith.constant 1 : index
    %get3A_19 = arith.constant 0 : index
    %get3A_20 = arith.constant 0 : index
    %get3A_21 = vector.load %arg2[%get3A_18, %get3A_19, %get3A_20] : memref<2x1000x128xf32, #tpu.memory_space<vmem>>, vector<1x1000x128xf32>
    %get3A_22 = vector.shape_cast %get3A_21 : vector<1x1000x128xf32> to vector<1000x128xf32>
    %concatenate3A = tpu.concatenate %get3A_17, %get3A_22 in 1 : vector<1000x128xf32>, vector<1000x128xf32> -> vector<1000x256xf32>
    %mul3A = vector.broadcast %div3A_12 : vector<1000x1xf32> to vector<1000x256xf32>
    %mul3A_23 = arith.mulf %concatenate3A, %mul3A : vector<1000x256xf32>
    %get3A_24 = arith.constant 0 : index
    %get3A_25 = arith.constant 0 : index
    %get3A_26 = vector.load %arg1[%get3A_24, %get3A_25] : memref<1000x256xf32, #tpu.memory_space<vmem>>, vector<1000x256xf32>
    %add3A_27 = arith.addf %get3A_26, %mul3A_23 : vector<1000x256xf32>
    %swap3A = arith.constant 0 : index
    %swap3A_28 = arith.constant 0 : index
    %swap3A_29 = vector.load %arg4[%swap3A, %swap3A_28] : memref<1000x256xf32, #tpu.memory_space<vmem>>, vector<1000x256xf32>
    tpu.vector_store %arg4[%swap3A, %swap3A_28], %add3A_27 {strides = array<i32>} : memref<1000x256xf32, #tpu.memory_space<vmem>>, vector<1000x256xf32>,
    return
  }
  func.func @transform_0(%arg0: i32) -> (i32, i32) {
    %c0_i32 = arith.constant 0 : i32
    %c0_i32_0 = arith.constant 0 : i32
    return %arg0, %c0_i32 : i32, i32
  }
  func.func @transform_1(%arg0: i32) -> (i32, i32, i32) {
    %c0_i32 = arith.constant 0 : i32
    %c0_i32_0 = arith.constant 0 : i32
    %c0_i32_1 = arith.constant 0 : i32
    return %c0_i32, %arg0, %c0_i32_0 : i32, i32, i32
  }
  func.func @transform_2(%arg0: i32) -> (i32, i32, i32) {
    %c0_i32 = arith.constant 0 : i32
    %c0_i32_0 = arith.constant 0 : i32
    %c0_i32_1 = arith.constant 0 : i32
    return %c0_i32, %arg0, %c0_i32_0 : i32, i32, i32
  }
  func.func @transform_3(%arg0: i32) -> (i32, i32) {
    %c0_i32 = arith.constant 0 : i32
    %c0_i32_0 = arith.constant 0 : i32
    return %arg0, %c0_i32 : i32, i32
  }
}

</mosaic_0001>

<sc_bundles>
// kernel: kernel.10.cloned.1.call-start
scs
__scs_entry_jumppad:
0x0: {  	(pc) =	sbr.rel $0x88, $3  }
0x1: {  	(tag) =	ssettag $0x0;
	lr =	simm.s32 $0x1  }
0x2: {  	[smem:$0x3F96] =	sst lr;
	_ =	strace $0xD0000000  }
0x3: {  	_ = 	snop  }
0x4: {  	_ = 	snop  }
0x5: {  	_ = 	snop  }
0x6: {  	_ = 	snop  }
0x7: {  	_ = 	snop  }
__scs_overlays_trampoline_lowered:
0x8: {  	[smem:$0x3FA5] =	sst s0  }
0x9: {  	[smem:$0x3FA6] =	sst s1  }
0xa: {  	[smem:$0x3FA7] =	sst s2  }
0xb: {  	[smem:$0x3FA8] =	sst s3  }
0xc: {  	[smem:$0x3FA9] =	sst s4  }
0xd: {  	[smem:$0x3FAA] =	sst s5  }
0xe: {  	[smem:$0x3FAB] =	sst s6  }
0xf: {  	[smem:$0x3FAC] =	sst s7  }
0x10: {  	[smem:$0x3FAD] =	sst s8  }
0x11: {  	[smem:$0x3FAE] =	sst s9;
	s0 =	simm.s32 @!p0 $0x0  }
0x12: {  	s1 =	sld [smem:$0x3F94];
	s0 =	simm.s32 @p0 $0x1  }
0x13: {  	[smem:$0x3FAF] =	sst s0;
	s0 =	simm.s32 @!p1 $0x0  }
0x14: {  	s2 =	sld [smem:$0x3F93];
	s0 =	simm.s32 @p1 $0x1  }
0x15: {  	[smem:$0x3FB0] =	sst s0;
	s0 =	simm.s32 @!p2 $0x0  }
0x16: {  	s3 =	sld [smem:$0x3FDB];
	s0 =	simm.s32 @p2 $0x1  }
0x17: {  	s4 =	simm.s32 $0x1BF5;
	[smem:$0x3FB2] =	sst s0  }
0x18: {  	s0 =	sld [smem:$0x3F95];
	_ =	swait.ge [sflag:s4], $0x0  }
0x19: {  	s7 =	sld [smem:$0x3F96]  }
0x1a: {  	s8 =	sadd.s32 $0xFFFFE003, lr  }
0x1b: {  	s9 =	sadd.s32 $0xFFFFFEF7, lr;
	s5 =	simm.s32 $0xFFFFFFFF;
	p2 =	slt.u32 s8, $0xFFFFF086  }
0x1c: {  	p1 =	slt.u32 s9, $0xF7A;
	s5 =	simm.s32 @!p2 $0x0  }
0x1d: {  	s5 =	simm.s32 @p1 $0x1;
	p0 =	seq.s32 s7, s2  }
0x1e: {  	s7 =	smul.u32 @!p0 $0xF7A, s2;
	p2 =	seq.s32 @!p0 s5, $0x0  }
0x1f: {  	s9 =	smul.u32 $0xF7A, s1;
	s8 =	simm.s32 @!p0 $0x1BF5;
	p2 =	por !p2, p0  }
0x20: {  	[sflag:s8] =	ssyncset.s32 @!p0 $0xFFFFF086;
	s6 =	sadd.s32 @!p0 s3, s7;
	s7 =	simm.s32 @!p0 $0x108  }
0x21: {  	s3 =	sadd.s32 s3, s9;
	s6 =	sadd.s32 @!p0 $0x88, s6;
	s7 =	simm.s32 @p2 $0x1082  }
0x22: {  	[simem:s7], [sflag:s8] =	dma.local @!p0 [hbm:s6], $0xF7A  }
0x23: {  	s9 =	sor.u32 $0xD0000000, s2;
	s6 =	simm.s32 $0x108;
	_ =	swait.ge @!p0 [sflag:s8], $0x0  }
0x24: {  	s3 =	sadd.s32 $0x88, s3;
	s6 =	simm.s32 @!p1 $0x1082;
	[sflag:s4] =	ssyncset.s32 $0xFFFFF086  }
0x25: {  	[simem:s6], [sflag:s4] =	dma.local [hbm:s3], $0xF7A  }
0x26: {  	[smem:$0x3F96] =	sst s1;
	(tag) =	ssettag s2;
	_ =	strace s9  }
0x27: {  	s1 =	sld [smem:$0x3FA6]  }
0x28: {  	s2 =	sld [smem:$0x3FA7]  }
0x29: {  	s4 =	sld [smem:$0x3FA9]  }
0x2a: {  	p0 =	seq.s32 s5, $0x0;
	s5 =	sld [smem:$0x3FAA]  }
0x2b: {  	s6 =	sld [smem:$0x3FAB]  }
0x2c: {  	s7 =	sld [smem:$0x3FAC]  }
0x2d: {  	s3 =	simm.s32 $0x108;
	s8 =	sld [smem:$0x3FAD]  }
0x2e: {  	s3 =	simm.s32 @!p0 $0x1082;
	s9 =	sld [smem:$0x3FAE]  }
0x2f: {  	lr =	sadd.s32 s0, s3;
	s0 =	sld [smem:$0x3FA5]  }
0x30: {  	s3 =	sld [smem:$0x3FA8]  }
0x31: {  	[smem:$0x3FB1] =	sst s10  }
0x32: {  	s10 =	sld [smem:$0x3FAF];
	_ =	sdelay $0x3  }
0x33: {  	p0 =	seq.s32 s10, $0x1;
	s10 =	sld [smem:$0x3FB1];
	_ =	sdelay $0x3  }
0x34: {  	[smem:$0x3FB1] =	sst s10  }
0x35: {  	s10 =	sld [smem:$0x3FB0];
	_ =	sdelay $0x3  }
0x36: {  	p1 =	seq.s32 s10, $0x1;
	s10 =	sld [smem:$0x3FB1];
	_ =	sdelay $0x3  }
0x37: {  	[smem:$0x3FB1] =	sst s10  }
0x38: {  	s10 =	sld [smem:$0x3FB2]  }
0x39: {  	_ = 	snop;
	(pc) =	sbr.ind lr, $3  }
0x3a: {  	_ = 	snop  }
0x3b: {  	_ = 	snop  }
0x3c: {  	p2 =	seq.s32 s10, $0x1;
	s10 =	sld [smem:$0x3FB1]  }
0x3d: {  	_ =	shalt  }
0x3e: {  	_ =	shalt  }
0x3f: {  	_ =	shalt  }
0x40: {  	_ =	shalt  }
0x41: {  	_ =	shalt  }
0x42: {  	_ =	shalt  }
0x43: {  	_ =	shalt  }
0x44: {  	_ =	shalt  }
0x45: {  	_ =	shalt  }
0x46: {  	_ =	shalt  }
0x47: {  	_ =	shalt  }
0x48: {  	_ =	shalt  }
0x49: {  	_ =	shalt  }
0x4a: {  	_ =	shalt  }
0x4b: {  	_ =	shalt  }
0x4c: {  	_ =	shalt  }
0x4d: {  	_ =	shalt  }
0x4e: {  	_ =	shalt  }
0x4f: {  	_ =	shalt  }
0x50: {  	_ =	shalt  }
0x51: {  	_ =	shalt  }
0x52: {  	_ =	shalt  }
0x53: {  	_ =	shalt  }
0x54: {  	_ =	shalt  }
0x55: {  	_ =	shalt  }
0x56: {  	_ =	shalt  }
0x57: {  	_ =	shalt  }
0x58: {  	_ =	shalt  }
0x59: {  	_ =	shalt  }
0x5a: {  	_ =	shalt  }
0x5b: {  	_ =	shalt  }
0x5c: {  	_ =	shalt  }
0x5d: {  	_ =	shalt  }
0x5e: {  	_ =	shalt  }
0x5f: {  	_ =	shalt  }
0x60: {  	_ =	shalt  }
0x61: {  	_ =	shalt  }
0x62: {  	_ =	shalt  }
0x63: {  	_ =	shalt  }
0x64: {  	_ =	shalt  }
0x65: {  	_ =	shalt  }
0x66: {  	_ =	shalt  }
0x67: {  	_ =	shalt  }
0x68: {  	_ =	shalt  }
0x69: {  	_ =	shalt  }
0x6a: {  	_ =	shalt  }
0x6b: {  	_ =	shalt  }
0x6c: {  	_ =	shalt  }
0x6d: {  	_ =	shalt  }
0x6e: {  	_ =	shalt  }
0x6f: {  	_ =	shalt  }
0x70: {  	_ =	shalt  }
0x71: {  	_ =	shalt  }
0x72: {  	_ =	shalt  }
0x73: {  	_ =	shalt  }
0x74: {  	_ =	shalt  }
0x75: {  	_ =	shalt  }
0x76: {  	_ =	shalt  }
0x77: {  	_ =	shalt  }
0x78: {  	_ =	shalt  }
0x79: {  	_ =	shalt  }
0x7a: {  	_ =	shalt  }
0x7b: {  	_ =	shalt  }
0x7c: {  	_ =	shalt  }
0x7d: {  	_ =	shalt  }
0x7e: {  	_ =	shalt  }
0x7f: {  	_ =	shalt  }
0x80: {  	_ =	shalt  }
0x81: {  	_ =	shalt  }
0x82: {  	_ =	shalt  }
0x83: {  	_ =	shalt  }
0x84: {  	_ =	shalt  }
0x85: {  	_ =	shalt  }
0x86: {  	_ =	shalt  }
0x87: {  	_ =	shalt  }
.Lfunc_end0:
.L_simem_size_0:
called_computation_lowered:
.L_overlay_start_0:
0x88: {  	s2 =	sld [smem:$0x3FD9]  }
0x89: {  	s3 =	sld [smem:$0x3FFE];
	_ =	sdelay $0x1  }
0x8a: {  	s1 =	srdreg.scid  }
0x8b: {  	s0 =	sand.u32 $0x1, s1  }
0x8c: {  	s16 =	sshll.u32 s0, $0xA;
	s2 =	sadd.s32 s3, s2  }
0x8d: {  	s2 =	sadd.s32 s2, s16  }
0x8e: {  	[smem:$0x3FBD] =	sst s2  }
0x8f: {  	_ = 	snop  }
0x90: {  	(tm) =	ssettm $0x1  }
0x91: {  	s17 =	sld [smem:$0x3FFB];
	_ =	sdelay $0x3  }
0x92: {  	_ =	strace s17  }
0x93: {  	s2 =	sld [smem:$0x3FFC];
	_ =	sdelay $0x3  }
0x94: {  	_ =	strace s2  }
0x95: {  	s2 =	sld [smem:$0x3FFD];
	_ =	sdelay $0x3  }
0x96: {  	_ =	strace s2  }
0x97: {  	_ =	strace $0x8FFFFFFF  }
0x98: {  	s18 =	sld [smem:$0x3FDB];
	_ =	sdelay $0x1  }
0x99: {  	s19 =	simm.s32 $_scs_section_size  }
0x9a: {  	s4 =	simm.s32 $_size__tile_overlayer_lowered;
	s5 =	simm.s32 $_tile_overlayer_lowered  }
0x9b: {  	s22 =	simm.s32 $0x1BFF;
	s21 =	sshll.u32 s5, $0x1;
	s2 =	sadd.s32 s19, s18  }
0x9c: {  	s6 =	simm.s32 $0x0;
	s20 =	sshll.u32 s4, $0x1;
	s4 =	sadd.s32 s21, s2  }
0x9d: {  	[timem:s6], [sflag:s22] =	dma.local [hbm:s4], s20  }
0x9e: {  	_ =	swait.ge [sflag:s22], s20  }
0x9f: {  	s3 =	ssub.s32 $0x0, s20;
	[sflag:s22] =	ssyncset.done $0x0  }
0xa0: {  	[sflag:s22] =	ssyncadd.s32 s3;
	_ =	sdelay $0x1  }
0xa1: {  	s23 =	simm.s32 $0x1B8B  }
0xa2: {  	_ =	swait.ge [sflag:s23], $0x1  }
0xa3: {  	[sflag:s23] =	ssyncset.done $0x0  }
0xa4: {  	s25 =	simm.s32 $0x1B8E;
	s24 =	sld [smem:$0x3FFE];
	[sflag:s23] =	ssyncadd.s32 $0xFFFFFFFF  }
0xa5: {  	s26 =	simm.s32 $execute0_lowered;
	[smem:$0x3FD2] =	sst s25  }
0xa6: {  	s4 =	sshll.u32 s26, $0x1;
	_ =	strace $0x80000046;
	[dreg:$0x1] =	wrdreg $0xFFFFFFFF  }
0xa7: {  	s28 =	simm.s32 $_size_execute0_lowered;
	s2 =	sadd.s32 s2, s4;
	[dreg:$0x0] =	wrdreg $0x0  }
0xa8: {  	s4 =	sshll.u32 s28, $0x1;
	[dreg:$0x2] =	wrdreg s2  }
0xa9: {  	[dreg:$0x3] =	wrdreg s4  }
0xaa: {  	[dreg:$0x4] =	wrdreg $0xC0  }
0xab: {  	_ =	task [dreg:s6], $0x5FFFF  }
0xac: {  	[dreg:$0x1] =	wrdreg $0xFFFFFFFF  }
0xad: {  	[dreg:$0x0] =	wrdreg $0x60  }
0xae: {  	[dreg:$0x2] =	wrdreg s24  }
0xaf: {  	[dreg:$0x3] =	wrdreg $0x54000  }
0xb0: {  	[dreg:$0x4] =	wrdreg $0x9  }
0xb1: {  	_ =	task.clear_ibuf [dreg:s6], $0x5FFFF;
	_ =	strace $0x90000046  }
0xb2: {  	s29 =	simm.s32 $0x9;
	_ =	strace $0x80000048  }
0xb3: {  	_ =	swait.ge [sflag:s29], $0x1  }
0xb4: {  	[sflag:s29] =	ssyncadd.s32 $0xFFFFFFFF  }
0xb5: {  	_ =	strace $0x90000048  }
0xb6: {  	_ =	sfence  }
0xb7: {  	s30 =	sld [smem:$0x0];
	_ =	sdelay $0x2  }
0xb8: {  	s31 =	sshll.u32 s1, $0xD;
	s1 =	sshrl.u32 s1, $0x2  }
0xb9: {  	s3 =	sand.u32 $0x4000, s31;
	s1 =	sadd.s32 s1, s30  }
0xba: {  	s0 =	sor.u32 s3, s0;
	s1 =	sshll.u32 s1, $0x11  }
0xbb: {  	s0 =	sor.u32 s1, s0  }
0xbc: {  	s0 =	sadd.s32 $0x8F2B, s0  }
0xbd: {  	[sflag:s0] =	ssyncadd.remote.s32 $0x1  }
0xbe: {  	_ =	sfence.sel $0xFFFF  }
0xbf: {  	[dreg:$0x0] =	wrdreg $0xFFFFFFFF;
	(pc) =	sbr.abs _section_cstart, $3  }
0xc0: {  	[dreg:$0x1] =	wrdreg $0xFFFFFFFF  }
0xc1: {  	_ =	task.clear_ibuf [dreg:s6], $0x2FFFF;
	_ =	strace $0x9FFFFFFF  }
0xc2: {  	(tm) =	ssettm $0x7FFFFFFF  }
0xc3: {  	_ =	shalt  }
tec
execute0_lowered:
.L_overlay_start_1:
0x0: {  	(tag) =	ssettag $0x1  }
0x1: {  	s0 =	srdreg.scid  }
0x2: {  	s6 =	rddreg [dreg:$0x0];
	s7 =	sand.u32 $0x1, s0  }
0x3: {  	s0 =	stileid.u32;
	s4 =	smul.u32 $0x14000, s7  }
0x4: {  	s2 =	rddreg [dreg:$0x1];
	s5 =	smul.u32 $0x1400, s0  }
0x5: {  	s1 =	rddreg [dreg:$0x2];
	s3 =	simm.s32 $0x0;
	s8 =	smul.u32 $0x140000, s7  }
0x6: {  	s15 =	simm.s32 $0x80;
	[smem:$0x7FF] =	sst s3;
	s9 =	smul.u32 $0xA000, s0  }
0x7: {  	s17 =	simm.s32 $0x0;
	_ =	strace $0x80000047;
	s28 =	smul.u32 $0x29000, s0  }
0x8: {  	s7 =	ssub.s32 $0x2, s7;
	s30 =	smul.u32 $0x28000, s0;
	s13 =	sshll.u32 s0, $0x6  }
0x9: {  	s29 =	sshrl.u32 s7, $0x1;
	s13 =	sor.u32 $0x1C01, s13;
	s4 =	sadd.s32 s5, s4  }
0xa: {  	s5 =	sadd.s32 $0xD200, s6;
	s8 =	sadd.s32 s9, s8;
	s12 =	ssub.s32 s7, s29  }
0xb: {  	s31 =	sshrl.u32 s28, $0x2;
	s4 =	sshrl.u32 s4, $0x3;
	s8 =	sshrl.u32 s8, $0x3  }
0xc: {  	s14 =	sadd.s32 s31, s2;
	s10 =	sadd.s32 s4, s6;
	s4 =	sadd.s32 $0xDA00, s6  }
0xd: {  	s11 =	sadd.s32 s8, s6;
	s8 =	sshrl.u32 s30, $0x2;
	s14 =	sshrl.u32 s14, $0x3  }
0xe: {  	s6 =	sadd.s32 $0x3200, s10;
	s7 =	sadd.s32 $0xF000, s11;
	s16 =	sadd.s32 s8, s2  }
0xf: {  	s8 =	sadd.s32 $0x8200, s10;
	s9 =	sadd.s32 $0x23000, s11;
	s10 =	smax.u32 s12, $0x1  }
0x10: {  	s11 =	simm.s32 $0x1400;
	s12 =	simm.s32 $0x1;
	s16 =	sshrl.u32 s16, $0x3  }
.LBB2_1:
0x11: {  	[tilespmem:s11], [sflag:$0x1] =	stream.linear.gather [hbm4b:s5+s3], $0x4000, $0x38;
	[tilespmem:$0xF800] =	vst v63  }
0x12: {  	_ =	swait.ge [sflag:s12], $0x4000  }
0x13: {  	[sflag:s12] =	ssyncset.done $0x0  }
0x14: {  	[sflag:s12] =	ssyncadd.s32 $0xFFFFC000  }
0x15: {  	[tilespmem:s3], [sflag:$0x1] =	stream.linear.gather [hbm4b:s6+s3], $0x1400, $0x38;
	[tilespmem:$0xF800] =	vst v63  }
0x16: {  	_ =	swait.ge [sflag:s12], $0x1400  }
0x17: {  	[sflag:s12] =	ssyncset.done $0x0  }
0x18: {  	[sflag:s12] =	ssyncadd.s32 $0xFFFFEC00  }
0x19: {  	[spmem:s14], [sflag:s13] =	dma.local [hbm:s4], $0x1480  }
0x1a: {  	_ =	swait.ge [sflag:s12], $0x1480  }
0x1b: {  	[sflag:s12] =	ssyncset.done $0x0  }
0x1c: {  	[sflag:s12] =	ssyncadd.s32 $0xFFFFEB80  }
0x1d: {  	s18 =	simm.s32 $0x0;
	[bflag:$0x0] =	sbarrier.arrive $0xFFFF  }
0x1e: {  	[spmem:s2] =	stream.indirect.scatter.add.f32 [tilespmem:s11], [sflag:$0x1], $0x80, s18, s15, $0xb8;
	[tilespmem:$0xF800] =	vst v63  }
0x1f: {  	_ =	swait.ge [sflag:s12], $0x4000  }
0x20: {  	s18 =	simm.s32 $0x200;
	[sflag:s12] =	ssyncset.done $0x0  }
.LBB2_2:
0x21: {  	s19 =	sshra.s32 s18, $0x2;
	[sflag:s12] =	ssyncadd.s32 $0xFFFFC000;
	p0 =	sne.s32 s18, $0x4E00  }
0x22: {  	[spmem:s2] =	stream.indirect.scatter.add.f32 [tilespmem:s11], [sflag:$0x1], $0x80, s19, s15, $0xb8;
	[tilespmem:$0xF800] =	vst v63  }
.Ltmp0:
0x23: {  	_ = 	snop;
	(pc) =	sbr.rel @p0 .LBB2_2-.Ltmp0, $4  }
0x24: {  	_ = 	snop  }
0x25: {  	s18 =	sadd.s32 $0x200, s18  }
0x26: {  	_ =	swait.ge [sflag:s12], $0x4000  }
0x27: {  	[sflag:s12] =	ssyncset.done $0x0  }
0x28: {  	[sflag:s12] =	ssyncadd.s32 $0xFFFFC000  }
0x29: {  	[bflag:$0x0] =	sbarrier.arrive $0xFFFF  }
0x2a: {  	[hbm:s7], [sflag:s13] =	dma.local [spmem:s16], $0x1400  }
0x2b: {  	_ =	swait.ge [sflag:s12], $0x1400  }
0x2c: {  	[sflag:s12] =	ssyncset.done $0x0  }
0x2d: {  	s18 =	simm.s32 $0x0;
	[sflag:s12] =	ssyncadd.s32 $0xFFFFEC00  }
0x2e: {  	[tilespmem:s18], [sflag:$0x1] =	stream.linear.gather [hbm4b:s8+s18], $0x1400, $0x38;
	[tilespmem:$0xF800] =	vst v63  }
0x2f: {  	_ =	swait.ge [sflag:s12], $0x1400  }
0x30: {  	[sflag:s12] =	ssyncset.done $0x0  }
0x31: {  	[sflag:s12] =	ssyncadd.s32 $0xFFFFEC00  }
0x32: {  	[spmem:s14], [sflag:s13] =	dma.local [hbm:s4], $0x1480  }
0x33: {  	_ =	swait.ge [sflag:s12], $0x1480  }
0x34: {  	[sflag:s12] =	ssyncset.done $0x0  }
0x35: {  	[sflag:s12] =	ssyncadd.s32 $0xFFFFEB80  }
0x36: {  	s31 =	simm.s32 $0x0;
	[bflag:$0x0] =	sbarrier.arrive $0xFFFF  }
0x37: {  	[spmem:s2] =	stream.indirect.scatter.add.f32 [tilespmem:s11], [sflag:$0x1], $0x80, s31, s15, $0xb8;
	[tilespmem:$0xF800] =	vst v63  }
0x38: {  	_ =	swait.ge [sflag:s12], $0x4000  }
0x39: {  	s18 =	simm.s32 $0x200;
	[sflag:s12] =	ssyncset.done $0x0  }
.LBB2_4:
0x3a: {  	s19 =	sshra.s32 s18, $0x2;
	[sflag:s12] =	ssyncadd.s32 $0xFFFFC000;
	p0 =	sne.s32 s18, $0x4E00  }
0x3b: {  	[spmem:s2] =	stream.indirect.scatter.add.f32 [tilespmem:s11], [sflag:$0x1], $0x80, s19, s15, $0xb8;
	[tilespmem:$0xF800] =	vst v63  }
.Ltmp1:
0x3c: {  	_ = 	snop;
	(pc) =	sbr.rel @p0 .LBB2_4-.Ltmp1, $4  }
0x3d: {  	_ = 	snop  }
0x3e: {  	s18 =	sadd.s32 $0x200, s18  }
0x3f: {  	_ =	swait.ge [sflag:s12], $0x4000  }
0x40: {  	[sflag:s12] =	ssyncset.done $0x0  }
0x41: {  	s17 =	sadd.s32 $0x1, s17  }
0x42: {  	[sflag:s12] =	ssyncadd.s32 $0xFFFFC000;
	p0 =	sne.s32 s17, s10  }
.Ltmp2:
0x43: {  	[bflag:$0x0] =	sbarrier.arrive $0xFFFF;
	(pc) =	sbr.rel @p0 .LBB2_1-.Ltmp2, $4  }
0x44: {  	[hbm:s9], [sflag:s13] =	dma.local [spmem:s16], $0x1400  }
0x45: {  	_ =	swait.ge [sflag:s12], $0x1400  }
0x46: {  	[sflag:s12] =	ssyncset.done $0x0  }
0x47: {  	[sflag:s12] =	ssyncadd.s32 $0xFFFFEC00  }
0x48: {  	_ =	sfence.sel $0x180000  }
0x49: {  	[bflag:$0x0] =	sbarrier.arrive $0xFFFF  }
0x4a: {  	p0 =	sne.s32 s0, $0x0;
	_ =	strace $0x90000047  }
0x4b: {  	s0 =	sadd.s32 @!p0 $0x100000, s1;
	[bflag:$0x2] =	sbarrier.arrive $0xFFFF  }
0x4c: {  	[sflag:s0] =	ssyncadd.tile.s32 @!p0 $0x1;
	_ =	shalt  }
.Lfunc_end2:
_tile_overlayer_lowered:
.L_overlay_start_2:
0x4d: {  	(tag) =	ssettag $0x2  }
0x4e: {  	s0 =	rddreg [dreg:$0x0];
	s2 =	stileid.u32  }
0x4f: {  	s1 =	rddreg [dreg:$0x1];
	p0 =	sne.s32 s2, $0x0  }
0x50: {  	s3 =	rddreg [dreg:$0x2];
	[bflag:$0x3] =	sbarrier.arrive $0xFFFF;
	s2 =	simm.s32 @!p0 $0x1C01  }
0x51: {  	[timem:s3], [sflag:s2] =	dma.local @!p0 [hbm:s0], s1  }
0x52: {  	s0 =	simm.s32 @!p0 $0x1  }
0x53: {  	_ =	swait.ge @!p0 [sflag:s0], s1  }
0x54: {  	s1 =	ssub.s32 @!p0 $0x0, s1;
	[sflag:s0] =	ssyncset.done @!p0 $0x0  }
0x55: {  	[sflag:s0] =	ssyncadd.s32 @!p0 s1  }
0x56: {  	[bflag:$0x3] =	sbarrier.arrive $0xFFFF  }
0x57: {  	_ =	shalt  }

// kernel: kernel.13.cloned.1.call-start
scs
__scs_entry_jumppad:
0x0: {  	(pc) =	sbr.rel $0x88, $3  }
0x1: {  	(tag) =	ssettag $0x0;
	lr =	simm.s32 $0x1  }
0x2: {  	[smem:$0x3F96] =	sst lr;
	_ =	strace $0xD0000000  }
0x3: {  	_ = 	snop  }
0x4: {  	_ = 	snop  }
0x5: {  	_ = 	snop  }
0x6: {  	_ = 	snop  }
0x7: {  	_ = 	snop  }
__scs_overlays_trampoline_lowered:
0x8: {  	[smem:$0x3FA5] =	sst s0  }
0x9: {  	[smem:$0x3FA6] =	sst s1  }
0xa: {  	[smem:$0x3FA7] =	sst s2  }
0xb: {  	[smem:$0x3FA8] =	sst s3  }
0xc: {  	[smem:$0x3FA9] =	sst s4  }
0xd: {  	[smem:$0x3FAA] =	sst s5  }
0xe: {  	[smem:$0x3FAB] =	sst s6  }
0xf: {  	[smem:$0x3FAC] =	sst s7  }
0x10: {  	[smem:$0x3FAD] =	sst s8  }
0x11: {  	[smem:$0x3FAE] =	sst s9;
	s0 =	simm.s32 @!p0 $0x0  }
0x12: {  	s1 =	sld [smem:$0x3F94];
	s0 =	simm.s32 @p0 $0x1  }
0x13: {  	[smem:$0x3FAF] =	sst s0;
	s0 =	simm.s32 @!p1 $0x0  }
0x14: {  	s2 =	sld [smem:$0x3F93];
	s0 =	simm.s32 @p1 $0x1  }
0x15: {  	[smem:$0x3FB0] =	sst s0;
	s0 =	simm.s32 @!p2 $0x0  }
0x16: {  	s3 =	sld [smem:$0x3FDB];
	s0 =	simm.s32 @p2 $0x1  }
0x17: {  	s4 =	simm.s32 $0x1BF5;
	[smem:$0x3FB2] =	sst s0  }
0x18: {  	s0 =	sld [smem:$0x3F95];
	_ =	swait.ge [sflag:s4], $0x0  }
0x19: {  	s7 =	sld [smem:$0x3F96]  }
0x1a: {  	s8 =	sadd.s32 $0xFFFFE003, lr  }
0x1b: {  	s9 =	sadd.s32 $0xFFFFFEF7, lr;
	s5 =	simm.s32 $0xFFFFFFFF;
	p2 =	slt.u32 s8, $0xFFFFF086  }
0x1c: {  	p1 =	slt.u32 s9, $0xF7A;
	s5 =	simm.s32 @!p2 $0x0  }
0x1d: {  	s5 =	simm.s32 @p1 $0x1;
	p0 =	seq.s32 s7, s2  }
0x1e: {  	s7 =	smul.u32 @!p0 $0xF7A, s2;
	p2 =	seq.s32 @!p0 s5, $0x0  }
0x1f: {  	s9 =	smul.u32 $0xF7A, s1;
	s8 =	simm.s32 @!p0 $0x1BF5;
	p2 =	por !p2, p0  }
0x20: {  	[sflag:s8] =	ssyncset.s32 @!p0 $0xFFFFF086;
	s6 =	sadd.s32 @!p0 s3, s7;
	s7 =	simm.s32 @!p0 $0x108  }
0x21: {  	s3 =	sadd.s32 s3, s9;
	s6 =	sadd.s32 @!p0 $0x88, s6;
	s7 =	simm.s32 @p2 $0x1082  }
0x22: {  	[simem:s7], [sflag:s8] =	dma.local @!p0 [hbm:s6], $0xF7A  }
0x23: {  	s9 =	sor.u32 $0xD0000000, s2;
	s6 =	simm.s32 $0x108;
	_ =	swait.ge @!p0 [sflag:s8], $0x0  }
0x24: {  	s3 =	sadd.s32 $0x88, s3;
	s6 =	simm.s32 @!p1 $0x1082;
	[sflag:s4] =	ssyncset.s32 $0xFFFFF086  }
0x25: {  	[simem:s6], [sflag:s4] =	dma.local [hbm:s3], $0xF7A  }
0x26: {  	[smem:$0x3F96] =	sst s1;
	(tag) =	ssettag s2;
	_ =	strace s9  }
0x27: {  	s1 =	sld [smem:$0x3FA6]  }
0x28: {  	s2 =	sld [smem:$0x3FA7]  }
0x29: {  	s4 =	sld [smem:$0x3FA9]  }
0x2a: {  	p0 =	seq.s32 s5, $0x0;
	s5 =	sld [smem:$0x3FAA]  }
0x2b: {  	s6 =	sld [smem:$0x3FAB]  }
0x2c: {  	s7 =	sld [smem:$0x3FAC]  }
0x2d: {  	s3 =	simm.s32 $0x108;
	s8 =	sld [smem:$0x3FAD]  }
0x2e: {  	s3 =	simm.s32 @!p0 $0x1082;
	s9 =	sld [smem:$0x3FAE]  }
0x2f: {  	lr =	sadd.s32 s0, s3;
	s0 =	sld [smem:$0x3FA5]  }
0x30: {  	s3 =	sld [smem:$0x3FA8]  }
0x31: {  	[smem:$0x3FB1] =	sst s10  }
0x32: {  	s10 =	sld [smem:$0x3FAF];
	_ =	sdelay $0x3  }
0x33: {  	p0 =	seq.s32 s10, $0x1;
	s10 =	sld [smem:$0x3FB1];
	_ =	sdelay $0x3  }
0x34: {  	[smem:$0x3FB1] =	sst s10  }
0x35: {  	s10 =	sld [smem:$0x3FB0];
	_ =	sdelay $0x3  }
0x36: {  	p1 =	seq.s32 s10, $0x1;
	s10 =	sld [smem:$0x3FB1];
	_ =	sdelay $0x3  }
0x37: {  	[smem:$0x3FB1] =	sst s10  }
0x38: {  	s10 =	sld [smem:$0x3FB2]  }
0x39: {  	_ = 	snop;
	(pc) =	sbr.ind lr, $3  }
0x3a: {  	_ = 	snop  }
0x3b: {  	_ = 	snop  }
0x3c: {  	p2 =	seq.s32 s10, $0x1;
	s10 =	sld [smem:$0x3FB1]  }
0x3d: {  	_ =	shalt  }
0x3e: {  	_ =	shalt  }
0x3f: {  	_ =	shalt  }
0x40: {  	_ =	shalt  }
0x41: {  	_ =	shalt  }
0x42: {  	_ =	shalt  }
0x43: {  	_ =	shalt  }
0x44: {  	_ =	shalt  }
0x45: {  	_ =	shalt  }
0x46: {  	_ =	shalt  }
0x47: {  	_ =	shalt  }
0x48: {  	_ =	shalt  }
0x49: {  	_ =	shalt  }
0x4a: {  	_ =	shalt  }
0x4b: {  	_ =	shalt  }
0x4c: {  	_ =	shalt  }
0x4d: {  	_ =	shalt  }
0x4e: {  	_ =	shalt  }
0x4f: {  	_ =	shalt  }
0x50: {  	_ =	shalt  }
0x51: {  	_ =	shalt  }
0x52: {  	_ =	shalt  }
0x53: {  	_ =	shalt  }
0x54: {  	_ =	shalt  }
0x55: {  	_ =	shalt  }
0x56: {  	_ =	shalt  }
0x57: {  	_ =	shalt  }
0x58: {  	_ =	shalt  }
0x59: {  	_ =	shalt  }
0x5a: {  	_ =	shalt  }
0x5b: {  	_ =	shalt  }
0x5c: {  	_ =	shalt  }
0x5d: {  	_ =	shalt  }
0x5e: {  	_ =	shalt  }
0x5f: {  	_ =	shalt  }
0x60: {  	_ =	shalt  }
0x61: {  	_ =	shalt  }
0x62: {  	_ =	shalt  }
0x63: {  	_ =	shalt  }
0x64: {  	_ =	shalt  }
0x65: {  	_ =	shalt  }
0x66: {  	_ =	shalt  }
0x67: {  	_ =	shalt  }
0x68: {  	_ =	shalt  }
0x69: {  	_ =	shalt  }
0x6a: {  	_ =	shalt  }
0x6b: {  	_ =	shalt  }
0x6c: {  	_ =	shalt  }
0x6d: {  	_ =	shalt  }
0x6e: {  	_ =	shalt  }
0x6f: {  	_ =	shalt  }
0x70: {  	_ =	shalt  }
0x71: {  	_ =	shalt  }
0x72: {  	_ =	shalt  }
0x73: {  	_ =	shalt  }
0x74: {  	_ =	shalt  }
0x75: {  	_ =	shalt  }
0x76: {  	_ =	shalt  }
0x77: {  	_ =	shalt  }
0x78: {  	_ =	shalt  }
0x79: {  	_ =	shalt  }
0x7a: {  	_ =	shalt  }
0x7b: {  	_ =	shalt  }
0x7c: {  	_ =	shalt  }
0x7d: {  	_ =	shalt  }
0x7e: {  	_ =	shalt  }
0x7f: {  	_ =	shalt  }
0x80: {  	_ =	shalt  }
0x81: {  	_ =	shalt  }
0x82: {  	_ =	shalt  }
0x83: {  	_ =	shalt  }
0x84: {  	_ =	shalt  }
0x85: {  	_ =	shalt  }
0x86: {  	_ =	shalt  }
0x87: {  	_ =	shalt  }
.Lfunc_end0:
.L_simem_size_0:
called_computation.1_lowered:
.L_overlay_start_0:
0x88: {  	s2 =	sld [smem:$0x3FD9]  }
0x89: {  	s3 =	sld [smem:$0x3FFE];
	_ =	sdelay $0x1  }
0x8a: {  	s1 =	srdreg.scid  }
0x8b: {  	s0 =	sand.u32 $0x1, s1  }
0x8c: {  	s17 =	sshll.u32 s0, $0xA;
	s2 =	sadd.s32 s3, s2  }
0x8d: {  	s2 =	sadd.s32 s2, s17  }
0x8e: {  	[smem:$0x3FBD] =	sst s2  }
0x8f: {  	_ = 	snop  }
0x90: {  	(tm) =	ssettm $0x1  }
0x91: {  	s18 =	sld [smem:$0x3FFB];
	_ =	sdelay $0x3  }
0x92: {  	_ =	strace s18  }
0x93: {  	s2 =	sld [smem:$0x3FFC];
	_ =	sdelay $0x3  }
0x94: {  	_ =	strace s2  }
0x95: {  	s2 =	sld [smem:$0x3FFD];
	_ =	sdelay $0x3  }
0x96: {  	_ =	strace s2  }
0x97: {  	_ =	strace $0x8FFFFFFF  }
0x98: {  	s19 =	sld [smem:$0x3FDB];
	_ =	sdelay $0x1  }
0x99: {  	s20 =	simm.s32 $_scs_section_size  }
0x9a: {  	s4 =	simm.s32 $_size__tile_overlayer_lowered;
	s5 =	simm.s32 $_tile_overlayer_lowered  }
0x9b: {  	s6 =	simm.s32 $0x1BFF;
	s21 =	sshll.u32 s5, $0x1;
	s3 =	sadd.s32 s20, s19  }
0x9c: {  	s22 =	simm.s32 $0x0;
	s4 =	sshll.u32 s4, $0x1;
	s5 =	sadd.s32 s21, s3  }
0x9d: {  	[timem:s22], [sflag:s6] =	dma.local [hbm:s5], s4  }
0x9e: {  	_ =	swait.ge [sflag:s6], s4  }
0x9f: {  	s4 =	ssub.s32 $0x0, s4;
	[sflag:s6] =	ssyncset.done $0x0  }
0xa0: {  	[sflag:s6] =	ssyncadd.s32 s4;
	_ =	sdelay $0x1  }
0xa1: {  	s23 =	simm.s32 $0x1B8B  }
0xa2: {  	_ =	swait.ge [sflag:s23], $0x1  }
0xa3: {  	[sflag:s23] =	ssyncset.done $0x0  }
0xa4: {  	[sflag:s23] =	ssyncadd.s32 $0xFFFFFFFF  }
0xa5: {  	s4 =	sld [smem:$0x0]  }
0xa6: {  	s5 =	sand.u32 $0xFFFFFFFE, s1  }
0xa7: {  	p0 =	sne.s32 s1, s5  }
0xa8: {  	s5 =	sshll.u32 @p0 s5, $0xE  }
0xa9: {  	s5 =	sadd.s32 @p0 $0x11B8D, s5;
	s6 =	sshll.u32 @p0 s4, $0x11  }
0xaa: {  	s5 =	sor.u32 @p0 s6, s5  }
0xab: {  	[sflag:s5] =	ssyncadd.remote.s32 @p0 $0x1;
	_ =	sdelay $0x1  }
0xac: {  	s5 =	simm.s32 @p0 $0x1B8D  }
0xad: {  	_ =	swait.eq @p0 [sflag:s5], $0x1  }
0xae: {  	[sflag:s5] =	ssyncadd.s32 @p0 $0xFFFFFFFF  }
0xaf: {  	s6 =	sshll.u32 @!p0 s1, $0xE  }
0xb0: {  	s6 =	sor.u32 @!p0 $0x4000, s6;
	s5 =	simm.s32 @!p0 $0x1B8D  }
0xb1: {  	s4 =	sshll.u32 @!p0 s4, $0x11;
	s6 =	sadd.s32 @!p0 $0x11B8D, s6;
	_ =	swait.eq @!p0 [sflag:s5], $0x1  }
0xb2: {  	s4 =	sor.u32 @!p0 s4, s6;
	[sflag:s5] =	ssyncadd.s32 @!p0 $0xFFFFFFFF  }
0xb3: {  	s25 =	simm.s32 $0x1B8E;
	s24 =	sld [smem:$0x3FFE];
	[sflag:s4] =	ssyncadd.remote.s32 @!p0 $0x1  }
0xb4: {  	s26 =	simm.s32 $execute0_lowered;
	[smem:$0x3FD2] =	sst s25  }
0xb5: {  	s5 =	sshll.u32 s26, $0x1;
	_ =	strace $0x80000049;
	[dreg:$0x1] =	wrdreg $0xFFFFFFFF  }
0xb6: {  	s28 =	simm.s32 $_size_execute0_lowered;
	s3 =	sadd.s32 s3, s5;
	[dreg:$0x0] =	wrdreg $0x0  }
0xb7: {  	s5 =	sshll.u32 s28, $0x1;
	[dreg:$0x2] =	wrdreg s3  }
0xb8: {  	[dreg:$0x3] =	wrdreg s5  }
0xb9: {  	[dreg:$0x4] =	wrdreg $0xC0  }
0xba: {  	_ =	task [dreg:s22], $0x5FFFF  }
0xbb: {  	[dreg:$0x1] =	wrdreg $0xFFFFFFFF  }
0xbc: {  	[dreg:$0x0] =	wrdreg $0x60  }
0xbd: {  	[dreg:$0x2] =	wrdreg s24  }
0xbe: {  	[dreg:$0x3] =	wrdreg $0x150000  }
0xbf: {  	[dreg:$0x4] =	wrdreg $0xA  }
0xc0: {  	_ =	task.clear_ibuf [dreg:s22], $0x5FFFF;
	_ =	strace $0x90000049  }
0xc1: {  	s29 =	simm.s32 $0xA;
	_ =	strace $0x8000004B  }
0xc2: {  	_ =	swait.ge [sflag:s29], $0x1  }
0xc3: {  	[sflag:s29] =	ssyncadd.s32 $0xFFFFFFFF  }
0xc4: {  	_ =	strace $0x9000004B  }
0xc5: {  	_ =	sfence  }
0xc6: {  	s30 =	sld [smem:$0x0];
	_ =	sdelay $0x2  }
0xc7: {  	s31 =	sshll.u32 s1, $0xD;
	s1 =	sshrl.u32 s1, $0x2  }
0xc8: {  	s4 =	sand.u32 $0x4000, s31;
	s1 =	sadd.s32 s1, s30  }
0xc9: {  	s0 =	sor.u32 s4, s0;
	s1 =	sshll.u32 s1, $0x11  }
0xca: {  	s0 =	sor.u32 s1, s0  }
0xcb: {  	s0 =	sadd.s32 $0x8F2B, s0  }
0xcc: {  	[sflag:s0] =	ssyncadd.remote.s32 $0x1  }
0xcd: {  	_ =	sfence.sel $0xFFFF  }
0xce: {  	[dreg:$0x0] =	wrdreg $0xFFFFFFFF;
	(pc) =	sbr.abs _section_cstart, $3  }
0xcf: {  	[dreg:$0x1] =	wrdreg $0xFFFFFFFF  }
0xd0: {  	_ =	task.clear_ibuf [dreg:s22], $0x2FFFF;
	_ =	strace $0x9FFFFFFF  }
0xd1: {  	(tm) =	ssettm $0x7FFFFFFF  }
tec
execute0_lowered:
.L_overlay_start_1:
0x0: {  	(tag) =	ssettag $0x1  }
0x1: {  	s0 =	rddreg [dreg:$0x0]  }
0x2: {  	s1 =	rddreg [dreg:$0x1]  }
0x3: {  	s2 =	srdreg.scid;
	s3 =	simm.s32 $0x0;
	s12 =	stileid.u32  }
0x4: {  	s14 =	simm.s32 $0x9;
	s15 =	simm.s32 $0x2800;
	s28 =	simm.s32 $0x5  }
0x5: {  	s30 =	simm.s32 $0x3;
	s13 =	simm.s32 $0x2780;
	s6 =	smul.u32 $0x2800, s12  }
0x6: {  	s29 =	simm.s32 $0x4F80;
	s31 =	simm.s32 $0x0;
	s8 =	smul.u32 $0xA000, s12  }
0x7: {  	s2 =	sand.u32 $0x1, s2;
	[smem:$0x7FF] =	sst s3;
	s18 =	smul.u32 $0x29000, s12  }
0x8: {  	s4 =	sadd.s32 $0x5F000, s0;
	s11 =	smul.u32 $0x28000, s12;
	s26 =	sshll.u32 s12, $0x6  }
0x9: {  	s12 =	simm.s32 $0x4E00;
	s5 =	smul.u32 $0x28000, s2;
	_ =	strace $0x8000004A  }
0xa: {  	s7 =	smul.u32 $0x140000, s2;
	s2 =	ssub.s32 $0x2, s2;
	s16 =	sor.u32 $0x1C09, s26  }
0xb: {  	s26 =	simm.s32 $0x11000;
	s10 =	sshrl.u32 s2, $0x1;
	s21 =	sshrl.u32 s18, $0x2  }
0xc: {  	s22 =	sshrl.u32 s11, $0x2;
	s18 =	simm.s32 $0x80;
	s11 =	simm.s32 $0x100  }
0xd: {  	s5 =	sadd.s32 s6, s5;
	s6 =	sshrl.u32 s6, $0x3;
	s7 =	sadd.s32 s8, s7  }
0xe: {  	s2 =	ssub.s32 s2, s10;
	s8 =	sadd.s32 s22, s1;
	s10 =	simm.s32 $0x8  }
0xf: {  	s22 =	simm.s32 $0x4E80;
	s5 =	sshrl.u32 s5, $0x3;
	s6 =	sadd.s32 s6, s0  }
0x10: {  	s7 =	sshrl.u32 s7, $0x3;
	[dreg:$0x6] =	wrdreg s8;
	s25 =	smax.u32 s2, $0x1  }
0x11: {  	s8 =	simm.s32 $0x7;
	s9 =	sadd.s32 s5, s0;
	s5 =	sadd.s32 $0xDA00, s0  }
0x12: {  	s0 =	sadd.s32 s7, s0;
	s20 =	sadd.s32 $0xC1200, s6;
	[dreg:$0xa] =	wrdreg s25  }
0x13: {  	s7 =	sadd.s32 s21, s1;
	s6 =	sadd.s32 $0xC6200, s6;
	[dreg:$0x4] =	wrdreg s20  }
0x14: {  	s21 =	simm.s32 $0x1;
	s19 =	sadd.s32 $0xAD200, s9;
	[dreg:$0x8] =	wrdreg s6  }
0x15: {  	s25 =	simm.s32 $0x4F00;
	s23 =	sadd.s32 $0xCB200, s0;
	[dreg:$0x3] =	wrdreg s19  }
0x16: {  	s24 =	sadd.s32 $0xB7200, s9;
	s0 =	sadd.s32 $0xDF200, s0;
	[dreg:$0x5] =	wrdreg s23  }
0x17: {  	s17 =	sshrl.u32 s7, $0x3;
	s20 =	simm.s32 $0x9000;
	[dreg:$0x7] =	wrdreg s24  }
0x18: {  	s6 =	simm.s32 $0x4;
	[dreg:$0x9] =	wrdreg s0;
	s19 =	simm.s32 $0x5000  }
0x19: {  	s23 =	simm.s32 $0xD000;
	s24 =	simm.s32 $0x2;
	s0 =	simm.s32 $0x6  }
.LBB2_1:
0x1a: {  	s2 =	rddreg [dreg:$0x3]  }
0x1b: {  	[tilespmem:s3], [sflag:$0x9] =	stream.linear.gather [hbm4b:s2+s3], $0x2800, $0x38;
	[tilespmem:$0x1F400] =	vst v63  }
0x1c: {  	_ =	swait.ge [sflag:s14], $0x2800  }
0x1d: {  	[sflag:s14] =	ssyncset.done $0x0  }
0x1e: {  	s7 =	rddreg [dreg:$0x4];
	[sflag:s14] =	ssyncadd.s32 $0xFFFFD800  }
0x1f: {  	[tilespmem:s15], [sflag:$0x9] =	stream.linear.gather [hbm4b:s7+s3], $0x2800, $0x38;
	[tilespmem:$0x1F400] =	vst v63  }
0x20: {  	_ =	swait.ge [sflag:s14], $0x2800  }
0x21: {  	[sflag:s14] =	ssyncset.done $0x0  }
0x22: {  	[sflag:s14] =	ssyncadd.s32 $0xFFFFD800  }
0x23: {  	[spmem:s17], [sflag:s16] =	dma.local [hbm:s5], $0x1480  }
0x24: {  	_ =	swait.ge [sflag:s14], $0x1480  }
0x25: {  	[sflag:s14] =	ssyncset.done $0x0  }
0x26: {  	[sflag:s14] =	ssyncadd.s32 $0xFFFFEB80  }
0x27: {  	[bflag:$0x0] =	sbarrier.arrive $0xFFFF  }
0x28: {  	(ifvalue) =	ssetifvalue $0xFFFFFFFF  }
0x29: {  	(ifvalue) =	ssetifvalue $0xFFFFFFFF  }
0x2a: {  	[tilespmem:s19], [sflag:$0x1] =	stream.indirect.gather [hbm4b:s4+s18], $0x80, s3, s18, $0x40b8;
	[tilespmem:$0x1F400] =	vst v63  }
0x2b: {  	(ifvalue) =	ssetifvalue $0xFFFFFFFF  }
0x2c: {  	(ifvalue) =	ssetifvalue $0xFFFFFFFF  }
0x2d: {  	[tilespmem:s20], [sflag:$0x2] =	stream.indirect.gather [hbm4b:s4+s18], $0x80, s18, s18, $0x40b8;
	[tilespmem:$0x1F400] =	vst v63  }
0x2e: {  	_ =	swait.ge [sflag:s21], $0x4000  }
0x2f: {  	[sflag:s21] =	ssyncset.done $0x0  }
0x30: {  	[sflag:s21] =	ssyncadd.s32 $0xFFFFC000;
	(ifvalue) =	ssetifvalue $0xFFFFFFFF  }
0x31: {  	(ifvalue) =	ssetifvalue $0xFFFFFFFF  }
0x32: {  	[tilespmem:s23], [sflag:$0x3] =	stream.indirect.gather [hbm4b:s4+s18], $0x80, s11, s18, $0x40b8;
	[tilespmem:$0x1F400] =	vst v63  }
0x33: {  	_ = 	snop  }
0x34: {  	[spmem:s1] =	stream.indirect.scatter.add.f32 [tilespmem:s19], [sflag:$0x5], $0x80, s15, s18, $0xb8;
	[tilespmem:$0x1F400] =	vst v63  }
0x35: {  	_ =	swait.ge [sflag:s24], $0x4000  }
0x36: {  	[sflag:s24] =	ssyncset.done $0x0  }
0x37: {  	[sflag:s24] =	ssyncadd.s32 $0xFFFFC000;
	(ifvalue) =	ssetifvalue $0xFFFFFFFF  }
0x38: {  	s9 =	simm.s32 $0x180;
	(ifvalue) =	ssetifvalue $0xFFFFFFFF  }
0x39: {  	[tilespmem:s26], [sflag:$0x4] =	stream.indirect.gather [hbm4b:s4+s18], $0x80, s9, s18, $0x40b8;
	[tilespmem:$0x1F400] =	vst v63  }
0x3a: {  	_ =	swait.ge [sflag:s28], $0x4000  }
0x3b: {  	[sflag:s28] =	ssyncset.done $0x0  }
0x3c: {  	s7 =	simm.s32 $0x2880;
	[sflag:s28] =	ssyncadd.s32 $0xFFFFC000  }
0x3d: {  	[spmem:s1] =	stream.indirect.scatter.add.f32 [tilespmem:s20], [sflag:$0x6], $0x80, s7, s18, $0xb8;
	[tilespmem:$0x1F400] =	vst v63  }
0x3e: {  	_ =	swait.ge [sflag:s30], $0x4000  }
0x3f: {  	[sflag:s30] =	ssyncset.done $0x0  }
0x40: {  	[sflag:s30] =	ssyncadd.s32 $0xFFFFC000;
	(ifvalue) =	ssetifvalue $0xFFFFFFFF  }
0x41: {  	s9 =	simm.s32 $0x200;
	(ifvalue) =	ssetifvalue $0xFFFFFFFF  }
0x42: {  	[tilespmem:s19], [sflag:$0x1] =	stream.indirect.gather [hbm4b:s4+s18], $0x80, s9, s18, $0x40b8;
	[tilespmem:$0x1F400] =	vst v63  }
0x43: {  	_ =	swait.ge [sflag:s0], $0x4000  }
0x44: {  	[sflag:s0] =	ssyncset.done $0x0  }
0x45: {  	s7 =	simm.s32 $0x2900;
	[sflag:s0] =	ssyncadd.s32 $0xFFFFC000  }
0x46: {  	[spmem:s1] =	stream.indirect.scatter.add.f32 [tilespmem:s23], [sflag:$0x7], $0x80, s7, s18, $0xb8;
	[tilespmem:$0x1F400] =	vst v63  }
0x47: {  	_ =	swait.ge [sflag:s6], $0x4000  }
0x48: {  	[sflag:s6] =	ssyncset.done $0x0  }
0x49: {  	[sflag:s6] =	ssyncadd.s32 $0xFFFFC000;
	(ifvalue) =	ssetifvalue $0xFFFFFFFF  }
0x4a: {  	s9 =	simm.s32 $0x280;
	(ifvalue) =	ssetifvalue $0xFFFFFFFF  }
0x4b: {  	[tilespmem:s20], [sflag:$0x2] =	stream.indirect.gather [hbm4b:s4+s18], $0x80, s9, s18, $0x40b8;
	[tilespmem:$0x1F400] =	vst v63  }
0x4c: {  	_ =	swait.ge [sflag:s8], $0x4000  }
0x4d: {  	[sflag:s8] =	ssyncset.done $0x0  }
0x4e: {  	s7 =	simm.s32 $0x2980;
	[sflag:s8] =	ssyncadd.s32 $0xFFFFC000  }
0x4f: {  	[spmem:s1] =	stream.indirect.scatter.add.f32 [tilespmem:s26], [sflag:$0x8], $0x80, s7, s18, $0xb8;
	[tilespmem:$0x1F400] =	vst v63  }
0x50: {  	_ =	swait.ge [sflag:s21], $0x4000  }
0x51: {  	[sflag:s21] =	ssyncset.done $0x0  }
0x52: {  	[sflag:s21] =	ssyncadd.s32 $0xFFFFC000;
	(ifvalue) =	ssetifvalue $0xFFFFFFFF  }
0x53: {  	s9 =	simm.s32 $0x300;
	(ifvalue) =	ssetifvalue $0xFFFFFFFF  }
0x54: {  	[tilespmem:s23], [sflag:$0x3] =	stream.indirect.gather [hbm4b:s4+s18], $0x80, s9, s18, $0x40b8;
	[tilespmem:$0x1F400] =	vst v63  }
0x55: {  	_ =	swait.ge [sflag:s10], $0x4000  }
0x56: {  	[sflag:s10] =	ssyncset.done $0x0  }
0x57: {  	s7 =	simm.s32 $0x2A00;
	[sflag:s10] =	ssyncadd.s32 $0xFFFFC000  }
0x58: {  	[spmem:s1] =	stream.indirect.scatter.add.f32 [tilespmem:s19], [sflag:$0x5], $0x80, s7, s18, $0xb8;
	[tilespmem:$0x1F400] =	vst v63  }
0x59: {  	_ =	swait.ge [sflag:s24], $0x4000  }
0x5a: {  	[sflag:s24] =	ssyncset.done $0x0  }
0x5b: {  	[sflag:s24] =	ssyncadd.s32 $0xFFFFC000;
	(ifvalue) =	ssetifvalue $0xFFFFFFFF  }
0x5c: {  	s9 =	simm.s32 $0x380;
	(ifvalue) =	ssetifvalue $0xFFFFFFFF  }
0x5d: {  	[tilespmem:s26], [sflag:$0x4] =	stream.indirect.gather [hbm4b:s4+s18], $0x80, s9, s18, $0x40b8;
	[tilespmem:$0x1F400] =	vst v63  }
0x5e: {  	_ =	swait.ge [sflag:s28], $0x4000  }
0x5f: {  	[sflag:s28] =	ssyncset.done $0x0  }
0x60: {  	s7 =	simm.s32 $0x2A80;
	[sflag:s28] =	ssyncadd.s32 $0xFFFFC000  }
0x61: {  	[spmem:s1] =	stream.indirect.scatter.add.f32 [tilespmem:s20], [sflag:$0x6], $0x80, s7, s18, $0xb8;
	[tilespmem:$0x1F400] =	vst v63  }
0x62: {  	_ =	swait.ge [sflag:s30], $0x4000  }
0x63: {  	[sflag:s30] =	ssyncset.done $0x0  }
0x64: {  	[sflag:s30] =	ssyncadd.s32 $0xFFFFC000;
	(ifvalue) =	ssetifvalue $0xFFFFFFFF  }
0x65: {  	s9 =	simm.s32 $0x400;
	(ifvalue) =	ssetifvalue $0xFFFFFFFF  }
0x66: {  	[tilespmem:s19], [sflag:$0x1] =	stream.indirect.gather [hbm4b:s4+s18], $0x80, s9, s18, $0x40b8;
	[tilespmem:$0x1F400] =	vst v63  }
0x67: {  	_ =	swait.ge [sflag:s0], $0x4000  }
0x68: {  	[sflag:s0] =	ssyncset.done $0x0  }
0x69: {  	s7 =	simm.s32 $0x2B00;
	[sflag:s0] =	ssyncadd.s32 $0xFFFFC000  }
0x6a: {  	[spmem:s1] =	stream.indirect.scatter.add.f32 [tilespmem:s23], [sflag:$0x7], $0x80, s7, s18, $0xb8;
	[tilespmem:$0x1F400] =	vst v63  }
0x6b: {  	_ =	swait.ge [sflag:s6], $0x4000  }
0x6c: {  	[sflag:s6] =	ssyncset.done $0x0  }
0x6d: {  	[sflag:s6] =	ssyncadd.s32 $0xFFFFC000;
	(ifvalue) =	ssetifvalue $0xFFFFFFFF  }
0x6e: {  	s9 =	simm.s32 $0x480;
	(ifvalue) =	ssetifvalue $0xFFFFFFFF  }
0x6f: {  	[tilespmem:s20], [sflag:$0x2] =	stream.indirect.gather [hbm4b:s4+s18], $0x80, s9, s18, $0x40b8;
	[tilespmem:$0x1F400] =	vst v63  }
0x70: {  	_ =	swait.ge [sflag:s8], $0x4000  }
0x71: {  	[sflag:s8] =	ssyncset.done $0x0  }
0x72: {  	s2 =	simm.s32 $0x800;
	s7 =	simm.s32 $0x2B80;
	[sflag:s8] =	ssyncadd.s32 $0xFFFFC000  }
.LBB2_2:
0x73: {  	[spmem:s1] =	stream.indirect.scatter.add.f32 [tilespmem:s26], [sflag:$0x8], $0x80, s7, s18, $0xb8;
	[tilespmem:$0x1F400] =	vst v63  }
0x74: {  	s7 =	smov.u32 s2  }
0x75: {  	p0 =	sne.s32 s2, $0x8800;
	s2 =	sadd.s32 $0x800, s2;
	_ =	swait.ge [sflag:s21], $0x4000  }
0x76: {  	[sflag:s21] =	ssyncset.done $0x0  }
0x77: {  	[sflag:s21] =	ssyncadd.s32 $0xFFFFC000  }
0x78: {  	s7 =	sshra.s32 s7, $0x2;
	(ifvalue) =	ssetifvalue $0xFFFFFFFF  }
0x79: {  	s9 =	sadd.s32 $0x300, s7;
	(ifvalue) =	ssetifvalue $0xFFFFFFFF  }
0x7a: {  	[tilespmem:s23], [sflag:$0x3] =	stream.indirect.gather [hbm4b:s4+s18], $0x80, s9, s18, $0x40b8;
	[tilespmem:$0x1F400] =	vst v63  }
0x7b: {  	_ =	swait.ge [sflag:s10], $0x4000  }
0x7c: {  	[sflag:s10] =	ssyncset.done $0x0  }
0x7d: {  	s9 =	sadd.s32 $0x2A00, s7;
	[sflag:s10] =	ssyncadd.s32 $0xFFFFC000  }
0x7e: {  	[spmem:s1] =	stream.indirect.scatter.add.f32 [tilespmem:s19], [sflag:$0x5], $0x80, s9, s18, $0xb8;
	[tilespmem:$0x1F400] =	vst v63  }
0x7f: {  	_ =	swait.ge [sflag:s24], $0x4000  }
0x80: {  	[sflag:s24] =	ssyncset.done $0x0  }
0x81: {  	[sflag:s24] =	ssyncadd.s32 $0xFFFFC000  }
0x82: {  	(ifvalue) =	ssetifvalue $0xFFFFFFFF  }
0x83: {  	s9 =	sadd.s32 $0x380, s7;
	(ifvalue) =	ssetifvalue $0xFFFFFFFF  }
0x84: {  	[tilespmem:s26], [sflag:$0x4] =	stream.indirect.gather [hbm4b:s4+s18], $0x80, s9, s18, $0x40b8;
	[tilespmem:$0x1F400] =	vst v63  }
0x85: {  	_ =	swait.ge [sflag:s28], $0x4000  }
0x86: {  	[sflag:s28] =	ssyncset.done $0x0  }
0x87: {  	s9 =	sadd.s32 $0x2A80, s7;
	[sflag:s28] =	ssyncadd.s32 $0xFFFFC000  }
0x88: {  	[spmem:s1] =	stream.indirect.scatter.add.f32 [tilespmem:s20], [sflag:$0x6], $0x80, s9, s18, $0xb8;
	[tilespmem:$0x1F400] =	vst v63  }
0x89: {  	_ =	swait.ge [sflag:s30], $0x4000  }
0x8a: {  	[sflag:s30] =	ssyncset.done $0x0  }
0x8b: {  	[sflag:s30] =	ssyncadd.s32 $0xFFFFC000  }
0x8c: {  	(ifvalue) =	ssetifvalue $0xFFFFFFFF  }
0x8d: {  	s9 =	sadd.s32 $0x400, s7;
	(ifvalue) =	ssetifvalue $0xFFFFFFFF  }
0x8e: {  	[tilespmem:s19], [sflag:$0x1] =	stream.indirect.gather [hbm4b:s4+s18], $0x80, s9, s18, $0x40b8;
	[tilespmem:$0x1F400] =	vst v63  }
0x8f: {  	_ =	swait.ge [sflag:s0], $0x4000  }
0x90: {  	[sflag:s0] =	ssyncset.done $0x0  }
0x91: {  	s9 =	sadd.s32 $0x2B00, s7;
	[sflag:s0] =	ssyncadd.s32 $0xFFFFC000  }
0x92: {  	[spmem:s1] =	stream.indirect.scatter.add.f32 [tilespmem:s23], [sflag:$0x7], $0x80, s9, s18, $0xb8;
	[tilespmem:$0x1F400] =	vst v63  }
0x93: {  	_ =	swait.ge [sflag:s6], $0x4000  }
0x94: {  	[sflag:s6] =	ssyncset.done $0x0  }
0x95: {  	[sflag:s6] =	ssyncadd.s32 $0xFFFFC000  }
0x96: {  	(ifvalue) =	ssetifvalue $0xFFFFFFFF  }
.Ltmp0:
0x97: {  	s9 =	sadd.s32 $0x480, s7;
	(ifvalue) =	ssetifvalue $0xFFFFFFFF;
	(pc) =	sbr.rel @p0 .LBB2_2-.Ltmp0, $4  }
0x98: {  	[tilespmem:s20], [sflag:$0x2] =	stream.indirect.gather [hbm4b:s4+s18], $0x80, s9, s18, $0x40b8;
	[tilespmem:$0x1F400] =	vst v63  }
0x99: {  	_ =	swait.ge [sflag:s8], $0x4000  }
0x9a: {  	[sflag:s8] =	ssyncset.done $0x0  }
0x9b: {  	s7 =	sadd.s32 $0x2B80, s7;
	[sflag:s8] =	ssyncadd.s32 $0xFFFFC000  }
0x9c: {  	[spmem:s1] =	stream.indirect.scatter.add.f32 [tilespmem:s26], [sflag:$0x8], $0x80, s7, s18, $0xb8;
	[tilespmem:$0x1F400] =	vst v63  }
0x9d: {  	_ =	swait.ge [sflag:s21], $0x4000  }
0x9e: {  	[sflag:s21] =	ssyncset.done $0x0  }
0x9f: {  	[sflag:s21] =	ssyncadd.s32 $0xFFFFC000;
	(ifvalue) =	ssetifvalue $0xFFFFFFFF  }
0xa0: {  	s2 =	simm.s32 $0x2700;
	(ifvalue) =	ssetifvalue $0xFFFFFFFF  }
0xa1: {  	[tilespmem:s23], [sflag:$0x3] =	stream.indirect.gather [hbm4b:s4+s18], $0x80, s2, s18, $0x40b8;
	[tilespmem:$0x1F400] =	vst v63  }
0xa2: {  	_ =	swait.ge [sflag:s10], $0x4000  }
0xa3: {  	[sflag:s10] =	ssyncset.done $0x0  }
0xa4: {  	[sflag:s10] =	ssyncadd.s32 $0xFFFFC000  }
0xa5: {  	[spmem:s1] =	stream.indirect.scatter.add.f32 [tilespmem:s19], [sflag:$0x5], $0x80, s12, s18, $0xb8;
	[tilespmem:$0x1F400] =	vst v63  }
0xa6: {  	_ =	swait.ge [sflag:s24], $0x4000  }
0xa7: {  	[sflag:s24] =	ssyncset.done $0x0  }
0xa8: {  	[sflag:s24] =	ssyncadd.s32 $0xFFFFC000;
	(ifvalue) =	ssetifvalue $0xFFFFFFFF  }
0xa9: {  	(ifvalue) =	ssetifvalue $0xFFFFFFFF  }
0xaa: {  	[tilespmem:s26], [sflag:$0x4] =	stream.indirect.gather [hbm4b:s4+s18], $0x80, s13, s18, $0x40b8;
	[tilespmem:$0x1F400] =	vst v63  }
0xab: {  	_ =	swait.ge [sflag:s28], $0x4000  }
0xac: {  	[sflag:s28] =	ssyncset.done $0x0  }
0xad: {  	[sflag:s28] =	ssyncadd.s32 $0xFFFFC000  }
0xae: {  	[spmem:s1] =	stream.indirect.scatter.add.f32 [tilespmem:s20], [sflag:$0x6], $0x80, s22, s18, $0xb8;
	[tilespmem:$0x1F400] =	vst v63  }
0xaf: {  	_ =	swait.ge [sflag:s30], $0x4000  }
0xb0: {  	[sflag:s30] =	ssyncset.done $0x0  }
0xb1: {  	[sflag:s30] =	ssyncadd.s32 $0xFFFFC000  }
0xb2: {  	_ =	swait.ge [sflag:s0], $0x4000  }
0xb3: {  	[sflag:s0] =	ssyncset.done $0x0  }
0xb4: {  	[sflag:s0] =	ssyncadd.s32 $0xFFFFC000  }
0xb5: {  	[spmem:s1] =	stream.indirect.scatter.add.f32 [tilespmem:s23], [sflag:$0x7], $0x80, s25, s18, $0xb8;
	[tilespmem:$0x1F400] =	vst v63  }
0xb6: {  	_ =	swait.ge [sflag:s6], $0x4000  }
0xb7: {  	[sflag:s6] =	ssyncset.done $0x0  }
0xb8: {  	[sflag:s6] =	ssyncadd.s32 $0xFFFFC000  }
0xb9: {  	_ =	swait.ge [sflag:s8], $0x4000  }
0xba: {  	[sflag:s8] =	ssyncset.done $0x0  }
0xbb: {  	[sflag:s8] =	ssyncadd.s32 $0xFFFFC000  }
0xbc: {  	[spmem:s1] =	stream.indirect.scatter.add.f32 [tilespmem:s26], [sflag:$0x8], $0x80, s29, s18, $0xb8;
	[tilespmem:$0x1F400] =	vst v63  }
0xbd: {  	_ =	swait.ge [sflag:s10], $0x4000  }
0xbe: {  	[sflag:s10] =	ssyncset.done $0x0  }
0xbf: {  	[sflag:s10] =	ssyncadd.s32 $0xFFFFC000  }
0xc0: {  	[bflag:$0x0] =	sbarrier.arrive $0xFFFF  }
0xc1: {  	s7 =	rddreg [dreg:$0x6]  }
0xc2: {  	s9 =	rddreg [dreg:$0x5];
	s2 =	sshrl.u32 s7, $0x3  }
0xc3: {  	[hbm:s9], [sflag:s16] =	dma.local [spmem:s2], $0x1400  }
0xc4: {  	_ =	swait.ge [sflag:s14], $0x1400  }
0xc5: {  	[sflag:s14] =	ssyncset.done $0x0  }
0xc6: {  	s7 =	simm.s32 $0x0;
	s9 =	rddreg [dreg:$0x7];
	[sflag:s14] =	ssyncadd.s32 $0xFFFFEC00  }
0xc7: {  	[tilespmem:s7], [sflag:$0x9] =	stream.linear.gather [hbm4b:s9+s7], $0x2800, $0x38;
	[tilespmem:$0x1F400] =	vst v63  }
0xc8: {  	_ =	swait.ge [sflag:s14], $0x2800  }
0xc9: {  	[sflag:s14] =	ssyncset.done $0x0  }
0xca: {  	s9 =	rddreg [dreg:$0x8];
	[sflag:s14] =	ssyncadd.s32 $0xFFFFD800  }
0xcb: {  	[tilespmem:s15], [sflag:$0x9] =	stream.linear.gather [hbm4b:s9+s7], $0x2800, $0x38;
	[tilespmem:$0x1F400] =	vst v63  }
0xcc: {  	_ =	swait.ge [sflag:s14], $0x2800  }
0xcd: {  	[sflag:s14] =	ssyncset.done $0x0  }
0xce: {  	[sflag:s14] =	ssyncadd.s32 $0xFFFFD800  }
0xcf: {  	[spmem:s17], [sflag:s16] =	dma.local [hbm:s5], $0x1480  }
0xd0: {  	_ =	swait.ge [sflag:s14], $0x1480  }
0xd1: {  	[sflag:s14] =	ssyncset.done $0x0  }
0xd2: {  	[sflag:s14] =	ssyncadd.s32 $0xFFFFEB80  }
0xd3: {  	[bflag:$0x0] =	sbarrier.arrive $0xFFFF  }
0xd4: {  	(ifvalue) =	ssetifvalue $0xFFFFFFFF  }
0xd5: {  	(ifvalue) =	ssetifvalue $0xFFFFFFFF  }
0xd6: {  	[tilespmem:s19], [sflag:$0x1] =	stream.indirect.gather [hbm4b:s4+s18], $0x80, s7, s18, $0x40b8;
	[tilespmem:$0x1F400] =	vst v63  }
0xd7: {  	(ifvalue) =	ssetifvalue $0xFFFFFFFF  }
0xd8: {  	(ifvalue) =	ssetifvalue $0xFFFFFFFF  }
0xd9: {  	[tilespmem:s20], [sflag:$0x2] =	stream.indirect.gather [hbm4b:s4+s18], $0x80, s18, s18, $0x40b8;
	[tilespmem:$0x1F400] =	vst v63  }
0xda: {  	_ =	swait.ge [sflag:s21], $0x4000  }
0xdb: {  	[sflag:s21] =	ssyncset.done $0x0  }
0xdc: {  	[sflag:s21] =	ssyncadd.s32 $0xFFFFC000;
	(ifvalue) =	ssetifvalue $0xFFFFFFFF  }
0xdd: {  	(ifvalue) =	ssetifvalue $0xFFFFFFFF  }
0xde: {  	[tilespmem:s23], [sflag:$0x3] =	stream.indirect.gather [hbm4b:s4+s18], $0x80, s11, s18, $0x40b8;
	[tilespmem:$0x1F400] =	vst v63  }
0xdf: {  	_ = 	snop  }
0xe0: {  	[spmem:s1] =	stream.indirect.scatter.add.f32 [tilespmem:s19], [sflag:$0x5], $0x80, s15, s18, $0xb8;
	[tilespmem:$0x1F400] =	vst v63  }
0xe1: {  	_ =	swait.ge [sflag:s24], $0x4000  }
0xe2: {  	[sflag:s24] =	ssyncset.done $0x0  }
0xe3: {  	[sflag:s24] =	ssyncadd.s32 $0xFFFFC000;
	(ifvalue) =	ssetifvalue $0xFFFFFFFF  }
0xe4: {  	s11 =	simm.s32 $0x180;
	(ifvalue) =	ssetifvalue $0xFFFFFFFF  }
0xe5: {  	[tilespmem:s26], [sflag:$0x4] =	stream.indirect.gather [hbm4b:s4+s18], $0x80, s11, s18, $0x40b8;
	[tilespmem:$0x1F400] =	vst v63  }
0xe6: {  	_ =	swait.ge [sflag:s28], $0x4000  }
0xe7: {  	[sflag:s28] =	ssyncset.done $0x0  }
0xe8: {  	s9 =	simm.s32 $0x2880;
	[sflag:s28] =	ssyncadd.s32 $0xFFFFC000  }
0xe9: {  	[spmem:s1] =	stream.indirect.scatter.add.f32 [tilespmem:s20], [sflag:$0x6], $0x80, s9, s18, $0xb8;
	[tilespmem:$0x1F400] =	vst v63  }
0xea: {  	_ =	swait.ge [sflag:s30], $0x4000  }
0xeb: {  	[sflag:s30] =	ssyncset.done $0x0  }
0xec: {  	[sflag:s30] =	ssyncadd.s32 $0xFFFFC000;
	(ifvalue) =	ssetifvalue $0xFFFFFFFF  }
0xed: {  	s11 =	simm.s32 $0x200;
	(ifvalue) =	ssetifvalue $0xFFFFFFFF  }
0xee: {  	[tilespmem:s19], [sflag:$0x1] =	stream.indirect.gather [hbm4b:s4+s18], $0x80, s11, s18, $0x40b8;
	[tilespmem:$0x1F400] =	vst v63  }
0xef: {  	_ =	swait.ge [sflag:s0], $0x4000  }
0xf0: {  	[sflag:s0] =	ssyncset.done $0x0  }
0xf1: {  	s9 =	simm.s32 $0x2900;
	[sflag:s0] =	ssyncadd.s32 $0xFFFFC000  }
0xf2: {  	[spmem:s1] =	stream.indirect.scatter.add.f32 [tilespmem:s23], [sflag:$0x7], $0x80, s9, s18, $0xb8;
	[tilespmem:$0x1F400] =	vst v63  }
0xf3: {  	_ =	swait.ge [sflag:s6], $0x4000  }
0xf4: {  	[sflag:s6] =	ssyncset.done $0x0  }
0xf5: {  	[sflag:s6] =	ssyncadd.s32 $0xFFFFC000;
	(ifvalue) =	ssetifvalue $0xFFFFFFFF  }
0xf6: {  	s11 =	simm.s32 $0x280;
	(ifvalue) =	ssetifvalue $0xFFFFFFFF  }
0xf7: {  	[tilespmem:s20], [sflag:$0x2] =	stream.indirect.gather [hbm4b:s4+s18], $0x80, s11, s18, $0x40b8;
	[tilespmem:$0x1F400] =	vst v63  }
0xf8: {  	_ =	swait.ge [sflag:s8], $0x4000  }
0xf9: {  	[sflag:s8] =	ssyncset.done $0x0  }
0xfa: {  	s9 =	simm.s32 $0x2980;
	[sflag:s8] =	ssyncadd.s32 $0xFFFFC000  }
0xfb: {  	[spmem:s1] =	stream.indirect.scatter.add.f32 [tilespmem:s26], [sflag:$0x8], $0x80, s9, s18, $0xb8;
	[tilespmem:$0x1F400] =	vst v63  }
0xfc: {  	_ =	swait.ge [sflag:s21], $0x4000  }
0xfd: {  	[sflag:s21] =	ssyncset.done $0x0  }
0xfe: {  	[sflag:s21] =	ssyncadd.s32 $0xFFFFC000;
	(ifvalue) =	ssetifvalue $0xFFFFFFFF  }
0xff: {  	s11 =	simm.s32 $0x300;
	(ifvalue) =	ssetifvalue $0xFFFFFFFF  }
0x100: {  	[tilespmem:s23], [sflag:$0x3] =	stream.indirect.gather [hbm4b:s4+s18], $0x80, s11, s18, $0x40b8;
	[tilespmem:$0x1F400] =	vst v63  }
0x101: {  	_ =	swait.ge [sflag:s10], $0x4000  }
0x102: {  	[sflag:s10] =	ssyncset.done $0x0  }
0x103: {  	s9 =	simm.s32 $0x2A00;
	[sflag:s10] =	ssyncadd.s32 $0xFFFFC000  }
0x104: {  	[spmem:s1] =	stream.indirect.scatter.add.f32 [tilespmem:s19], [sflag:$0x5], $0x80, s9, s18, $0xb8;
	[tilespmem:$0x1F400] =	vst v63  }
0x105: {  	_ =	swait.ge [sflag:s24], $0x4000  }
0x106: {  	[sflag:s24] =	ssyncset.done $0x0  }
0x107: {  	[sflag:s24] =	ssyncadd.s32 $0xFFFFC000;
	(ifvalue) =	ssetifvalue $0xFFFFFFFF  }
0x108: {  	s11 =	simm.s32 $0x380;
	(ifvalue) =	ssetifvalue $0xFFFFFFFF  }
0x109: {  	[tilespmem:s26], [sflag:$0x4] =	stream.indirect.gather [hbm4b:s4+s18], $0x80, s11, s18, $0x40b8;
	[tilespmem:$0x1F400] =	vst v63  }
0x10a: {  	_ =	swait.ge [sflag:s28], $0x4000  }
0x10b: {  	[sflag:s28] =	ssyncset.done $0x0  }
0x10c: {  	s9 =	simm.s32 $0x2A80;
	[sflag:s28] =	ssyncadd.s32 $0xFFFFC000  }
0x10d: {  	[spmem:s1] =	stream.indirect.scatter.add.f32 [tilespmem:s20], [sflag:$0x6], $0x80, s9, s18, $0xb8;
	[tilespmem:$0x1F400] =	vst v63  }
0x10e: {  	_ =	swait.ge [sflag:s30], $0x4000  }
0x10f: {  	[sflag:s30] =	ssyncset.done $0x0  }
0x110: {  	[sflag:s30] =	ssyncadd.s32 $0xFFFFC000;
	(ifvalue) =	ssetifvalue $0xFFFFFFFF  }
0x111: {  	s11 =	simm.s32 $0x400;
	(ifvalue) =	ssetifvalue $0xFFFFFFFF  }
0x112: {  	[tilespmem:s19], [sflag:$0x1] =	stream.indirect.gather [hbm4b:s4+s18], $0x80, s11, s18, $0x40b8;
	[tilespmem:$0x1F400] =	vst v63  }
0x113: {  	_ =	swait.ge [sflag:s0], $0x4000  }
0x114: {  	[sflag:s0] =	ssyncset.done $0x0  }
0x115: {  	s9 =	simm.s32 $0x2B00;
	[sflag:s0] =	ssyncadd.s32 $0xFFFFC000  }
0x116: {  	[spmem:s1] =	stream.indirect.scatter.add.f32 [tilespmem:s23], [sflag:$0x7], $0x80, s9, s18, $0xb8;
	[tilespmem:$0x1F400] =	vst v63  }
0x117: {  	_ =	swait.ge [sflag:s6], $0x4000  }
0x118: {  	[sflag:s6] =	ssyncset.done $0x0  }
0x119: {  	[sflag:s6] =	ssyncadd.s32 $0xFFFFC000;
	(ifvalue) =	ssetifvalue $0xFFFFFFFF  }
0x11a: {  	s11 =	simm.s32 $0x480;
	(ifvalue) =	ssetifvalue $0xFFFFFFFF  }
0x11b: {  	[tilespmem:s20], [sflag:$0x2] =	stream.indirect.gather [hbm4b:s4+s18], $0x80, s11, s18, $0x40b8;
	[tilespmem:$0x1F400] =	vst v63  }
0x11c: {  	_ =	swait.ge [sflag:s8], $0x4000  }
0x11d: {  	[sflag:s8] =	ssyncset.done $0x0  }
0x11e: {  	s7 =	simm.s32 $0x800;
	s9 =	simm.s32 $0x2B80;
	[sflag:s8] =	ssyncadd.s32 $0xFFFFC000  }
.LBB2_4:
0x11f: {  	[spmem:s1] =	stream.indirect.scatter.add.f32 [tilespmem:s26], [sflag:$0x8], $0x80, s9, s18, $0xb8;
	[tilespmem:$0x1F400] =	vst v63  }
0x120: {  	s9 =	smov.u32 s7  }
0x121: {  	p0 =	sne.s32 s7, $0x8800;
	s7 =	sadd.s32 $0x800, s7;
	_ =	swait.ge [sflag:s21], $0x4000  }
0x122: {  	[sflag:s21] =	ssyncset.done $0x0  }
0x123: {  	[sflag:s21] =	ssyncadd.s32 $0xFFFFC000  }
0x124: {  	s9 =	sshra.s32 s9, $0x2;
	(ifvalue) =	ssetifvalue $0xFFFFFFFF  }
0x125: {  	s11 =	sadd.s32 $0x300, s9;
	(ifvalue) =	ssetifvalue $0xFFFFFFFF  }
0x126: {  	[tilespmem:s23], [sflag:$0x3] =	stream.indirect.gather [hbm4b:s4+s18], $0x80, s11, s18, $0x40b8;
	[tilespmem:$0x1F400] =	vst v63  }
0x127: {  	_ =	swait.ge [sflag:s10], $0x4000  }
0x128: {  	[sflag:s10] =	ssyncset.done $0x0  }
0x129: {  	s11 =	sadd.s32 $0x2A00, s9;
	[sflag:s10] =	ssyncadd.s32 $0xFFFFC000  }
0x12a: {  	[spmem:s1] =	stream.indirect.scatter.add.f32 [tilespmem:s19], [sflag:$0x5], $0x80, s11, s18, $0xb8;
	[tilespmem:$0x1F400] =	vst v63  }
0x12b: {  	_ =	swait.ge [sflag:s24], $0x4000  }
0x12c: {  	[sflag:s24] =	ssyncset.done $0x0  }
0x12d: {  	[sflag:s24] =	ssyncadd.s32 $0xFFFFC000  }
0x12e: {  	(ifvalue) =	ssetifvalue $0xFFFFFFFF  }
0x12f: {  	s11 =	sadd.s32 $0x380, s9;
	(ifvalue) =	ssetifvalue $0xFFFFFFFF  }
0x130: {  	[tilespmem:s26], [sflag:$0x4] =	stream.indirect.gather [hbm4b:s4+s18], $0x80, s11, s18, $0x40b8;
	[tilespmem:$0x1F400] =	vst v63  }
0x131: {  	_ =	swait.ge [sflag:s28], $0x4000  }
0x132: {  	[sflag:s28] =	ssyncset.done $0x0  }
0x133: {  	s11 =	sadd.s32 $0x2A80, s9;
	[sflag:s28] =	ssyncadd.s32 $0xFFFFC000  }
0x134: {  	[spmem:s1] =	stream.indirect.scatter.add.f32 [tilespmem:s20], [sflag:$0x6], $0x80, s11, s18, $0xb8;
	[tilespmem:$0x1F400] =	vst v63  }
0x135: {  	_ =	swait.ge [sflag:s30], $0x4000  }
0x136: {  	[sflag:s30] =	ssyncset.done $0x0  }
0x137: {  	[sflag:s30] =	ssyncadd.s32 $0xFFFFC000  }
0x138: {  	(ifvalue) =	ssetifvalue $0xFFFFFFFF  }
0x139: {  	s11 =	sadd.s32 $0x400, s9;
	(ifvalue) =	ssetifvalue $0xFFFFFFFF  }
0x13a: {  	[tilespmem:s19], [sflag:$0x1] =	stream.indirect.gather [hbm4b:s4+s18], $0x80, s11, s18, $0x40b8;
	[tilespmem:$0x1F400] =	vst v63  }
0x13b: {  	_ =	swait.ge [sflag:s0], $0x4000  }
0x13c: {  	[sflag:s0] =	ssyncset.done $0x0  }
0x13d: {  	s11 =	sadd.s32 $0x2B00, s9;
	[sflag:s0] =	ssyncadd.s32 $0xFFFFC000  }
0x13e: {  	[spmem:s1] =	stream.indirect.scatter.add.f32 [tilespmem:s23], [sflag:$0x7], $0x80, s11, s18, $0xb8;
	[tilespmem:$0x1F400] =	vst v63  }
0x13f: {  	_ =	swait.ge [sflag:s6], $0x4000  }
0x140: {  	[sflag:s6] =	ssyncset.done $0x0  }
0x141: {  	[sflag:s6] =	ssyncadd.s32 $0xFFFFC000  }
0x142: {  	(ifvalue) =	ssetifvalue $0xFFFFFFFF  }
.Ltmp1:
0x143: {  	s11 =	sadd.s32 $0x480, s9;
	(ifvalue) =	ssetifvalue $0xFFFFFFFF;
	(pc) =	sbr.rel @p0 .LBB2_4-.Ltmp1, $4  }
0x144: {  	[tilespmem:s20], [sflag:$0x2] =	stream.indirect.gather [hbm4b:s4+s18], $0x80, s11, s18, $0x40b8;
	[tilespmem:$0x1F400] =	vst v63  }
0x145: {  	_ =	swait.ge [sflag:s8], $0x4000  }
0x146: {  	[sflag:s8] =	ssyncset.done $0x0  }
0x147: {  	s9 =	sadd.s32 $0x2B80, s9;
	[sflag:s8] =	ssyncadd.s32 $0xFFFFC000  }
0x148: {  	[spmem:s1] =	stream.indirect.scatter.add.f32 [tilespmem:s26], [sflag:$0x8], $0x80, s9, s18, $0xb8;
	[tilespmem:$0x1F400] =	vst v63  }
0x149: {  	_ =	swait.ge [sflag:s21], $0x4000  }
0x14a: {  	[sflag:s21] =	ssyncset.done $0x0  }
0x14b: {  	[sflag:s21] =	ssyncadd.s32 $0xFFFFC000;
	(ifvalue) =	ssetifvalue $0xFFFFFFFF  }
0x14c: {  	s7 =	simm.s32 $0x2700;
	(ifvalue) =	ssetifvalue $0xFFFFFFFF  }
0x14d: {  	[tilespmem:s23], [sflag:$0x3] =	stream.indirect.gather [hbm4b:s4+s18], $0x80, s7, s18, $0x40b8;
	[tilespmem:$0x1F400] =	vst v63  }
0x14e: {  	_ =	swait.ge [sflag:s10], $0x4000  }
0x14f: {  	[sflag:s10] =	ssyncset.done $0x0  }
0x150: {  	[sflag:s10] =	ssyncadd.s32 $0xFFFFC000  }
0x151: {  	[spmem:s1] =	stream.indirect.scatter.add.f32 [tilespmem:s19], [sflag:$0x5], $0x80, s12, s18, $0xb8;
	[tilespmem:$0x1F400] =	vst v63  }
0x152: {  	_ =	swait.ge [sflag:s24], $0x4000  }
0x153: {  	[sflag:s24] =	ssyncset.done $0x0  }
0x154: {  	[sflag:s24] =	ssyncadd.s32 $0xFFFFC000;
	(ifvalue) =	ssetifvalue $0xFFFFFFFF  }
0x155: {  	(ifvalue) =	ssetifvalue $0xFFFFFFFF  }
0x156: {  	[tilespmem:s26], [sflag:$0x4] =	stream.indirect.gather [hbm4b:s4+s18], $0x80, s13, s18, $0x40b8;
	[tilespmem:$0x1F400] =	vst v63  }
0x157: {  	_ =	swait.ge [sflag:s28], $0x4000  }
0x158: {  	[sflag:s28] =	ssyncset.done $0x0  }
0x159: {  	[sflag:s28] =	ssyncadd.s32 $0xFFFFC000  }
0x15a: {  	[spmem:s1] =	stream.indirect.scatter.add.f32 [tilespmem:s20], [sflag:$0x6], $0x80, s22, s18, $0xb8;
	[tilespmem:$0x1F400] =	vst v63  }
0x15b: {  	_ =	swait.ge [sflag:s30], $0x4000  }
0x15c: {  	[sflag:s30] =	ssyncset.done $0x0  }
0x15d: {  	[sflag:s30] =	ssyncadd.s32 $0xFFFFC000  }
0x15e: {  	_ =	swait.ge [sflag:s0], $0x4000  }
0x15f: {  	[sflag:s0] =	ssyncset.done $0x0  }
0x160: {  	[sflag:s0] =	ssyncadd.s32 $0xFFFFC000  }
0x161: {  	[spmem:s1] =	stream.indirect.scatter.add.f32 [tilespmem:s23], [sflag:$0x7], $0x80, s25, s18, $0xb8;
	[tilespmem:$0x1F400] =	vst v63  }
0x162: {  	_ =	swait.ge [sflag:s6], $0x4000  }
0x163: {  	[sflag:s6] =	ssyncset.done $0x0  }
0x164: {  	[sflag:s6] =	ssyncadd.s32 $0xFFFFC000  }
0x165: {  	_ =	swait.ge [sflag:s8], $0x4000  }
0x166: {  	[sflag:s8] =	ssyncset.done $0x0  }
0x167: {  	[sflag:s8] =	ssyncadd.s32 $0xFFFFC000  }
0x168: {  	[spmem:s1] =	stream.indirect.scatter.add.f32 [tilespmem:s26], [sflag:$0x8], $0x80, s29, s18, $0xb8;
	[tilespmem:$0x1F400] =	vst v63  }
0x169: {  	_ =	swait.ge [sflag:s10], $0x4000  }
0x16a: {  	[sflag:s10] =	ssyncset.done $0x0  }
0x16b: {  	[sflag:s10] =	ssyncadd.s32 $0xFFFFC000  }
0x16c: {  	[bflag:$0x0] =	sbarrier.arrive $0xFFFF  }
0x16d: {  	s9 =	rddreg [dreg:$0x9]  }
0x16e: {  	[hbm:s9], [sflag:s16] =	dma.local [spmem:s2], $0x1400  }
0x16f: {  	_ =	swait.ge [sflag:s14], $0x1400  }
0x170: {  	s31 =	sadd.s32 $0x1, s31;
	s11 =	rddreg [dreg:$0xa]  }
0x171: {  	p0 =	sne.s32 s31, s11  }
.Ltmp2:
0x172: {  	_ = 	snop;
	(pc) =	sbr.rel @p0 .LBB2_1-.Ltmp2, $3  }
0x173: {  	_ =	sdelay $0x1  }
0x174: {  	[sflag:s14] =	ssyncset.done $0x0  }
0x175: {  	[sflag:s14] =	ssyncadd.s32 $0xFFFFEC00;
	s11 =	simm.s32 $0x100  }
0x176: {  	_ =	sfence.sel $0x180000  }
0x177: {  	[bflag:$0x0] =	sbarrier.arrive $0xFFFF  }
0x178: {  	_ =	strace $0x9000004A  }
0x179: {  	s0 =	stileid.u32;
	[bflag:$0x2] =	sbarrier.arrive $0xFFFF  }
0x17a: {  	p0 =	sne.s32 s0, $0x0;
	s0 =	rddreg [dreg:$0x2]  }
0x17b: {  	s0 =	sadd.s32 @!p0 $0x100000, s0  }
0x17c: {  	[sflag:s0] =	ssyncadd.tile.s32 @!p0 $0x1;
	_ =	shalt  }
.Lfunc_end2:
_tile_overlayer_lowered:
.L_overlay_start_2:
0x17d: {  	(tag) =	ssettag $0x2  }
0x17e: {  	s0 =	rddreg [dreg:$0x0];
	s2 =	stileid.u32  }
0x17f: {  	s1 =	rddreg [dreg:$0x1];
	p0 =	sne.s32 s2, $0x0  }
0x180: {  	s3 =	rddreg [dreg:$0x2];
	[bflag:$0x3] =	sbarrier.arrive $0xFFFF;
	s2 =	simm.s32 @!p0 $0x1C09  }
0x181: {  	[timem:s3], [sflag:s2] =	dma.local @!p0 [hbm:s0], s1  }
0x182: {  	s0 =	simm.s32 @!p0 $0x9  }
0x183: {  	_ =	swait.ge @!p0 [sflag:s0], s1  }
0x184: {  	s1 =	ssub.s32 @!p0 $0x0, s1;
	[sflag:s0] =	ssyncset.done @!p0 $0x0  }
0x185: {  	[sflag:s0] =	ssyncadd.s32 @!p0 s1  }
0x186: {  	[bflag:$0x3] =	sbarrier.arrive $0xFFFF  }
0x187: {  	_ =	shalt  }

// kernel: kernel.16.cloned.1.call-start
scs
__scs_entry_jumppad:
0x0: {  	(pc) =	sbr.rel $0x88, $3  }
0x1: {  	(tag) =	ssettag $0x0;
	lr =	simm.s32 $0x1  }
0x2: {  	[smem:$0x3F96] =	sst lr;
	_ =	strace $0xD0000000  }
0x3: {  	_ = 	snop  }
0x4: {  	_ = 	snop  }
0x5: {  	_ = 	snop  }
0x6: {  	_ = 	snop  }
0x7: {  	_ = 	snop  }
__scs_overlays_trampoline_lowered:
0x8: {  	[smem:$0x3FA5] =	sst s0  }
0x9: {  	[smem:$0x3FA6] =	sst s1  }
0xa: {  	[smem:$0x3FA7] =	sst s2  }
0xb: {  	[smem:$0x3FA8] =	sst s3  }
0xc: {  	[smem:$0x3FA9] =	sst s4  }
0xd: {  	[smem:$0x3FAA] =	sst s5  }
0xe: {  	[smem:$0x3FAB] =	sst s6  }
0xf: {  	[smem:$0x3FAC] =	sst s7  }
0x10: {  	[smem:$0x3FAD] =	sst s8  }
0x11: {  	[smem:$0x3FAE] =	sst s9;
	s0 =	simm.s32 @!p0 $0x0  }
0x12: {  	s1 =	sld [smem:$0x3F94];
	s0 =	simm.s32 @p0 $0x1  }
0x13: {  	[smem:$0x3FAF] =	sst s0;
	s0 =	simm.s32 @!p1 $0x0  }
0x14: {  	s2 =	sld [smem:$0x3F93];
	s0 =	simm.s32 @p1 $0x1  }
0x15: {  	[smem:$0x3FB0] =	sst s0;
	s0 =	simm.s32 @!p2 $0x0  }
0x16: {  	s3 =	sld [smem:$0x3FDB];
	s0 =	simm.s32 @p2 $0x1  }
0x17: {  	s4 =	simm.s32 $0x1BF5;
	[smem:$0x3FB2] =	sst s0  }
0x18: {  	s0 =	sld [smem:$0x3F95];
	_ =	swait.ge [sflag:s4], $0x0  }
0x19: {  	s7 =	sld [smem:$0x3F96]  }
0x1a: {  	s8 =	sadd.s32 $0xFFFFE003, lr  }
0x1b: {  	s9 =	sadd.s32 $0xFFFFFEF7, lr;
	s5 =	simm.s32 $0xFFFFFFFF;
	p2 =	slt.u32 s8, $0xFFFFF086  }
0x1c: {  	p1 =	slt.u32 s9, $0xF7A;
	s5 =	simm.s32 @!p2 $0x0  }
0x1d: {  	s5 =	simm.s32 @p1 $0x1;
	p0 =	seq.s32 s7, s2  }
0x1e: {  	s7 =	smul.u32 @!p0 $0xF7A, s2;
	p2 =	seq.s32 @!p0 s5, $0x0  }
0x1f: {  	s9 =	smul.u32 $0xF7A, s1;
	s8 =	simm.s32 @!p0 $0x1BF5;
	p2 =	por !p2, p0  }
0x20: {  	[sflag:s8] =	ssyncset.s32 @!p0 $0xFFFFF086;
	s6 =	sadd.s32 @!p0 s3, s7;
	s7 =	simm.s32 @!p0 $0x108  }
0x21: {  	s3 =	sadd.s32 s3, s9;
	s6 =	sadd.s32 @!p0 $0x88, s6;
	s7 =	simm.s32 @p2 $0x1082  }
0x22: {  	[simem:s7], [sflag:s8] =	dma.local @!p0 [hbm:s6], $0xF7A  }
0x23: {  	s9 =	sor.u32 $0xD0000000, s2;
	s6 =	simm.s32 $0x108;
	_ =	swait.ge @!p0 [sflag:s8], $0x0  }
0x24: {  	s3 =	sadd.s32 $0x88, s3;
	s6 =	simm.s32 @!p1 $0x1082;
	[sflag:s4] =	ssyncset.s32 $0xFFFFF086  }
0x25: {  	[simem:s6], [sflag:s4] =	dma.local [hbm:s3], $0xF7A  }
0x26: {  	[smem:$0x3F96] =	sst s1;
	(tag) =	ssettag s2;
	_ =	strace s9  }
0x27: {  	s1 =	sld [smem:$0x3FA6]  }
0x28: {  	s2 =	sld [smem:$0x3FA7]  }
0x29: {  	s4 =	sld [smem:$0x3FA9]  }
0x2a: {  	p0 =	seq.s32 s5, $0x0;
	s5 =	sld [smem:$0x3FAA]  }
0x2b: {  	s6 =	sld [smem:$0x3FAB]  }
0x2c: {  	s7 =	sld [smem:$0x3FAC]  }
0x2d: {  	s3 =	simm.s32 $0x108;
	s8 =	sld [smem:$0x3FAD]  }
0x2e: {  	s3 =	simm.s32 @!p0 $0x1082;
	s9 =	sld [smem:$0x3FAE]  }
0x2f: {  	lr =	sadd.s32 s0, s3;
	s0 =	sld [smem:$0x3FA5]  }
0x30: {  	s3 =	sld [smem:$0x3FA8]  }
0x31: {  	[smem:$0x3FB1] =	sst s10  }
0x32: {  	s10 =	sld [smem:$0x3FAF];
	_ =	sdelay $0x3  }
0x33: {  	p0 =	seq.s32 s10, $0x1;
	s10 =	sld [smem:$0x3FB1];
	_ =	sdelay $0x3  }
0x34: {  	[smem:$0x3FB1] =	sst s10  }
0x35: {  	s10 =	sld [smem:$0x3FB0];
	_ =	sdelay $0x3  }
0x36: {  	p1 =	seq.s32 s10, $0x1;
	s10 =	sld [smem:$0x3FB1];
	_ =	sdelay $0x3  }
0x37: {  	[smem:$0x3FB1] =	sst s10  }
0x38: {  	s10 =	sld [smem:$0x3FB2]  }
0x39: {  	_ = 	snop;
	(pc) =	sbr.ind lr, $3  }
0x3a: {  	_ = 	snop  }
0x3b: {  	_ = 	snop  }
0x3c: {  	p2 =	seq.s32 s10, $0x1;
	s10 =	sld [smem:$0x3FB1]  }
0x3d: {  	_ =	shalt  }
0x3e: {  	_ =	shalt  }
0x3f: {  	_ =	shalt  }
0x40: {  	_ =	shalt  }
0x41: {  	_ =	shalt  }
0x42: {  	_ =	shalt  }
0x43: {  	_ =	shalt  }
0x44: {  	_ =	shalt  }
0x45: {  	_ =	shalt  }
0x46: {  	_ =	shalt  }
0x47: {  	_ =	shalt  }
0x48: {  	_ =	shalt  }
0x49: {  	_ =	shalt  }
0x4a: {  	_ =	shalt  }
0x4b: {  	_ =	shalt  }
0x4c: {  	_ =	shalt  }
0x4d: {  	_ =	shalt  }
0x4e: {  	_ =	shalt  }
0x4f: {  	_ =	shalt  }
0x50: {  	_ =	shalt  }
0x51: {  	_ =	shalt  }
0x52: {  	_ =	shalt  }
0x53: {  	_ =	shalt  }
0x54: {  	_ =	shalt  }
0x55: {  	_ =	shalt  }
0x56: {  	_ =	shalt  }
0x57: {  	_ =	shalt  }
0x58: {  	_ =	shalt  }
0x59: {  	_ =	shalt  }
0x5a: {  	_ =	shalt  }
0x5b: {  	_ =	shalt  }
0x5c: {  	_ =	shalt  }
0x5d: {  	_ =	shalt  }
0x5e: {  	_ =	shalt  }
0x5f: {  	_ =	shalt  }
0x60: {  	_ =	shalt  }
0x61: {  	_ =	shalt  }
0x62: {  	_ =	shalt  }
0x63: {  	_ =	shalt  }
0x64: {  	_ =	shalt  }
0x65: {  	_ =	shalt  }
0x66: {  	_ =	shalt  }
0x67: {  	_ =	shalt  }
0x68: {  	_ =	shalt  }
0x69: {  	_ =	shalt  }
0x6a: {  	_ =	shalt  }
0x6b: {  	_ =	shalt  }
0x6c: {  	_ =	shalt  }
0x6d: {  	_ =	shalt  }
0x6e: {  	_ =	shalt  }
0x6f: {  	_ =	shalt  }
0x70: {  	_ =	shalt  }
0x71: {  	_ =	shalt  }
0x72: {  	_ =	shalt  }
0x73: {  	_ =	shalt  }
0x74: {  	_ =	shalt  }
0x75: {  	_ =	shalt  }
0x76: {  	_ =	shalt  }
0x77: {  	_ =	shalt  }
0x78: {  	_ =	shalt  }
0x79: {  	_ =	shalt  }
0x7a: {  	_ =	shalt  }
0x7b: {  	_ =	shalt  }
0x7c: {  	_ =	shalt  }
0x7d: {  	_ =	shalt  }
0x7e: {  	_ =	shalt  }
0x7f: {  	_ =	shalt  }
0x80: {  	_ =	shalt  }
0x81: {  	_ =	shalt  }
0x82: {  	_ =	shalt  }
0x83: {  	_ =	shalt  }
0x84: {  	_ =	shalt  }
0x85: {  	_ =	shalt  }
0x86: {  	_ =	shalt  }
0x87: {  	_ =	shalt  }
.Lfunc_end0:
.L_simem_size_0:
called_computation.2_lowered:
.L_overlay_start_0:
0x88: {  	s2 =	sld [smem:$0x3FD9]  }
0x89: {  	s3 =	sld [smem:$0x3FFE];
	_ =	sdelay $0x1  }
0x8a: {  	s1 =	srdreg.scid  }
0x8b: {  	s0 =	sand.u32 $0x1, s1  }
0x8c: {  	s16 =	sshll.u32 s0, $0xA;
	s2 =	sadd.s32 s3, s2  }
0x8d: {  	s2 =	sadd.s32 s2, s16  }
0x8e: {  	[smem:$0x3FBD] =	sst s2  }
0x8f: {  	_ = 	snop  }
0x90: {  	(tm) =	ssettm $0x1  }
0x91: {  	s17 =	sld [smem:$0x3FFB];
	_ =	sdelay $0x3  }
0x92: {  	_ =	strace s17  }
0x93: {  	s2 =	sld [smem:$0x3FFC];
	_ =	sdelay $0x3  }
0x94: {  	_ =	strace s2  }
0x95: {  	s2 =	sld [smem:$0x3FFD];
	_ =	sdelay $0x3  }
0x96: {  	_ =	strace s2  }
0x97: {  	_ =	strace $0x8FFFFFFF  }
0x98: {  	s18 =	sld [smem:$0x3FDB];
	_ =	sdelay $0x1  }
0x99: {  	s19 =	simm.s32 $_scs_section_size  }
0x9a: {  	s4 =	simm.s32 $_size__tile_overlayer_lowered;
	s5 =	simm.s32 $_tile_overlayer_lowered  }
0x9b: {  	s22 =	simm.s32 $0x1BFF;
	s21 =	sshll.u32 s5, $0x1;
	s2 =	sadd.s32 s19, s18  }
0x9c: {  	s6 =	simm.s32 $0x0;
	s20 =	sshll.u32 s4, $0x1;
	s4 =	sadd.s32 s21, s2  }
0x9d: {  	[timem:s6], [sflag:s22] =	dma.local [hbm:s4], s20  }
0x9e: {  	_ =	swait.ge [sflag:s22], s20  }
0x9f: {  	s3 =	ssub.s32 $0x0, s20;
	[sflag:s22] =	ssyncset.done $0x0  }
0xa0: {  	[sflag:s22] =	ssyncadd.s32 s3;
	_ =	sdelay $0x1  }
0xa1: {  	s23 =	simm.s32 $0x1B8B  }
0xa2: {  	_ =	swait.ge [sflag:s23], $0x1  }
0xa3: {  	[sflag:s23] =	ssyncset.done $0x0  }
0xa4: {  	s25 =	simm.s32 $0x1B8E;
	s24 =	sld [smem:$0x3FFE];
	[sflag:s23] =	ssyncadd.s32 $0xFFFFFFFF  }
0xa5: {  	s26 =	simm.s32 $execute0_lowered;
	[smem:$0x3FD2] =	sst s25  }
0xa6: {  	s4 =	sshll.u32 s26, $0x1;
	_ =	strace $0x8000004C;
	[dreg:$0x1] =	wrdreg $0xFFFFFFFF  }
0xa7: {  	s28 =	simm.s32 $_size_execute0_lowered;
	s2 =	sadd.s32 s2, s4;
	[dreg:$0x0] =	wrdreg $0x0  }
0xa8: {  	s4 =	sshll.u32 s28, $0x1;
	[dreg:$0x2] =	wrdreg s2  }
0xa9: {  	[dreg:$0x3] =	wrdreg s4  }
0xaa: {  	[dreg:$0x4] =	wrdreg $0xC0  }
0xab: {  	_ =	task [dreg:s6], $0x5FFFF  }
0xac: {  	[dreg:$0x1] =	wrdreg $0xFFFFFFFF  }
0xad: {  	[dreg:$0x0] =	wrdreg $0x60  }
0xae: {  	[dreg:$0x2] =	wrdreg s24  }
0xaf: {  	[dreg:$0x3] =	wrdreg $0x150000  }
0xb0: {  	[dreg:$0x4] =	wrdreg $0x9  }
0xb1: {  	_ =	task.clear_ibuf [dreg:s6], $0x5FFFF;
	_ =	strace $0x9000004C  }
0xb2: {  	s29 =	simm.s32 $0x9;
	_ =	strace $0x8000004E  }
0xb3: {  	_ =	swait.ge [sflag:s29], $0x1  }
0xb4: {  	[sflag:s29] =	ssyncadd.s32 $0xFFFFFFFF  }
0xb5: {  	_ =	strace $0x9000004E  }
0xb6: {  	_ =	sfence  }
0xb7: {  	s30 =	sld [smem:$0x0];
	_ =	sdelay $0x2  }
0xb8: {  	s31 =	sshll.u32 s1, $0xD;
	s1 =	sshrl.u32 s1, $0x2  }
0xb9: {  	s3 =	sand.u32 $0x4000, s31;
	s1 =	sadd.s32 s1, s30  }
0xba: {  	s0 =	sor.u32 s3, s0;
	s1 =	sshll.u32 s1, $0x11  }
0xbb: {  	s0 =	sor.u32 s1, s0  }
0xbc: {  	s0 =	sadd.s32 $0x8F2B, s0  }
0xbd: {  	[sflag:s0] =	ssyncadd.remote.s32 $0x1  }
0xbe: {  	_ =	sfence.sel $0xFFFF  }
0xbf: {  	[dreg:$0x0] =	wrdreg $0xFFFFFFFF;
	(pc) =	sbr.abs _section_cstart, $3  }
0xc0: {  	[dreg:$0x1] =	wrdreg $0xFFFFFFFF  }
0xc1: {  	_ =	task.clear_ibuf [dreg:s6], $0x2FFFF;
	_ =	strace $0x9FFFFFFF  }
0xc2: {  	(tm) =	ssettm $0x7FFFFFFF  }
0xc3: {  	_ =	shalt  }
tec
execute0_lowered:
.L_overlay_start_1:
0x0: {  	(tag) =	ssettag $0x1  }
0x1: {  	s0 =	rddreg [dreg:$0x0]  }
0x2: {  	s1 =	rddreg [dreg:$0x1]  }
0x3: {  	s2 =	srdreg.scid;
	s3 =	simm.s32 $0x0;
	s12 =	stileid.u32  }
0x4: {  	s14 =	simm.s32 $0x9;
	s15 =	simm.s32 $0x2800;
	s28 =	simm.s32 $0x5  }
0x5: {  	s30 =	simm.s32 $0x3;
	s13 =	simm.s32 $0x2780;
	s6 =	smul.u32 $0x2800, s12  }
0x6: {  	s29 =	simm.s32 $0x4F80;
	s31 =	simm.s32 $0x0;
	s8 =	smul.u32 $0xA000, s12  }
0x7: {  	s2 =	sand.u32 $0x1, s2;
	[smem:$0x7FF] =	sst s3;
	s18 =	smul.u32 $0x29000, s12  }
0x8: {  	s4 =	sadd.s32 $0x5F000, s0;
	s11 =	smul.u32 $0x28000, s12;
	s26 =	sshll.u32 s12, $0x6  }
0x9: {  	s12 =	simm.s32 $0x4E00;
	s5 =	smul.u32 $0x28000, s2;
	_ =	strace $0x8000004D  }
0xa: {  	s7 =	smul.u32 $0x140000, s2;
	s2 =	ssub.s32 $0x2, s2;
	s16 =	sor.u32 $0x1C09, s26  }
0xb: {  	s26 =	simm.s32 $0x11000;
	s10 =	sshrl.u32 s2, $0x1;
	s21 =	sshrl.u32 s18, $0x2  }
0xc: {  	s22 =	sshrl.u32 s11, $0x2;
	s18 =	simm.s32 $0x80;
	s11 =	simm.s32 $0x100  }
0xd: {  	s5 =	sadd.s32 s6, s5;
	s6 =	sshrl.u32 s6, $0x3;
	s7 =	sadd.s32 s8, s7  }
0xe: {  	s2 =	ssub.s32 s2, s10;
	s8 =	sadd.s32 s22, s1;
	s10 =	simm.s32 $0x8  }
0xf: {  	s22 =	simm.s32 $0x4E80;
	s5 =	sshrl.u32 s5, $0x3;
	s6 =	sadd.s32 s6, s0  }
0x10: {  	s7 =	sshrl.u32 s7, $0x3;
	[dreg:$0x6] =	wrdreg s8;
	s25 =	smax.u32 s2, $0x1  }
0x11: {  	s8 =	simm.s32 $0x7;
	s9 =	sadd.s32 s5, s0;
	s5 =	sadd.s32 $0xDA00, s0  }
0x12: {  	s0 =	sadd.s32 s7, s0;
	s20 =	sadd.s32 $0xC1200, s6;
	[dreg:$0xa] =	wrdreg s25  }
0x13: {  	s7 =	sadd.s32 s21, s1;
	s6 =	sadd.s32 $0xC6200, s6;
	[dreg:$0x4] =	wrdreg s20  }
0x14: {  	s21 =	simm.s32 $0x1;
	s19 =	sadd.s32 $0xAD200, s9;
	[dreg:$0x8] =	wrdreg s6  }
0x15: {  	s25 =	simm.s32 $0x4F00;
	s23 =	sadd.s32 $0xCB200, s0;
	[dreg:$0x3] =	wrdreg s19  }
0x16: {  	s24 =	sadd.s32 $0xB7200, s9;
	s0 =	sadd.s32 $0xDF200, s0;
	[dreg:$0x5] =	wrdreg s23  }
0x17: {  	s17 =	sshrl.u32 s7, $0x3;
	s20 =	simm.s32 $0x9000;
	[dreg:$0x7] =	wrdreg s24  }
0x18: {  	s6 =	simm.s32 $0x4;
	[dreg:$0x9] =	wrdreg s0;
	s19 =	simm.s32 $0x5000  }
0x19: {  	s23 =	simm.s32 $0xD000;
	s24 =	simm.s32 $0x2;
	s0 =	simm.s32 $0x6  }
.LBB2_1:
0x1a: {  	s2 =	rddreg [dreg:$0x3]  }
0x1b: {  	[tilespmem:s3], [sflag:$0x9] =	stream.linear.gather [hbm4b:s2+s3], $0x2800, $0x38;
	[tilespmem:$0x1F400] =	vst v63  }
0x1c: {  	_ =	swait.ge [sflag:s14], $0x2800  }
0x1d: {  	[sflag:s14] =	ssyncset.done $0x0  }
0x1e: {  	s7 =	rddreg [dreg:$0x4];
	[sflag:s14] =	ssyncadd.s32 $0xFFFFD800  }
0x1f: {  	[tilespmem:s15], [sflag:$0x9] =	stream.linear.gather [hbm4b:s7+s3], $0x2800, $0x38;
	[tilespmem:$0x1F400] =	vst v63  }
0x20: {  	_ =	swait.ge [sflag:s14], $0x2800  }
0x21: {  	[sflag:s14] =	ssyncset.done $0x0  }
0x22: {  	[sflag:s14] =	ssyncadd.s32 $0xFFFFD800  }
0x23: {  	[spmem:s17], [sflag:s16] =	dma.local [hbm:s5], $0x1480  }
0x24: {  	_ =	swait.ge [sflag:s14], $0x1480  }
0x25: {  	[sflag:s14] =	ssyncset.done $0x0  }
0x26: {  	[sflag:s14] =	ssyncadd.s32 $0xFFFFEB80  }
0x27: {  	[bflag:$0x0] =	sbarrier.arrive $0xFFFF  }
0x28: {  	(ifvalue) =	ssetifvalue $0xFFFFFFFF  }
0x29: {  	(ifvalue) =	ssetifvalue $0xFFFFFFFF  }
0x2a: {  	[tilespmem:s19], [sflag:$0x1] =	stream.indirect.gather [hbm4b:s4+s18], $0x80, s3, s18, $0x40b8;
	[tilespmem:$0x1F400] =	vst v63  }
0x2b: {  	(ifvalue) =	ssetifvalue $0xFFFFFFFF  }
0x2c: {  	(ifvalue) =	ssetifvalue $0xFFFFFFFF  }
0x2d: {  	[tilespmem:s20], [sflag:$0x2] =	stream.indirect.gather [hbm4b:s4+s18], $0x80, s18, s18, $0x40b8;
	[tilespmem:$0x1F400] =	vst v63  }
0x2e: {  	_ =	swait.ge [sflag:s21], $0x4000  }
0x2f: {  	[sflag:s21] =	ssyncset.done $0x0  }
0x30: {  	[sflag:s21] =	ssyncadd.s32 $0xFFFFC000;
	(ifvalue) =	ssetifvalue $0xFFFFFFFF  }
0x31: {  	(ifvalue) =	ssetifvalue $0xFFFFFFFF  }
0x32: {  	[tilespmem:s23], [sflag:$0x3] =	stream.indirect.gather [hbm4b:s4+s18], $0x80, s11, s18, $0x40b8;
	[tilespmem:$0x1F400] =	vst v63  }
0x33: {  	_ = 	snop  }
0x34: {  	[spmem:s1] =	stream.indirect.scatter.add.f32 [tilespmem:s19], [sflag:$0x5], $0x80, s15, s18, $0xb8;
	[tilespmem:$0x1F400] =	vst v63  }
0x35: {  	_ =	swait.ge [sflag:s24], $0x4000  }
0x36: {  	[sflag:s24] =	ssyncset.done $0x0  }
0x37: {  	[sflag:s24] =	ssyncadd.s32 $0xFFFFC000;
	(ifvalue) =	ssetifvalue $0xFFFFFFFF  }
0x38: {  	s9 =	simm.s32 $0x180;
	(ifvalue) =	ssetifvalue $0xFFFFFFFF  }
0x39: {  	[tilespmem:s26], [sflag:$0x4] =	stream.indirect.gather [hbm4b:s4+s18], $0x80, s9, s18, $0x40b8;
	[tilespmem:$0x1F400] =	vst v63  }
0x3a: {  	_ =	swait.ge [sflag:s28], $0x4000  }
0x3b: {  	[sflag:s28] =	ssyncset.done $0x0  }
0x3c: {  	s7 =	simm.s32 $0x2880;
	[sflag:s28] =	ssyncadd.s32 $0xFFFFC000  }
0x3d: {  	[spmem:s1] =	stream.indirect.scatter.add.f32 [tilespmem:s20], [sflag:$0x6], $0x80, s7, s18, $0xb8;
	[tilespmem:$0x1F400] =	vst v63  }
0x3e: {  	_ =	swait.ge [sflag:s30], $0x4000  }
0x3f: {  	[sflag:s30] =	ssyncset.done $0x0  }
0x40: {  	[sflag:s30] =	ssyncadd.s32 $0xFFFFC000;
	(ifvalue) =	ssetifvalue $0xFFFFFFFF  }
0x41: {  	s9 =	simm.s32 $0x200;
	(ifvalue) =	ssetifvalue $0xFFFFFFFF  }
0x42: {  	[tilespmem:s19], [sflag:$0x1] =	stream.indirect.gather [hbm4b:s4+s18], $0x80, s9, s18, $0x40b8;
	[tilespmem:$0x1F400] =	vst v63  }
0x43: {  	_ =	swait.ge [sflag:s0], $0x4000  }
0x44: {  	[sflag:s0] =	ssyncset.done $0x0  }
0x45: {  	s7 =	simm.s32 $0x2900;
	[sflag:s0] =	ssyncadd.s32 $0xFFFFC000  }
0x46: {  	[spmem:s1] =	stream.indirect.scatter.add.f32 [tilespmem:s23], [sflag:$0x7], $0x80, s7, s18, $0xb8;
	[tilespmem:$0x1F400] =	vst v63  }
0x47: {  	_ =	swait.ge [sflag:s6], $0x4000  }
0x48: {  	[sflag:s6] =	ssyncset.done $0x0  }
0x49: {  	[sflag:s6] =	ssyncadd.s32 $0xFFFFC000;
	(ifvalue) =	ssetifvalue $0xFFFFFFFF  }
0x4a: {  	s9 =	simm.s32 $0x280;
	(ifvalue) =	ssetifvalue $0xFFFFFFFF  }
0x4b: {  	[tilespmem:s20], [sflag:$0x2] =	stream.indirect.gather [hbm4b:s4+s18], $0x80, s9, s18, $0x40b8;
	[tilespmem:$0x1F400] =	vst v63  }
0x4c: {  	_ =	swait.ge [sflag:s8], $0x4000  }
0x4d: {  	[sflag:s8] =	ssyncset.done $0x0  }
0x4e: {  	s7 =	simm.s32 $0x2980;
	[sflag:s8] =	ssyncadd.s32 $0xFFFFC000  }
0x4f: {  	[spmem:s1] =	stream.indirect.scatter.add.f32 [tilespmem:s26], [sflag:$0x8], $0x80, s7, s18, $0xb8;
	[tilespmem:$0x1F400] =	vst v63  }
0x50: {  	_ =	swait.ge [sflag:s21], $0x4000  }
0x51: {  	[sflag:s21] =	ssyncset.done $0x0  }
0x52: {  	[sflag:s21] =	ssyncadd.s32 $0xFFFFC000;
	(ifvalue) =	ssetifvalue $0xFFFFFFFF  }
0x53: {  	s9 =	simm.s32 $0x300;
	(ifvalue) =	ssetifvalue $0xFFFFFFFF  }
0x54: {  	[tilespmem:s23], [sflag:$0x3] =	stream.indirect.gather [hbm4b:s4+s18], $0x80, s9, s18, $0x40b8;
	[tilespmem:$0x1F400] =	vst v63  }
0x55: {  	_ =	swait.ge [sflag:s10], $0x4000  }
0x56: {  	[sflag:s10] =	ssyncset.done $0x0  }
0x57: {  	s7 =	simm.s32 $0x2A00;
	[sflag:s10] =	ssyncadd.s32 $0xFFFFC000  }
0x58: {  	[spmem:s1] =	stream.indirect.scatter.add.f32 [tilespmem:s19], [sflag:$0x5], $0x80, s7, s18, $0xb8;
	[tilespmem:$0x1F400] =	vst v63  }
0x59: {  	_ =	swait.ge [sflag:s24], $0x4000  }
0x5a: {  	[sflag:s24] =	ssyncset.done $0x0  }
0x5b: {  	[sflag:s24] =	ssyncadd.s32 $0xFFFFC000;
	(ifvalue) =	ssetifvalue $0xFFFFFFFF  }
0x5c: {  	s9 =	simm.s32 $0x380;
	(ifvalue) =	ssetifvalue $0xFFFFFFFF  }
0x5d: {  	[tilespmem:s26], [sflag:$0x4] =	stream.indirect.gather [hbm4b:s4+s18], $0x80, s9, s18, $0x40b8;
	[tilespmem:$0x1F400] =	vst v63  }
0x5e: {  	_ =	swait.ge [sflag:s28], $0x4000  }
0x5f: {  	[sflag:s28] =	ssyncset.done $0x0  }
0x60: {  	s7 =	simm.s32 $0x2A80;
	[sflag:s28] =	ssyncadd.s32 $0xFFFFC000  }
0x61: {  	[spmem:s1] =	stream.indirect.scatter.add.f32 [tilespmem:s20], [sflag:$0x6], $0x80, s7, s18, $0xb8;
	[tilespmem:$0x1F400] =	vst v63  }
0x62: {  	_ =	swait.ge [sflag:s30], $0x4000  }
0x63: {  	[sflag:s30] =	ssyncset.done $0x0  }
0x64: {  	[sflag:s30] =	ssyncadd.s32 $0xFFFFC000;
	(ifvalue) =	ssetifvalue $0xFFFFFFFF  }
0x65: {  	s9 =	simm.s32 $0x400;
	(ifvalue) =	ssetifvalue $0xFFFFFFFF  }
0x66: {  	[tilespmem:s19], [sflag:$0x1] =	stream.indirect.gather [hbm4b:s4+s18], $0x80, s9, s18, $0x40b8;
	[tilespmem:$0x1F400] =	vst v63  }
0x67: {  	_ =	swait.ge [sflag:s0], $0x4000  }
0x68: {  	[sflag:s0] =	ssyncset.done $0x0  }
0x69: {  	s7 =	simm.s32 $0x2B00;
	[sflag:s0] =	ssyncadd.s32 $0xFFFFC000  }
0x6a: {  	[spmem:s1] =	stream.indirect.scatter.add.f32 [tilespmem:s23], [sflag:$0x7], $0x80, s7, s18, $0xb8;
	[tilespmem:$0x1F400] =	vst v63  }
0x6b: {  	_ =	swait.ge [sflag:s6], $0x4000  }
0x6c: {  	[sflag:s6] =	ssyncset.done $0x0  }
0x6d: {  	[sflag:s6] =	ssyncadd.s32 $0xFFFFC000;
	(ifvalue) =	ssetifvalue $0xFFFFFFFF  }
0x6e: {  	s9 =	simm.s32 $0x480;
	(ifvalue) =	ssetifvalue $0xFFFFFFFF  }
0x6f: {  	[tilespmem:s20], [sflag:$0x2] =	stream.indirect.gather [hbm4b:s4+s18], $0x80, s9, s18, $0x40b8;
	[tilespmem:$0x1F400] =	vst v63  }
0x70: {  	_ =	swait.ge [sflag:s8], $0x4000  }
0x71: {  	[sflag:s8] =	ssyncset.done $0x0  }
0x72: {  	s2 =	simm.s32 $0x800;
	s7 =	simm.s32 $0x2B80;
	[sflag:s8] =	ssyncadd.s32 $0xFFFFC000  }
.LBB2_2:
0x73: {  	[spmem:s1] =	stream.indirect.scatter.add.f32 [tilespmem:s26], [sflag:$0x8], $0x80, s7, s18, $0xb8;
	[tilespmem:$0x1F400] =	vst v63  }
0x74: {  	s7 =	smov.u32 s2  }
0x75: {  	p0 =	sne.s32 s2, $0x8800;
	s2 =	sadd.s32 $0x800, s2;
	_ =	swait.ge [sflag:s21], $0x4000  }
0x76: {  	[sflag:s21] =	ssyncset.done $0x0  }
0x77: {  	[sflag:s21] =	ssyncadd.s32 $0xFFFFC000  }
0x78: {  	s7 =	sshra.s32 s7, $0x2;
	(ifvalue) =	ssetifvalue $0xFFFFFFFF  }
0x79: {  	s9 =	sadd.s32 $0x300, s7;
	(ifvalue) =	ssetifvalue $0xFFFFFFFF  }
0x7a: {  	[tilespmem:s23], [sflag:$0x3] =	stream.indirect.gather [hbm4b:s4+s18], $0x80, s9, s18, $0x40b8;
	[tilespmem:$0x1F400] =	vst v63  }
0x7b: {  	_ =	swait.ge [sflag:s10], $0x4000  }
0x7c: {  	[sflag:s10] =	ssyncset.done $0x0  }
0x7d: {  	s9 =	sadd.s32 $0x2A00, s7;
	[sflag:s10] =	ssyncadd.s32 $0xFFFFC000  }
0x7e: {  	[spmem:s1] =	stream.indirect.scatter.add.f32 [tilespmem:s19], [sflag:$0x5], $0x80, s9, s18, $0xb8;
	[tilespmem:$0x1F400] =	vst v63  }
0x7f: {  	_ =	swait.ge [sflag:s24], $0x4000  }
0x80: {  	[sflag:s24] =	ssyncset.done $0x0  }
0x81: {  	[sflag:s24] =	ssyncadd.s32 $0xFFFFC000  }
0x82: {  	(ifvalue) =	ssetifvalue $0xFFFFFFFF  }
0x83: {  	s9 =	sadd.s32 $0x380, s7;
	(ifvalue) =	ssetifvalue $0xFFFFFFFF  }
0x84: {  	[tilespmem:s26], [sflag:$0x4] =	stream.indirect.gather [hbm4b:s4+s18], $0x80, s9, s18, $0x40b8;
	[tilespmem:$0x1F400] =	vst v63  }
0x85: {  	_ =	swait.ge [sflag:s28], $0x4000  }
0x86: {  	[sflag:s28] =	ssyncset.done $0x0  }
0x87: {  	s9 =	sadd.s32 $0x2A80, s7;
	[sflag:s28] =	ssyncadd.s32 $0xFFFFC000  }
0x88: {  	[spmem:s1] =	stream.indirect.scatter.add.f32 [tilespmem:s20], [sflag:$0x6], $0x80, s9, s18, $0xb8;
	[tilespmem:$0x1F400] =	vst v63  }
0x89: {  	_ =	swait.ge [sflag:s30], $0x4000  }
0x8a: {  	[sflag:s30] =	ssyncset.done $0x0  }
0x8b: {  	[sflag:s30] =	ssyncadd.s32 $0xFFFFC000  }
0x8c: {  	(ifvalue) =	ssetifvalue $0xFFFFFFFF  }
0x8d: {  	s9 =	sadd.s32 $0x400, s7;
	(ifvalue) =	ssetifvalue $0xFFFFFFFF  }
0x8e: {  	[tilespmem:s19], [sflag:$0x1] =	stream.indirect.gather [hbm4b:s4+s18], $0x80, s9, s18, $0x40b8;
	[tilespmem:$0x1F400] =	vst v63  }
0x8f: {  	_ =	swait.ge [sflag:s0], $0x4000  }
0x90: {  	[sflag:s0] =	ssyncset.done $0x0  }
0x91: {  	s9 =	sadd.s32 $0x2B00, s7;
	[sflag:s0] =	ssyncadd.s32 $0xFFFFC000  }
0x92: {  	[spmem:s1] =	stream.indirect.scatter.add.f32 [tilespmem:s23], [sflag:$0x7], $0x80, s9, s18, $0xb8;
	[tilespmem:$0x1F400] =	vst v63  }
0x93: {  	_ =	swait.ge [sflag:s6], $0x4000  }
0x94: {  	[sflag:s6] =	ssyncset.done $0x0  }
0x95: {  	[sflag:s6] =	ssyncadd.s32 $0xFFFFC000  }
0x96: {  	(ifvalue) =	ssetifvalue $0xFFFFFFFF  }
.Ltmp0:
0x97: {  	s9 =	sadd.s32 $0x480, s7;
	(ifvalue) =	ssetifvalue $0xFFFFFFFF;
	(pc) =	sbr.rel @p0 .LBB2_2-.Ltmp0, $4  }
0x98: {  	[tilespmem:s20], [sflag:$0x2] =	stream.indirect.gather [hbm4b:s4+s18], $0x80, s9, s18, $0x40b8;
	[tilespmem:$0x1F400] =	vst v63  }
0x99: {  	_ =	swait.ge [sflag:s8], $0x4000  }
0x9a: {  	[sflag:s8] =	ssyncset.done $0x0  }
0x9b: {  	s7 =	sadd.s32 $0x2B80, s7;
	[sflag:s8] =	ssyncadd.s32 $0xFFFFC000  }
0x9c: {  	[spmem:s1] =	stream.indirect.scatter.add.f32 [tilespmem:s26], [sflag:$0x8], $0x80, s7, s18, $0xb8;
	[tilespmem:$0x1F400] =	vst v63  }
0x9d: {  	_ =	swait.ge [sflag:s21], $0x4000  }
0x9e: {  	[sflag:s21] =	ssyncset.done $0x0  }
0x9f: {  	[sflag:s21] =	ssyncadd.s32 $0xFFFFC000;
	(ifvalue) =	ssetifvalue $0xFFFFFFFF  }
0xa0: {  	s2 =	simm.s32 $0x2700;
	(ifvalue) =	ssetifvalue $0xFFFFFFFF  }
0xa1: {  	[tilespmem:s23], [sflag:$0x3] =	stream.indirect.gather [hbm4b:s4+s18], $0x80, s2, s18, $0x40b8;
	[tilespmem:$0x1F400] =	vst v63  }
0xa2: {  	_ =	swait.ge [sflag:s10], $0x4000  }
0xa3: {  	[sflag:s10] =	ssyncset.done $0x0  }
0xa4: {  	[sflag:s10] =	ssyncadd.s32 $0xFFFFC000  }
0xa5: {  	[spmem:s1] =	stream.indirect.scatter.add.f32 [tilespmem:s19], [sflag:$0x5], $0x80, s12, s18, $0xb8;
	[tilespmem:$0x1F400] =	vst v63  }
0xa6: {  	_ =	swait.ge [sflag:s24], $0x4000  }
0xa7: {  	[sflag:s24] =	ssyncset.done $0x0  }
0xa8: {  	[sflag:s24] =	ssyncadd.s32 $0xFFFFC000;
	(ifvalue) =	ssetifvalue $0xFFFFFFFF  }
0xa9: {  	(ifvalue) =	ssetifvalue $0xFFFFFFFF  }
0xaa: {  	[tilespmem:s26], [sflag:$0x4] =	stream.indirect.gather [hbm4b:s4+s18], $0x80, s13, s18, $0x40b8;
	[tilespmem:$0x1F400] =	vst v63  }
0xab: {  	_ =	swait.ge [sflag:s28], $0x4000  }
0xac: {  	[sflag:s28] =	ssyncset.done $0x0  }
0xad: {  	[sflag:s28] =	ssyncadd.s32 $0xFFFFC000  }
0xae: {  	[spmem:s1] =	stream.indirect.scatter.add.f32 [tilespmem:s20], [sflag:$0x6], $0x80, s22, s18, $0xb8;
	[tilespmem:$0x1F400] =	vst v63  }
0xaf: {  	_ =	swait.ge [sflag:s30], $0x4000  }
0xb0: {  	[sflag:s30] =	ssyncset.done $0x0  }
0xb1: {  	[sflag:s30] =	ssyncadd.s32 $0xFFFFC000  }
0xb2: {  	_ =	swait.ge [sflag:s0], $0x4000  }
0xb3: {  	[sflag:s0] =	ssyncset.done $0x0  }
0xb4: {  	[sflag:s0] =	ssyncadd.s32 $0xFFFFC000  }
0xb5: {  	[spmem:s1] =	stream.indirect.scatter.add.f32 [tilespmem:s23], [sflag:$0x7], $0x80, s25, s18, $0xb8;
	[tilespmem:$0x1F400] =	vst v63  }
0xb6: {  	_ =	swait.ge [sflag:s6], $0x4000  }
0xb7: {  	[sflag:s6] =	ssyncset.done $0x0  }
0xb8: {  	[sflag:s6] =	ssyncadd.s32 $0xFFFFC000  }
0xb9: {  	_ =	swait.ge [sflag:s8], $0x4000  }
0xba: {  	[sflag:s8] =	ssyncset.done $0x0  }
0xbb: {  	[sflag:s8] =	ssyncadd.s32 $0xFFFFC000  }
0xbc: {  	[spmem:s1] =	stream.indirect.scatter.add.f32 [tilespmem:s26], [sflag:$0x8], $0x80, s29, s18, $0xb8;
	[tilespmem:$0x1F400] =	vst v63  }
0xbd: {  	_ =	swait.ge [sflag:s10], $0x4000  }
0xbe: {  	[sflag:s10] =	ssyncset.done $0x0  }
0xbf: {  	[sflag:s10] =	ssyncadd.s32 $0xFFFFC000  }
0xc0: {  	[bflag:$0x0] =	sbarrier.arrive $0xFFFF  }
0xc1: {  	s7 =	rddreg [dreg:$0x6]  }
0xc2: {  	s9 =	rddreg [dreg:$0x5];
	s2 =	sshrl.u32 s7, $0x3  }
0xc3: {  	[hbm:s9], [sflag:s16] =	dma.local [spmem:s2], $0x1400  }
0xc4: {  	_ =	swait.ge [sflag:s14], $0x1400  }
0xc5: {  	[sflag:s14] =	ssyncset.done $0x0  }
0xc6: {  	s7 =	simm.s32 $0x0;
	s9 =	rddreg [dreg:$0x7];
	[sflag:s14] =	ssyncadd.s32 $0xFFFFEC00  }
0xc7: {  	[tilespmem:s7], [sflag:$0x9] =	stream.linear.gather [hbm4b:s9+s7], $0x2800, $0x38;
	[tilespmem:$0x1F400] =	vst v63  }
0xc8: {  	_ =	swait.ge [sflag:s14], $0x2800  }
0xc9: {  	[sflag:s14] =	ssyncset.done $0x0  }
0xca: {  	s9 =	rddreg [dreg:$0x8];
	[sflag:s14] =	ssyncadd.s32 $0xFFFFD800  }
0xcb: {  	[tilespmem:s15], [sflag:$0x9] =	stream.linear.gather [hbm4b:s9+s7], $0x2800, $0x38;
	[tilespmem:$0x1F400] =	vst v63  }
0xcc: {  	_ =	swait.ge [sflag:s14], $0x2800  }
0xcd: {  	[sflag:s14] =	ssyncset.done $0x0  }
0xce: {  	[sflag:s14] =	ssyncadd.s32 $0xFFFFD800  }
0xcf: {  	[spmem:s17], [sflag:s16] =	dma.local [hbm:s5], $0x1480  }
0xd0: {  	_ =	swait.ge [sflag:s14], $0x1480  }
0xd1: {  	[sflag:s14] =	ssyncset.done $0x0  }
0xd2: {  	[sflag:s14] =	ssyncadd.s32 $0xFFFFEB80  }
0xd3: {  	[bflag:$0x0] =	sbarrier.arrive $0xFFFF  }
0xd4: {  	(ifvalue) =	ssetifvalue $0xFFFFFFFF  }
0xd5: {  	(ifvalue) =	ssetifvalue $0xFFFFFFFF  }
0xd6: {  	[tilespmem:s19], [sflag:$0x1] =	stream.indirect.gather [hbm4b:s4+s18], $0x80, s7, s18, $0x40b8;
	[tilespmem:$0x1F400] =	vst v63  }
0xd7: {  	(ifvalue) =	ssetifvalue $0xFFFFFFFF  }
0xd8: {  	(ifvalue) =	ssetifvalue $0xFFFFFFFF  }
0xd9: {  	[tilespmem:s20], [sflag:$0x2] =	stream.indirect.gather [hbm4b:s4+s18], $0x80, s18, s18, $0x40b8;
	[tilespmem:$0x1F400] =	vst v63  }
0xda: {  	_ =	swait.ge [sflag:s21], $0x4000  }
0xdb: {  	[sflag:s21] =	ssyncset.done $0x0  }
0xdc: {  	[sflag:s21] =	ssyncadd.s32 $0xFFFFC000;
	(ifvalue) =	ssetifvalue $0xFFFFFFFF  }
0xdd: {  	(ifvalue) =	ssetifvalue $0xFFFFFFFF  }
0xde: {  	[tilespmem:s23], [sflag:$0x3] =	stream.indirect.gather [hbm4b:s4+s18], $0x80, s11, s18, $0x40b8;
	[tilespmem:$0x1F400] =	vst v63  }
0xdf: {  	_ = 	snop  }
0xe0: {  	[spmem:s1] =	stream.indirect.scatter.add.f32 [tilespmem:s19], [sflag:$0x5], $0x80, s15, s18, $0xb8;
	[tilespmem:$0x1F400] =	vst v63  }
0xe1: {  	_ =	swait.ge [sflag:s24], $0x4000  }
0xe2: {  	[sflag:s24] =	ssyncset.done $0x0  }
0xe3: {  	[sflag:s24] =	ssyncadd.s32 $0xFFFFC000;
	(ifvalue) =	ssetifvalue $0xFFFFFFFF  }
0xe4: {  	s11 =	simm.s32 $0x180;
	(ifvalue) =	ssetifvalue $0xFFFFFFFF  }
0xe5: {  	[tilespmem:s26], [sflag:$0x4] =	stream.indirect.gather [hbm4b:s4+s18], $0x80, s11, s18, $0x40b8;
	[tilespmem:$0x1F400] =	vst v63  }
0xe6: {  	_ =	swait.ge [sflag:s28], $0x4000  }
0xe7: {  	[sflag:s28] =	ssyncset.done $0x0  }
0xe8: {  	s9 =	simm.s32 $0x2880;
	[sflag:s28] =	ssyncadd.s32 $0xFFFFC000  }
0xe9: {  	[spmem:s1] =	stream.indirect.scatter.add.f32 [tilespmem:s20], [sflag:$0x6], $0x80, s9, s18, $0xb8;
	[tilespmem:$0x1F400] =	vst v63  }
0xea: {  	_ =	swait.ge [sflag:s30], $0x4000  }
0xeb: {  	[sflag:s30] =	ssyncset.done $0x0  }
0xec: {  	[sflag:s30] =	ssyncadd.s32 $0xFFFFC000;
	(ifvalue) =	ssetifvalue $0xFFFFFFFF  }
0xed: {  	s11 =	simm.s32 $0x200;
	(ifvalue) =	ssetifvalue $0xFFFFFFFF  }
0xee: {  	[tilespmem:s19], [sflag:$0x1] =	stream.indirect.gather [hbm4b:s4+s18], $0x80, s11, s18, $0x40b8;
	[tilespmem:$0x1F400] =	vst v63  }
0xef: {  	_ =	swait.ge [sflag:s0], $0x4000  }
0xf0: {  	[sflag:s0] =	ssyncset.done $0x0  }
0xf1: {  	s9 =	simm.s32 $0x2900;
	[sflag:s0] =	ssyncadd.s32 $0xFFFFC000  }
0xf2: {  	[spmem:s1] =	stream.indirect.scatter.add.f32 [tilespmem:s23], [sflag:$0x7], $0x80, s9, s18, $0xb8;
	[tilespmem:$0x1F400] =	vst v63  }
0xf3: {  	_ =	swait.ge [sflag:s6], $0x4000  }
0xf4: {  	[sflag:s6] =	ssyncset.done $0x0  }
0xf5: {  	[sflag:s6] =	ssyncadd.s32 $0xFFFFC000;
	(ifvalue) =	ssetifvalue $0xFFFFFFFF  }
0xf6: {  	s11 =	simm.s32 $0x280;
	(ifvalue) =	ssetifvalue $0xFFFFFFFF  }
0xf7: {  	[tilespmem:s20], [sflag:$0x2] =	stream.indirect.gather [hbm4b:s4+s18], $0x80, s11, s18, $0x40b8;
	[tilespmem:$0x1F400] =	vst v63  }
0xf8: {  	_ =	swait.ge [sflag:s8], $0x4000  }
0xf9: {  	[sflag:s8] =	ssyncset.done $0x0  }
0xfa: {  	s9 =	simm.s32 $0x2980;
	[sflag:s8] =	ssyncadd.s32 $0xFFFFC000  }
0xfb: {  	[spmem:s1] =	stream.indirect.scatter.add.f32 [tilespmem:s26], [sflag:$0x8], $0x80, s9, s18, $0xb8;
	[tilespmem:$0x1F400] =	vst v63  }
0xfc: {  	_ =	swait.ge [sflag:s21], $0x4000  }
0xfd: {  	[sflag:s21] =	ssyncset.done $0x0  }
0xfe: {  	[sflag:s21] =	ssyncadd.s32 $0xFFFFC000;
	(ifvalue) =	ssetifvalue $0xFFFFFFFF  }
0xff: {  	s11 =	simm.s32 $0x300;
	(ifvalue) =	ssetifvalue $0xFFFFFFFF  }
0x100: {  	[tilespmem:s23], [sflag:$0x3] =	stream.indirect.gather [hbm4b:s4+s18], $0x80, s11, s18, $0x40b8;
	[tilespmem:$0x1F400] =	vst v63  }
0x101: {  	_ =	swait.ge [sflag:s10], $0x4000  }
0x102: {  	[sflag:s10] =	ssyncset.done $0x0  }
0x103: {  	s9 =	simm.s32 $0x2A00;
	[sflag:s10] =	ssyncadd.s32 $0xFFFFC000  }
0x104: {  	[spmem:s1] =	stream.indirect.scatter.add.f32 [tilespmem:s19], [sflag:$0x5], $0x80, s9, s18, $0xb8;
	[tilespmem:$0x1F400] =	vst v63  }
0x105: {  	_ =	swait.ge [sflag:s24], $0x4000  }
0x106: {  	[sflag:s24] =	ssyncset.done $0x0  }
0x107: {  	[sflag:s24] =	ssyncadd.s32 $0xFFFFC000;
	(ifvalue) =	ssetifvalue $0xFFFFFFFF  }
0x108: {  	s11 =	simm.s32 $0x380;
	(ifvalue) =	ssetifvalue $0xFFFFFFFF  }
0x109: {  	[tilespmem:s26], [sflag:$0x4] =	stream.indirect.gather [hbm4b:s4+s18], $0x80, s11, s18, $0x40b8;
	[tilespmem:$0x1F400] =	vst v63  }
0x10a: {  	_ =	swait.ge [sflag:s28], $0x4000  }
0x10b: {  	[sflag:s28] =	ssyncset.done $0x0  }
0x10c: {  	s9 =	simm.s32 $0x2A80;
	[sflag:s28] =	ssyncadd.s32 $0xFFFFC000  }
0x10d: {  	[spmem:s1] =	stream.indirect.scatter.add.f32 [tilespmem:s20], [sflag:$0x6], $0x80, s9, s18, $0xb8;
	[tilespmem:$0x1F400] =	vst v63  }
0x10e: {  	_ =	swait.ge [sflag:s30], $0x4000  }
0x10f: {  	[sflag:s30] =	ssyncset.done $0x0  }
0x110: {  	[sflag:s30] =	ssyncadd.s32 $0xFFFFC000;
	(ifvalue) =	ssetifvalue $0xFFFFFFFF  }
0x111: {  	s11 =	simm.s32 $0x400;
	(ifvalue) =	ssetifvalue $0xFFFFFFFF  }
0x112: {  	[tilespmem:s19], [sflag:$0x1] =	stream.indirect.gather [hbm4b:s4+s18], $0x80, s11, s18, $0x40b8;
	[tilespmem:$0x1F400] =	vst v63  }
0x113: {  	_ =	swait.ge [sflag:s0], $0x4000  }
0x114: {  	[sflag:s0] =	ssyncset.done $0x0  }
0x115: {  	s9 =	simm.s32 $0x2B00;
	[sflag:s0] =	ssyncadd.s32 $0xFFFFC000  }
0x116: {  	[spmem:s1] =	stream.indirect.scatter.add.f32 [tilespmem:s23], [sflag:$0x7], $0x80, s9, s18, $0xb8;
	[tilespmem:$0x1F400] =	vst v63  }
0x117: {  	_ =	swait.ge [sflag:s6], $0x4000  }
0x118: {  	[sflag:s6] =	ssyncset.done $0x0  }
0x119: {  	[sflag:s6] =	ssyncadd.s32 $0xFFFFC000;
	(ifvalue) =	ssetifvalue $0xFFFFFFFF  }
0x11a: {  	s11 =	simm.s32 $0x480;
	(ifvalue) =	ssetifvalue $0xFFFFFFFF  }
0x11b: {  	[tilespmem:s20], [sflag:$0x2] =	stream.indirect.gather [hbm4b:s4+s18], $0x80, s11, s18, $0x40b8;
	[tilespmem:$0x1F400] =	vst v63  }
0x11c: {  	_ =	swait.ge [sflag:s8], $0x4000  }
0x11d: {  	[sflag:s8] =	ssyncset.done $0x0  }
0x11e: {  	s7 =	simm.s32 $0x800;
	s9 =	simm.s32 $0x2B80;
	[sflag:s8] =	ssyncadd.s32 $0xFFFFC000  }
.LBB2_4:
0x11f: {  	[spmem:s1] =	stream.indirect.scatter.add.f32 [tilespmem:s26], [sflag:$0x8], $0x80, s9, s18, $0xb8;
	[tilespmem:$0x1F400] =	vst v63  }
0x120: {  	s9 =	smov.u32 s7  }
0x121: {  	p0 =	sne.s32 s7, $0x8800;
	s7 =	sadd.s32 $0x800, s7;
	_ =	swait.ge [sflag:s21], $0x4000  }
0x122: {  	[sflag:s21] =	ssyncset.done $0x0  }
0x123: {  	[sflag:s21] =	ssyncadd.s32 $0xFFFFC000  }
0x124: {  	s9 =	sshra.s32 s9, $0x2;
	(ifvalue) =	ssetifvalue $0xFFFFFFFF  }
0x125: {  	s11 =	sadd.s32 $0x300, s9;
	(ifvalue) =	ssetifvalue $0xFFFFFFFF  }
0x126: {  	[tilespmem:s23], [sflag:$0x3] =	stream.indirect.gather [hbm4b:s4+s18], $0x80, s11, s18, $0x40b8;
	[tilespmem:$0x1F400] =	vst v63  }
0x127: {  	_ =	swait.ge [sflag:s10], $0x4000  }
0x128: {  	[sflag:s10] =	ssyncset.done $0x0  }
0x129: {  	s11 =	sadd.s32 $0x2A00, s9;
	[sflag:s10] =	ssyncadd.s32 $0xFFFFC000  }
0x12a: {  	[spmem:s1] =	stream.indirect.scatter.add.f32 [tilespmem:s19], [sflag:$0x5], $0x80, s11, s18, $0xb8;
	[tilespmem:$0x1F400] =	vst v63  }
0x12b: {  	_ =	swait.ge [sflag:s24], $0x4000  }
0x12c: {  	[sflag:s24] =	ssyncset.done $0x0  }
0x12d: {  	[sflag:s24] =	ssyncadd.s32 $0xFFFFC000  }
0x12e: {  	(ifvalue) =	ssetifvalue $0xFFFFFFFF  }
0x12f: {  	s11 =	sadd.s32 $0x380, s9;
	(ifvalue) =	ssetifvalue $0xFFFFFFFF  }
0x130: {  	[tilespmem:s26], [sflag:$0x4] =	stream.indirect.gather [hbm4b:s4+s18], $0x80, s11, s18, $0x40b8;
	[tilespmem:$0x1F400] =	vst v63  }
0x131: {  	_ =	swait.ge [sflag:s28], $0x4000  }
0x132: {  	[sflag:s28] =	ssyncset.done $0x0  }
0x133: {  	s11 =	sadd.s32 $0x2A80, s9;
	[sflag:s28] =	ssyncadd.s32 $0xFFFFC000  }
0x134: {  	[spmem:s1] =	stream.indirect.scatter.add.f32 [tilespmem:s20], [sflag:$0x6], $0x80, s11, s18, $0xb8;
	[tilespmem:$0x1F400] =	vst v63  }
0x135: {  	_ =	swait.ge [sflag:s30], $0x4000  }
0x136: {  	[sflag:s30] =	ssyncset.done $0x0  }
0x137: {  	[sflag:s30] =	ssyncadd.s32 $0xFFFFC000  }
0x138: {  	(ifvalue) =	ssetifvalue $0xFFFFFFFF  }
0x139: {  	s11 =	sadd.s32 $0x400, s9;
	(ifvalue) =	ssetifvalue $0xFFFFFFFF  }
0x13a: {  	[tilespmem:s19], [sflag:$0x1] =	stream.indirect.gather [hbm4b:s4+s18], $0x80, s11, s18, $0x40b8;
	[tilespmem:$0x1F400] =	vst v63  }
0x13b: {  	_ =	swait.ge [sflag:s0], $0x4000  }
0x13c: {  	[sflag:s0] =	ssyncset.done $0x0  }
0x13d: {  	s11 =	sadd.s32 $0x2B00, s9;
	[sflag:s0] =	ssyncadd.s32 $0xFFFFC000  }
0x13e: {  	[spmem:s1] =	stream.indirect.scatter.add.f32 [tilespmem:s23], [sflag:$0x7], $0x80, s11, s18, $0xb8;
	[tilespmem:$0x1F400] =	vst v63  }
0x13f: {  	_ =	swait.ge [sflag:s6], $0x4000  }
0x140: {  	[sflag:s6] =	ssyncset.done $0x0  }
0x141: {  	[sflag:s6] =	ssyncadd.s32 $0xFFFFC000  }
0x142: {  	(ifvalue) =	ssetifvalue $0xFFFFFFFF  }
.Ltmp1:
0x143: {  	s11 =	sadd.s32 $0x480, s9;
	(ifvalue) =	ssetifvalue $0xFFFFFFFF;
	(pc) =	sbr.rel @p0 .LBB2_4-.Ltmp1, $4  }
0x144: {  	[tilespmem:s20], [sflag:$0x2] =	stream.indirect.gather [hbm4b:s4+s18], $0x80, s11, s18, $0x40b8;
	[tilespmem:$0x1F400] =	vst v63  }
0x145: {  	_ =	swait.ge [sflag:s8], $0x4000  }
0x146: {  	[sflag:s8] =	ssyncset.done $0x0  }
0x147: {  	s9 =	sadd.s32 $0x2B80, s9;
	[sflag:s8] =	ssyncadd.s32 $0xFFFFC000  }
0x148: {  	[spmem:s1] =	stream.indirect.scatter.add.f32 [tilespmem:s26], [sflag:$0x8], $0x80, s9, s18, $0xb8;
	[tilespmem:$0x1F400] =	vst v63  }
0x149: {  	_ =	swait.ge [sflag:s21], $0x4000  }
0x14a: {  	[sflag:s21] =	ssyncset.done $0x0  }
0x14b: {  	[sflag:s21] =	ssyncadd.s32 $0xFFFFC000;
	(ifvalue) =	ssetifvalue $0xFFFFFFFF  }
0x14c: {  	s7 =	simm.s32 $0x2700;
	(ifvalue) =	ssetifvalue $0xFFFFFFFF  }
0x14d: {  	[tilespmem:s23], [sflag:$0x3] =	stream.indirect.gather [hbm4b:s4+s18], $0x80, s7, s18, $0x40b8;
	[tilespmem:$0x1F400] =	vst v63  }
0x14e: {  	_ =	swait.ge [sflag:s10], $0x4000  }
0x14f: {  	[sflag:s10] =	ssyncset.done $0x0  }
0x150: {  	[sflag:s10] =	ssyncadd.s32 $0xFFFFC000  }
0x151: {  	[spmem:s1] =	stream.indirect.scatter.add.f32 [tilespmem:s19], [sflag:$0x5], $0x80, s12, s18, $0xb8;
	[tilespmem:$0x1F400] =	vst v63  }
0x152: {  	_ =	swait.ge [sflag:s24], $0x4000  }
0x153: {  	[sflag:s24] =	ssyncset.done $0x0  }
0x154: {  	[sflag:s24] =	ssyncadd.s32 $0xFFFFC000;
	(ifvalue) =	ssetifvalue $0xFFFFFFFF  }
0x155: {  	(ifvalue) =	ssetifvalue $0xFFFFFFFF  }
0x156: {  	[tilespmem:s26], [sflag:$0x4] =	stream.indirect.gather [hbm4b:s4+s18], $0x80, s13, s18, $0x40b8;
	[tilespmem:$0x1F400] =	vst v63  }
0x157: {  	_ =	swait.ge [sflag:s28], $0x4000  }
0x158: {  	[sflag:s28] =	ssyncset.done $0x0  }
0x159: {  	[sflag:s28] =	ssyncadd.s32 $0xFFFFC000  }
0x15a: {  	[spmem:s1] =	stream.indirect.scatter.add.f32 [tilespmem:s20], [sflag:$0x6], $0x80, s22, s18, $0xb8;
	[tilespmem:$0x1F400] =	vst v63  }
0x15b: {  	_ =	swait.ge [sflag:s30], $0x4000  }
0x15c: {  	[sflag:s30] =	ssyncset.done $0x0  }
0x15d: {  	[sflag:s30] =	ssyncadd.s32 $0xFFFFC000  }
0x15e: {  	_ =	swait.ge [sflag:s0], $0x4000  }
0x15f: {  	[sflag:s0] =	ssyncset.done $0x0  }
0x160: {  	[sflag:s0] =	ssyncadd.s32 $0xFFFFC000  }
0x161: {  	[spmem:s1] =	stream.indirect.scatter.add.f32 [tilespmem:s23], [sflag:$0x7], $0x80, s25, s18, $0xb8;
	[tilespmem:$0x1F400] =	vst v63  }
0x162: {  	_ =	swait.ge [sflag:s6], $0x4000  }
0x163: {  	[sflag:s6] =	ssyncset.done $0x0  }
0x164: {  	[sflag:s6] =	ssyncadd.s32 $0xFFFFC000  }
0x165: {  	_ =	swait.ge [sflag:s8], $0x4000  }
0x166: {  	[sflag:s8] =	ssyncset.done $0x0  }
0x167: {  	[sflag:s8] =	ssyncadd.s32 $0xFFFFC000  }
0x168: {  	[spmem:s1] =	stream.indirect.scatter.add.f32 [tilespmem:s26], [sflag:$0x8], $0x80, s29, s18, $0xb8;
	[tilespmem:$0x1F400] =	vst v63  }
0x169: {  	_ =	swait.ge [sflag:s10], $0x4000  }
0x16a: {  	[sflag:s10] =	ssyncset.done $0x0  }
0x16b: {  	[sflag:s10] =	ssyncadd.s32 $0xFFFFC000  }
0x16c: {  	[bflag:$0x0] =	sbarrier.arrive $0xFFFF  }
0x16d: {  	s9 =	rddreg [dreg:$0x9]  }
0x16e: {  	[hbm:s9], [sflag:s16] =	dma.local [spmem:s2], $0x1400  }
0x16f: {  	_ =	swait.ge [sflag:s14], $0x1400  }
0x170: {  	s31 =	sadd.s32 $0x1, s31;
	s11 =	rddreg [dreg:$0xa]  }
0x171: {  	p0 =	sne.s32 s31, s11  }
.Ltmp2:
0x172: {  	_ = 	snop;
	(pc) =	sbr.rel @p0 .LBB2_1-.Ltmp2, $3  }
0x173: {  	_ =	sdelay $0x1  }
0x174: {  	[sflag:s14] =	ssyncset.done $0x0  }
0x175: {  	[sflag:s14] =	ssyncadd.s32 $0xFFFFEC00;
	s11 =	simm.s32 $0x100  }
0x176: {  	_ =	sfence.sel $0x180000  }
0x177: {  	[bflag:$0x0] =	sbarrier.arrive $0xFFFF  }
0x178: {  	_ =	strace $0x9000004D  }
0x179: {  	s0 =	stileid.u32;
	[bflag:$0x2] =	sbarrier.arrive $0xFFFF  }
0x17a: {  	p0 =	sne.s32 s0, $0x0;
	s0 =	rddreg [dreg:$0x2]  }
0x17b: {  	s0 =	sadd.s32 @!p0 $0x100000, s0  }
0x17c: {  	[sflag:s0] =	ssyncadd.tile.s32 @!p0 $0x1;
	_ =	shalt  }
.Lfunc_end2:
_tile_overlayer_lowered:
.L_overlay_start_2:
0x17d: {  	(tag) =	ssettag $0x2  }
0x17e: {  	s0 =	rddreg [dreg:$0x0];
	s2 =	stileid.u32  }
0x17f: {  	s1 =	rddreg [dreg:$0x1];
	p0 =	sne.s32 s2, $0x0  }
0x180: {  	s3 =	rddreg [dreg:$0x2];
	[bflag:$0x3] =	sbarrier.arrive $0xFFFF;
	s2 =	simm.s32 @!p0 $0x1C09  }
0x181: {  	[timem:s3], [sflag:s2] =	dma.local @!p0 [hbm:s0], s1  }
0x182: {  	s0 =	simm.s32 @!p0 $0x9  }
0x183: {  	_ =	swait.ge @!p0 [sflag:s0], s1  }
0x184: {  	s1 =	ssub.s32 @!p0 $0x0, s1;
	[sflag:s0] =	ssyncset.done @!p0 $0x0  }
0x185: {  	[sflag:s0] =	ssyncadd.s32 @!p0 s1  }
0x186: {  	[bflag:$0x3] =	sbarrier.arrive $0xFFFF  }
0x187: {  	_ =	shalt  }

// kernel: kernel.19.cloned.1.call-start
scs
__scs_entry_jumppad:
0x0: {  	(pc) =	sbr.rel $0x88, $3  }
0x1: {  	(tag) =	ssettag $0x0;
	lr =	simm.s32 $0x1  }
0x2: {  	[smem:$0x3F96] =	sst lr;
	_ =	strace $0xD0000000  }
0x3: {  	_ = 	snop  }
0x4: {  	_ = 	snop  }
0x5: {  	_ = 	snop  }
0x6: {  	_ = 	snop  }
0x7: {  	_ = 	snop  }
__scs_overlays_trampoline_lowered:
0x8: {  	[smem:$0x3FA5] =	sst s0  }
0x9: {  	[smem:$0x3FA6] =	sst s1  }
0xa: {  	[smem:$0x3FA7] =	sst s2  }
0xb: {  	[smem:$0x3FA8] =	sst s3  }
0xc: {  	[smem:$0x3FA9] =	sst s4  }
0xd: {  	[smem:$0x3FAA] =	sst s5  }
0xe: {  	[smem:$0x3FAB] =	sst s6  }
0xf: {  	[smem:$0x3FAC] =	sst s7  }
0x10: {  	[smem:$0x3FAD] =	sst s8  }
0x11: {  	[smem:$0x3FAE] =	sst s9;
	s0 =	simm.s32 @!p0 $0x0  }
0x12: {  	s1 =	sld [smem:$0x3F94];
	s0 =	simm.s32 @p0 $0x1  }
0x13: {  	[smem:$0x3FAF] =	sst s0;
	s0 =	simm.s32 @!p1 $0x0  }
0x14: {  	s2 =	sld [smem:$0x3F93];
	s0 =	simm.s32 @p1 $0x1  }
0x15: {  	[smem:$0x3FB0] =	sst s0;
	s0 =	simm.s32 @!p2 $0x0  }
0x16: {  	s3 =	sld [smem:$0x3FDB];
	s0 =	simm.s32 @p2 $0x1  }
0x17: {  	s4 =	simm.s32 $0x1BF5;
	[smem:$0x3FB2] =	sst s0  }
0x18: {  	s0 =	sld [smem:$0x3F95];
	_ =	swait.ge [sflag:s4], $0x0  }
0x19: {  	s7 =	sld [smem:$0x3F96]  }
0x1a: {  	s8 =	sadd.s32 $0xFFFFE003, lr  }
0x1b: {  	s9 =	sadd.s32 $0xFFFFFEF7, lr;
	s5 =	simm.s32 $0xFFFFFFFF;
	p2 =	slt.u32 s8, $0xFFFFF086  }
0x1c: {  	p1 =	slt.u32 s9, $0xF7A;
	s5 =	simm.s32 @!p2 $0x0  }
0x1d: {  	s5 =	simm.s32 @p1 $0x1;
	p0 =	seq.s32 s7, s2  }
0x1e: {  	s7 =	smul.u32 @!p0 $0xF7A, s2;
	p2 =	seq.s32 @!p0 s5, $0x0  }
0x1f: {  	s9 =	smul.u32 $0xF7A, s1;
	s8 =	simm.s32 @!p0 $0x1BF5;
	p2 =	por !p2, p0  }
0x20: {  	[sflag:s8] =	ssyncset.s32 @!p0 $0xFFFFF086;
	s6 =	sadd.s32 @!p0 s3, s7;
	s7 =	simm.s32 @!p0 $0x108  }
0x21: {  	s3 =	sadd.s32 s3, s9;
	s6 =	sadd.s32 @!p0 $0x88, s6;
	s7 =	simm.s32 @p2 $0x1082  }
0x22: {  	[simem:s7], [sflag:s8] =	dma.local @!p0 [hbm:s6], $0xF7A  }
0x23: {  	s9 =	sor.u32 $0xD0000000, s2;
	s6 =	simm.s32 $0x108;
	_ =	swait.ge @!p0 [sflag:s8], $0x0  }
0x24: {  	s3 =	sadd.s32 $0x88, s3;
	s6 =	simm.s32 @!p1 $0x1082;
	[sflag:s4] =	ssyncset.s32 $0xFFFFF086  }
0x25: {  	[simem:s6], [sflag:s4] =	dma.local [hbm:s3], $0xF7A  }
0x26: {  	[smem:$0x3F96] =	sst s1;
	(tag) =	ssettag s2;
	_ =	strace s9  }
0x27: {  	s1 =	sld [smem:$0x3FA6]  }
0x28: {  	s2 =	sld [smem:$0x3FA7]  }
0x29: {  	s4 =	sld [smem:$0x3FA9]  }
0x2a: {  	p0 =	seq.s32 s5, $0x0;
	s5 =	sld [smem:$0x3FAA]  }
0x2b: {  	s6 =	sld [smem:$0x3FAB]  }
0x2c: {  	s7 =	sld [smem:$0x3FAC]  }
0x2d: {  	s3 =	simm.s32 $0x108;
	s8 =	sld [smem:$0x3FAD]  }
0x2e: {  	s3 =	simm.s32 @!p0 $0x1082;
	s9 =	sld [smem:$0x3FAE]  }
0x2f: {  	lr =	sadd.s32 s0, s3;
	s0 =	sld [smem:$0x3FA5]  }
0x30: {  	s3 =	sld [smem:$0x3FA8]  }
0x31: {  	[smem:$0x3FB1] =	sst s10  }
0x32: {  	s10 =	sld [smem:$0x3FAF];
	_ =	sdelay $0x3  }
0x33: {  	p0 =	seq.s32 s10, $0x1;
	s10 =	sld [smem:$0x3FB1];
	_ =	sdelay $0x3  }
0x34: {  	[smem:$0x3FB1] =	sst s10  }
0x35: {  	s10 =	sld [smem:$0x3FB0];
	_ =	sdelay $0x3  }
0x36: {  	p1 =	seq.s32 s10, $0x1;
	s10 =	sld [smem:$0x3FB1];
	_ =	sdelay $0x3  }
0x37: {  	[smem:$0x3FB1] =	sst s10  }
0x38: {  	s10 =	sld [smem:$0x3FB2]  }
0x39: {  	_ = 	snop;
	(pc) =	sbr.ind lr, $3  }
0x3a: {  	_ = 	snop  }
0x3b: {  	_ = 	snop  }
0x3c: {  	p2 =	seq.s32 s10, $0x1;
	s10 =	sld [smem:$0x3FB1]  }
0x3d: {  	_ =	shalt  }
0x3e: {  	_ =	shalt  }
0x3f: {  	_ =	shalt  }
0x40: {  	_ =	shalt  }
0x41: {  	_ =	shalt  }
0x42: {  	_ =	shalt  }
0x43: {  	_ =	shalt  }
0x44: {  	_ =	shalt  }
0x45: {  	_ =	shalt  }
0x46: {  	_ =	shalt  }
0x47: {  	_ =	shalt  }
0x48: {  	_ =	shalt  }
0x49: {  	_ =	shalt  }
0x4a: {  	_ =	shalt  }
0x4b: {  	_ =	shalt  }
0x4c: {  	_ =	shalt  }
0x4d: {  	_ =	shalt  }
0x4e: {  	_ =	shalt  }
0x4f: {  	_ =	shalt  }
0x50: {  	_ =	shalt  }
0x51: {  	_ =	shalt  }
0x52: {  	_ =	shalt  }
0x53: {  	_ =	shalt  }
0x54: {  	_ =	shalt  }
0x55: {  	_ =	shalt  }
0x56: {  	_ =	shalt  }
0x57: {  	_ =	shalt  }
0x58: {  	_ =	shalt  }
0x59: {  	_ =	shalt  }
0x5a: {  	_ =	shalt  }
0x5b: {  	_ =	shalt  }
0x5c: {  	_ =	shalt  }
0x5d: {  	_ =	shalt  }
0x5e: {  	_ =	shalt  }
0x5f: {  	_ =	shalt  }
0x60: {  	_ =	shalt  }
0x61: {  	_ =	shalt  }
0x62: {  	_ =	shalt  }
0x63: {  	_ =	shalt  }
0x64: {  	_ =	shalt  }
0x65: {  	_ =	shalt  }
0x66: {  	_ =	shalt  }
0x67: {  	_ =	shalt  }
0x68: {  	_ =	shalt  }
0x69: {  	_ =	shalt  }
0x6a: {  	_ =	shalt  }
0x6b: {  	_ =	shalt  }
0x6c: {  	_ =	shalt  }
0x6d: {  	_ =	shalt  }
0x6e: {  	_ =	shalt  }
0x6f: {  	_ =	shalt  }
0x70: {  	_ =	shalt  }
0x71: {  	_ =	shalt  }
0x72: {  	_ =	shalt  }
0x73: {  	_ =	shalt  }
0x74: {  	_ =	shalt  }
0x75: {  	_ =	shalt  }
0x76: {  	_ =	shalt  }
0x77: {  	_ =	shalt  }
0x78: {  	_ =	shalt  }
0x79: {  	_ =	shalt  }
0x7a: {  	_ =	shalt  }
0x7b: {  	_ =	shalt  }
0x7c: {  	_ =	shalt  }
0x7d: {  	_ =	shalt  }
0x7e: {  	_ =	shalt  }
0x7f: {  	_ =	shalt  }
0x80: {  	_ =	shalt  }
0x81: {  	_ =	shalt  }
0x82: {  	_ =	shalt  }
0x83: {  	_ =	shalt  }
0x84: {  	_ =	shalt  }
0x85: {  	_ =	shalt  }
0x86: {  	_ =	shalt  }
0x87: {  	_ =	shalt  }
.Lfunc_end0:
.L_simem_size_0:
called_computation.3_lowered:
.L_overlay_start_0:
0x88: {  	s2 =	sld [smem:$0x3FD9]  }
0x89: {  	s3 =	sld [smem:$0x3FFE];
	_ =	sdelay $0x1  }
0x8a: {  	s1 =	srdreg.scid  }
0x8b: {  	s0 =	sand.u32 $0x1, s1  }
0x8c: {  	s17 =	sshll.u32 s0, $0xA;
	s2 =	sadd.s32 s3, s2  }
0x8d: {  	s2 =	sadd.s32 s2, s17  }
0x8e: {  	[smem:$0x3FBD] =	sst s2  }
0x8f: {  	_ = 	snop  }
0x90: {  	s2 =	sld [smem:$0x3FD0];
	(tm) =	ssettm $0x1  }
0x91: {  	s18 =	sld [smem:$0x3FFB];
	_ =	sdelay $0x3  }
0x92: {  	_ =	strace s18  }
0x93: {  	s3 =	sld [smem:$0x3FFC];
	_ =	sdelay $0x3  }
0x94: {  	_ =	strace s3  }
0x95: {  	s3 =	sld [smem:$0x3FFD];
	_ =	sdelay $0x3  }
0x96: {  	_ =	strace s3  }
0x97: {  	_ =	strace $0x8FFFFFFF  }
0x98: {  	s19 =	sld [smem:$0x3FDB];
	_ =	sdelay $0x1  }
0x99: {  	s4 =	simm.s32 $_scs_section_size  }
0x9a: {  	s5 =	simm.s32 $_size__tile_overlayer_lowered;
	s6 =	simm.s32 $_tile_overlayer_lowered  }
0x9b: {  	s22 =	simm.s32 $0x1BFF;
	s21 =	sshll.u32 s6, $0x1;
	s3 =	sadd.s32 s4, s19  }
0x9c: {  	s7 =	simm.s32 $0x0;
	s20 =	sshll.u32 s5, $0x1;
	s5 =	sadd.s32 s21, s3  }
0x9d: {  	[timem:s7], [sflag:s22] =	dma.local [hbm:s5], s20  }
0x9e: {  	_ =	swait.ge [sflag:s22], s20  }
0x9f: {  	s4 =	ssub.s32 $0x0, s20;
	[sflag:s22] =	ssyncset.done $0x0  }
0xa0: {  	[sflag:s22] =	ssyncadd.s32 s4;
	_ =	sdelay $0x1  }
0xa1: {  	s23 =	simm.s32 $0x1B8B  }
0xa2: {  	_ =	swait.ge [sflag:s23], $0x1  }
0xa3: {  	[sflag:s23] =	ssyncset.done $0x0  }
0xa4: {  	s25 =	simm.s32 $0x1B8E;
	s24 =	sld [smem:$0x3FFE];
	[sflag:s23] =	ssyncadd.s32 $0xFFFFFFFF  }
0xa5: {  	s26 =	simm.s32 $execute0_lowered;
	[smem:$0x3FD2] =	sst s25  }
0xa6: {  	s5 =	sshll.u32 s26, $0x1;
	_ =	strace $0x8000004F;
	[dreg:$0x1] =	wrdreg $0xFFFFFFFF  }
0xa7: {  	s28 =	simm.s32 $_size_execute0_lowered;
	s3 =	sadd.s32 s3, s5;
	[dreg:$0x0] =	wrdreg $0x0  }
0xa8: {  	s5 =	sshll.u32 s28, $0x1;
	[dreg:$0x2] =	wrdreg s3  }
0xa9: {  	[dreg:$0x3] =	wrdreg s5  }
0xaa: {  	[dreg:$0x4] =	wrdreg $0xC0  }
0xab: {  	_ =	task [dreg:s7], $0x5FFFF  }
0xac: {  	[dreg:$0x1] =	wrdreg $0xFFFFFFFF  }
0xad: {  	[dreg:$0x0] =	wrdreg $0x60  }
0xae: {  	[dreg:$0x2] =	wrdreg s2  }
0xaf: {  	[dreg:$0x3] =	wrdreg s24  }
0xb0: {  	[dreg:$0x4] =	wrdreg $0x150000  }
0xb1: {  	[dreg:$0x5] =	wrdreg $0x9  }
0xb2: {  	_ =	task.clear_ibuf [dreg:s7], $0x6FFFF;
	_ =	strace $0x9000004F  }
0xb3: {  	s29 =	simm.s32 $0x9;
	_ =	strace $0x80000051  }
0xb4: {  	_ =	swait.ge [sflag:s29], $0x1  }
0xb5: {  	[sflag:s29] =	ssyncadd.s32 $0xFFFFFFFF  }
0xb6: {  	_ =	strace $0x90000051  }
0xb7: {  	_ =	sfence  }
0xb8: {  	s30 =	sld [smem:$0x0];
	_ =	sdelay $0x2  }
0xb9: {  	s31 =	sshll.u32 s1, $0xD;
	s1 =	sshrl.u32 s1, $0x2  }
0xba: {  	s3 =	sand.u32 $0x4000, s31;
	s1 =	sadd.s32 s1, s30  }
0xbb: {  	s0 =	sor.u32 s3, s0;
	s1 =	sshll.u32 s1, $0x11  }
0xbc: {  	s0 =	sor.u32 s1, s0  }
0xbd: {  	s0 =	sadd.s32 $0x8F2B, s0  }
0xbe: {  	[sflag:s0] =	ssyncadd.remote.s32 $0x1  }
0xbf: {  	_ =	sfence.sel $0xFFFF  }
0xc0: {  	[dreg:$0x0] =	wrdreg $0xFFFFFFFF;
	(pc) =	sbr.abs _section_cstart, $3  }
0xc1: {  	[dreg:$0x1] =	wrdreg $0xFFFFFFFF  }
0xc2: {  	_ =	task.clear_ibuf [dreg:s7], $0x2FFFF;
	_ =	strace $0x9FFFFFFF  }
0xc3: {  	(tm) =	ssettm $0x7FFFFFFF  }
tec
execute0_lowered:
.L_overlay_start_1:
0x0: {  	(tag) =	ssettag $0x1  }
0x1: {  	s0 =	rddreg [dreg:$0x0]  }
0x2: {  	s1 =	rddreg [dreg:$0x1];
	s2 =	srdreg.scid  }
0x3: {  	s3 =	rddreg [dreg:$0x2];
	s12 =	stileid.u32  }
0x4: {  	s4 =	simm.s32 $0x0;
	s14 =	simm.s32 $0x9;
	s15 =	simm.s32 $0x2800  }
0x5: {  	s28 =	simm.s32 $0x5;
	s30 =	simm.s32 $0x3;
	s6 =	smul.u32 $0x2800, s12  }
0x6: {  	s13 =	simm.s32 $0x2780;
	s29 =	simm.s32 $0x4F80;
	s8 =	smul.u32 $0xA000, s12  }
0x7: {  	s31 =	simm.s32 $0x0;
	s2 =	sand.u32 $0x1, s2;
	s18 =	smul.u32 $0x29000, s12  }
0x8: {  	[smem:$0x7FF] =	sst s4;
	s11 =	smul.u32 $0x28000, s12;
	s26 =	sshll.u32 s12, $0x6  }
0x9: {  	s12 =	simm.s32 $0x4E00;
	s5 =	smul.u32 $0x28000, s2;
	_ =	strace $0x80000050  }
0xa: {  	s7 =	smul.u32 $0x140000, s2;
	s2 =	ssub.s32 $0x2, s2;
	s16 =	sor.u32 $0x1C09, s26  }
0xb: {  	s26 =	simm.s32 $0x11000;
	s10 =	sshrl.u32 s2, $0x1;
	s21 =	sshrl.u32 s18, $0x2  }
0xc: {  	s22 =	sshrl.u32 s11, $0x2;
	s18 =	simm.s32 $0x80;
	s11 =	simm.s32 $0x100  }
0xd: {  	s5 =	sadd.s32 s6, s5;
	s6 =	sshrl.u32 s6, $0x3;
	s7 =	sadd.s32 s8, s7  }
0xe: {  	s2 =	ssub.s32 s2, s10;
	s8 =	sadd.s32 s22, s3;
	s10 =	simm.s32 $0x8  }
0xf: {  	s22 =	simm.s32 $0x4E80;
	s5 =	sshrl.u32 s5, $0x3;
	s6 =	sadd.s32 s6, s1  }
0x10: {  	s7 =	sshrl.u32 s7, $0x3;
	[dreg:$0x7] =	wrdreg s8;
	s25 =	smax.u32 s2, $0x1  }
0x11: {  	s8 =	simm.s32 $0x7;
	s9 =	sadd.s32 s5, s1;
	s5 =	sadd.s32 $0xDA00, s1  }
0x12: {  	s1 =	sadd.s32 s7, s1;
	s20 =	sadd.s32 $0xC1200, s6;
	[dreg:$0xb] =	wrdreg s25  }
0x13: {  	s7 =	sadd.s32 s21, s3;
	s6 =	sadd.s32 $0xC6200, s6;
	[dreg:$0x5] =	wrdreg s20  }
0x14: {  	s21 =	simm.s32 $0x1;
	s19 =	sadd.s32 $0xAD200, s9;
	[dreg:$0x9] =	wrdreg s6  }
0x15: {  	s25 =	simm.s32 $0x4F00;
	s23 =	sadd.s32 $0xCB200, s1;
	[dreg:$0x4] =	wrdreg s19  }
0x16: {  	s24 =	sadd.s32 $0xB7200, s9;
	s1 =	sadd.s32 $0xDF200, s1;
	[dreg:$0x6] =	wrdreg s23  }
0x17: {  	s17 =	sshrl.u32 s7, $0x3;
	s20 =	simm.s32 $0x9000;
	[dreg:$0x8] =	wrdreg s24  }
0x18: {  	s6 =	simm.s32 $0x4;
	[dreg:$0xa] =	wrdreg s1;
	s19 =	simm.s32 $0x5000  }
0x19: {  	s23 =	simm.s32 $0xD000;
	s24 =	simm.s32 $0x2;
	s1 =	simm.s32 $0x6  }
.LBB2_1:
0x1a: {  	s2 =	rddreg [dreg:$0x4]  }
0x1b: {  	[tilespmem:s4], [sflag:$0x9] =	stream.linear.gather [hbm4b:s2+s4], $0x2800, $0x38;
	[tilespmem:$0x1F400] =	vst v63  }
0x1c: {  	_ =	swait.ge [sflag:s14], $0x2800  }
0x1d: {  	[sflag:s14] =	ssyncset.done $0x0  }
0x1e: {  	s7 =	rddreg [dreg:$0x5];
	[sflag:s14] =	ssyncadd.s32 $0xFFFFD800  }
0x1f: {  	[tilespmem:s15], [sflag:$0x9] =	stream.linear.gather [hbm4b:s7+s4], $0x2800, $0x38;
	[tilespmem:$0x1F400] =	vst v63  }
0x20: {  	_ =	swait.ge [sflag:s14], $0x2800  }
0x21: {  	[sflag:s14] =	ssyncset.done $0x0  }
0x22: {  	[sflag:s14] =	ssyncadd.s32 $0xFFFFD800  }
0x23: {  	[spmem:s17], [sflag:s16] =	dma.local [hbm:s5], $0x1480  }
0x24: {  	_ =	swait.ge [sflag:s14], $0x1480  }
0x25: {  	[sflag:s14] =	ssyncset.done $0x0  }
0x26: {  	[sflag:s14] =	ssyncadd.s32 $0xFFFFEB80  }
0x27: {  	[bflag:$0x0] =	sbarrier.arrive $0xFFFF  }
0x28: {  	(ifvalue) =	ssetifvalue $0xFFFFFFFF  }
0x29: {  	(ifvalue) =	ssetifvalue $0xFFFFFFFF  }
0x2a: {  	[tilespmem:s19], [sflag:$0x1] =	stream.indirect.gather [hbm4b:s0+s18], $0x80, s4, s18, $0x40b8;
	[tilespmem:$0x1F400] =	vst v63  }
0x2b: {  	(ifvalue) =	ssetifvalue $0xFFFFFFFF  }
0x2c: {  	(ifvalue) =	ssetifvalue $0xFFFFFFFF  }
0x2d: {  	[tilespmem:s20], [sflag:$0x2] =	stream.indirect.gather [hbm4b:s0+s18], $0x80, s18, s18, $0x40b8;
	[tilespmem:$0x1F400] =	vst v63  }
0x2e: {  	_ =	swait.ge [sflag:s21], $0x4000  }
0x2f: {  	[sflag:s21] =	ssyncset.done $0x0  }
0x30: {  	[sflag:s21] =	ssyncadd.s32 $0xFFFFC000;
	(ifvalue) =	ssetifvalue $0xFFFFFFFF  }
0x31: {  	(ifvalue) =	ssetifvalue $0xFFFFFFFF  }
0x32: {  	[tilespmem:s23], [sflag:$0x3] =	stream.indirect.gather [hbm4b:s0+s18], $0x80, s11, s18, $0x40b8;
	[tilespmem:$0x1F400] =	vst v63  }
0x33: {  	_ = 	snop  }
0x34: {  	[spmem:s3] =	stream.indirect.scatter.add.f32 [tilespmem:s19], [sflag:$0x5], $0x80, s15, s18, $0xb8;
	[tilespmem:$0x1F400] =	vst v63  }
0x35: {  	_ =	swait.ge [sflag:s24], $0x4000  }
0x36: {  	[sflag:s24] =	ssyncset.done $0x0  }
0x37: {  	[sflag:s24] =	ssyncadd.s32 $0xFFFFC000;
	(ifvalue) =	ssetifvalue $0xFFFFFFFF  }
0x38: {  	s9 =	simm.s32 $0x180;
	(ifvalue) =	ssetifvalue $0xFFFFFFFF  }
0x39: {  	[tilespmem:s26], [sflag:$0x4] =	stream.indirect.gather [hbm4b:s0+s18], $0x80, s9, s18, $0x40b8;
	[tilespmem:$0x1F400] =	vst v63  }
0x3a: {  	_ =	swait.ge [sflag:s28], $0x4000  }
0x3b: {  	[sflag:s28] =	ssyncset.done $0x0  }
0x3c: {  	s7 =	simm.s32 $0x2880;
	[sflag:s28] =	ssyncadd.s32 $0xFFFFC000  }
0x3d: {  	[spmem:s3] =	stream.indirect.scatter.add.f32 [tilespmem:s20], [sflag:$0x6], $0x80, s7, s18, $0xb8;
	[tilespmem:$0x1F400] =	vst v63  }
0x3e: {  	_ =	swait.ge [sflag:s30], $0x4000  }
0x3f: {  	[sflag:s30] =	ssyncset.done $0x0  }
0x40: {  	[sflag:s30] =	ssyncadd.s32 $0xFFFFC000;
	(ifvalue) =	ssetifvalue $0xFFFFFFFF  }
0x41: {  	s9 =	simm.s32 $0x200;
	(ifvalue) =	ssetifvalue $0xFFFFFFFF  }
0x42: {  	[tilespmem:s19], [sflag:$0x1] =	stream.indirect.gather [hbm4b:s0+s18], $0x80, s9, s18, $0x40b8;
	[tilespmem:$0x1F400] =	vst v63  }
0x43: {  	_ =	swait.ge [sflag:s1], $0x4000  }
0x44: {  	[sflag:s1] =	ssyncset.done $0x0  }
0x45: {  	s7 =	simm.s32 $0x2900;
	[sflag:s1] =	ssyncadd.s32 $0xFFFFC000  }
0x46: {  	[spmem:s3] =	stream.indirect.scatter.add.f32 [tilespmem:s23], [sflag:$0x7], $0x80, s7, s18, $0xb8;
	[tilespmem:$0x1F400] =	vst v63  }
0x47: {  	_ =	swait.ge [sflag:s6], $0x4000  }
0x48: {  	[sflag:s6] =	ssyncset.done $0x0  }
0x49: {  	[sflag:s6] =	ssyncadd.s32 $0xFFFFC000;
	(ifvalue) =	ssetifvalue $0xFFFFFFFF  }
0x4a: {  	s9 =	simm.s32 $0x280;
	(ifvalue) =	ssetifvalue $0xFFFFFFFF  }
0x4b: {  	[tilespmem:s20], [sflag:$0x2] =	stream.indirect.gather [hbm4b:s0+s18], $0x80, s9, s18, $0x40b8;
	[tilespmem:$0x1F400] =	vst v63  }
0x4c: {  	_ =	swait.ge [sflag:s8], $0x4000  }
0x4d: {  	[sflag:s8] =	ssyncset.done $0x0  }
0x4e: {  	s7 =	simm.s32 $0x2980;
	[sflag:s8] =	ssyncadd.s32 $0xFFFFC000  }
0x4f: {  	[spmem:s3] =	stream.indirect.scatter.add.f32 [tilespmem:s26], [sflag:$0x8], $0x80, s7, s18, $0xb8;
	[tilespmem:$0x1F400] =	vst v63  }
0x50: {  	_ =	swait.ge [sflag:s21], $0x4000  }
0x51: {  	[sflag:s21] =	ssyncset.done $0x0  }
0x52: {  	[sflag:s21] =	ssyncadd.s32 $0xFFFFC000;
	(ifvalue) =	ssetifvalue $0xFFFFFFFF  }
0x53: {  	s9 =	simm.s32 $0x300;
	(ifvalue) =	ssetifvalue $0xFFFFFFFF  }
0x54: {  	[tilespmem:s23], [sflag:$0x3] =	stream.indirect.gather [hbm4b:s0+s18], $0x80, s9, s18, $0x40b8;
	[tilespmem:$0x1F400] =	vst v63  }
0x55: {  	_ =	swait.ge [sflag:s10], $0x4000  }
0x56: {  	[sflag:s10] =	ssyncset.done $0x0  }
0x57: {  	s7 =	simm.s32 $0x2A00;
	[sflag:s10] =	ssyncadd.s32 $0xFFFFC000  }
0x58: {  	[spmem:s3] =	stream.indirect.scatter.add.f32 [tilespmem:s19], [sflag:$0x5], $0x80, s7, s18, $0xb8;
	[tilespmem:$0x1F400] =	vst v63  }
0x59: {  	_ =	swait.ge [sflag:s24], $0x4000  }
0x5a: {  	[sflag:s24] =	ssyncset.done $0x0  }
0x5b: {  	[sflag:s24] =	ssyncadd.s32 $0xFFFFC000;
	(ifvalue) =	ssetifvalue $0xFFFFFFFF  }
0x5c: {  	s9 =	simm.s32 $0x380;
	(ifvalue) =	ssetifvalue $0xFFFFFFFF  }
0x5d: {  	[tilespmem:s26], [sflag:$0x4] =	stream.indirect.gather [hbm4b:s0+s18], $0x80, s9, s18, $0x40b8;
	[tilespmem:$0x1F400] =	vst v63  }
0x5e: {  	_ =	swait.ge [sflag:s28], $0x4000  }
0x5f: {  	[sflag:s28] =	ssyncset.done $0x0  }
0x60: {  	s7 =	simm.s32 $0x2A80;
	[sflag:s28] =	ssyncadd.s32 $0xFFFFC000  }
0x61: {  	[spmem:s3] =	stream.indirect.scatter.add.f32 [tilespmem:s20], [sflag:$0x6], $0x80, s7, s18, $0xb8;
	[tilespmem:$0x1F400] =	vst v63  }
0x62: {  	_ =	swait.ge [sflag:s30], $0x4000  }
0x63: {  	[sflag:s30] =	ssyncset.done $0x0  }
0x64: {  	[sflag:s30] =	ssyncadd.s32 $0xFFFFC000;
	(ifvalue) =	ssetifvalue $0xFFFFFFFF  }
0x65: {  	s9 =	simm.s32 $0x400;
	(ifvalue) =	ssetifvalue $0xFFFFFFFF  }
0x66: {  	[tilespmem:s19], [sflag:$0x1] =	stream.indirect.gather [hbm4b:s0+s18], $0x80, s9, s18, $0x40b8;
	[tilespmem:$0x1F400] =	vst v63  }
0x67: {  	_ =	swait.ge [sflag:s1], $0x4000  }
0x68: {  	[sflag:s1] =	ssyncset.done $0x0  }
0x69: {  	s7 =	simm.s32 $0x2B00;
	[sflag:s1] =	ssyncadd.s32 $0xFFFFC000  }
0x6a: {  	[spmem:s3] =	stream.indirect.scatter.add.f32 [tilespmem:s23], [sflag:$0x7], $0x80, s7, s18, $0xb8;
	[tilespmem:$0x1F400] =	vst v63  }
0x6b: {  	_ =	swait.ge [sflag:s6], $0x4000  }
0x6c: {  	[sflag:s6] =	ssyncset.done $0x0  }
0x6d: {  	[sflag:s6] =	ssyncadd.s32 $0xFFFFC000;
	(ifvalue) =	ssetifvalue $0xFFFFFFFF  }
0x6e: {  	s9 =	simm.s32 $0x480;
	(ifvalue) =	ssetifvalue $0xFFFFFFFF  }
0x6f: {  	[tilespmem:s20], [sflag:$0x2] =	stream.indirect.gather [hbm4b:s0+s18], $0x80, s9, s18, $0x40b8;
	[tilespmem:$0x1F400] =	vst v63  }
0x70: {  	_ =	swait.ge [sflag:s8], $0x4000  }
0x71: {  	[sflag:s8] =	ssyncset.done $0x0  }
0x72: {  	s2 =	simm.s32 $0x800;
	s7 =	simm.s32 $0x2B80;
	[sflag:s8] =	ssyncadd.s32 $0xFFFFC000  }
.LBB2_2:
0x73: {  	[spmem:s3] =	stream.indirect.scatter.add.f32 [tilespmem:s26], [sflag:$0x8], $0x80, s7, s18, $0xb8;
	[tilespmem:$0x1F400] =	vst v63  }
0x74: {  	s7 =	smov.u32 s2  }
0x75: {  	p0 =	sne.s32 s2, $0x8800;
	s2 =	sadd.s32 $0x800, s2;
	_ =	swait.ge [sflag:s21], $0x4000  }
0x76: {  	[sflag:s21] =	ssyncset.done $0x0  }
0x77: {  	[sflag:s21] =	ssyncadd.s32 $0xFFFFC000  }
0x78: {  	s7 =	sshra.s32 s7, $0x2;
	(ifvalue) =	ssetifvalue $0xFFFFFFFF  }
0x79: {  	s9 =	sadd.s32 $0x300, s7;
	(ifvalue) =	ssetifvalue $0xFFFFFFFF  }
0x7a: {  	[tilespmem:s23], [sflag:$0x3] =	stream.indirect.gather [hbm4b:s0+s18], $0x80, s9, s18, $0x40b8;
	[tilespmem:$0x1F400] =	vst v63  }
0x7b: {  	_ =	swait.ge [sflag:s10], $0x4000  }
0x7c: {  	[sflag:s10] =	ssyncset.done $0x0  }
0x7d: {  	s9 =	sadd.s32 $0x2A00, s7;
	[sflag:s10] =	ssyncadd.s32 $0xFFFFC000  }
0x7e: {  	[spmem:s3] =	stream.indirect.scatter.add.f32 [tilespmem:s19], [sflag:$0x5], $0x80, s9, s18, $0xb8;
	[tilespmem:$0x1F400] =	vst v63  }
0x7f: {  	_ =	swait.ge [sflag:s24], $0x4000  }
0x80: {  	[sflag:s24] =	ssyncset.done $0x0  }
0x81: {  	[sflag:s24] =	ssyncadd.s32 $0xFFFFC000  }
0x82: {  	(ifvalue) =	ssetifvalue $0xFFFFFFFF  }
0x83: {  	s9 =	sadd.s32 $0x380, s7;
	(ifvalue) =	ssetifvalue $0xFFFFFFFF  }
0x84: {  	[tilespmem:s26], [sflag:$0x4] =	stream.indirect.gather [hbm4b:s0+s18], $0x80, s9, s18, $0x40b8;
	[tilespmem:$0x1F400] =	vst v63  }
0x85: {  	_ =	swait.ge [sflag:s28], $0x4000  }
0x86: {  	[sflag:s28] =	ssyncset.done $0x0  }
0x87: {  	s9 =	sadd.s32 $0x2A80, s7;
	[sflag:s28] =	ssyncadd.s32 $0xFFFFC000  }
0x88: {  	[spmem:s3] =	stream.indirect.scatter.add.f32 [tilespmem:s20], [sflag:$0x6], $0x80, s9, s18, $0xb8;
	[tilespmem:$0x1F400] =	vst v63  }
0x89: {  	_ =	swait.ge [sflag:s30], $0x4000  }
0x8a: {  	[sflag:s30] =	ssyncset.done $0x0  }
0x8b: {  	[sflag:s30] =	ssyncadd.s32 $0xFFFFC000  }
0x8c: {  	(ifvalue) =	ssetifvalue $0xFFFFFFFF  }
0x8d: {  	s9 =	sadd.s32 $0x400, s7;
	(ifvalue) =	ssetifvalue $0xFFFFFFFF  }
0x8e: {  	[tilespmem:s19], [sflag:$0x1] =	stream.indirect.gather [hbm4b:s0+s18], $0x80, s9, s18, $0x40b8;
	[tilespmem:$0x1F400] =	vst v63  }
0x8f: {  	_ =	swait.ge [sflag:s1], $0x4000  }
0x90: {  	[sflag:s1] =	ssyncset.done $0x0  }
0x91: {  	s9 =	sadd.s32 $0x2B00, s7;
	[sflag:s1] =	ssyncadd.s32 $0xFFFFC000  }
0x92: {  	[spmem:s3] =	stream.indirect.scatter.add.f32 [tilespmem:s23], [sflag:$0x7], $0x80, s9, s18, $0xb8;
	[tilespmem:$0x1F400] =	vst v63  }
0x93: {  	_ =	swait.ge [sflag:s6], $0x4000  }
0x94: {  	[sflag:s6] =	ssyncset.done $0x0  }
0x95: {  	[sflag:s6] =	ssyncadd.s32 $0xFFFFC000  }
0x96: {  	(ifvalue) =	ssetifvalue $0xFFFFFFFF  }
.Ltmp0:
0x97: {  	s9 =	sadd.s32 $0x480, s7;
	(ifvalue) =	ssetifvalue $0xFFFFFFFF;
	(pc) =	sbr.rel @p0 .LBB2_2-.Ltmp0, $4  }
0x98: {  	[tilespmem:s20], [sflag:$0x2] =	stream.indirect.gather [hbm4b:s0+s18], $0x80, s9, s18, $0x40b8;
	[tilespmem:$0x1F400] =	vst v63  }
0x99: {  	_ =	swait.ge [sflag:s8], $0x4000  }
0x9a: {  	[sflag:s8] =	ssyncset.done $0x0  }
0x9b: {  	s7 =	sadd.s32 $0x2B80, s7;
	[sflag:s8] =	ssyncadd.s32 $0xFFFFC000  }
0x9c: {  	[spmem:s3] =	stream.indirect.scatter.add.f32 [tilespmem:s26], [sflag:$0x8], $0x80, s7, s18, $0xb8;
	[tilespmem:$0x1F400] =	vst v63  }
0x9d: {  	_ =	swait.ge [sflag:s21], $0x4000  }
0x9e: {  	[sflag:s21] =	ssyncset.done $0x0  }
0x9f: {  	[sflag:s21] =	ssyncadd.s32 $0xFFFFC000;
	(ifvalue) =	ssetifvalue $0xFFFFFFFF  }
0xa0: {  	s2 =	simm.s32 $0x2700;
	(ifvalue) =	ssetifvalue $0xFFFFFFFF  }
0xa1: {  	[tilespmem:s23], [sflag:$0x3] =	stream.indirect.gather [hbm4b:s0+s18], $0x80, s2, s18, $0x40b8;
	[tilespmem:$0x1F400] =	vst v63  }
0xa2: {  	_ =	swait.ge [sflag:s10], $0x4000  }
0xa3: {  	[sflag:s10] =	ssyncset.done $0x0  }
0xa4: {  	[sflag:s10] =	ssyncadd.s32 $0xFFFFC000  }
0xa5: {  	[spmem:s3] =	stream.indirect.scatter.add.f32 [tilespmem:s19], [sflag:$0x5], $0x80, s12, s18, $0xb8;
	[tilespmem:$0x1F400] =	vst v63  }
0xa6: {  	_ =	swait.ge [sflag:s24], $0x4000  }
0xa7: {  	[sflag:s24] =	ssyncset.done $0x0  }
0xa8: {  	[sflag:s24] =	ssyncadd.s32 $0xFFFFC000;
	(ifvalue) =	ssetifvalue $0xFFFFFFFF  }
0xa9: {  	(ifvalue) =	ssetifvalue $0xFFFFFFFF  }
0xaa: {  	[tilespmem:s26], [sflag:$0x4] =	stream.indirect.gather [hbm4b:s0+s18], $0x80, s13, s18, $0x40b8;
	[tilespmem:$0x1F400] =	vst v63  }
0xab: {  	_ =	swait.ge [sflag:s28], $0x4000  }
0xac: {  	[sflag:s28] =	ssyncset.done $0x0  }
0xad: {  	[sflag:s28] =	ssyncadd.s32 $0xFFFFC000  }
0xae: {  	[spmem:s3] =	stream.indirect.scatter.add.f32 [tilespmem:s20], [sflag:$0x6], $0x80, s22, s18, $0xb8;
	[tilespmem:$0x1F400] =	vst v63  }
0xaf: {  	_ =	swait.ge [sflag:s30], $0x4000  }
0xb0: {  	[sflag:s30] =	ssyncset.done $0x0  }
0xb1: {  	[sflag:s30] =	ssyncadd.s32 $0xFFFFC000  }
0xb2: {  	_ =	swait.ge [sflag:s1], $0x4000  }
0xb3: {  	[sflag:s1] =	ssyncset.done $0x0  }
0xb4: {  	[sflag:s1] =	ssyncadd.s32 $0xFFFFC000  }
0xb5: {  	[spmem:s3] =	stream.indirect.scatter.add.f32 [tilespmem:s23], [sflag:$0x7], $0x80, s25, s18, $0xb8;
	[tilespmem:$0x1F400] =	vst v63  }
0xb6: {  	_ =	swait.ge [sflag:s6], $0x4000  }
0xb7: {  	[sflag:s6] =	ssyncset.done $0x0  }
0xb8: {  	[sflag:s6] =	ssyncadd.s32 $0xFFFFC000  }
0xb9: {  	_ =	swait.ge [sflag:s8], $0x4000  }
0xba: {  	[sflag:s8] =	ssyncset.done $0x0  }
0xbb: {  	[sflag:s8] =	ssyncadd.s32 $0xFFFFC000  }
0xbc: {  	[spmem:s3] =	stream.indirect.scatter.add.f32 [tilespmem:s26], [sflag:$0x8], $0x80, s29, s18, $0xb8;
	[tilespmem:$0x1F400] =	vst v63  }
0xbd: {  	_ =	swait.ge [sflag:s10], $0x4000  }
0xbe: {  	[sflag:s10] =	ssyncset.done $0x0  }
0xbf: {  	[sflag:s10] =	ssyncadd.s32 $0xFFFFC000  }
0xc0: {  	[bflag:$0x0] =	sbarrier.arrive $0xFFFF  }
0xc1: {  	s7 =	rddreg [dreg:$0x7]  }
0xc2: {  	s9 =	rddreg [dreg:$0x6];
	s2 =	sshrl.u32 s7, $0x3  }
0xc3: {  	[hbm:s9], [sflag:s16] =	dma.local [spmem:s2], $0x1400  }
0xc4: {  	_ =	swait.ge [sflag:s14], $0x1400  }
0xc5: {  	[sflag:s14] =	ssyncset.done $0x0  }
0xc6: {  	s7 =	simm.s32 $0x0;
	s9 =	rddreg [dreg:$0x8];
	[sflag:s14] =	ssyncadd.s32 $0xFFFFEC00  }
0xc7: {  	[tilespmem:s7], [sflag:$0x9] =	stream.linear.gather [hbm4b:s9+s7], $0x2800, $0x38;
	[tilespmem:$0x1F400] =	vst v63  }
0xc8: {  	_ =	swait.ge [sflag:s14], $0x2800  }
0xc9: {  	[sflag:s14] =	ssyncset.done $0x0  }
0xca: {  	s9 =	rddreg [dreg:$0x9];
	[sflag:s14] =	ssyncadd.s32 $0xFFFFD800  }
0xcb: {  	[tilespmem:s15], [sflag:$0x9] =	stream.linear.gather [hbm4b:s9+s7], $0x2800, $0x38;
	[tilespmem:$0x1F400] =	vst v63  }
0xcc: {  	_ =	swait.ge [sflag:s14], $0x2800  }
0xcd: {  	[sflag:s14] =	ssyncset.done $0x0  }
0xce: {  	[sflag:s14] =	ssyncadd.s32 $0xFFFFD800  }
0xcf: {  	[spmem:s17], [sflag:s16] =	dma.local [hbm:s5], $0x1480  }
0xd0: {  	_ =	swait.ge [sflag:s14], $0x1480  }
0xd1: {  	[sflag:s14] =	ssyncset.done $0x0  }
0xd2: {  	[sflag:s14] =	ssyncadd.s32 $0xFFFFEB80  }
0xd3: {  	[bflag:$0x0] =	sbarrier.arrive $0xFFFF  }
0xd4: {  	(ifvalue) =	ssetifvalue $0xFFFFFFFF  }
0xd5: {  	(ifvalue) =	ssetifvalue $0xFFFFFFFF  }
0xd6: {  	[tilespmem:s19], [sflag:$0x1] =	stream.indirect.gather [hbm4b:s0+s18], $0x80, s7, s18, $0x40b8;
	[tilespmem:$0x1F400] =	vst v63  }
0xd7: {  	(ifvalue) =	ssetifvalue $0xFFFFFFFF  }
0xd8: {  	(ifvalue) =	ssetifvalue $0xFFFFFFFF  }
0xd9: {  	[tilespmem:s20], [sflag:$0x2] =	stream.indirect.gather [hbm4b:s0+s18], $0x80, s18, s18, $0x40b8;
	[tilespmem:$0x1F400] =	vst v63  }
0xda: {  	_ =	swait.ge [sflag:s21], $0x4000  }
0xdb: {  	[sflag:s21] =	ssyncset.done $0x0  }
0xdc: {  	[sflag:s21] =	ssyncadd.s32 $0xFFFFC000;
	(ifvalue) =	ssetifvalue $0xFFFFFFFF  }
0xdd: {  	(ifvalue) =	ssetifvalue $0xFFFFFFFF  }
0xde: {  	[tilespmem:s23], [sflag:$0x3] =	stream.indirect.gather [hbm4b:s0+s18], $0x80, s11, s18, $0x40b8;
	[tilespmem:$0x1F400] =	vst v63  }
0xdf: {  	_ = 	snop  }
0xe0: {  	[spmem:s3] =	stream.indirect.scatter.add.f32 [tilespmem:s19], [sflag:$0x5], $0x80, s15, s18, $0xb8;
	[tilespmem:$0x1F400] =	vst v63  }
0xe1: {  	_ =	swait.ge [sflag:s24], $0x4000  }
0xe2: {  	[sflag:s24] =	ssyncset.done $0x0  }
0xe3: {  	[sflag:s24] =	ssyncadd.s32 $0xFFFFC000;
	(ifvalue) =	ssetifvalue $0xFFFFFFFF  }
0xe4: {  	s11 =	simm.s32 $0x180;
	(ifvalue) =	ssetifvalue $0xFFFFFFFF  }
0xe5: {  	[tilespmem:s26], [sflag:$0x4] =	stream.indirect.gather [hbm4b:s0+s18], $0x80, s11, s18, $0x40b8;
	[tilespmem:$0x1F400] =	vst v63  }
0xe6: {  	_ =	swait.ge [sflag:s28], $0x4000  }
0xe7: {  	[sflag:s28] =	ssyncset.done $0x0  }
0xe8: {  	s9 =	simm.s32 $0x2880;
	[sflag:s28] =	ssyncadd.s32 $0xFFFFC000  }
0xe9: {  	[spmem:s3] =	stream.indirect.scatter.add.f32 [tilespmem:s20], [sflag:$0x6], $0x80, s9, s18, $0xb8;
	[tilespmem:$0x1F400] =	vst v63  }
0xea: {  	_ =	swait.ge [sflag:s30], $0x4000  }
0xeb: {  	[sflag:s30] =	ssyncset.done $0x0  }
0xec: {  	[sflag:s30] =	ssyncadd.s32 $0xFFFFC000;
	(ifvalue) =	ssetifvalue $0xFFFFFFFF  }
0xed: {  	s11 =	simm.s32 $0x200;
	(ifvalue) =	ssetifvalue $0xFFFFFFFF  }
0xee: {  	[tilespmem:s19], [sflag:$0x1] =	stream.indirect.gather [hbm4b:s0+s18], $0x80, s11, s18, $0x40b8;
	[tilespmem:$0x1F400] =	vst v63  }
0xef: {  	_ =	swait.ge [sflag:s1], $0x4000  }
0xf0: {  	[sflag:s1] =	ssyncset.done $0x0  }
0xf1: {  	s9 =	simm.s32 $0x2900;
	[sflag:s1] =	ssyncadd.s32 $0xFFFFC000  }
0xf2: {  	[spmem:s3] =	stream.indirect.scatter.add.f32 [tilespmem:s23], [sflag:$0x7], $0x80, s9, s18, $0xb8;
	[tilespmem:$0x1F400] =	vst v63  }
0xf3: {  	_ =	swait.ge [sflag:s6], $0x4000  }
0xf4: {  	[sflag:s6] =	ssyncset.done $0x0  }
0xf5: {  	[sflag:s6] =	ssyncadd.s32 $0xFFFFC000;
	(ifvalue) =	ssetifvalue $0xFFFFFFFF  }
0xf6: {  	s11 =	simm.s32 $0x280;
	(ifvalue) =	ssetifvalue $0xFFFFFFFF  }
0xf7: {  	[tilespmem:s20], [sflag:$0x2] =	stream.indirect.gather [hbm4b:s0+s18], $0x80, s11, s18, $0x40b8;
	[tilespmem:$0x1F400] =	vst v63  }
0xf8: {  	_ =	swait.ge [sflag:s8], $0x4000  }
0xf9: {  	[sflag:s8] =	ssyncset.done $0x0  }
0xfa: {  	s9 =	simm.s32 $0x2980;
	[sflag:s8] =	ssyncadd.s32 $0xFFFFC000  }
0xfb: {  	[spmem:s3] =	stream.indirect.scatter.add.f32 [tilespmem:s26], [sflag:$0x8], $0x80, s9, s18, $0xb8;
	[tilespmem:$0x1F400] =	vst v63  }
0xfc: {  	_ =	swait.ge [sflag:s21], $0x4000  }
0xfd: {  	[sflag:s21] =	ssyncset.done $0x0  }
0xfe: {  	[sflag:s21] =	ssyncadd.s32 $0xFFFFC000;
	(ifvalue) =	ssetifvalue $0xFFFFFFFF  }
0xff: {  	s11 =	simm.s32 $0x300;
	(ifvalue) =	ssetifvalue $0xFFFFFFFF  }
0x100: {  	[tilespmem:s23], [sflag:$0x3] =	stream.indirect.gather [hbm4b:s0+s18], $0x80, s11, s18, $0x40b8;
	[tilespmem:$0x1F400] =	vst v63  }
0x101: {  	_ =	swait.ge [sflag:s10], $0x4000  }
0x102: {  	[sflag:s10] =	ssyncset.done $0x0  }
0x103: {  	s9 =	simm.s32 $0x2A00;
	[sflag:s10] =	ssyncadd.s32 $0xFFFFC000  }
0x104: {  	[spmem:s3] =	stream.indirect.scatter.add.f32 [tilespmem:s19], [sflag:$0x5], $0x80, s9, s18, $0xb8;
	[tilespmem:$0x1F400] =	vst v63  }
0x105: {  	_ =	swait.ge [sflag:s24], $0x4000  }
0x106: {  	[sflag:s24] =	ssyncset.done $0x0  }
0x107: {  	[sflag:s24] =	ssyncadd.s32 $0xFFFFC000;
	(ifvalue) =	ssetifvalue $0xFFFFFFFF  }
0x108: {  	s11 =	simm.s32 $0x380;
	(ifvalue) =	ssetifvalue $0xFFFFFFFF  }
0x109: {  	[tilespmem:s26], [sflag:$0x4] =	stream.indirect.gather [hbm4b:s0+s18], $0x80, s11, s18, $0x40b8;
	[tilespmem:$0x1F400] =	vst v63  }
0x10a: {  	_ =	swait.ge [sflag:s28], $0x4000  }
0x10b: {  	[sflag:s28] =	ssyncset.done $0x0  }
0x10c: {  	s9 =	simm.s32 $0x2A80;
	[sflag:s28] =	ssyncadd.s32 $0xFFFFC000  }
0x10d: {  	[spmem:s3] =	stream.indirect.scatter.add.f32 [tilespmem:s20], [sflag:$0x6], $0x80, s9, s18, $0xb8;
	[tilespmem:$0x1F400] =	vst v63  }
0x10e: {  	_ =	swait.ge [sflag:s30], $0x4000  }
0x10f: {  	[sflag:s30] =	ssyncset.done $0x0  }
0x110: {  	[sflag:s30] =	ssyncadd.s32 $0xFFFFC000;
	(ifvalue) =	ssetifvalue $0xFFFFFFFF  }
0x111: {  	s11 =	simm.s32 $0x400;
	(ifvalue) =	ssetifvalue $0xFFFFFFFF  }
0x112: {  	[tilespmem:s19], [sflag:$0x1] =	stream.indirect.gather [hbm4b:s0+s18], $0x80, s11, s18, $0x40b8;
	[tilespmem:$0x1F400] =	vst v63  }
0x113: {  	_ =	swait.ge [sflag:s1], $0x4000  }
0x114: {  	[sflag:s1] =	ssyncset.done $0x0  }
0x115: {  	s9 =	simm.s32 $0x2B00;
	[sflag:s1] =	ssyncadd.s32 $0xFFFFC000  }
0x116: {  	[spmem:s3] =	stream.indirect.scatter.add.f32 [tilespmem:s23], [sflag:$0x7], $0x80, s9, s18, $0xb8;
	[tilespmem:$0x1F400] =	vst v63  }
0x117: {  	_ =	swait.ge [sflag:s6], $0x4000  }
0x118: {  	[sflag:s6] =	ssyncset.done $0x0  }
0x119: {  	[sflag:s6] =	ssyncadd.s32 $0xFFFFC000;
	(ifvalue) =	ssetifvalue $0xFFFFFFFF  }
0x11a: {  	s11 =	simm.s32 $0x480;
	(ifvalue) =	ssetifvalue $0xFFFFFFFF  }
0x11b: {  	[tilespmem:s20], [sflag:$0x2] =	stream.indirect.gather [hbm4b:s0+s18], $0x80, s11, s18, $0x40b8;
	[tilespmem:$0x1F400] =	vst v63  }
0x11c: {  	_ =	swait.ge [sflag:s8], $0x4000  }
0x11d: {  	[sflag:s8] =	ssyncset.done $0x0  }
0x11e: {  	s7 =	simm.s32 $0x800;
	s9 =	simm.s32 $0x2B80;
	[sflag:s8] =	ssyncadd.s32 $0xFFFFC000  }
.LBB2_4:
0x11f: {  	[spmem:s3] =	stream.indirect.scatter.add.f32 [tilespmem:s26], [sflag:$0x8], $0x80, s9, s18, $0xb8;
	[tilespmem:$0x1F400] =	vst v63  }
0x120: {  	s9 =	smov.u32 s7  }
0x121: {  	p0 =	sne.s32 s7, $0x8800;
	s7 =	sadd.s32 $0x800, s7;
	_ =	swait.ge [sflag:s21], $0x4000  }
0x122: {  	[sflag:s21] =	ssyncset.done $0x0  }
0x123: {  	[sflag:s21] =	ssyncadd.s32 $0xFFFFC000  }
0x124: {  	s9 =	sshra.s32 s9, $0x2;
	(ifvalue) =	ssetifvalue $0xFFFFFFFF  }
0x125: {  	s11 =	sadd.s32 $0x300, s9;
	(ifvalue) =	ssetifvalue $0xFFFFFFFF  }
0x126: {  	[tilespmem:s23], [sflag:$0x3] =	stream.indirect.gather [hbm4b:s0+s18], $0x80, s11, s18, $0x40b8;
	[tilespmem:$0x1F400] =	vst v63  }
0x127: {  	_ =	swait.ge [sflag:s10], $0x4000  }
0x128: {  	[sflag:s10] =	ssyncset.done $0x0  }
0x129: {  	s11 =	sadd.s32 $0x2A00, s9;
	[sflag:s10] =	ssyncadd.s32 $0xFFFFC000  }
0x12a: {  	[spmem:s3] =	stream.indirect.scatter.add.f32 [tilespmem:s19], [sflag:$0x5], $0x80, s11, s18, $0xb8;
	[tilespmem:$0x1F400] =	vst v63  }
0x12b: {  	_ =	swait.ge [sflag:s24], $0x4000  }
0x12c: {  	[sflag:s24] =	ssyncset.done $0x0  }
0x12d: {  	[sflag:s24] =	ssyncadd.s32 $0xFFFFC000  }
0x12e: {  	(ifvalue) =	ssetifvalue $0xFFFFFFFF  }
0x12f: {  	s11 =	sadd.s32 $0x380, s9;
	(ifvalue) =	ssetifvalue $0xFFFFFFFF  }
0x130: {  	[tilespmem:s26], [sflag:$0x4] =	stream.indirect.gather [hbm4b:s0+s18], $0x80, s11, s18, $0x40b8;
	[tilespmem:$0x1F400] =	vst v63  }
0x131: {  	_ =	swait.ge [sflag:s28], $0x4000  }
0x132: {  	[sflag:s28] =	ssyncset.done $0x0  }
0x133: {  	s11 =	sadd.s32 $0x2A80, s9;
	[sflag:s28] =	ssyncadd.s32 $0xFFFFC000  }
0x134: {  	[spmem:s3] =	stream.indirect.scatter.add.f32 [tilespmem:s20], [sflag:$0x6], $0x80, s11, s18, $0xb8;
	[tilespmem:$0x1F400] =	vst v63  }
0x135: {  	_ =	swait.ge [sflag:s30], $0x4000  }
0x136: {  	[sflag:s30] =	ssyncset.done $0x0  }
0x137: {  	[sflag:s30] =	ssyncadd.s32 $0xFFFFC000  }
0x138: {  	(ifvalue) =	ssetifvalue $0xFFFFFFFF  }
0x139: {  	s11 =	sadd.s32 $0x400, s9;
	(ifvalue) =	ssetifvalue $0xFFFFFFFF  }
0x13a: {  	[tilespmem:s19], [sflag:$0x1] =	stream.indirect.gather [hbm4b:s0+s18], $0x80, s11, s18, $0x40b8;
	[tilespmem:$0x1F400] =	vst v63  }
0x13b: {  	_ =	swait.ge [sflag:s1], $0x4000  }
0x13c: {  	[sflag:s1] =	ssyncset.done $0x0  }
0x13d: {  	s11 =	sadd.s32 $0x2B00, s9;
	[sflag:s1] =	ssyncadd.s32 $0xFFFFC000  }
0x13e: {  	[spmem:s3] =	stream.indirect.scatter.add.f32 [tilespmem:s23], [sflag:$0x7], $0x80, s11, s18, $0xb8;
	[tilespmem:$0x1F400] =	vst v63  }
0x13f: {  	_ =	swait.ge [sflag:s6], $0x4000  }
0x140: {  	[sflag:s6] =	ssyncset.done $0x0  }
0x141: {  	[sflag:s6] =	ssyncadd.s32 $0xFFFFC000  }
0x142: {  	(ifvalue) =	ssetifvalue $0xFFFFFFFF  }
.Ltmp1:
0x143: {  	s11 =	sadd.s32 $0x480, s9;
	(ifvalue) =	ssetifvalue $0xFFFFFFFF;
	(pc) =	sbr.rel @p0 .LBB2_4-.Ltmp1, $4  }
0x144: {  	[tilespmem:s20], [sflag:$0x2] =	stream.indirect.gather [hbm4b:s0+s18], $0x80, s11, s18, $0x40b8;
	[tilespmem:$0x1F400] =	vst v63  }
0x145: {  	_ =	swait.ge [sflag:s8], $0x4000  }
0x146: {  	[sflag:s8] =	ssyncset.done $0x0  }
0x147: {  	s9 =	sadd.s32 $0x2B80, s9;
	[sflag:s8] =	ssyncadd.s32 $0xFFFFC000  }
0x148: {  	[spmem:s3] =	stream.indirect.scatter.add.f32 [tilespmem:s26], [sflag:$0x8], $0x80, s9, s18, $0xb8;
	[tilespmem:$0x1F400] =	vst v63  }
0x149: {  	_ =	swait.ge [sflag:s21], $0x4000  }
0x14a: {  	[sflag:s21] =	ssyncset.done $0x0  }
0x14b: {  	[sflag:s21] =	ssyncadd.s32 $0xFFFFC000;
	(ifvalue) =	ssetifvalue $0xFFFFFFFF  }
0x14c: {  	s7 =	simm.s32 $0x2700;
	(ifvalue) =	ssetifvalue $0xFFFFFFFF  }
0x14d: {  	[tilespmem:s23], [sflag:$0x3] =	stream.indirect.gather [hbm4b:s0+s18], $0x80, s7, s18, $0x40b8;
	[tilespmem:$0x1F400] =	vst v63  }
0x14e: {  	_ =	swait.ge [sflag:s10], $0x4000  }
0x14f: {  	[sflag:s10] =	ssyncset.done $0x0  }
0x150: {  	[sflag:s10] =	ssyncadd.s32 $0xFFFFC000  }
0x151: {  	[spmem:s3] =	stream.indirect.scatter.add.f32 [tilespmem:s19], [sflag:$0x5], $0x80, s12, s18, $0xb8;
	[tilespmem:$0x1F400] =	vst v63  }
0x152: {  	_ =	swait.ge [sflag:s24], $0x4000  }
0x153: {  	[sflag:s24] =	ssyncset.done $0x0  }
0x154: {  	[sflag:s24] =	ssyncadd.s32 $0xFFFFC000;
	(ifvalue) =	ssetifvalue $0xFFFFFFFF  }
0x155: {  	(ifvalue) =	ssetifvalue $0xFFFFFFFF  }
0x156: {  	[tilespmem:s26], [sflag:$0x4] =	stream.indirect.gather [hbm4b:s0+s18], $0x80, s13, s18, $0x40b8;
	[tilespmem:$0x1F400] =	vst v63  }
0x157: {  	_ =	swait.ge [sflag:s28], $0x4000  }
0x158: {  	[sflag:s28] =	ssyncset.done $0x0  }
0x159: {  	[sflag:s28] =	ssyncadd.s32 $0xFFFFC000  }
0x15a: {  	[spmem:s3] =	stream.indirect.scatter.add.f32 [tilespmem:s20], [sflag:$0x6], $0x80, s22, s18, $0xb8;
	[tilespmem:$0x1F400] =	vst v63  }
0x15b: {  	_ =	swait.ge [sflag:s30], $0x4000  }
0x15c: {  	[sflag:s30] =	ssyncset.done $0x0  }
0x15d: {  	[sflag:s30] =	ssyncadd.s32 $0xFFFFC000  }
0x15e: {  	_ =	swait.ge [sflag:s1], $0x4000  }
0x15f: {  	[sflag:s1] =	ssyncset.done $0x0  }
0x160: {  	[sflag:s1] =	ssyncadd.s32 $0xFFFFC000  }
0x161: {  	[spmem:s3] =	stream.indirect.scatter.add.f32 [tilespmem:s23], [sflag:$0x7], $0x80, s25, s18, $0xb8;
	[tilespmem:$0x1F400] =	vst v63  }
0x162: {  	_ =	swait.ge [sflag:s6], $0x4000  }
0x163: {  	[sflag:s6] =	ssyncset.done $0x0  }
0x164: {  	[sflag:s6] =	ssyncadd.s32 $0xFFFFC000  }
0x165: {  	_ =	swait.ge [sflag:s8], $0x4000  }
0x166: {  	[sflag:s8] =	ssyncset.done $0x0  }
0x167: {  	[sflag:s8] =	ssyncadd.s32 $0xFFFFC000  }
0x168: {  	[spmem:s3] =	stream.indirect.scatter.add.f32 [tilespmem:s26], [sflag:$0x8], $0x80, s29, s18, $0xb8;
	[tilespmem:$0x1F400] =	vst v63  }
0x169: {  	_ =	swait.ge [sflag:s10], $0x4000  }
0x16a: {  	[sflag:s10] =	ssyncset.done $0x0  }
0x16b: {  	[sflag:s10] =	ssyncadd.s32 $0xFFFFC000  }
0x16c: {  	[bflag:$0x0] =	sbarrier.arrive $0xFFFF  }
0x16d: {  	s9 =	rddreg [dreg:$0xa]  }
0x16e: {  	[hbm:s9], [sflag:s16] =	dma.local [spmem:s2], $0x1400  }
0x16f: {  	_ =	swait.ge [sflag:s14], $0x1400  }
0x170: {  	s31 =	sadd.s32 $0x1, s31;
	s11 =	rddreg [dreg:$0xb]  }
0x171: {  	p0 =	sne.s32 s31, s11  }
.Ltmp2:
0x172: {  	_ = 	snop;
	(pc) =	sbr.rel @p0 .LBB2_1-.Ltmp2, $3  }
0x173: {  	_ =	sdelay $0x1  }
0x174: {  	[sflag:s14] =	ssyncset.done $0x0  }
0x175: {  	[sflag:s14] =	ssyncadd.s32 $0xFFFFEC00;
	s11 =	simm.s32 $0x100  }
0x176: {  	_ =	sfence.sel $0x180000  }
0x177: {  	[bflag:$0x0] =	sbarrier.arrive $0xFFFF  }
0x178: {  	_ =	strace $0x90000050  }
0x179: {  	s0 =	stileid.u32;
	[bflag:$0x2] =	sbarrier.arrive $0xFFFF  }
0x17a: {  	p0 =	sne.s32 s0, $0x0;
	s0 =	rddreg [dreg:$0x3]  }
0x17b: {  	s0 =	sadd.s32 @!p0 $0x100000, s0  }
0x17c: {  	[sflag:s0] =	ssyncadd.tile.s32 @!p0 $0x1;
	_ =	shalt  }
.Lfunc_end2:
_tile_overlayer_lowered:
.L_overlay_start_2:
0x17d: {  	(tag) =	ssettag $0x2  }
0x17e: {  	s0 =	rddreg [dreg:$0x0];
	s2 =	stileid.u32  }
0x17f: {  	s1 =	rddreg [dreg:$0x1];
	p0 =	sne.s32 s2, $0x0  }
0x180: {  	s3 =	rddreg [dreg:$0x2];
	[bflag:$0x3] =	sbarrier.arrive $0xFFFF;
	s2 =	simm.s32 @!p0 $0x1C09  }
0x181: {  	[timem:s3], [sflag:s2] =	dma.local @!p0 [hbm:s0], s1  }
0x182: {  	s0 =	simm.s32 @!p0 $0x9  }
0x183: {  	_ =	swait.ge @!p0 [sflag:s0], s1  }
0x184: {  	s1 =	ssub.s32 @!p0 $0x0, s1;
	[sflag:s0] =	ssyncset.done @!p0 $0x0  }
0x185: {  	[sflag:s0] =	ssyncadd.s32 @!p0 s1  }
0x186: {  	[bflag:$0x3] =	sbarrier.arrive $0xFFFF  }
0x187: {  	_ =	shalt  }

</sc_bundles>
